<compile_context>
chip_gen: v7x
topology: tpu7x:2x2x1
jax: 0.10.2.dev20260603
libtpu: 0.0.44.dev20260713+nightly
codegen_flags: <defaults>
</compile_context>

<pallas_src>
import jax
import jax.numpy as jnp
from jax import lax
from jax.experimental import pallas as pl
from jax.experimental.pallas import tpu as pltpu
from jax.experimental.pallas import tpu_sc as plsc

N_NODES = 10000
E_EDGES = 160000
D_FEAT = 256
HALF = 128

NUM_TILES = 16
CHUNK = 128
CH_PER_TILE = 80
HALF_CH = CH_PER_TILE // 2
E_PAD = NUM_TILES * CH_PER_TILE * CHUNK
ROWS_MAIN = 640
ROWS_TAIL = N_NODES - 15 * ROWS_MAIN
ACC_ROWS = N_NODES + 48


def _sc_agg_kernel(x0, x1, src3, dst3, h0, h1, srcv, dstv, rowsv0, rowsv1,
                   acc, sem0, sem1):
    c = lax.axis_index("c")
    s = lax.axis_index("s")

    def run(xc, hc):
        def load_idx(half):
            pltpu.sync_copy(src3.at[s, pl.ds(half * HALF_CH, HALF_CH)], srcv)
            pltpu.sync_copy(dst3.at[s, pl.ds(half * HALF_CH, HALF_CH)], dstv)

        load_idx(0)
        pltpu.async_copy(xc.at[srcv.at[0]], rowsv0, sem0)
        pltpu.async_copy(xc.at[srcv.at[1]], rowsv1, sem1)
        @pl.when(s < 15)
        def _():
            pltpu.sync_copy(
                xc.at[pl.ds(s * ROWS_MAIN, ROWS_MAIN)],
                acc.at[pl.ds(s * ROWS_MAIN, ROWS_MAIN)],
            )

        @pl.when(s == 15)
        def _():
            pltpu.sync_copy(
                xc.at[pl.ds(15 * ROWS_MAIN, ROWS_TAIL)],
                acc.at[pl.ds(15 * ROWS_MAIN, ROWS_TAIL)],
            )

        plsc.subcore_barrier()

        bufs = (rowsv0, rowsv1)
        sems = (sem0, sem1)

        def gather(j, b):
            return pltpu.async_copy(xc.at[srcv.at[j]], bufs[b], sems[b])

        def span(prime):
            if prime:
                gather(0, 0)
                gather(1, 1)

            def chunk(j, carry):
                for b in range(2):
                    pltpu.make_async_copy(xc.at[srcv.at[j + b]], bufs[b],
                                          sems[b]).wait()
                    pltpu.sync_copy(bufs[b], acc.at[dstv.at[j + b]], add=True)

                    @pl.when(j + b + 2 < HALF_CH)
                    def _():
                        gather(j + b + 2, b)
                return carry

            lax.fori_loop(0, HALF_CH // 2, lambda i, c: chunk(2 * i, c), 0)

        span(prime=False)
        load_idx(1)
        span(prime=True)
        plsc.subcore_barrier()

        @pl.when(s < 15)
        def _():
            pltpu.sync_copy(
                acc.at[pl.ds(s * ROWS_MAIN, ROWS_MAIN)],
                hc.at[pl.ds(s * ROWS_MAIN, ROWS_MAIN)],
            )

        @pl.when(s == 15)
        def _():
            pltpu.sync_copy(
                acc.at[pl.ds(15 * ROWS_MAIN, ROWS_TAIL)],
                hc.at[pl.ds(15 * ROWS_MAIN, ROWS_TAIL)],
            )

    @pl.when(c == 0)
    def _():
        run(x0, h0)

    @pl.when(c == 1)
    def _():
        run(x1, h1)


_sc_agg = pl.kernel(
    _sc_agg_kernel,
    out_type=[
        jax.ShapeDtypeStruct((N_NODES, HALF), jnp.float32),
        jax.ShapeDtypeStruct((N_NODES, HALF), jnp.float32),
    ],
    mesh=plsc.VectorSubcoreMesh(core_axis_name="c", subcore_axis_name="s"),
    scratch_types=[
        pltpu.VMEM((HALF_CH, CHUNK), jnp.int32),
        pltpu.VMEM((HALF_CH, CHUNK), jnp.int32),
        pltpu.VMEM((CHUNK, HALF), jnp.float32),
        pltpu.VMEM((CHUNK, HALF), jnp.float32),
        pltpu.VMEM_SHARED((ACC_ROWS, HALF), jnp.float32),
        pltpu.SemaphoreType.DMA,
        pltpu.SemaphoreType.DMA,
    ],
)


def _mlp_body(h0_ref, h1_ref, wa_ref, ba_ref, wb_ref, bb_ref, y0_ref, y1_ref):
    h = jnp.concatenate([h0_ref[...], h1_ref[...]], axis=1)
    t = jnp.dot(h.astype(jnp.bfloat16), wa_ref[...].astype(jnp.bfloat16),
                preferred_element_type=jnp.float32)
    t = jnp.maximum(t + ba_ref[...], 0.0)
    y = jnp.dot(t.astype(jnp.bfloat16), wb_ref[...].astype(jnp.bfloat16),
                preferred_element_type=jnp.float32)
    y = jnp.maximum(y + bb_ref[...], 0.0)
    y0_ref[...] = y[:, :HALF]
    y1_ref[...] = y[:, HALF:]


def _mlp_body_final(h0_ref, h1_ref, wa_ref, ba_ref, wb_ref, bb_ref, y_ref):
    h = jnp.concatenate([h0_ref[...], h1_ref[...]], axis=1)
    t = jnp.dot(h.astype(jnp.bfloat16), wa_ref[...].astype(jnp.bfloat16),
                preferred_element_type=jnp.float32)
    t = jnp.maximum(t + ba_ref[...], 0.0)
    y = jnp.dot(t.astype(jnp.bfloat16), wb_ref[...].astype(jnp.bfloat16),
                preferred_element_type=jnp.float32)
    y_ref[...] = jnp.maximum(y + bb_ref[...], 0.0)


_BN = 2000


def _tc_mlp_final(h0, h1, wa, ba, wb, bb):
    return pl.pallas_call(
        _mlp_body_final,
        grid=(N_NODES // _BN,),
        in_specs=[
            pl.BlockSpec((_BN, HALF), lambda i: (i, 0)),
            pl.BlockSpec((_BN, HALF), lambda i: (i, 0)),
            pl.BlockSpec((D_FEAT, D_FEAT), lambda i: (0, 0)),
            pl.BlockSpec((1, D_FEAT), lambda i: (0, 0)),
            pl.BlockSpec((D_FEAT, D_FEAT), lambda i: (0, 0)),
            pl.BlockSpec((1, D_FEAT), lambda i: (0, 0)),
        ],
        out_specs=pl.BlockSpec((_BN, D_FEAT), lambda i: (i, 0)),
        out_shape=jax.ShapeDtypeStruct((N_NODES, D_FEAT), jnp.float32),
    )(h0, h1, wa, ba, wb, bb)


def _tc_mlp(h0, h1, wa, ba, wb, bb):
    return pl.pallas_call(
        _mlp_body,
        grid=(N_NODES // _BN,),
        in_specs=[
            pl.BlockSpec((_BN, HALF), lambda i: (i, 0)),
            pl.BlockSpec((_BN, HALF), lambda i: (i, 0)),
            pl.BlockSpec((D_FEAT, D_FEAT), lambda i: (0, 0)),
            pl.BlockSpec((1, D_FEAT), lambda i: (0, 0)),
            pl.BlockSpec((D_FEAT, D_FEAT), lambda i: (0, 0)),
            pl.BlockSpec((1, D_FEAT), lambda i: (0, 0)),
        ],
        out_specs=[
            pl.BlockSpec((_BN, HALF), lambda i: (i, 0)),
            pl.BlockSpec((_BN, HALF), lambda i: (i, 0)),
        ],
        out_shape=[
            jax.ShapeDtypeStruct((N_NODES, HALF), jnp.float32),
            jax.ShapeDtypeStruct((N_NODES, HALF), jnp.float32),
        ],
    )(h0, h1, wa, ba, wb, bb)


def kernel(x, edge_index, batch, W0a, b0a, W0b, b0b, W1a, b1a, W1b, b1b,
           W2a, b2a, W2b, b2b, W3a, b3a, W3b, b3b):
    del batch
    src = edge_index[0]
    dst = edge_index[1]

    pad = E_PAD - E_EDGES
    pad_src = (jnp.arange(pad, dtype=jnp.int32) * 7919) % N_NODES
    pad_dst = N_NODES + (jnp.arange(pad, dtype=jnp.int32) % (ACC_ROWS - N_NODES))
    src3 = jnp.concatenate([src, pad_src]).reshape(NUM_TILES, CH_PER_TILE, CHUNK)
    dst3 = jnp.concatenate([dst, pad_dst]).reshape(NUM_TILES, CH_PER_TILE, CHUNK)

    x0 = x[:, :HALF]
    x1 = x[:, HALF:]
    params = [(W0a, b0a, W0b, b0b), (W1a, b1a, W1b, b1b),
              (W2a, b2a, W2b, b2b), (W3a, b3a, W3b, b3b)]
    for (wa, ba, wb, bb) in params[:3]:
        h0, h1 = _sc_agg(x0, x1, src3, dst3)
        x0, x1 = _tc_mlp(h0, h1, wa, ba.reshape(1, D_FEAT),
                         wb, bb.reshape(1, D_FEAT))
    (wa, ba, wb, bb) = params[3]
    h0, h1 = _sc_agg(x0, x1, src3, dst3)
    return _tc_mlp_final(h0, h1, wa, ba.reshape(1, D_FEAT),
                         wb, bb.reshape(1, D_FEAT))

# --- scband reference (transcript-rebuilt; emitter-appended) ---
"""Pipeline reference for scband-ran-gin-node-51178830299608 (READ-ONLY COPY).

The authoritative reference and input builder live on the scoring server;
editing this copy changes nothing except your own understanding.
"""

import jax, jax.numpy as jnp
import numpy as np

N = 10000
E = 160000
D = 256
H = 256
NUM_LAYERS = 4


def setup_inputs(seed: int = 0) -> dict:
    key = jax.random.key(seed)
    ks = jax.random.split(key, 2 + 4 * NUM_LAYERS)
    inp = {}
    inp["x"] = jax.random.normal(ks[0], (N, D), dtype=jnp.float32)
    inp["edge_index"] = jax.random.randint(ks[1], (2, E), 0, N, dtype=jnp.int32)
    inp["batch"] = jnp.zeros((N,), dtype=jnp.int32)
    ki = 2
    for l in range(NUM_LAYERS):
        din = D if l == 0 else H
        inp[f"W{l}a"] = jax.random.normal(ks[ki], (din, H), dtype=jnp.float32) * (1.0 / np.sqrt(din)); ki += 1
        inp[f"b{l}a"] = jnp.zeros((H,), dtype=jnp.float32)
        inp[f"W{l}b"] = jax.random.normal(ks[ki], (H, H), dtype=jnp.float32) * (1.0 / np.sqrt(H)); ki += 1
        inp[f"b{l}b"] = jnp.zeros((H,), dtype=jnp.float32)
    return inp


def reference(x, edge_index, batch, W0a, b0a, W0b, b0b, W1a, b1a, W1b, b1b, W2a, b2a, W2b, b2b, W3a, b3a, W3b, b3b):
    # RanGIN_node forward: 4 stacked GINConv layers, each followed by ReLU.
    # GINConv (eps=0): out = nn((1+eps)*x + sum_{j in N(i)} x_j)
    params = [(W0a, b0a, W0b, b0b), (W1a, b1a, W1b, b1b), (W2a, b2a, W2b, b2b), (W3a, b3a, W3b, b3b)]
    src = edge_index[0]
    dst = edge_index[1]
    for (Wa, ba, Wb, bb) in params:
        msgs = jnp.take(x, src, axis=0)                       # gather source node features
        agg = jax.ops.segment_sum(msgs, dst, num_segments=N)  # scatter-add to destination nodes
        h = x + agg                                            # (1 + eps) * x + aggregate, eps = 0
        h = jnp.maximum(h @ Wa + ba, 0.0) @ Wb + bb            # MLP: Linear -> ReLU -> Linear
        x = jnp.maximum(h, 0.0)                                # outer F.relu
    return x

if __name__ == "__main__":
    import jax
    _d = setup_inputs()
    print(jax.jit(kernel)(*tuple(_d.values())))

</pallas_src>

<mosaic_0001>
#map = affine_map<(d0, d1) -> (0, 0)>
#map1 = affine_map<(d0, d1) -> (0, 0, 0)>
module attributes {stable_mosaic.version = 14 : i64} {
  func.func @_sc_agg_kernel(%arg0: i32, %arg1: i32, %arg2: memref<10000x128xf32, #tpu.memory_space<hbm>>, %arg3: memref<10000x128xf32, #tpu.memory_space<hbm>>, %arg4: memref<16x80x128xi32, #tpu.memory_space<hbm>>, %arg5: memref<16x80x128xi32, #tpu.memory_space<hbm>>, %arg6: memref<10000x128xf32, #tpu.memory_space<hbm>>, %arg7: memref<10000x128xf32, #tpu.memory_space<hbm>>, %arg8: memref<40x128xi32, #tpu.memory_space<vmem>>, %arg9: memref<40x128xi32, #tpu.memory_space<vmem>>, %arg10: memref<128x128xf32, #tpu.memory_space<vmem>>, %arg11: memref<128x128xf32, #tpu.memory_space<vmem>>, %arg12: memref<10048x128xf32, #tpu.memory_space<vmem_shared>>, %arg13: memref<!tpu.dma_semaphore, #tpu.memory_space<semaphore_mem>>, %arg14: memref<!tpu.dma_semaphore, #tpu.memory_space<semaphore_mem>>) attributes {dimension_semantics = [#tpu.dimension_semantics<core_parallel>, #tpu.dimension_semantics<subcore_parallel>], iteration_bounds = array<i64: 2, 16>, scalar_prefetch = 0 : i64, scratch_operands = 7 : i64, tpu.core_type = #tpu.core_type<sc_vector_subcore>, window_params = [{transform_indices = #map}, {transform_indices = #map}, {transform_indices = #map1}, {transform_indices = #map1}, {transform_indices = #map}, {transform_indices = #map}]} {
    %eq3A = arith.constant 0 : i32
    %eq3A_0 = arith.cmpi eq, %arg0, %eq3A : i32
    %convert_element_type3A = arith.extui %eq3A_0 : i1 to i32
    %cond3A = arith.constant 0 : i32
    %cond3A_1 = arith.cmpi ne, %convert_element_type3A, %cond3A : i32
    scf.if %cond3A_1 {
      "tpu.region"() ({
        %run_scoped3A = tpu.sem_alloc : memref<!tpu.dma_semaphore, #tpu.memory_space<semaphore_mem>>
        %dma_start3A_65 = arith.constant 0 : i32
        %dma_start3A_66 = arith.constant 0 : i32
        %dma_start3A_67 = tpu.memref_slice %arg4[%arg1, %dma_start3A_65, %dma_start3A_66] : memref<16x80x128xi32, #tpu.memory_space<hbm>> -> memref<1x40x128xi32, #tpu.memory_space<hbm>>
        %dma_start3A_68 = tpu.memref_squeeze %dma_start3A_67 : memref<1x40x128xi32, #tpu.memory_space<hbm>> -> memref<40x128xi32, #tpu.memory_space<hbm>>
        %dma_start3A_69 = arith.constant 0 : i32
        %dma_start3A_70 = arith.constant 0 : i32
        %dma_start3A_71 = tpu.memref_slice %arg4[%arg1, %dma_start3A_69, %dma_start3A_70] : memref<16x80x128xi32, #tpu.memory_space<hbm>> -> memref<1x40x128xi32, #tpu.memory_space<hbm>>
        %dma_start3A_72 = tpu.memref_squeeze %dma_start3A_71 : memref<1x40x128xi32, #tpu.memory_space<hbm>> -> memref<40x128xi32, #tpu.memory_space<hbm>>
        tpu.enqueue_dma source(%dma_start3A_72 : memref<40x128xi32, #tpu.memory_space<hbm>>) target(%arg8 : memref<40x128xi32, #tpu.memory_space<vmem>>) target_semaphore(%run_scoped3A : memref<!tpu.dma_semaphore, #tpu.memory_space<semaphore_mem>>)
        %dma_wait3A = arith.constant 0 : i32
        %dma_wait3A_73 = arith.constant 0 : i32
        %dma_wait3A_74 = tpu.memref_slice %arg4[%arg1, %dma_wait3A, %dma_wait3A_73] : memref<16x80x128xi32, #tpu.memory_space<hbm>> -> memref<1x40x128xi32, #tpu.memory_space<hbm>>
        %dma_wait3A_75 = tpu.memref_squeeze %dma_wait3A_74 : memref<1x40x128xi32, #tpu.memory_space<hbm>> -> memref<40x128xi32, #tpu.memory_space<hbm>>
        %dma_wait3A_76 = arith.constant 0 : i32
        %dma_wait3A_77 = arith.constant 0 : i32
        %dma_wait3A_78 = tpu.memref_slice %arg4[%arg1, %dma_wait3A_76, %dma_wait3A_77] : memref<16x80x128xi32, #tpu.memory_space<hbm>> -> memref<1x40x128xi32, #tpu.memory_space<hbm>>
        %dma_wait3A_79 = tpu.memref_squeeze %dma_wait3A_78 : memref<1x40x128xi32, #tpu.memory_space<hbm>> -> memref<40x128xi32, #tpu.memory_space<hbm>>
        tpu.wait_dma2 semaphore(%run_scoped3A : memref<!tpu.dma_semaphore, #tpu.memory_space<semaphore_mem>>) src(%dma_wait3A_79 : memref<40x128xi32, #tpu.memory_space<hbm>>) dst(%arg8 : memref<40x128xi32, #tpu.memory_space<vmem>>)
        tpu.yield
      }) : () -> ()
      "tpu.region"() ({
        %run_scoped3A = tpu.sem_alloc : memref<!tpu.dma_semaphore, #tpu.memory_space<semaphore_mem>>
        %dma_start3A_65 = arith.constant 0 : i32
        %dma_start3A_66 = arith.constant 0 : i32
        %dma_start3A_67 = tpu.memref_slice %arg5[%arg1, %dma_start3A_65, %dma_start3A_66] : memref<16x80x128xi32, #tpu.memory_space<hbm>> -> memref<1x40x128xi32, #tpu.memory_space<hbm>>
        %dma_start3A_68 = tpu.memref_squeeze %dma_start3A_67 : memref<1x40x128xi32, #tpu.memory_space<hbm>> -> memref<40x128xi32, #tpu.memory_space<hbm>>
        %dma_start3A_69 = arith.constant 0 : i32
        %dma_start3A_70 = arith.constant 0 : i32
        %dma_start3A_71 = tpu.memref_slice %arg5[%arg1, %dma_start3A_69, %dma_start3A_70] : memref<16x80x128xi32, #tpu.memory_space<hbm>> -> memref<1x40x128xi32, #tpu.memory_space<hbm>>
        %dma_start3A_72 = tpu.memref_squeeze %dma_start3A_71 : memref<1x40x128xi32, #tpu.memory_space<hbm>> -> memref<40x128xi32, #tpu.memory_space<hbm>>
        tpu.enqueue_dma source(%dma_start3A_72 : memref<40x128xi32, #tpu.memory_space<hbm>>) target(%arg9 : memref<40x128xi32, #tpu.memory_space<vmem>>) target_semaphore(%run_scoped3A : memref<!tpu.dma_semaphore, #tpu.memory_space<semaphore_mem>>)
        %dma_wait3A = arith.constant 0 : i32
        %dma_wait3A_73 = arith.constant 0 : i32
        %dma_wait3A_74 = tpu.memref_slice %arg5[%arg1, %dma_wait3A, %dma_wait3A_73] : memref<16x80x128xi32, #tpu.memory_space<hbm>> -> memref<1x40x128xi32, #tpu.memory_space<hbm>>
        %dma_wait3A_75 = tpu.memref_squeeze %dma_wait3A_74 : memref<1x40x128xi32, #tpu.memory_space<hbm>> -> memref<40x128xi32, #tpu.memory_space<hbm>>
        %dma_wait3A_76 = arith.constant 0 : i32
        %dma_wait3A_77 = arith.constant 0 : i32
        %dma_wait3A_78 = tpu.memref_slice %arg5[%arg1, %dma_wait3A_76, %dma_wait3A_77] : memref<16x80x128xi32, #tpu.memory_space<hbm>> -> memref<1x40x128xi32, #tpu.memory_space<hbm>>
        %dma_wait3A_79 = tpu.memref_squeeze %dma_wait3A_78 : memref<1x40x128xi32, #tpu.memory_space<hbm>> -> memref<40x128xi32, #tpu.memory_space<hbm>>
        tpu.wait_dma2 semaphore(%run_scoped3A : memref<!tpu.dma_semaphore, #tpu.memory_space<semaphore_mem>>) src(%dma_wait3A_79 : memref<40x128xi32, #tpu.memory_space<hbm>>) dst(%arg9 : memref<40x128xi32, #tpu.memory_space<vmem>>)
        tpu.yield
      }) : () -> ()
      %dma_start3A = arith.constant 0 : i32
      %dma_start3A_7 = arith.constant 0 : i32
      %dma_start3A_8 = tpu.memref_slice %arg8[%dma_start3A, %dma_start3A_7] : memref<40x128xi32, #tpu.memory_space<vmem>> -> memref<1x128xi32, #tpu.memory_space<vmem>>
      %dma_start3A_9 = tpu.memref_squeeze %dma_start3A_8 : memref<1x128xi32, #tpu.memory_space<vmem>> -> memref<128xi32, #tpu.memory_space<vmem>>
      %dma_start3A_10 = arith.constant 0 : i32
      %dma_start3A_11 = arith.constant 0 : i32
      %dma_start3A_12 = tpu.memref_slice %arg2[%dma_start3A_10, %dma_start3A_11] : memref<10000x128xf32, #tpu.memory_space<hbm>> -> memref<10000x128xf32, #tpu.memory_space<hbm>>
      tpu.enqueue_indirect_dma source(%dma_start3A_12 : memref<10000x128xf32, #tpu.memory_space<hbm>>) target(%arg10 : memref<128x128xf32, #tpu.memory_space<vmem>>) offsets(%dma_start3A_9 : memref<128xi32, #tpu.memory_space<vmem>>) semaphore(%arg13 : memref<!tpu.dma_semaphore, #tpu.memory_space<semaphore_mem>>)
      %dma_start3A_13 = arith.constant 1 : i32
      %dma_start3A_14 = arith.constant 0 : i32
      %dma_start3A_15 = tpu.memref_slice %arg8[%dma_start3A_13, %dma_start3A_14] : memref<40x128xi32, #tpu.memory_space<vmem>> -> memref<1x128xi32, #tpu.memory_space<vmem>>
      %dma_start3A_16 = tpu.memref_squeeze %dma_start3A_15 : memref<1x128xi32, #tpu.memory_space<vmem>> -> memref<128xi32, #tpu.memory_space<vmem>>
      %dma_start3A_17 = arith.constant 0 : i32
      %dma_start3A_18 = arith.constant 0 : i32
      %dma_start3A_19 = tpu.memref_slice %arg2[%dma_start3A_17, %dma_start3A_18] : memref<10000x128xf32, #tpu.memory_space<hbm>> -> memref<10000x128xf32, #tpu.memory_space<hbm>>
      tpu.enqueue_indirect_dma source(%dma_start3A_19 : memref<10000x128xf32, #tpu.memory_space<hbm>>) target(%arg11 : memref<128x128xf32, #tpu.memory_space<vmem>>) offsets(%dma_start3A_16 : memref<128xi32, #tpu.memory_space<vmem>>) semaphore(%arg14 : memref<!tpu.dma_semaphore, #tpu.memory_space<semaphore_mem>>)
      %lt3A = arith.constant 15 : i32
      %lt3A_20 = arith.cmpi slt, %arg1, %lt3A : i32
      %convert_element_type3A_21 = arith.extui %lt3A_20 : i1 to i32
      %cond3A_22 = arith.constant 0 : i32
      %cond3A_23 = arith.cmpi ne, %convert_element_type3A_21, %cond3A_22 : i32
      scf.if %cond3A_23 {
        %mul3A = arith.constant 640 : i32
        %mul3A_65 = arith.muli %arg1, %mul3A : i32
        %mul3A_66 = arith.constant 640 : i32
        %mul3A_67 = arith.muli %arg1, %mul3A_66 : i32
        "tpu.region"() ({
          %run_scoped3A = tpu.sem_alloc : memref<!tpu.dma_semaphore, #tpu.memory_space<semaphore_mem>>
          %dma_start3A_68 = arith.constant 0 : i32
          %dma_start3A_69 = tpu.memref_slice %arg12[%mul3A_67, %dma_start3A_68] : memref<10048x128xf32, #tpu.memory_space<vmem_shared>> -> memref<640x128xf32, #tpu.memory_space<vmem_shared>>
          %dma_start3A_70 = arith.constant 0 : i32
          %dma_start3A_71 = tpu.memref_slice %arg2[%mul3A_65, %dma_start3A_70] : memref<10000x128xf32, #tpu.memory_space<hbm>> -> memref<640x128xf32, #tpu.memory_space<hbm>>
          tpu.enqueue_dma source(%dma_start3A_71 : memref<640x128xf32, #tpu.memory_space<hbm>>) target(%dma_start3A_69 : memref<640x128xf32, #tpu.memory_space<vmem_shared>>) target_semaphore(%run_scoped3A : memref<!tpu.dma_semaphore, #tpu.memory_space<semaphore_mem>>)
          %dma_wait3A = arith.constant 0 : i32
          %dma_wait3A_72 = tpu.memref_slice %arg12[%mul3A_67, %dma_wait3A] : memref<10048x128xf32, #tpu.memory_space<vmem_shared>> -> memref<640x128xf32, #tpu.memory_space<vmem_shared>>
          %dma_wait3A_73 = arith.constant 0 : i32
          %dma_wait3A_74 = tpu.memref_slice %arg2[%mul3A_65, %dma_wait3A_73] : memref<10000x128xf32, #tpu.memory_space<hbm>> -> memref<640x128xf32, #tpu.memory_space<hbm>>
          tpu.wait_dma2 semaphore(%run_scoped3A : memref<!tpu.dma_semaphore, #tpu.memory_space<semaphore_mem>>) src(%dma_wait3A_74 : memref<640x128xf32, #tpu.memory_space<hbm>>) dst(%dma_wait3A_72 : memref<640x128xf32, #tpu.memory_space<vmem_shared>>)
          tpu.yield
        }) : () -> ()
      } else {
      }
      %eq3A_24 = arith.constant 15 : i32
      %eq3A_25 = arith.cmpi eq, %arg1, %eq3A_24 : i32
      %convert_element_type3A_26 = arith.extui %eq3A_25 : i1 to i32
      %cond3A_27 = arith.constant 0 : i32
      %cond3A_28 = arith.cmpi ne, %convert_element_type3A_26, %cond3A_27 : i32
      scf.if %cond3A_28 {
        "tpu.region"() ({
          %run_scoped3A = tpu.sem_alloc : memref<!tpu.dma_semaphore, #tpu.memory_space<semaphore_mem>>
          %dma_start3A_65 = arith.constant 9600 : i32
          %dma_start3A_66 = arith.constant 0 : i32
          %dma_start3A_67 = tpu.memref_slice %arg12[%dma_start3A_65, %dma_start3A_66] : memref<10048x128xf32, #tpu.memory_space<vmem_shared>> -> memref<400x128xf32, #tpu.memory_space<vmem_shared>>
          %dma_start3A_68 = arith.constant 9600 : i32
          %dma_start3A_69 = arith.constant 0 : i32
          %dma_start3A_70 = tpu.memref_slice %arg2[%dma_start3A_68, %dma_start3A_69] : memref<10000x128xf32, #tpu.memory_space<hbm>> -> memref<400x128xf32, #tpu.memory_space<hbm>>
          tpu.enqueue_dma source(%dma_start3A_70 : memref<400x128xf32, #tpu.memory_space<hbm>>) target(%dma_start3A_67 : memref<400x128xf32, #tpu.memory_space<vmem_shared>>) target_semaphore(%run_scoped3A : memref<!tpu.dma_semaphore, #tpu.memory_space<semaphore_mem>>)
          %dma_wait3A = arith.constant 9600 : i32
          %dma_wait3A_71 = arith.constant 0 : i32
          %dma_wait3A_72 = tpu.memref_slice %arg12[%dma_wait3A, %dma_wait3A_71] : memref<10048x128xf32, #tpu.memory_space<vmem_shared>> -> memref<400x128xf32, #tpu.memory_space<vmem_shared>>
          %dma_wait3A_73 = arith.constant 9600 : i32
          %dma_wait3A_74 = arith.constant 0 : i32
          %dma_wait3A_75 = tpu.memref_slice %arg2[%dma_wait3A_73, %dma_wait3A_74] : memref<10000x128xf32, #tpu.memory_space<hbm>> -> memref<400x128xf32, #tpu.memory_space<hbm>>
          tpu.wait_dma2 semaphore(%run_scoped3A : memref<!tpu.dma_semaphore, #tpu.memory_space<semaphore_mem>>) src(%dma_wait3A_75 : memref<400x128xf32, #tpu.memory_space<hbm>>) dst(%dma_wait3A_72 : memref<400x128xf32, #tpu.memory_space<vmem_shared>>)
          tpu.yield
        }) : () -> ()
      } else {
      }
      %barrier3A = arith.constant 0 : index
      tpu.barrier barrier_id(%barrier3A)
      %scan3A = arith.constant 0 : i32
      %scan3A_29 = arith.constant 0 : i32
      %scan3A_30 = arith.constant 20 : i32
      %scan3A_31 = arith.addi %scan3A_29, %scan3A_30 : i32
      %scan3A_32 = arith.constant 1 : i32
      scf.for %scan3A_65 = %scan3A_29 to %scan3A_31 step %scan3A_32  : i32 {
        %mul3A = arith.constant 2 : i32
        %mul3A_66 = arith.muli %mul3A, %scan3A_65 : i32
        %add3A = arith.constant 0 : i32
        %add3A_67 = arith.addi %mul3A_66, %add3A : i32
        %dma_wait3A = arith.constant 0 : i32
        %dma_wait3A_68 = tpu.memref_slice %arg8[%add3A_67, %dma_wait3A] : memref<40x128xi32, #tpu.memory_space<vmem>> -> memref<1x128xi32, #tpu.memory_space<vmem>>
        %dma_wait3A_69 = tpu.memref_squeeze %dma_wait3A_68 : memref<1x128xi32, #tpu.memory_space<vmem>> -> memref<128xi32, #tpu.memory_space<vmem>>
        %dma_wait3A_70 = arith.constant 0 : i32
        %dma_wait3A_71 = arith.constant 0 : i32
        %dma_wait3A_72 = tpu.memref_slice %arg2[%dma_wait3A_70, %dma_wait3A_71] : memref<10000x128xf32, #tpu.memory_space<hbm>> -> memref<10000x128xf32, #tpu.memory_space<hbm>>
        tpu.wait_indirect_dma semaphore(%arg13 : memref<!tpu.dma_semaphore, #tpu.memory_space<semaphore_mem>>) src(%dma_wait3A_72 : memref<10000x128xf32, #tpu.memory_space<hbm>>) dst(%arg10 : memref<128x128xf32, #tpu.memory_space<vmem>>)
        %add3A_73 = arith.constant 0 : i32
        %add3A_74 = arith.addi %mul3A_66, %add3A_73 : i32
        "tpu.region"() ({
          %run_scoped3A = tpu.sem_alloc : memref<!tpu.dma_semaphore, #tpu.memory_space<semaphore_mem>>
          %dma_start3A_103 = arith.constant 0 : i32
          %dma_start3A_104 = tpu.memref_slice %arg9[%add3A_74, %dma_start3A_103] : memref<40x128xi32, #tpu.memory_space<vmem>> -> memref<1x128xi32, #tpu.memory_space<vmem>>
          %dma_start3A_105 = tpu.memref_squeeze %dma_start3A_104 : memref<1x128xi32, #tpu.memory_space<vmem>> -> memref<128xi32, #tpu.memory_space<vmem>>
          %dma_start3A_106 = arith.constant 0 : i32
          %dma_start3A_107 = arith.constant 0 : i32
          %dma_start3A_108 = tpu.memref_slice %arg12[%dma_start3A_106, %dma_start3A_107] : memref<10048x128xf32, #tpu.memory_space<vmem_shared>> -> memref<10048x128xf32, #tpu.memory_space<vmem_shared>>
          tpu.enqueue_indirect_dma source(%arg10 : memref<128x128xf32, #tpu.memory_space<vmem>>) target(%dma_start3A_108 : memref<10048x128xf32, #tpu.memory_space<vmem_shared>>) offsets(%dma_start3A_105 : memref<128xi32, #tpu.memory_space<vmem>>) semaphore(%run_scoped3A : memref<!tpu.dma_semaphore, #tpu.memory_space<semaphore_mem>>) {add = true}
          %dma_wait3A_109 = arith.constant 0 : i32
          %dma_wait3A_110 = tpu.memref_slice %arg9[%add3A_74, %dma_wait3A_109] : memref<40x128xi32, #tpu.memory_space<vmem>> -> memref<1x128xi32, #tpu.memory_space<vmem>>
          %dma_wait3A_111 = tpu.memref_squeeze %dma_wait3A_110 : memref<1x128xi32, #tpu.memory_space<vmem>> -> memref<128xi32, #tpu.memory_space<vmem>>
          %dma_wait3A_112 = arith.constant 0 : i32
          %dma_wait3A_113 = arith.constant 0 : i32
          %dma_wait3A_114 = tpu.memref_slice %arg12[%dma_wait3A_112, %dma_wait3A_113] : memref<10048x128xf32, #tpu.memory_space<vmem_shared>> -> memref<10048x128xf32, #tpu.memory_space<vmem_shared>>
          tpu.wait_indirect_dma semaphore(%run_scoped3A : memref<!tpu.dma_semaphore, #tpu.memory_space<semaphore_mem>>) src(%arg10 : memref<128x128xf32, #tpu.memory_space<vmem>>) dst(%dma_wait3A_114 : memref<10048x128xf32, #tpu.memory_space<vmem_shared>>)
          tpu.yield
        }) : () -> ()
        %add3A_75 = arith.constant 0 : i32
        %add3A_76 = arith.addi %mul3A_66, %add3A_75 : i32
        %add3A_77 = arith.constant 2 : i32
        %add3A_78 = arith.addi %add3A_76, %add3A_77 : i32
        %lt3A_79 = arith.constant 40 : i32
        %lt3A_80 = arith.cmpi slt, %add3A_78, %lt3A_79 : i32
        %convert_element_type3A_81 = arith.extui %lt3A_80 : i1 to i32
        %cond3A_82 = arith.constant 0 : i32
        %cond3A_83 = arith.cmpi ne, %convert_element_type3A_81, %cond3A_82 : i32
        scf.if %cond3A_83 {
          %add3A_103 = arith.constant 0 : i32
          %add3A_104 = arith.addi %mul3A_66, %add3A_103 : i32
          %add3A_105 = arith.constant 2 : i32
          %add3A_106 = arith.addi %add3A_104, %add3A_105 : i32
          %dma_start3A_107 = arith.constant 0 : i32
          %dma_start3A_108 = tpu.memref_slice %arg8[%add3A_106, %dma_start3A_107] : memref<40x128xi32, #tpu.memory_space<vmem>> -> memref<1x128xi32, #tpu.memory_space<vmem>>
          %dma_start3A_109 = tpu.memref_squeeze %dma_start3A_108 : memref<1x128xi32, #tpu.memory_space<vmem>> -> memref<128xi32, #tpu.memory_space<vmem>>
          %dma_start3A_110 = arith.constant 0 : i32
          %dma_start3A_111 = arith.constant 0 : i32
          %dma_start3A_112 = tpu.memref_slice %arg2[%dma_start3A_110, %dma_start3A_111] : memref<10000x128xf32, #tpu.memory_space<hbm>> -> memref<10000x128xf32, #tpu.memory_space<hbm>>
          tpu.enqueue_indirect_dma source(%dma_start3A_112 : memref<10000x128xf32, #tpu.memory_space<hbm>>) target(%arg10 : memref<128x128xf32, #tpu.memory_space<vmem>>) offsets(%dma_start3A_109 : memref<128xi32, #tpu.memory_space<vmem>>) semaphore(%arg13 : memref<!tpu.dma_semaphore, #tpu.memory_space<semaphore_mem>>)
        } else {
        }
        %add3A_84 = arith.constant 1 : i32
        %add3A_85 = arith.addi %mul3A_66, %add3A_84 : i32
        %dma_wait3A_86 = arith.constant 0 : i32
        %dma_wait3A_87 = tpu.memref_slice %arg8[%add3A_85, %dma_wait3A_86] : memref<40x128xi32, #tpu.memory_space<vmem>> -> memref<1x128xi32, #tpu.memory_space<vmem>>
        %dma_wait3A_88 = tpu.memref_squeeze %dma_wait3A_87 : memref<1x128xi32, #tpu.memory_space<vmem>> -> memref<128xi32, #tpu.memory_space<vmem>>
        %dma_wait3A_89 = arith.constant 0 : i32
        %dma_wait3A_90 = arith.constant 0 : i32
        %dma_wait3A_91 = tpu.memref_slice %arg2[%dma_wait3A_89, %dma_wait3A_90] : memref<10000x128xf32, #tpu.memory_space<hbm>> -> memref<10000x128xf32, #tpu.memory_space<hbm>>
        tpu.wait_indirect_dma semaphore(%arg14 : memref<!tpu.dma_semaphore, #tpu.memory_space<semaphore_mem>>) src(%dma_wait3A_91 : memref<10000x128xf32, #tpu.memory_space<hbm>>) dst(%arg11 : memref<128x128xf32, #tpu.memory_space<vmem>>)
        %add3A_92 = arith.constant 1 : i32
        %add3A_93 = arith.addi %mul3A_66, %add3A_92 : i32
        "tpu.region"() ({
          %run_scoped3A = tpu.sem_alloc : memref<!tpu.dma_semaphore, #tpu.memory_space<semaphore_mem>>
          %dma_start3A_103 = arith.constant 0 : i32
          %dma_start3A_104 = tpu.memref_slice %arg9[%add3A_93, %dma_start3A_103] : memref<40x128xi32, #tpu.memory_space<vmem>> -> memref<1x128xi32, #tpu.memory_space<vmem>>
          %dma_start3A_105 = tpu.memref_squeeze %dma_start3A_104 : memref<1x128xi32, #tpu.memory_space<vmem>> -> memref<128xi32, #tpu.memory_space<vmem>>
          %dma_start3A_106 = arith.constant 0 : i32
          %dma_start3A_107 = arith.constant 0 : i32
          %dma_start3A_108 = tpu.memref_slice %arg12[%dma_start3A_106, %dma_start3A_107] : memref<10048x128xf32, #tpu.memory_space<vmem_shared>> -> memref<10048x128xf32, #tpu.memory_space<vmem_shared>>
          tpu.enqueue_indirect_dma source(%arg11 : memref<128x128xf32, #tpu.memory_space<vmem>>) target(%dma_start3A_108 : memref<10048x128xf32, #tpu.memory_space<vmem_shared>>) offsets(%dma_start3A_105 : memref<128xi32, #tpu.memory_space<vmem>>) semaphore(%run_scoped3A : memref<!tpu.dma_semaphore, #tpu.memory_space<semaphore_mem>>) {add = true}
          %dma_wait3A_109 = arith.constant 0 : i32
          %dma_wait3A_110 = tpu.memref_slice %arg9[%add3A_93, %dma_wait3A_109] : memref<40x128xi32, #tpu.memory_space<vmem>> -> memref<1x128xi32, #tpu.memory_space<vmem>>
          %dma_wait3A_111 = tpu.memref_squeeze %dma_wait3A_110 : memref<1x128xi32, #tpu.memory_space<vmem>> -> memref<128xi32, #tpu.memory_space<vmem>>
          %dma_wait3A_112 = arith.constant 0 : i32
          %dma_wait3A_113 = arith.constant 0 : i32
          %dma_wait3A_114 = tpu.memref_slice %arg12[%dma_wait3A_112, %dma_wait3A_113] : memref<10048x128xf32, #tpu.memory_space<vmem_shared>> -> memref<10048x128xf32, #tpu.memory_space<vmem_shared>>
          tpu.wait_indirect_dma semaphore(%run_scoped3A : memref<!tpu.dma_semaphore, #tpu.memory_space<semaphore_mem>>) src(%arg11 : memref<128x128xf32, #tpu.memory_space<vmem>>) dst(%dma_wait3A_114 : memref<10048x128xf32, #tpu.memory_space<vmem_shared>>)
          tpu.yield
        }) : () -> ()
        %add3A_94 = arith.constant 1 : i32
        %add3A_95 = arith.addi %mul3A_66, %add3A_94 : i32
        %add3A_96 = arith.constant 2 : i32
        %add3A_97 = arith.addi %add3A_95, %add3A_96 : i32
        %lt3A_98 = arith.constant 40 : i32
        %lt3A_99 = arith.cmpi slt, %add3A_97, %lt3A_98 : i32
        %convert_element_type3A_100 = arith.extui %lt3A_99 : i1 to i32
        %cond3A_101 = arith.constant 0 : i32
        %cond3A_102 = arith.cmpi ne, %convert_element_type3A_100, %cond3A_101 : i32
        scf.if %cond3A_102 {
          %add3A_103 = arith.constant 1 : i32
          %add3A_104 = arith.addi %mul3A_66, %add3A_103 : i32
          %add3A_105 = arith.constant 2 : i32
          %add3A_106 = arith.addi %add3A_104, %add3A_105 : i32
          %dma_start3A_107 = arith.constant 0 : i32
          %dma_start3A_108 = tpu.memref_slice %arg8[%add3A_106, %dma_start3A_107] : memref<40x128xi32, #tpu.memory_space<vmem>> -> memref<1x128xi32, #tpu.memory_space<vmem>>
          %dma_start3A_109 = tpu.memref_squeeze %dma_start3A_108 : memref<1x128xi32, #tpu.memory_space<vmem>> -> memref<128xi32, #tpu.memory_space<vmem>>
          %dma_start3A_110 = arith.constant 0 : i32
          %dma_start3A_111 = arith.constant 0 : i32
          %dma_start3A_112 = tpu.memref_slice %arg2[%dma_start3A_110, %dma_start3A_111] : memref<10000x128xf32, #tpu.memory_space<hbm>> -> memref<10000x128xf32, #tpu.memory_space<hbm>>
          tpu.enqueue_indirect_dma source(%dma_start3A_112 : memref<10000x128xf32, #tpu.memory_space<hbm>>) target(%arg11 : memref<128x128xf32, #tpu.memory_space<vmem>>) offsets(%dma_start3A_109 : memref<128xi32, #tpu.memory_space<vmem>>) semaphore(%arg14 : memref<!tpu.dma_semaphore, #tpu.memory_space<semaphore_mem>>)
        } else {
        }
      }
      %scan3A_33 = arith.constant 20 : i32
      "tpu.region"() ({
        %run_scoped3A = tpu.sem_alloc : memref<!tpu.dma_semaphore, #tpu.memory_space<semaphore_mem>>
        %dma_start3A_65 = arith.constant 40 : i32
        %dma_start3A_66 = arith.constant 0 : i32
        %dma_start3A_67 = tpu.memref_slice %arg4[%arg1, %dma_start3A_65, %dma_start3A_66] : memref<16x80x128xi32, #tpu.memory_space<hbm>> -> memref<1x40x128xi32, #tpu.memory_space<hbm>>
        %dma_start3A_68 = tpu.memref_squeeze %dma_start3A_67 : memref<1x40x128xi32, #tpu.memory_space<hbm>> -> memref<40x128xi32, #tpu.memory_space<hbm>>
        %dma_start3A_69 = arith.constant 40 : i32
        %dma_start3A_70 = arith.constant 0 : i32
        %dma_start3A_71 = tpu.memref_slice %arg4[%arg1, %dma_start3A_69, %dma_start3A_70] : memref<16x80x128xi32, #tpu.memory_space<hbm>> -> memref<1x40x128xi32, #tpu.memory_space<hbm>>
        %dma_start3A_72 = tpu.memref_squeeze %dma_start3A_71 : memref<1x40x128xi32, #tpu.memory_space<hbm>> -> memref<40x128xi32, #tpu.memory_space<hbm>>
        tpu.enqueue_dma source(%dma_start3A_72 : memref<40x128xi32, #tpu.memory_space<hbm>>) target(%arg8 : memref<40x128xi32, #tpu.memory_space<vmem>>) target_semaphore(%run_scoped3A : memref<!tpu.dma_semaphore, #tpu.memory_space<semaphore_mem>>)
        %dma_wait3A = arith.constant 40 : i32
        %dma_wait3A_73 = arith.constant 0 : i32
        %dma_wait3A_74 = tpu.memref_slice %arg4[%arg1, %dma_wait3A, %dma_wait3A_73] : memref<16x80x128xi32, #tpu.memory_space<hbm>> -> memref<1x40x128xi32, #tpu.memory_space<hbm>>
        %dma_wait3A_75 = tpu.memref_squeeze %dma_wait3A_74 : memref<1x40x128xi32, #tpu.memory_space<hbm>> -> memref<40x128xi32, #tpu.memory_space<hbm>>
        %dma_wait3A_76 = arith.constant 40 : i32
        %dma_wait3A_77 = arith.constant 0 : i32
        %dma_wait3A_78 = tpu.memref_slice %arg4[%arg1, %dma_wait3A_76, %dma_wait3A_77] : memref<16x80x128xi32, #tpu.memory_space<hbm>> -> memref<1x40x128xi32, #tpu.memory_space<hbm>>
        %dma_wait3A_79 = tpu.memref_squeeze %dma_wait3A_78 : memref<1x40x128xi32, #tpu.memory_space<hbm>> -> memref<40x128xi32, #tpu.memory_space<hbm>>
        tpu.wait_dma2 semaphore(%run_scoped3A : memref<!tpu.dma_semaphore, #tpu.memory_space<semaphore_mem>>) src(%dma_wait3A_79 : memref<40x128xi32, #tpu.memory_space<hbm>>) dst(%arg8 : memref<40x128xi32, #tpu.memory_space<vmem>>)
        tpu.yield
      }) : () -> ()
      "tpu.region"() ({
        %run_scoped3A = tpu.sem_alloc : memref<!tpu.dma_semaphore, #tpu.memory_space<semaphore_mem>>
        %dma_start3A_65 = arith.constant 40 : i32
        %dma_start3A_66 = arith.constant 0 : i32
        %dma_start3A_67 = tpu.memref_slice %arg5[%arg1, %dma_start3A_65, %dma_start3A_66] : memref<16x80x128xi32, #tpu.memory_space<hbm>> -> memref<1x40x128xi32, #tpu.memory_space<hbm>>
        %dma_start3A_68 = tpu.memref_squeeze %dma_start3A_67 : memref<1x40x128xi32, #tpu.memory_space<hbm>> -> memref<40x128xi32, #tpu.memory_space<hbm>>
        %dma_start3A_69 = arith.constant 40 : i32
        %dma_start3A_70 = arith.constant 0 : i32
        %dma_start3A_71 = tpu.memref_slice %arg5[%arg1, %dma_start3A_69, %dma_start3A_70] : memref<16x80x128xi32, #tpu.memory_space<hbm>> -> memref<1x40x128xi32, #tpu.memory_space<hbm>>
        %dma_start3A_72 = tpu.memref_squeeze %dma_start3A_71 : memref<1x40x128xi32, #tpu.memory_space<hbm>> -> memref<40x128xi32, #tpu.memory_space<hbm>>
        tpu.enqueue_dma source(%dma_start3A_72 : memref<40x128xi32, #tpu.memory_space<hbm>>) target(%arg9 : memref<40x128xi32, #tpu.memory_space<vmem>>) target_semaphore(%run_scoped3A : memref<!tpu.dma_semaphore, #tpu.memory_space<semaphore_mem>>)
        %dma_wait3A = arith.constant 40 : i32
        %dma_wait3A_73 = arith.constant 0 : i32
        %dma_wait3A_74 = tpu.memref_slice %arg5[%arg1, %dma_wait3A, %dma_wait3A_73] : memref<16x80x128xi32, #tpu.memory_space<hbm>> -> memref<1x40x128xi32, #tpu.memory_space<hbm>>
        %dma_wait3A_75 = tpu.memref_squeeze %dma_wait3A_74 : memref<1x40x128xi32, #tpu.memory_space<hbm>> -> memref<40x128xi32, #tpu.memory_space<hbm>>
        %dma_wait3A_76 = arith.constant 40 : i32
        %dma_wait3A_77 = arith.constant 0 : i32
        %dma_wait3A_78 = tpu.memref_slice %arg5[%arg1, %dma_wait3A_76, %dma_wait3A_77] : memref<16x80x128xi32, #tpu.memory_space<hbm>> -> memref<1x40x128xi32, #tpu.memory_space<hbm>>
        %dma_wait3A_79 = tpu.memref_squeeze %dma_wait3A_78 : memref<1x40x128xi32, #tpu.memory_space<hbm>> -> memref<40x128xi32, #tpu.memory_space<hbm>>
        tpu.wait_dma2 semaphore(%run_scoped3A : memref<!tpu.dma_semaphore, #tpu.memory_space<semaphore_mem>>) src(%dma_wait3A_79 : memref<40x128xi32, #tpu.memory_space<hbm>>) dst(%arg9 : memref<40x128xi32, #tpu.memory_space<vmem>>)
        tpu.yield
      }) : () -> ()
      %dma_start3A_34 = arith.constant 0 : i32
      %dma_start3A_35 = arith.constant 0 : i32
      %dma_start3A_36 = tpu.memref_slice %arg8[%dma_start3A_34, %dma_start3A_35] : memref<40x128xi32, #tpu.memory_space<vmem>> -> memref<1x128xi32, #tpu.memory_space<vmem>>
      %dma_start3A_37 = tpu.memref_squeeze %dma_start3A_36 : memref<1x128xi32, #tpu.memory_space<vmem>> -> memref<128xi32, #tpu.memory_space<vmem>>
      %dma_start3A_38 = arith.constant 0 : i32
      %dma_start3A_39 = arith.constant 0 : i32
      %dma_start3A_40 = tpu.memref_slice %arg2[%dma_start3A_38, %dma_start3A_39] : memref<10000x128xf32, #tpu.memory_space<hbm>> -> memref<10000x128xf32, #tpu.memory_space<hbm>>
      tpu.enqueue_indirect_dma source(%dma_start3A_40 : memref<10000x128xf32, #tpu.memory_space<hbm>>) target(%arg10 : memref<128x128xf32, #tpu.memory_space<vmem>>) offsets(%dma_start3A_37 : memref<128xi32, #tpu.memory_space<vmem>>) semaphore(%arg13 : memref<!tpu.dma_semaphore, #tpu.memory_space<semaphore_mem>>)
      %dma_start3A_41 = arith.constant 1 : i32
      %dma_start3A_42 = arith.constant 0 : i32
      %dma_start3A_43 = tpu.memref_slice %arg8[%dma_start3A_41, %dma_start3A_42] : memref<40x128xi32, #tpu.memory_space<vmem>> -> memref<1x128xi32, #tpu.memory_space<vmem>>
      %dma_start3A_44 = tpu.memref_squeeze %dma_start3A_43 : memref<1x128xi32, #tpu.memory_space<vmem>> -> memref<128xi32, #tpu.memory_space<vmem>>
      %dma_start3A_45 = arith.constant 0 : i32
      %dma_start3A_46 = arith.constant 0 : i32
      %dma_start3A_47 = tpu.memref_slice %arg2[%dma_start3A_45, %dma_start3A_46] : memref<10000x128xf32, #tpu.memory_space<hbm>> -> memref<10000x128xf32, #tpu.memory_space<hbm>>
      tpu.enqueue_indirect_dma source(%dma_start3A_47 : memref<10000x128xf32, #tpu.memory_space<hbm>>) target(%arg11 : memref<128x128xf32, #tpu.memory_space<vmem>>) offsets(%dma_start3A_44 : memref<128xi32, #tpu.memory_space<vmem>>) semaphore(%arg14 : memref<!tpu.dma_semaphore, #tpu.memory_space<semaphore_mem>>)
      %scan3A_48 = arith.constant 0 : i32
      %scan3A_49 = arith.constant 0 : i32
      %scan3A_50 = arith.constant 20 : i32
      %scan3A_51 = arith.addi %scan3A_49, %scan3A_50 : i32
      %scan3A_52 = arith.constant 1 : i32
      scf.for %scan3A_65 = %scan3A_49 to %scan3A_51 step %scan3A_52  : i32 {
        %mul3A = arith.constant 2 : i32
        %mul3A_66 = arith.muli %mul3A, %scan3A_65 : i32
        %add3A = arith.constant 0 : i32
        %add3A_67 = arith.addi %mul3A_66, %add3A : i32
        %dma_wait3A = arith.constant 0 : i32
        %dma_wait3A_68 = tpu.memref_slice %arg8[%add3A_67, %dma_wait3A] : memref<40x128xi32, #tpu.memory_space<vmem>> -> memref<1x128xi32, #tpu.memory_space<vmem>>
        %dma_wait3A_69 = tpu.memref_squeeze %dma_wait3A_68 : memref<1x128xi32, #tpu.memory_space<vmem>> -> memref<128xi32, #tpu.memory_space<vmem>>
        %dma_wait3A_70 = arith.constant 0 : i32
        %dma_wait3A_71 = arith.constant 0 : i32
        %dma_wait3A_72 = tpu.memref_slice %arg2[%dma_wait3A_70, %dma_wait3A_71] : memref<10000x128xf32, #tpu.memory_space<hbm>> -> memref<10000x128xf32, #tpu.memory_space<hbm>>
        tpu.wait_indirect_dma semaphore(%arg13 : memref<!tpu.dma_semaphore, #tpu.memory_space<semaphore_mem>>) src(%dma_wait3A_72 : memref<10000x128xf32, #tpu.memory_space<hbm>>) dst(%arg10 : memref<128x128xf32, #tpu.memory_space<vmem>>)
        %add3A_73 = arith.constant 0 : i32
        %add3A_74 = arith.addi %mul3A_66, %add3A_73 : i32
        "tpu.region"() ({
          %run_scoped3A = tpu.sem_alloc : memref<!tpu.dma_semaphore, #tpu.memory_space<semaphore_mem>>
          %dma_start3A_103 = arith.constant 0 : i32
          %dma_start3A_104 = tpu.memref_slice %arg9[%add3A_74, %dma_start3A_103] : memref<40x128xi32, #tpu.memory_space<vmem>> -> memref<1x128xi32, #tpu.memory_space<vmem>>
          %dma_start3A_105 = tpu.memref_squeeze %dma_start3A_104 : memref<1x128xi32, #tpu.memory_space<vmem>> -> memref<128xi32, #tpu.memory_space<vmem>>
          %dma_start3A_106 = arith.constant 0 : i32
          %dma_start3A_107 = arith.constant 0 : i32
          %dma_start3A_108 = tpu.memref_slice %arg12[%dma_start3A_106, %dma_start3A_107] : memref<10048x128xf32, #tpu.memory_space<vmem_shared>> -> memref<10048x128xf32, #tpu.memory_space<vmem_shared>>
          tpu.enqueue_indirect_dma source(%arg10 : memref<128x128xf32, #tpu.memory_space<vmem>>) target(%dma_start3A_108 : memref<10048x128xf32, #tpu.memory_space<vmem_shared>>) offsets(%dma_start3A_105 : memref<128xi32, #tpu.memory_space<vmem>>) semaphore(%run_scoped3A : memref<!tpu.dma_semaphore, #tpu.memory_space<semaphore_mem>>) {add = true}
          %dma_wait3A_109 = arith.constant 0 : i32
          %dma_wait3A_110 = tpu.memref_slice %arg9[%add3A_74, %dma_wait3A_109] : memref<40x128xi32, #tpu.memory_space<vmem>> -> memref<1x128xi32, #tpu.memory_space<vmem>>
          %dma_wait3A_111 = tpu.memref_squeeze %dma_wait3A_110 : memref<1x128xi32, #tpu.memory_space<vmem>> -> memref<128xi32, #tpu.memory_space<vmem>>
          %dma_wait3A_112 = arith.constant 0 : i32
          %dma_wait3A_113 = arith.constant 0 : i32
          %dma_wait3A_114 = tpu.memref_slice %arg12[%dma_wait3A_112, %dma_wait3A_113] : memref<10048x128xf32, #tpu.memory_space<vmem_shared>> -> memref<10048x128xf32, #tpu.memory_space<vmem_shared>>
          tpu.wait_indirect_dma semaphore(%run_scoped3A : memref<!tpu.dma_semaphore, #tpu.memory_space<semaphore_mem>>) src(%arg10 : memref<128x128xf32, #tpu.memory_space<vmem>>) dst(%dma_wait3A_114 : memref<10048x128xf32, #tpu.memory_space<vmem_shared>>)
          tpu.yield
        }) : () -> ()
        %add3A_75 = arith.constant 0 : i32
        %add3A_76 = arith.addi %mul3A_66, %add3A_75 : i32
        %add3A_77 = arith.constant 2 : i32
        %add3A_78 = arith.addi %add3A_76, %add3A_77 : i32
        %lt3A_79 = arith.constant 40 : i32
        %lt3A_80 = arith.cmpi slt, %add3A_78, %lt3A_79 : i32
        %convert_element_type3A_81 = arith.extui %lt3A_80 : i1 to i32
        %cond3A_82 = arith.constant 0 : i32
        %cond3A_83 = arith.cmpi ne, %convert_element_type3A_81, %cond3A_82 : i32
        scf.if %cond3A_83 {
          %add3A_103 = arith.constant 0 : i32
          %add3A_104 = arith.addi %mul3A_66, %add3A_103 : i32
          %add3A_105 = arith.constant 2 : i32
          %add3A_106 = arith.addi %add3A_104, %add3A_105 : i32
          %dma_start3A_107 = arith.constant 0 : i32
          %dma_start3A_108 = tpu.memref_slice %arg8[%add3A_106, %dma_start3A_107] : memref<40x128xi32, #tpu.memory_space<vmem>> -> memref<1x128xi32, #tpu.memory_space<vmem>>
          %dma_start3A_109 = tpu.memref_squeeze %dma_start3A_108 : memref<1x128xi32, #tpu.memory_space<vmem>> -> memref<128xi32, #tpu.memory_space<vmem>>
          %dma_start3A_110 = arith.constant 0 : i32
          %dma_start3A_111 = arith.constant 0 : i32
          %dma_start3A_112 = tpu.memref_slice %arg2[%dma_start3A_110, %dma_start3A_111] : memref<10000x128xf32, #tpu.memory_space<hbm>> -> memref<10000x128xf32, #tpu.memory_space<hbm>>
          tpu.enqueue_indirect_dma source(%dma_start3A_112 : memref<10000x128xf32, #tpu.memory_space<hbm>>) target(%arg10 : memref<128x128xf32, #tpu.memory_space<vmem>>) offsets(%dma_start3A_109 : memref<128xi32, #tpu.memory_space<vmem>>) semaphore(%arg13 : memref<!tpu.dma_semaphore, #tpu.memory_space<semaphore_mem>>)
        } else {
        }
        %add3A_84 = arith.constant 1 : i32
        %add3A_85 = arith.addi %mul3A_66, %add3A_84 : i32
        %dma_wait3A_86 = arith.constant 0 : i32
        %dma_wait3A_87 = tpu.memref_slice %arg8[%add3A_85, %dma_wait3A_86] : memref<40x128xi32, #tpu.memory_space<vmem>> -> memref<1x128xi32, #tpu.memory_space<vmem>>
        %dma_wait3A_88 = tpu.memref_squeeze %dma_wait3A_87 : memref<1x128xi32, #tpu.memory_space<vmem>> -> memref<128xi32, #tpu.memory_space<vmem>>
        %dma_wait3A_89 = arith.constant 0 : i32
        %dma_wait3A_90 = arith.constant 0 : i32
        %dma_wait3A_91 = tpu.memref_slice %arg2[%dma_wait3A_89, %dma_wait3A_90] : memref<10000x128xf32, #tpu.memory_space<hbm>> -> memref<10000x128xf32, #tpu.memory_space<hbm>>
        tpu.wait_indirect_dma semaphore(%arg14 : memref<!tpu.dma_semaphore, #tpu.memory_space<semaphore_mem>>) src(%dma_wait3A_91 : memref<10000x128xf32, #tpu.memory_space<hbm>>) dst(%arg11 : memref<128x128xf32, #tpu.memory_space<vmem>>)
        %add3A_92 = arith.constant 1 : i32
        %add3A_93 = arith.addi %mul3A_66, %add3A_92 : i32
        "tpu.region"() ({
          %run_scoped3A = tpu.sem_alloc : memref<!tpu.dma_semaphore, #tpu.memory_space<semaphore_mem>>
          %dma_start3A_103 = arith.constant 0 : i32
          %dma_start3A_104 = tpu.memref_slice %arg9[%add3A_93, %dma_start3A_103] : memref<40x128xi32, #tpu.memory_space<vmem>> -> memref<1x128xi32, #tpu.memory_space<vmem>>
          %dma_start3A_105 = tpu.memref_squeeze %dma_start3A_104 : memref<1x128xi32, #tpu.memory_space<vmem>> -> memref<128xi32, #tpu.memory_space<vmem>>
          %dma_start3A_106 = arith.constant 0 : i32
          %dma_start3A_107 = arith.constant 0 : i32
          %dma_start3A_108 = tpu.memref_slice %arg12[%dma_start3A_106, %dma_start3A_107] : memref<10048x128xf32, #tpu.memory_space<vmem_shared>> -> memref<10048x128xf32, #tpu.memory_space<vmem_shared>>
          tpu.enqueue_indirect_dma source(%arg11 : memref<128x128xf32, #tpu.memory_space<vmem>>) target(%dma_start3A_108 : memref<10048x128xf32, #tpu.memory_space<vmem_shared>>) offsets(%dma_start3A_105 : memref<128xi32, #tpu.memory_space<vmem>>) semaphore(%run_scoped3A : memref<!tpu.dma_semaphore, #tpu.memory_space<semaphore_mem>>) {add = true}
          %dma_wait3A_109 = arith.constant 0 : i32
          %dma_wait3A_110 = tpu.memref_slice %arg9[%add3A_93, %dma_wait3A_109] : memref<40x128xi32, #tpu.memory_space<vmem>> -> memref<1x128xi32, #tpu.memory_space<vmem>>
          %dma_wait3A_111 = tpu.memref_squeeze %dma_wait3A_110 : memref<1x128xi32, #tpu.memory_space<vmem>> -> memref<128xi32, #tpu.memory_space<vmem>>
          %dma_wait3A_112 = arith.constant 0 : i32
          %dma_wait3A_113 = arith.constant 0 : i32
          %dma_wait3A_114 = tpu.memref_slice %arg12[%dma_wait3A_112, %dma_wait3A_113] : memref<10048x128xf32, #tpu.memory_space<vmem_shared>> -> memref<10048x128xf32, #tpu.memory_space<vmem_shared>>
          tpu.wait_indirect_dma semaphore(%run_scoped3A : memref<!tpu.dma_semaphore, #tpu.memory_space<semaphore_mem>>) src(%arg11 : memref<128x128xf32, #tpu.memory_space<vmem>>) dst(%dma_wait3A_114 : memref<10048x128xf32, #tpu.memory_space<vmem_shared>>)
          tpu.yield
        }) : () -> ()
        %add3A_94 = arith.constant 1 : i32
        %add3A_95 = arith.addi %mul3A_66, %add3A_94 : i32
        %add3A_96 = arith.constant 2 : i32
        %add3A_97 = arith.addi %add3A_95, %add3A_96 : i32
        %lt3A_98 = arith.constant 40 : i32
        %lt3A_99 = arith.cmpi slt, %add3A_97, %lt3A_98 : i32
        %convert_element_type3A_100 = arith.extui %lt3A_99 : i1 to i32
        %cond3A_101 = arith.constant 0 : i32
        %cond3A_102 = arith.cmpi ne, %convert_element_type3A_100, %cond3A_101 : i32
        scf.if %cond3A_102 {
          %add3A_103 = arith.constant 1 : i32
          %add3A_104 = arith.addi %mul3A_66, %add3A_103 : i32
          %add3A_105 = arith.constant 2 : i32
          %add3A_106 = arith.addi %add3A_104, %add3A_105 : i32
          %dma_start3A_107 = arith.constant 0 : i32
          %dma_start3A_108 = tpu.memref_slice %arg8[%add3A_106, %dma_start3A_107] : memref<40x128xi32, #tpu.memory_space<vmem>> -> memref<1x128xi32, #tpu.memory_space<vmem>>
          %dma_start3A_109 = tpu.memref_squeeze %dma_start3A_108 : memref<1x128xi32, #tpu.memory_space<vmem>> -> memref<128xi32, #tpu.memory_space<vmem>>
          %dma_start3A_110 = arith.constant 0 : i32
          %dma_start3A_111 = arith.constant 0 : i32
          %dma_start3A_112 = tpu.memref_slice %arg2[%dma_start3A_110, %dma_start3A_111] : memref<10000x128xf32, #tpu.memory_space<hbm>> -> memref<10000x128xf32, #tpu.memory_space<hbm>>
          tpu.enqueue_indirect_dma source(%dma_start3A_112 : memref<10000x128xf32, #tpu.memory_space<hbm>>) target(%arg11 : memref<128x128xf32, #tpu.memory_space<vmem>>) offsets(%dma_start3A_109 : memref<128xi32, #tpu.memory_space<vmem>>) semaphore(%arg14 : memref<!tpu.dma_semaphore, #tpu.memory_space<semaphore_mem>>)
        } else {
        }
      }
      %scan3A_53 = arith.constant 20 : i32
      %barrier3A_54 = arith.constant 0 : index
      tpu.barrier barrier_id(%barrier3A_54)
      %lt3A_55 = arith.constant 15 : i32
      %lt3A_56 = arith.cmpi slt, %arg1, %lt3A_55 : i32
      %convert_element_type3A_57 = arith.extui %lt3A_56 : i1 to i32
      %cond3A_58 = arith.constant 0 : i32
      %cond3A_59 = arith.cmpi ne, %convert_element_type3A_57, %cond3A_58 : i32
      scf.if %cond3A_59 {
        %mul3A = arith.constant 640 : i32
        %mul3A_65 = arith.muli %arg1, %mul3A : i32
        %mul3A_66 = arith.constant 640 : i32
        %mul3A_67 = arith.muli %arg1, %mul3A_66 : i32
        "tpu.region"() ({
          %run_scoped3A = tpu.sem_alloc : memref<!tpu.dma_semaphore, #tpu.memory_space<semaphore_mem>>
          %dma_start3A_68 = arith.constant 0 : i32
          %dma_start3A_69 = tpu.memref_slice %arg6[%mul3A_67, %dma_start3A_68] : memref<10000x128xf32, #tpu.memory_space<hbm>> -> memref<640x128xf32, #tpu.memory_space<hbm>>
          %dma_start3A_70 = arith.constant 0 : i32
          %dma_start3A_71 = tpu.memref_slice %arg12[%mul3A_65, %dma_start3A_70] : memref<10048x128xf32, #tpu.memory_space<vmem_shared>> -> memref<640x128xf32, #tpu.memory_space<vmem_shared>>
          tpu.enqueue_dma source(%dma_start3A_71 : memref<640x128xf32, #tpu.memory_space<vmem_shared>>) target(%dma_start3A_69 : memref<640x128xf32, #tpu.memory_space<hbm>>) target_semaphore(%run_scoped3A : memref<!tpu.dma_semaphore, #tpu.memory_space<semaphore_mem>>)
          %dma_wait3A = arith.constant 0 : i32
          %dma_wait3A_72 = tpu.memref_slice %arg6[%mul3A_67, %dma_wait3A] : memref<10000x128xf32, #tpu.memory_space<hbm>> -> memref<640x128xf32, #tpu.memory_space<hbm>>
          %dma_wait3A_73 = arith.constant 0 : i32
          %dma_wait3A_74 = tpu.memref_slice %arg12[%mul3A_65, %dma_wait3A_73] : memref<10048x128xf32, #tpu.memory_space<vmem_shared>> -> memref<640x128xf32, #tpu.memory_space<vmem_shared>>
          tpu.wait_dma2 semaphore(%run_scoped3A : memref<!tpu.dma_semaphore, #tpu.memory_space<semaphore_mem>>) src(%dma_wait3A_74 : memref<640x128xf32, #tpu.memory_space<vmem_shared>>) dst(%dma_wait3A_72 : memref<640x128xf32, #tpu.memory_space<hbm>>)
          tpu.yield
        }) : () -> ()
      } else {
      }
      %eq3A_60 = arith.constant 15 : i32
      %eq3A_61 = arith.cmpi eq, %arg1, %eq3A_60 : i32
      %convert_element_type3A_62 = arith.extui %eq3A_61 : i1 to i32
      %cond3A_63 = arith.constant 0 : i32
      %cond3A_64 = arith.cmpi ne, %convert_element_type3A_62, %cond3A_63 : i32
      scf.if %cond3A_64 {
        "tpu.region"() ({
          %run_scoped3A = tpu.sem_alloc : memref<!tpu.dma_semaphore, #tpu.memory_space<semaphore_mem>>
          %dma_start3A_65 = arith.constant 9600 : i32
          %dma_start3A_66 = arith.constant 0 : i32
          %dma_start3A_67 = tpu.memref_slice %arg6[%dma_start3A_65, %dma_start3A_66] : memref<10000x128xf32, #tpu.memory_space<hbm>> -> memref<400x128xf32, #tpu.memory_space<hbm>>
          %dma_start3A_68 = arith.constant 9600 : i32
          %dma_start3A_69 = arith.constant 0 : i32
          %dma_start3A_70 = tpu.memref_slice %arg12[%dma_start3A_68, %dma_start3A_69] : memref<10048x128xf32, #tpu.memory_space<vmem_shared>> -> memref<400x128xf32, #tpu.memory_space<vmem_shared>>
          tpu.enqueue_dma source(%dma_start3A_70 : memref<400x128xf32, #tpu.memory_space<vmem_shared>>) target(%dma_start3A_67 : memref<400x128xf32, #tpu.memory_space<hbm>>) target_semaphore(%run_scoped3A : memref<!tpu.dma_semaphore, #tpu.memory_space<semaphore_mem>>)
          %dma_wait3A = arith.constant 9600 : i32
          %dma_wait3A_71 = arith.constant 0 : i32
          %dma_wait3A_72 = tpu.memref_slice %arg6[%dma_wait3A, %dma_wait3A_71] : memref<10000x128xf32, #tpu.memory_space<hbm>> -> memref<400x128xf32, #tpu.memory_space<hbm>>
          %dma_wait3A_73 = arith.constant 9600 : i32
          %dma_wait3A_74 = arith.constant 0 : i32
          %dma_wait3A_75 = tpu.memref_slice %arg12[%dma_wait3A_73, %dma_wait3A_74] : memref<10048x128xf32, #tpu.memory_space<vmem_shared>> -> memref<400x128xf32, #tpu.memory_space<vmem_shared>>
          tpu.wait_dma2 semaphore(%run_scoped3A : memref<!tpu.dma_semaphore, #tpu.memory_space<semaphore_mem>>) src(%dma_wait3A_75 : memref<400x128xf32, #tpu.memory_space<vmem_shared>>) dst(%dma_wait3A_72 : memref<400x128xf32, #tpu.memory_space<hbm>>)
          tpu.yield
        }) : () -> ()
      } else {
      }
    } else {
    }
    %eq3A_2 = arith.constant 1 : i32
    %eq3A_3 = arith.cmpi eq, %arg0, %eq3A_2 : i32
    %convert_element_type3A_4 = arith.extui %eq3A_3 : i1 to i32
    %cond3A_5 = arith.constant 0 : i32
    %cond3A_6 = arith.cmpi ne, %convert_element_type3A_4, %cond3A_5 : i32
    scf.if %cond3A_6 {
      "tpu.region"() ({
        %run_scoped3A = tpu.sem_alloc : memref<!tpu.dma_semaphore, #tpu.memory_space<semaphore_mem>>
        %dma_start3A_65 = arith.constant 0 : i32
        %dma_start3A_66 = arith.constant 0 : i32
        %dma_start3A_67 = tpu.memref_slice %arg4[%arg1, %dma_start3A_65, %dma_start3A_66] : memref<16x80x128xi32, #tpu.memory_space<hbm>> -> memref<1x40x128xi32, #tpu.memory_space<hbm>>
        %dma_start3A_68 = tpu.memref_squeeze %dma_start3A_67 : memref<1x40x128xi32, #tpu.memory_space<hbm>> -> memref<40x128xi32, #tpu.memory_space<hbm>>
        %dma_start3A_69 = arith.constant 0 : i32
        %dma_start3A_70 = arith.constant 0 : i32
        %dma_start3A_71 = tpu.memref_slice %arg4[%arg1, %dma_start3A_69, %dma_start3A_70] : memref<16x80x128xi32, #tpu.memory_space<hbm>> -> memref<1x40x128xi32, #tpu.memory_space<hbm>>
        %dma_start3A_72 = tpu.memref_squeeze %dma_start3A_71 : memref<1x40x128xi32, #tpu.memory_space<hbm>> -> memref<40x128xi32, #tpu.memory_space<hbm>>
        tpu.enqueue_dma source(%dma_start3A_72 : memref<40x128xi32, #tpu.memory_space<hbm>>) target(%arg8 : memref<40x128xi32, #tpu.memory_space<vmem>>) target_semaphore(%run_scoped3A : memref<!tpu.dma_semaphore, #tpu.memory_space<semaphore_mem>>)
        %dma_wait3A = arith.constant 0 : i32
        %dma_wait3A_73 = arith.constant 0 : i32
        %dma_wait3A_74 = tpu.memref_slice %arg4[%arg1, %dma_wait3A, %dma_wait3A_73] : memref<16x80x128xi32, #tpu.memory_space<hbm>> -> memref<1x40x128xi32, #tpu.memory_space<hbm>>
        %dma_wait3A_75 = tpu.memref_squeeze %dma_wait3A_74 : memref<1x40x128xi32, #tpu.memory_space<hbm>> -> memref<40x128xi32, #tpu.memory_space<hbm>>
        %dma_wait3A_76 = arith.constant 0 : i32
        %dma_wait3A_77 = arith.constant 0 : i32
        %dma_wait3A_78 = tpu.memref_slice %arg4[%arg1, %dma_wait3A_76, %dma_wait3A_77] : memref<16x80x128xi32, #tpu.memory_space<hbm>> -> memref<1x40x128xi32, #tpu.memory_space<hbm>>
        %dma_wait3A_79 = tpu.memref_squeeze %dma_wait3A_78 : memref<1x40x128xi32, #tpu.memory_space<hbm>> -> memref<40x128xi32, #tpu.memory_space<hbm>>
        tpu.wait_dma2 semaphore(%run_scoped3A : memref<!tpu.dma_semaphore, #tpu.memory_space<semaphore_mem>>) src(%dma_wait3A_79 : memref<40x128xi32, #tpu.memory_space<hbm>>) dst(%arg8 : memref<40x128xi32, #tpu.memory_space<vmem>>)
        tpu.yield
      }) : () -> ()
      "tpu.region"() ({
        %run_scoped3A = tpu.sem_alloc : memref<!tpu.dma_semaphore, #tpu.memory_space<semaphore_mem>>
        %dma_start3A_65 = arith.constant 0 : i32
        %dma_start3A_66 = arith.constant 0 : i32
        %dma_start3A_67 = tpu.memref_slice %arg5[%arg1, %dma_start3A_65, %dma_start3A_66] : memref<16x80x128xi32, #tpu.memory_space<hbm>> -> memref<1x40x128xi32, #tpu.memory_space<hbm>>
        %dma_start3A_68 = tpu.memref_squeeze %dma_start3A_67 : memref<1x40x128xi32, #tpu.memory_space<hbm>> -> memref<40x128xi32, #tpu.memory_space<hbm>>
        %dma_start3A_69 = arith.constant 0 : i32
        %dma_start3A_70 = arith.constant 0 : i32
        %dma_start3A_71 = tpu.memref_slice %arg5[%arg1, %dma_start3A_69, %dma_start3A_70] : memref<16x80x128xi32, #tpu.memory_space<hbm>> -> memref<1x40x128xi32, #tpu.memory_space<hbm>>
        %dma_start3A_72 = tpu.memref_squeeze %dma_start3A_71 : memref<1x40x128xi32, #tpu.memory_space<hbm>> -> memref<40x128xi32, #tpu.memory_space<hbm>>
        tpu.enqueue_dma source(%dma_start3A_72 : memref<40x128xi32, #tpu.memory_space<hbm>>) target(%arg9 : memref<40x128xi32, #tpu.memory_space<vmem>>) target_semaphore(%run_scoped3A : memref<!tpu.dma_semaphore, #tpu.memory_space<semaphore_mem>>)
        %dma_wait3A = arith.constant 0 : i32
        %dma_wait3A_73 = arith.constant 0 : i32
        %dma_wait3A_74 = tpu.memref_slice %arg5[%arg1, %dma_wait3A, %dma_wait3A_73] : memref<16x80x128xi32, #tpu.memory_space<hbm>> -> memref<1x40x128xi32, #tpu.memory_space<hbm>>
        %dma_wait3A_75 = tpu.memref_squeeze %dma_wait3A_74 : memref<1x40x128xi32, #tpu.memory_space<hbm>> -> memref<40x128xi32, #tpu.memory_space<hbm>>
        %dma_wait3A_76 = arith.constant 0 : i32
        %dma_wait3A_77 = arith.constant 0 : i32
        %dma_wait3A_78 = tpu.memref_slice %arg5[%arg1, %dma_wait3A_76, %dma_wait3A_77] : memref<16x80x128xi32, #tpu.memory_space<hbm>> -> memref<1x40x128xi32, #tpu.memory_space<hbm>>
        %dma_wait3A_79 = tpu.memref_squeeze %dma_wait3A_78 : memref<1x40x128xi32, #tpu.memory_space<hbm>> -> memref<40x128xi32, #tpu.memory_space<hbm>>
        tpu.wait_dma2 semaphore(%run_scoped3A : memref<!tpu.dma_semaphore, #tpu.memory_space<semaphore_mem>>) src(%dma_wait3A_79 : memref<40x128xi32, #tpu.memory_space<hbm>>) dst(%arg9 : memref<40x128xi32, #tpu.memory_space<vmem>>)
        tpu.yield
      }) : () -> ()
      %dma_start3A = arith.constant 0 : i32
      %dma_start3A_7 = arith.constant 0 : i32
      %dma_start3A_8 = tpu.memref_slice %arg8[%dma_start3A, %dma_start3A_7] : memref<40x128xi32, #tpu.memory_space<vmem>> -> memref<1x128xi32, #tpu.memory_space<vmem>>
      %dma_start3A_9 = tpu.memref_squeeze %dma_start3A_8 : memref<1x128xi32, #tpu.memory_space<vmem>> -> memref<128xi32, #tpu.memory_space<vmem>>
      %dma_start3A_10 = arith.constant 0 : i32
      %dma_start3A_11 = arith.constant 0 : i32
      %dma_start3A_12 = tpu.memref_slice %arg3[%dma_start3A_10, %dma_start3A_11] : memref<10000x128xf32, #tpu.memory_space<hbm>> -> memref<10000x128xf32, #tpu.memory_space<hbm>>
      tpu.enqueue_indirect_dma source(%dma_start3A_12 : memref<10000x128xf32, #tpu.memory_space<hbm>>) target(%arg10 : memref<128x128xf32, #tpu.memory_space<vmem>>) offsets(%dma_start3A_9 : memref<128xi32, #tpu.memory_space<vmem>>) semaphore(%arg13 : memref<!tpu.dma_semaphore, #tpu.memory_space<semaphore_mem>>)
      %dma_start3A_13 = arith.constant 1 : i32
      %dma_start3A_14 = arith.constant 0 : i32
      %dma_start3A_15 = tpu.memref_slice %arg8[%dma_start3A_13, %dma_start3A_14] : memref<40x128xi32, #tpu.memory_space<vmem>> -> memref<1x128xi32, #tpu.memory_space<vmem>>
      %dma_start3A_16 = tpu.memref_squeeze %dma_start3A_15 : memref<1x128xi32, #tpu.memory_space<vmem>> -> memref<128xi32, #tpu.memory_space<vmem>>
      %dma_start3A_17 = arith.constant 0 : i32
      %dma_start3A_18 = arith.constant 0 : i32
      %dma_start3A_19 = tpu.memref_slice %arg3[%dma_start3A_17, %dma_start3A_18] : memref<10000x128xf32, #tpu.memory_space<hbm>> -> memref<10000x128xf32, #tpu.memory_space<hbm>>
      tpu.enqueue_indirect_dma source(%dma_start3A_19 : memref<10000x128xf32, #tpu.memory_space<hbm>>) target(%arg11 : memref<128x128xf32, #tpu.memory_space<vmem>>) offsets(%dma_start3A_16 : memref<128xi32, #tpu.memory_space<vmem>>) semaphore(%arg14 : memref<!tpu.dma_semaphore, #tpu.memory_space<semaphore_mem>>)
      %lt3A = arith.constant 15 : i32
      %lt3A_20 = arith.cmpi slt, %arg1, %lt3A : i32
      %convert_element_type3A_21 = arith.extui %lt3A_20 : i1 to i32
      %cond3A_22 = arith.constant 0 : i32
      %cond3A_23 = arith.cmpi ne, %convert_element_type3A_21, %cond3A_22 : i32
      scf.if %cond3A_23 {
        %mul3A = arith.constant 640 : i32
        %mul3A_65 = arith.muli %arg1, %mul3A : i32
        %mul3A_66 = arith.constant 640 : i32
        %mul3A_67 = arith.muli %arg1, %mul3A_66 : i32
        "tpu.region"() ({
          %run_scoped3A = tpu.sem_alloc : memref<!tpu.dma_semaphore, #tpu.memory_space<semaphore_mem>>
          %dma_start3A_68 = arith.constant 0 : i32
          %dma_start3A_69 = tpu.memref_slice %arg12[%mul3A_67, %dma_start3A_68] : memref<10048x128xf32, #tpu.memory_space<vmem_shared>> -> memref<640x128xf32, #tpu.memory_space<vmem_shared>>
          %dma_start3A_70 = arith.constant 0 : i32
          %dma_start3A_71 = tpu.memref_slice %arg3[%mul3A_65, %dma_start3A_70] : memref<10000x128xf32, #tpu.memory_space<hbm>> -> memref<640x128xf32, #tpu.memory_space<hbm>>
          tpu.enqueue_dma source(%dma_start3A_71 : memref<640x128xf32, #tpu.memory_space<hbm>>) target(%dma_start3A_69 : memref<640x128xf32, #tpu.memory_space<vmem_shared>>) target_semaphore(%run_scoped3A : memref<!tpu.dma_semaphore, #tpu.memory_space<semaphore_mem>>)
          %dma_wait3A = arith.constant 0 : i32
          %dma_wait3A_72 = tpu.memref_slice %arg12[%mul3A_67, %dma_wait3A] : memref<10048x128xf32, #tpu.memory_space<vmem_shared>> -> memref<640x128xf32, #tpu.memory_space<vmem_shared>>
          %dma_wait3A_73 = arith.constant 0 : i32
          %dma_wait3A_74 = tpu.memref_slice %arg3[%mul3A_65, %dma_wait3A_73] : memref<10000x128xf32, #tpu.memory_space<hbm>> -> memref<640x128xf32, #tpu.memory_space<hbm>>
          tpu.wait_dma2 semaphore(%run_scoped3A : memref<!tpu.dma_semaphore, #tpu.memory_space<semaphore_mem>>) src(%dma_wait3A_74 : memref<640x128xf32, #tpu.memory_space<hbm>>) dst(%dma_wait3A_72 : memref<640x128xf32, #tpu.memory_space<vmem_shared>>)
          tpu.yield
        }) : () -> ()
      } else {
      }
      %eq3A_24 = arith.constant 15 : i32
      %eq3A_25 = arith.cmpi eq, %arg1, %eq3A_24 : i32
      %convert_element_type3A_26 = arith.extui %eq3A_25 : i1 to i32
      %cond3A_27 = arith.constant 0 : i32
      %cond3A_28 = arith.cmpi ne, %convert_element_type3A_26, %cond3A_27 : i32
      scf.if %cond3A_28 {
        "tpu.region"() ({
          %run_scoped3A = tpu.sem_alloc : memref<!tpu.dma_semaphore, #tpu.memory_space<semaphore_mem>>
          %dma_start3A_65 = arith.constant 9600 : i32
          %dma_start3A_66 = arith.constant 0 : i32
          %dma_start3A_67 = tpu.memref_slice %arg12[%dma_start3A_65, %dma_start3A_66] : memref<10048x128xf32, #tpu.memory_space<vmem_shared>> -> memref<400x128xf32, #tpu.memory_space<vmem_shared>>
          %dma_start3A_68 = arith.constant 9600 : i32
          %dma_start3A_69 = arith.constant 0 : i32
          %dma_start3A_70 = tpu.memref_slice %arg3[%dma_start3A_68, %dma_start3A_69] : memref<10000x128xf32, #tpu.memory_space<hbm>> -> memref<400x128xf32, #tpu.memory_space<hbm>>
          tpu.enqueue_dma source(%dma_start3A_70 : memref<400x128xf32, #tpu.memory_space<hbm>>) target(%dma_start3A_67 : memref<400x128xf32, #tpu.memory_space<vmem_shared>>) target_semaphore(%run_scoped3A : memref<!tpu.dma_semaphore, #tpu.memory_space<semaphore_mem>>)
          %dma_wait3A = arith.constant 9600 : i32
          %dma_wait3A_71 = arith.constant 0 : i32
          %dma_wait3A_72 = tpu.memref_slice %arg12[%dma_wait3A, %dma_wait3A_71] : memref<10048x128xf32, #tpu.memory_space<vmem_shared>> -> memref<400x128xf32, #tpu.memory_space<vmem_shared>>
          %dma_wait3A_73 = arith.constant 9600 : i32
          %dma_wait3A_74 = arith.constant 0 : i32
          %dma_wait3A_75 = tpu.memref_slice %arg3[%dma_wait3A_73, %dma_wait3A_74] : memref<10000x128xf32, #tpu.memory_space<hbm>> -> memref<400x128xf32, #tpu.memory_space<hbm>>
          tpu.wait_dma2 semaphore(%run_scoped3A : memref<!tpu.dma_semaphore, #tpu.memory_space<semaphore_mem>>) src(%dma_wait3A_75 : memref<400x128xf32, #tpu.memory_space<hbm>>) dst(%dma_wait3A_72 : memref<400x128xf32, #tpu.memory_space<vmem_shared>>)
          tpu.yield
        }) : () -> ()
      } else {
      }
      %barrier3A = arith.constant 0 : index
      tpu.barrier barrier_id(%barrier3A)
      %scan3A = arith.constant 0 : i32
      %scan3A_29 = arith.constant 0 : i32
      %scan3A_30 = arith.constant 20 : i32
      %scan3A_31 = arith.addi %scan3A_29, %scan3A_30 : i32
      %scan3A_32 = arith.constant 1 : i32
      scf.for %scan3A_65 = %scan3A_29 to %scan3A_31 step %scan3A_32  : i32 {
        %mul3A = arith.constant 2 : i32
        %mul3A_66 = arith.muli %mul3A, %scan3A_65 : i32
        %add3A = arith.constant 0 : i32
        %add3A_67 = arith.addi %mul3A_66, %add3A : i32
        %dma_wait3A = arith.constant 0 : i32
        %dma_wait3A_68 = tpu.memref_slice %arg8[%add3A_67, %dma_wait3A] : memref<40x128xi32, #tpu.memory_space<vmem>> -> memref<1x128xi32, #tpu.memory_space<vmem>>
        %dma_wait3A_69 = tpu.memref_squeeze %dma_wait3A_68 : memref<1x128xi32, #tpu.memory_space<vmem>> -> memref<128xi32, #tpu.memory_space<vmem>>
        %dma_wait3A_70 = arith.constant 0 : i32
        %dma_wait3A_71 = arith.constant 0 : i32
        %dma_wait3A_72 = tpu.memref_slice %arg3[%dma_wait3A_70, %dma_wait3A_71] : memref<10000x128xf32, #tpu.memory_space<hbm>> -> memref<10000x128xf32, #tpu.memory_space<hbm>>
        tpu.wait_indirect_dma semaphore(%arg13 : memref<!tpu.dma_semaphore, #tpu.memory_space<semaphore_mem>>) src(%dma_wait3A_72 : memref<10000x128xf32, #tpu.memory_space<hbm>>) dst(%arg10 : memref<128x128xf32, #tpu.memory_space<vmem>>)
        %add3A_73 = arith.constant 0 : i32
        %add3A_74 = arith.addi %mul3A_66, %add3A_73 : i32
        "tpu.region"() ({
          %run_scoped3A = tpu.sem_alloc : memref<!tpu.dma_semaphore, #tpu.memory_space<semaphore_mem>>
          %dma_start3A_103 = arith.constant 0 : i32
          %dma_start3A_104 = tpu.memref_slice %arg9[%add3A_74, %dma_start3A_103] : memref<40x128xi32, #tpu.memory_space<vmem>> -> memref<1x128xi32, #tpu.memory_space<vmem>>
          %dma_start3A_105 = tpu.memref_squeeze %dma_start3A_104 : memref<1x128xi32, #tpu.memory_space<vmem>> -> memref<128xi32, #tpu.memory_space<vmem>>
          %dma_start3A_106 = arith.constant 0 : i32
          %dma_start3A_107 = arith.constant 0 : i32
          %dma_start3A_108 = tpu.memref_slice %arg12[%dma_start3A_106, %dma_start3A_107] : memref<10048x128xf32, #tpu.memory_space<vmem_shared>> -> memref<10048x128xf32, #tpu.memory_space<vmem_shared>>
          tpu.enqueue_indirect_dma source(%arg10 : memref<128x128xf32, #tpu.memory_space<vmem>>) target(%dma_start3A_108 : memref<10048x128xf32, #tpu.memory_space<vmem_shared>>) offsets(%dma_start3A_105 : memref<128xi32, #tpu.memory_space<vmem>>) semaphore(%run_scoped3A : memref<!tpu.dma_semaphore, #tpu.memory_space<semaphore_mem>>) {add = true}
          %dma_wait3A_109 = arith.constant 0 : i32
          %dma_wait3A_110 = tpu.memref_slice %arg9[%add3A_74, %dma_wait3A_109] : memref<40x128xi32, #tpu.memory_space<vmem>> -> memref<1x128xi32, #tpu.memory_space<vmem>>
          %dma_wait3A_111 = tpu.memref_squeeze %dma_wait3A_110 : memref<1x128xi32, #tpu.memory_space<vmem>> -> memref<128xi32, #tpu.memory_space<vmem>>
          %dma_wait3A_112 = arith.constant 0 : i32
          %dma_wait3A_113 = arith.constant 0 : i32
          %dma_wait3A_114 = tpu.memref_slice %arg12[%dma_wait3A_112, %dma_wait3A_113] : memref<10048x128xf32, #tpu.memory_space<vmem_shared>> -> memref<10048x128xf32, #tpu.memory_space<vmem_shared>>
          tpu.wait_indirect_dma semaphore(%run_scoped3A : memref<!tpu.dma_semaphore, #tpu.memory_space<semaphore_mem>>) src(%arg10 : memref<128x128xf32, #tpu.memory_space<vmem>>) dst(%dma_wait3A_114 : memref<10048x128xf32, #tpu.memory_space<vmem_shared>>)
          tpu.yield
        }) : () -> ()
        %add3A_75 = arith.constant 0 : i32
        %add3A_76 = arith.addi %mul3A_66, %add3A_75 : i32
        %add3A_77 = arith.constant 2 : i32
        %add3A_78 = arith.addi %add3A_76, %add3A_77 : i32
        %lt3A_79 = arith.constant 40 : i32
        %lt3A_80 = arith.cmpi slt, %add3A_78, %lt3A_79 : i32
        %convert_element_type3A_81 = arith.extui %lt3A_80 : i1 to i32
        %cond3A_82 = arith.constant 0 : i32
        %cond3A_83 = arith.cmpi ne, %convert_element_type3A_81, %cond3A_82 : i32
        scf.if %cond3A_83 {
          %add3A_103 = arith.constant 0 : i32
          %add3A_104 = arith.addi %mul3A_66, %add3A_103 : i32
          %add3A_105 = arith.constant 2 : i32
          %add3A_106 = arith.addi %add3A_104, %add3A_105 : i32
          %dma_start3A_107 = arith.constant 0 : i32
          %dma_start3A_108 = tpu.memref_slice %arg8[%add3A_106, %dma_start3A_107] : memref<40x128xi32, #tpu.memory_space<vmem>> -> memref<1x128xi32, #tpu.memory_space<vmem>>
          %dma_start3A_109 = tpu.memref_squeeze %dma_start3A_108 : memref<1x128xi32, #tpu.memory_space<vmem>> -> memref<128xi32, #tpu.memory_space<vmem>>
          %dma_start3A_110 = arith.constant 0 : i32
          %dma_start3A_111 = arith.constant 0 : i32
          %dma_start3A_112 = tpu.memref_slice %arg3[%dma_start3A_110, %dma_start3A_111] : memref<10000x128xf32, #tpu.memory_space<hbm>> -> memref<10000x128xf32, #tpu.memory_space<hbm>>
          tpu.enqueue_indirect_dma source(%dma_start3A_112 : memref<10000x128xf32, #tpu.memory_space<hbm>>) target(%arg10 : memref<128x128xf32, #tpu.memory_space<vmem>>) offsets(%dma_start3A_109 : memref<128xi32, #tpu.memory_space<vmem>>) semaphore(%arg13 : memref<!tpu.dma_semaphore, #tpu.memory_space<semaphore_mem>>)
        } else {
        }
        %add3A_84 = arith.constant 1 : i32
        %add3A_85 = arith.addi %mul3A_66, %add3A_84 : i32
        %dma_wait3A_86 = arith.constant 0 : i32
        %dma_wait3A_87 = tpu.memref_slice %arg8[%add3A_85, %dma_wait3A_86] : memref<40x128xi32, #tpu.memory_space<vmem>> -> memref<1x128xi32, #tpu.memory_space<vmem>>
        %dma_wait3A_88 = tpu.memref_squeeze %dma_wait3A_87 : memref<1x128xi32, #tpu.memory_space<vmem>> -> memref<128xi32, #tpu.memory_space<vmem>>
        %dma_wait3A_89 = arith.constant 0 : i32
        %dma_wait3A_90 = arith.constant 0 : i32
        %dma_wait3A_91 = tpu.memref_slice %arg3[%dma_wait3A_89, %dma_wait3A_90] : memref<10000x128xf32, #tpu.memory_space<hbm>> -> memref<10000x128xf32, #tpu.memory_space<hbm>>
        tpu.wait_indirect_dma semaphore(%arg14 : memref<!tpu.dma_semaphore, #tpu.memory_space<semaphore_mem>>) src(%dma_wait3A_91 : memref<10000x128xf32, #tpu.memory_space<hbm>>) dst(%arg11 : memref<128x128xf32, #tpu.memory_space<vmem>>)
        %add3A_92 = arith.constant 1 : i32
        %add3A_93 = arith.addi %mul3A_66, %add3A_92 : i32
        "tpu.region"() ({
          %run_scoped3A = tpu.sem_alloc : memref<!tpu.dma_semaphore, #tpu.memory_space<semaphore_mem>>
          %dma_start3A_103 = arith.constant 0 : i32
          %dma_start3A_104 = tpu.memref_slice %arg9[%add3A_93, %dma_start3A_103] : memref<40x128xi32, #tpu.memory_space<vmem>> -> memref<1x128xi32, #tpu.memory_space<vmem>>
          %dma_start3A_105 = tpu.memref_squeeze %dma_start3A_104 : memref<1x128xi32, #tpu.memory_space<vmem>> -> memref<128xi32, #tpu.memory_space<vmem>>
          %dma_start3A_106 = arith.constant 0 : i32
          %dma_start3A_107 = arith.constant 0 : i32
          %dma_start3A_108 = tpu.memref_slice %arg12[%dma_start3A_106, %dma_start3A_107] : memref<10048x128xf32, #tpu.memory_space<vmem_shared>> -> memref<10048x128xf32, #tpu.memory_space<vmem_shared>>
          tpu.enqueue_indirect_dma source(%arg11 : memref<128x128xf32, #tpu.memory_space<vmem>>) target(%dma_start3A_108 : memref<10048x128xf32, #tpu.memory_space<vmem_shared>>) offsets(%dma_start3A_105 : memref<128xi32, #tpu.memory_space<vmem>>) semaphore(%run_scoped3A : memref<!tpu.dma_semaphore, #tpu.memory_space<semaphore_mem>>) {add = true}
          %dma_wait3A_109 = arith.constant 0 : i32
          %dma_wait3A_110 = tpu.memref_slice %arg9[%add3A_93, %dma_wait3A_109] : memref<40x128xi32, #tpu.memory_space<vmem>> -> memref<1x128xi32, #tpu.memory_space<vmem>>
          %dma_wait3A_111 = tpu.memref_squeeze %dma_wait3A_110 : memref<1x128xi32, #tpu.memory_space<vmem>> -> memref<128xi32, #tpu.memory_space<vmem>>
          %dma_wait3A_112 = arith.constant 0 : i32
          %dma_wait3A_113 = arith.constant 0 : i32
          %dma_wait3A_114 = tpu.memref_slice %arg12[%dma_wait3A_112, %dma_wait3A_113] : memref<10048x128xf32, #tpu.memory_space<vmem_shared>> -> memref<10048x128xf32, #tpu.memory_space<vmem_shared>>
          tpu.wait_indirect_dma semaphore(%run_scoped3A : memref<!tpu.dma_semaphore, #tpu.memory_space<semaphore_mem>>) src(%arg11 : memref<128x128xf32, #tpu.memory_space<vmem>>) dst(%dma_wait3A_114 : memref<10048x128xf32, #tpu.memory_space<vmem_shared>>)
          tpu.yield
        }) : () -> ()
        %add3A_94 = arith.constant 1 : i32
        %add3A_95 = arith.addi %mul3A_66, %add3A_94 : i32
        %add3A_96 = arith.constant 2 : i32
        %add3A_97 = arith.addi %add3A_95, %add3A_96 : i32
        %lt3A_98 = arith.constant 40 : i32
        %lt3A_99 = arith.cmpi slt, %add3A_97, %lt3A_98 : i32
        %convert_element_type3A_100 = arith.extui %lt3A_99 : i1 to i32
        %cond3A_101 = arith.constant 0 : i32
        %cond3A_102 = arith.cmpi ne, %convert_element_type3A_100, %cond3A_101 : i32
        scf.if %cond3A_102 {
          %add3A_103 = arith.constant 1 : i32
          %add3A_104 = arith.addi %mul3A_66, %add3A_103 : i32
          %add3A_105 = arith.constant 2 : i32
          %add3A_106 = arith.addi %add3A_104, %add3A_105 : i32
          %dma_start3A_107 = arith.constant 0 : i32
          %dma_start3A_108 = tpu.memref_slice %arg8[%add3A_106, %dma_start3A_107] : memref<40x128xi32, #tpu.memory_space<vmem>> -> memref<1x128xi32, #tpu.memory_space<vmem>>
          %dma_start3A_109 = tpu.memref_squeeze %dma_start3A_108 : memref<1x128xi32, #tpu.memory_space<vmem>> -> memref<128xi32, #tpu.memory_space<vmem>>
          %dma_start3A_110 = arith.constant 0 : i32
          %dma_start3A_111 = arith.constant 0 : i32
          %dma_start3A_112 = tpu.memref_slice %arg3[%dma_start3A_110, %dma_start3A_111] : memref<10000x128xf32, #tpu.memory_space<hbm>> -> memref<10000x128xf32, #tpu.memory_space<hbm>>
          tpu.enqueue_indirect_dma source(%dma_start3A_112 : memref<10000x128xf32, #tpu.memory_space<hbm>>) target(%arg11 : memref<128x128xf32, #tpu.memory_space<vmem>>) offsets(%dma_start3A_109 : memref<128xi32, #tpu.memory_space<vmem>>) semaphore(%arg14 : memref<!tpu.dma_semaphore, #tpu.memory_space<semaphore_mem>>)
        } else {
        }
      }
      %scan3A_33 = arith.constant 20 : i32
      "tpu.region"() ({
        %run_scoped3A = tpu.sem_alloc : memref<!tpu.dma_semaphore, #tpu.memory_space<semaphore_mem>>
        %dma_start3A_65 = arith.constant 40 : i32
        %dma_start3A_66 = arith.constant 0 : i32
        %dma_start3A_67 = tpu.memref_slice %arg4[%arg1, %dma_start3A_65, %dma_start3A_66] : memref<16x80x128xi32, #tpu.memory_space<hbm>> -> memref<1x40x128xi32, #tpu.memory_space<hbm>>
        %dma_start3A_68 = tpu.memref_squeeze %dma_start3A_67 : memref<1x40x128xi32, #tpu.memory_space<hbm>> -> memref<40x128xi32, #tpu.memory_space<hbm>>
        %dma_start3A_69 = arith.constant 40 : i32
        %dma_start3A_70 = arith.constant 0 : i32
        %dma_start3A_71 = tpu.memref_slice %arg4[%arg1, %dma_start3A_69, %dma_start3A_70] : memref<16x80x128xi32, #tpu.memory_space<hbm>> -> memref<1x40x128xi32, #tpu.memory_space<hbm>>
        %dma_start3A_72 = tpu.memref_squeeze %dma_start3A_71 : memref<1x40x128xi32, #tpu.memory_space<hbm>> -> memref<40x128xi32, #tpu.memory_space<hbm>>
        tpu.enqueue_dma source(%dma_start3A_72 : memref<40x128xi32, #tpu.memory_space<hbm>>) target(%arg8 : memref<40x128xi32, #tpu.memory_space<vmem>>) target_semaphore(%run_scoped3A : memref<!tpu.dma_semaphore, #tpu.memory_space<semaphore_mem>>)
        %dma_wait3A = arith.constant 40 : i32
        %dma_wait3A_73 = arith.constant 0 : i32
        %dma_wait3A_74 = tpu.memref_slice %arg4[%arg1, %dma_wait3A, %dma_wait3A_73] : memref<16x80x128xi32, #tpu.memory_space<hbm>> -> memref<1x40x128xi32, #tpu.memory_space<hbm>>
        %dma_wait3A_75 = tpu.memref_squeeze %dma_wait3A_74 : memref<1x40x128xi32, #tpu.memory_space<hbm>> -> memref<40x128xi32, #tpu.memory_space<hbm>>
        %dma_wait3A_76 = arith.constant 40 : i32
        %dma_wait3A_77 = arith.constant 0 : i32
        %dma_wait3A_78 = tpu.memref_slice %arg4[%arg1, %dma_wait3A_76, %dma_wait3A_77] : memref<16x80x128xi32, #tpu.memory_space<hbm>> -> memref<1x40x128xi32, #tpu.memory_space<hbm>>
        %dma_wait3A_79 = tpu.memref_squeeze %dma_wait3A_78 : memref<1x40x128xi32, #tpu.memory_space<hbm>> -> memref<40x128xi32, #tpu.memory_space<hbm>>
        tpu.wait_dma2 semaphore(%run_scoped3A : memref<!tpu.dma_semaphore, #tpu.memory_space<semaphore_mem>>) src(%dma_wait3A_79 : memref<40x128xi32, #tpu.memory_space<hbm>>) dst(%arg8 : memref<40x128xi32, #tpu.memory_space<vmem>>)
        tpu.yield
      }) : () -> ()
      "tpu.region"() ({
        %run_scoped3A = tpu.sem_alloc : memref<!tpu.dma_semaphore, #tpu.memory_space<semaphore_mem>>
        %dma_start3A_65 = arith.constant 40 : i32
        %dma_start3A_66 = arith.constant 0 : i32
        %dma_start3A_67 = tpu.memref_slice %arg5[%arg1, %dma_start3A_65, %dma_start3A_66] : memref<16x80x128xi32, #tpu.memory_space<hbm>> -> memref<1x40x128xi32, #tpu.memory_space<hbm>>
        %dma_start3A_68 = tpu.memref_squeeze %dma_start3A_67 : memref<1x40x128xi32, #tpu.memory_space<hbm>> -> memref<40x128xi32, #tpu.memory_space<hbm>>
        %dma_start3A_69 = arith.constant 40 : i32
        %dma_start3A_70 = arith.constant 0 : i32
        %dma_start3A_71 = tpu.memref_slice %arg5[%arg1, %dma_start3A_69, %dma_start3A_70] : memref<16x80x128xi32, #tpu.memory_space<hbm>> -> memref<1x40x128xi32, #tpu.memory_space<hbm>>
        %dma_start3A_72 = tpu.memref_squeeze %dma_start3A_71 : memref<1x40x128xi32, #tpu.memory_space<hbm>> -> memref<40x128xi32, #tpu.memory_space<hbm>>
        tpu.enqueue_dma source(%dma_start3A_72 : memref<40x128xi32, #tpu.memory_space<hbm>>) target(%arg9 : memref<40x128xi32, #tpu.memory_space<vmem>>) target_semaphore(%run_scoped3A : memref<!tpu.dma_semaphore, #tpu.memory_space<semaphore_mem>>)
        %dma_wait3A = arith.constant 40 : i32
        %dma_wait3A_73 = arith.constant 0 : i32
        %dma_wait3A_74 = tpu.memref_slice %arg5[%arg1, %dma_wait3A, %dma_wait3A_73] : memref<16x80x128xi32, #tpu.memory_space<hbm>> -> memref<1x40x128xi32, #tpu.memory_space<hbm>>
        %dma_wait3A_75 = tpu.memref_squeeze %dma_wait3A_74 : memref<1x40x128xi32, #tpu.memory_space<hbm>> -> memref<40x128xi32, #tpu.memory_space<hbm>>
        %dma_wait3A_76 = arith.constant 40 : i32
        %dma_wait3A_77 = arith.constant 0 : i32
        %dma_wait3A_78 = tpu.memref_slice %arg5[%arg1, %dma_wait3A_76, %dma_wait3A_77] : memref<16x80x128xi32, #tpu.memory_space<hbm>> -> memref<1x40x128xi32, #tpu.memory_space<hbm>>
        %dma_wait3A_79 = tpu.memref_squeeze %dma_wait3A_78 : memref<1x40x128xi32, #tpu.memory_space<hbm>> -> memref<40x128xi32, #tpu.memory_space<hbm>>
        tpu.wait_dma2 semaphore(%run_scoped3A : memref<!tpu.dma_semaphore, #tpu.memory_space<semaphore_mem>>) src(%dma_wait3A_79 : memref<40x128xi32, #tpu.memory_space<hbm>>) dst(%arg9 : memref<40x128xi32, #tpu.memory_space<vmem>>)
        tpu.yield
      }) : () -> ()
      %dma_start3A_34 = arith.constant 0 : i32
      %dma_start3A_35 = arith.constant 0 : i32
      %dma_start3A_36 = tpu.memref_slice %arg8[%dma_start3A_34, %dma_start3A_35] : memref<40x128xi32, #tpu.memory_space<vmem>> -> memref<1x128xi32, #tpu.memory_space<vmem>>
      %dma_start3A_37 = tpu.memref_squeeze %dma_start3A_36 : memref<1x128xi32, #tpu.memory_space<vmem>> -> memref<128xi32, #tpu.memory_space<vmem>>
      %dma_start3A_38 = arith.constant 0 : i32
      %dma_start3A_39 = arith.constant 0 : i32
      %dma_start3A_40 = tpu.memref_slice %arg3[%dma_start3A_38, %dma_start3A_39] : memref<10000x128xf32, #tpu.memory_space<hbm>> -> memref<10000x128xf32, #tpu.memory_space<hbm>>
      tpu.enqueue_indirect_dma source(%dma_start3A_40 : memref<10000x128xf32, #tpu.memory_space<hbm>>) target(%arg10 : memref<128x128xf32, #tpu.memory_space<vmem>>) offsets(%dma_start3A_37 : memref<128xi32, #tpu.memory_space<vmem>>) semaphore(%arg13 : memref<!tpu.dma_semaphore, #tpu.memory_space<semaphore_mem>>)
      %dma_start3A_41 = arith.constant 1 : i32
      %dma_start3A_42 = arith.constant 0 : i32
      %dma_start3A_43 = tpu.memref_slice %arg8[%dma_start3A_41, %dma_start3A_42] : memref<40x128xi32, #tpu.memory_space<vmem>> -> memref<1x128xi32, #tpu.memory_space<vmem>>
      %dma_start3A_44 = tpu.memref_squeeze %dma_start3A_43 : memref<1x128xi32, #tpu.memory_space<vmem>> -> memref<128xi32, #tpu.memory_space<vmem>>
      %dma_start3A_45 = arith.constant 0 : i32
      %dma_start3A_46 = arith.constant 0 : i32
      %dma_start3A_47 = tpu.memref_slice %arg3[%dma_start3A_45, %dma_start3A_46] : memref<10000x128xf32, #tpu.memory_space<hbm>> -> memref<10000x128xf32, #tpu.memory_space<hbm>>
      tpu.enqueue_indirect_dma source(%dma_start3A_47 : memref<10000x128xf32, #tpu.memory_space<hbm>>) target(%arg11 : memref<128x128xf32, #tpu.memory_space<vmem>>) offsets(%dma_start3A_44 : memref<128xi32, #tpu.memory_space<vmem>>) semaphore(%arg14 : memref<!tpu.dma_semaphore, #tpu.memory_space<semaphore_mem>>)
      %scan3A_48 = arith.constant 0 : i32
      %scan3A_49 = arith.constant 0 : i32
      %scan3A_50 = arith.constant 20 : i32
      %scan3A_51 = arith.addi %scan3A_49, %scan3A_50 : i32
      %scan3A_52 = arith.constant 1 : i32
      scf.for %scan3A_65 = %scan3A_49 to %scan3A_51 step %scan3A_52  : i32 {
        %mul3A = arith.constant 2 : i32
        %mul3A_66 = arith.muli %mul3A, %scan3A_65 : i32
        %add3A = arith.constant 0 : i32
        %add3A_67 = arith.addi %mul3A_66, %add3A : i32
        %dma_wait3A = arith.constant 0 : i32
        %dma_wait3A_68 = tpu.memref_slice %arg8[%add3A_67, %dma_wait3A] : memref<40x128xi32, #tpu.memory_space<vmem>> -> memref<1x128xi32, #tpu.memory_space<vmem>>
        %dma_wait3A_69 = tpu.memref_squeeze %dma_wait3A_68 : memref<1x128xi32, #tpu.memory_space<vmem>> -> memref<128xi32, #tpu.memory_space<vmem>>
        %dma_wait3A_70 = arith.constant 0 : i32
        %dma_wait3A_71 = arith.constant 0 : i32
        %dma_wait3A_72 = tpu.memref_slice %arg3[%dma_wait3A_70, %dma_wait3A_71] : memref<10000x128xf32, #tpu.memory_space<hbm>> -> memref<10000x128xf32, #tpu.memory_space<hbm>>
        tpu.wait_indirect_dma semaphore(%arg13 : memref<!tpu.dma_semaphore, #tpu.memory_space<semaphore_mem>>) src(%dma_wait3A_72 : memref<10000x128xf32, #tpu.memory_space<hbm>>) dst(%arg10 : memref<128x128xf32, #tpu.memory_space<vmem>>)
        %add3A_73 = arith.constant 0 : i32
        %add3A_74 = arith.addi %mul3A_66, %add3A_73 : i32
        "tpu.region"() ({
          %run_scoped3A = tpu.sem_alloc : memref<!tpu.dma_semaphore, #tpu.memory_space<semaphore_mem>>
          %dma_start3A_103 = arith.constant 0 : i32
          %dma_start3A_104 = tpu.memref_slice %arg9[%add3A_74, %dma_start3A_103] : memref<40x128xi32, #tpu.memory_space<vmem>> -> memref<1x128xi32, #tpu.memory_space<vmem>>
          %dma_start3A_105 = tpu.memref_squeeze %dma_start3A_104 : memref<1x128xi32, #tpu.memory_space<vmem>> -> memref<128xi32, #tpu.memory_space<vmem>>
          %dma_start3A_106 = arith.constant 0 : i32
          %dma_start3A_107 = arith.constant 0 : i32
          %dma_start3A_108 = tpu.memref_slice %arg12[%dma_start3A_106, %dma_start3A_107] : memref<10048x128xf32, #tpu.memory_space<vmem_shared>> -> memref<10048x128xf32, #tpu.memory_space<vmem_shared>>
          tpu.enqueue_indirect_dma source(%arg10 : memref<128x128xf32, #tpu.memory_space<vmem>>) target(%dma_start3A_108 : memref<10048x128xf32, #tpu.memory_space<vmem_shared>>) offsets(%dma_start3A_105 : memref<128xi32, #tpu.memory_space<vmem>>) semaphore(%run_scoped3A : memref<!tpu.dma_semaphore, #tpu.memory_space<semaphore_mem>>) {add = true}
          %dma_wait3A_109 = arith.constant 0 : i32
          %dma_wait3A_110 = tpu.memref_slice %arg9[%add3A_74, %dma_wait3A_109] : memref<40x128xi32, #tpu.memory_space<vmem>> -> memref<1x128xi32, #tpu.memory_space<vmem>>
          %dma_wait3A_111 = tpu.memref_squeeze %dma_wait3A_110 : memref<1x128xi32, #tpu.memory_space<vmem>> -> memref<128xi32, #tpu.memory_space<vmem>>
          %dma_wait3A_112 = arith.constant 0 : i32
          %dma_wait3A_113 = arith.constant 0 : i32
          %dma_wait3A_114 = tpu.memref_slice %arg12[%dma_wait3A_112, %dma_wait3A_113] : memref<10048x128xf32, #tpu.memory_space<vmem_shared>> -> memref<10048x128xf32, #tpu.memory_space<vmem_shared>>
          tpu.wait_indirect_dma semaphore(%run_scoped3A : memref<!tpu.dma_semaphore, #tpu.memory_space<semaphore_mem>>) src(%arg10 : memref<128x128xf32, #tpu.memory_space<vmem>>) dst(%dma_wait3A_114 : memref<10048x128xf32, #tpu.memory_space<vmem_shared>>)
          tpu.yield
        }) : () -> ()
        %add3A_75 = arith.constant 0 : i32
        %add3A_76 = arith.addi %mul3A_66, %add3A_75 : i32
        %add3A_77 = arith.constant 2 : i32
        %add3A_78 = arith.addi %add3A_76, %add3A_77 : i32
        %lt3A_79 = arith.constant 40 : i32
        %lt3A_80 = arith.cmpi slt, %add3A_78, %lt3A_79 : i32
        %convert_element_type3A_81 = arith.extui %lt3A_80 : i1 to i32
        %cond3A_82 = arith.constant 0 : i32
        %cond3A_83 = arith.cmpi ne, %convert_element_type3A_81, %cond3A_82 : i32
        scf.if %cond3A_83 {
          %add3A_103 = arith.constant 0 : i32
          %add3A_104 = arith.addi %mul3A_66, %add3A_103 : i32
          %add3A_105 = arith.constant 2 : i32
          %add3A_106 = arith.addi %add3A_104, %add3A_105 : i32
          %dma_start3A_107 = arith.constant 0 : i32
          %dma_start3A_108 = tpu.memref_slice %arg8[%add3A_106, %dma_start3A_107] : memref<40x128xi32, #tpu.memory_space<vmem>> -> memref<1x128xi32, #tpu.memory_space<vmem>>
          %dma_start3A_109 = tpu.memref_squeeze %dma_start3A_108 : memref<1x128xi32, #tpu.memory_space<vmem>> -> memref<128xi32, #tpu.memory_space<vmem>>
          %dma_start3A_110 = arith.constant 0 : i32
          %dma_start3A_111 = arith.constant 0 : i32
          %dma_start3A_112 = tpu.memref_slice %arg3[%dma_start3A_110, %dma_start3A_111] : memref<10000x128xf32, #tpu.memory_space<hbm>> -> memref<10000x128xf32, #tpu.memory_space<hbm>>
          tpu.enqueue_indirect_dma source(%dma_start3A_112 : memref<10000x128xf32, #tpu.memory_space<hbm>>) target(%arg10 : memref<128x128xf32, #tpu.memory_space<vmem>>) offsets(%dma_start3A_109 : memref<128xi32, #tpu.memory_space<vmem>>) semaphore(%arg13 : memref<!tpu.dma_semaphore, #tpu.memory_space<semaphore_mem>>)
        } else {
        }
        %add3A_84 = arith.constant 1 : i32
        %add3A_85 = arith.addi %mul3A_66, %add3A_84 : i32
        %dma_wait3A_86 = arith.constant 0 : i32
        %dma_wait3A_87 = tpu.memref_slice %arg8[%add3A_85, %dma_wait3A_86] : memref<40x128xi32, #tpu.memory_space<vmem>> -> memref<1x128xi32, #tpu.memory_space<vmem>>
        %dma_wait3A_88 = tpu.memref_squeeze %dma_wait3A_87 : memref<1x128xi32, #tpu.memory_space<vmem>> -> memref<128xi32, #tpu.memory_space<vmem>>
        %dma_wait3A_89 = arith.constant 0 : i32
        %dma_wait3A_90 = arith.constant 0 : i32
        %dma_wait3A_91 = tpu.memref_slice %arg3[%dma_wait3A_89, %dma_wait3A_90] : memref<10000x128xf32, #tpu.memory_space<hbm>> -> memref<10000x128xf32, #tpu.memory_space<hbm>>
        tpu.wait_indirect_dma semaphore(%arg14 : memref<!tpu.dma_semaphore, #tpu.memory_space<semaphore_mem>>) src(%dma_wait3A_91 : memref<10000x128xf32, #tpu.memory_space<hbm>>) dst(%arg11 : memref<128x128xf32, #tpu.memory_space<vmem>>)
        %add3A_92 = arith.constant 1 : i32
        %add3A_93 = arith.addi %mul3A_66, %add3A_92 : i32
        "tpu.region"() ({
          %run_scoped3A = tpu.sem_alloc : memref<!tpu.dma_semaphore, #tpu.memory_space<semaphore_mem>>
          %dma_start3A_103 = arith.constant 0 : i32
          %dma_start3A_104 = tpu.memref_slice %arg9[%add3A_93, %dma_start3A_103] : memref<40x128xi32, #tpu.memory_space<vmem>> -> memref<1x128xi32, #tpu.memory_space<vmem>>
          %dma_start3A_105 = tpu.memref_squeeze %dma_start3A_104 : memref<1x128xi32, #tpu.memory_space<vmem>> -> memref<128xi32, #tpu.memory_space<vmem>>
          %dma_start3A_106 = arith.constant 0 : i32
          %dma_start3A_107 = arith.constant 0 : i32
          %dma_start3A_108 = tpu.memref_slice %arg12[%dma_start3A_106, %dma_start3A_107] : memref<10048x128xf32, #tpu.memory_space<vmem_shared>> -> memref<10048x128xf32, #tpu.memory_space<vmem_shared>>
          tpu.enqueue_indirect_dma source(%arg11 : memref<128x128xf32, #tpu.memory_space<vmem>>) target(%dma_start3A_108 : memref<10048x128xf32, #tpu.memory_space<vmem_shared>>) offsets(%dma_start3A_105 : memref<128xi32, #tpu.memory_space<vmem>>) semaphore(%run_scoped3A : memref<!tpu.dma_semaphore, #tpu.memory_space<semaphore_mem>>) {add = true}
          %dma_wait3A_109 = arith.constant 0 : i32
          %dma_wait3A_110 = tpu.memref_slice %arg9[%add3A_93, %dma_wait3A_109] : memref<40x128xi32, #tpu.memory_space<vmem>> -> memref<1x128xi32, #tpu.memory_space<vmem>>
          %dma_wait3A_111 = tpu.memref_squeeze %dma_wait3A_110 : memref<1x128xi32, #tpu.memory_space<vmem>> -> memref<128xi32, #tpu.memory_space<vmem>>
          %dma_wait3A_112 = arith.constant 0 : i32
          %dma_wait3A_113 = arith.constant 0 : i32
          %dma_wait3A_114 = tpu.memref_slice %arg12[%dma_wait3A_112, %dma_wait3A_113] : memref<10048x128xf32, #tpu.memory_space<vmem_shared>> -> memref<10048x128xf32, #tpu.memory_space<vmem_shared>>
          tpu.wait_indirect_dma semaphore(%run_scoped3A : memref<!tpu.dma_semaphore, #tpu.memory_space<semaphore_mem>>) src(%arg11 : memref<128x128xf32, #tpu.memory_space<vmem>>) dst(%dma_wait3A_114 : memref<10048x128xf32, #tpu.memory_space<vmem_shared>>)
          tpu.yield
        }) : () -> ()
        %add3A_94 = arith.constant 1 : i32
        %add3A_95 = arith.addi %mul3A_66, %add3A_94 : i32
        %add3A_96 = arith.constant 2 : i32
        %add3A_97 = arith.addi %add3A_95, %add3A_96 : i32
        %lt3A_98 = arith.constant 40 : i32
        %lt3A_99 = arith.cmpi slt, %add3A_97, %lt3A_98 : i32
        %convert_element_type3A_100 = arith.extui %lt3A_99 : i1 to i32
        %cond3A_101 = arith.constant 0 : i32
        %cond3A_102 = arith.cmpi ne, %convert_element_type3A_100, %cond3A_101 : i32
        scf.if %cond3A_102 {
          %add3A_103 = arith.constant 1 : i32
          %add3A_104 = arith.addi %mul3A_66, %add3A_103 : i32
          %add3A_105 = arith.constant 2 : i32
          %add3A_106 = arith.addi %add3A_104, %add3A_105 : i32
          %dma_start3A_107 = arith.constant 0 : i32
          %dma_start3A_108 = tpu.memref_slice %arg8[%add3A_106, %dma_start3A_107] : memref<40x128xi32, #tpu.memory_space<vmem>> -> memref<1x128xi32, #tpu.memory_space<vmem>>
          %dma_start3A_109 = tpu.memref_squeeze %dma_start3A_108 : memref<1x128xi32, #tpu.memory_space<vmem>> -> memref<128xi32, #tpu.memory_space<vmem>>
          %dma_start3A_110 = arith.constant 0 : i32
          %dma_start3A_111 = arith.constant 0 : i32
          %dma_start3A_112 = tpu.memref_slice %arg3[%dma_start3A_110, %dma_start3A_111] : memref<10000x128xf32, #tpu.memory_space<hbm>> -> memref<10000x128xf32, #tpu.memory_space<hbm>>
          tpu.enqueue_indirect_dma source(%dma_start3A_112 : memref<10000x128xf32, #tpu.memory_space<hbm>>) target(%arg11 : memref<128x128xf32, #tpu.memory_space<vmem>>) offsets(%dma_start3A_109 : memref<128xi32, #tpu.memory_space<vmem>>) semaphore(%arg14 : memref<!tpu.dma_semaphore, #tpu.memory_space<semaphore_mem>>)
        } else {
        }
      }
      %scan3A_53 = arith.constant 20 : i32
      %barrier3A_54 = arith.constant 0 : index
      tpu.barrier barrier_id(%barrier3A_54)
      %lt3A_55 = arith.constant 15 : i32
      %lt3A_56 = arith.cmpi slt, %arg1, %lt3A_55 : i32
      %convert_element_type3A_57 = arith.extui %lt3A_56 : i1 to i32
      %cond3A_58 = arith.constant 0 : i32
      %cond3A_59 = arith.cmpi ne, %convert_element_type3A_57, %cond3A_58 : i32
      scf.if %cond3A_59 {
        %mul3A = arith.constant 640 : i32
        %mul3A_65 = arith.muli %arg1, %mul3A : i32
        %mul3A_66 = arith.constant 640 : i32
        %mul3A_67 = arith.muli %arg1, %mul3A_66 : i32
        "tpu.region"() ({
          %run_scoped3A = tpu.sem_alloc : memref<!tpu.dma_semaphore, #tpu.memory_space<semaphore_mem>>
          %dma_start3A_68 = arith.constant 0 : i32
          %dma_start3A_69 = tpu.memref_slice %arg7[%mul3A_67, %dma_start3A_68] : memref<10000x128xf32, #tpu.memory_space<hbm>> -> memref<640x128xf32, #tpu.memory_space<hbm>>
          %dma_start3A_70 = arith.constant 0 : i32
          %dma_start3A_71 = tpu.memref_slice %arg12[%mul3A_65, %dma_start3A_70] : memref<10048x128xf32, #tpu.memory_space<vmem_shared>> -> memref<640x128xf32, #tpu.memory_space<vmem_shared>>
          tpu.enqueue_dma source(%dma_start3A_71 : memref<640x128xf32, #tpu.memory_space<vmem_shared>>) target(%dma_start3A_69 : memref<640x128xf32, #tpu.memory_space<hbm>>) target_semaphore(%run_scoped3A : memref<!tpu.dma_semaphore, #tpu.memory_space<semaphore_mem>>)
          %dma_wait3A = arith.constant 0 : i32
          %dma_wait3A_72 = tpu.memref_slice %arg7[%mul3A_67, %dma_wait3A] : memref<10000x128xf32, #tpu.memory_space<hbm>> -> memref<640x128xf32, #tpu.memory_space<hbm>>
          %dma_wait3A_73 = arith.constant 0 : i32
          %dma_wait3A_74 = tpu.memref_slice %arg12[%mul3A_65, %dma_wait3A_73] : memref<10048x128xf32, #tpu.memory_space<vmem_shared>> -> memref<640x128xf32, #tpu.memory_space<vmem_shared>>
          tpu.wait_dma2 semaphore(%run_scoped3A : memref<!tpu.dma_semaphore, #tpu.memory_space<semaphore_mem>>) src(%dma_wait3A_74 : memref<640x128xf32, #tpu.memory_space<vmem_shared>>) dst(%dma_wait3A_72 : memref<640x128xf32, #tpu.memory_space<hbm>>)
          tpu.yield
        }) : () -> ()
      } else {
      }
      %eq3A_60 = arith.constant 15 : i32
      %eq3A_61 = arith.cmpi eq, %arg1, %eq3A_60 : i32
      %convert_element_type3A_62 = arith.extui %eq3A_61 : i1 to i32
      %cond3A_63 = arith.constant 0 : i32
      %cond3A_64 = arith.cmpi ne, %convert_element_type3A_62, %cond3A_63 : i32
      scf.if %cond3A_64 {
        "tpu.region"() ({
          %run_scoped3A = tpu.sem_alloc : memref<!tpu.dma_semaphore, #tpu.memory_space<semaphore_mem>>
          %dma_start3A_65 = arith.constant 9600 : i32
          %dma_start3A_66 = arith.constant 0 : i32
          %dma_start3A_67 = tpu.memref_slice %arg7[%dma_start3A_65, %dma_start3A_66] : memref<10000x128xf32, #tpu.memory_space<hbm>> -> memref<400x128xf32, #tpu.memory_space<hbm>>
          %dma_start3A_68 = arith.constant 9600 : i32
          %dma_start3A_69 = arith.constant 0 : i32
          %dma_start3A_70 = tpu.memref_slice %arg12[%dma_start3A_68, %dma_start3A_69] : memref<10048x128xf32, #tpu.memory_space<vmem_shared>> -> memref<400x128xf32, #tpu.memory_space<vmem_shared>>
          tpu.enqueue_dma source(%dma_start3A_70 : memref<400x128xf32, #tpu.memory_space<vmem_shared>>) target(%dma_start3A_67 : memref<400x128xf32, #tpu.memory_space<hbm>>) target_semaphore(%run_scoped3A : memref<!tpu.dma_semaphore, #tpu.memory_space<semaphore_mem>>)
          %dma_wait3A = arith.constant 9600 : i32
          %dma_wait3A_71 = arith.constant 0 : i32
          %dma_wait3A_72 = tpu.memref_slice %arg7[%dma_wait3A, %dma_wait3A_71] : memref<10000x128xf32, #tpu.memory_space<hbm>> -> memref<400x128xf32, #tpu.memory_space<hbm>>
          %dma_wait3A_73 = arith.constant 9600 : i32
          %dma_wait3A_74 = arith.constant 0 : i32
          %dma_wait3A_75 = tpu.memref_slice %arg12[%dma_wait3A_73, %dma_wait3A_74] : memref<10048x128xf32, #tpu.memory_space<vmem_shared>> -> memref<400x128xf32, #tpu.memory_space<vmem_shared>>
          tpu.wait_dma2 semaphore(%run_scoped3A : memref<!tpu.dma_semaphore, #tpu.memory_space<semaphore_mem>>) src(%dma_wait3A_75 : memref<400x128xf32, #tpu.memory_space<vmem_shared>>) dst(%dma_wait3A_72 : memref<400x128xf32, #tpu.memory_space<hbm>>)
          tpu.yield
        }) : () -> ()
      } else {
      }
    } else {
    }
    return
  }
}

#map = affine_map<(d0, d1) -> (0, 0)>
#map1 = affine_map<(d0, d1) -> (0, 0, 0)>
module attributes {stable_mosaic.version = 14 : i64} {
  func.func @_sc_agg_kernel(%arg0: i32, %arg1: i32, %arg2: memref<10000x128xf32, #tpu.memory_space<hbm>>, %arg3: memref<10000x128xf32, #tpu.memory_space<hbm>>, %arg4: memref<16x80x128xi32, #tpu.memory_space<hbm>>, %arg5: memref<16x80x128xi32, #tpu.memory_space<hbm>>, %arg6: memref<10000x128xf32, #tpu.memory_space<hbm>>, %arg7: memref<10000x128xf32, #tpu.memory_space<hbm>>, %arg8: memref<40x128xi32, #tpu.memory_space<vmem>>, %arg9: memref<40x128xi32, #tpu.memory_space<vmem>>, %arg10: memref<128x128xf32, #tpu.memory_space<vmem>>, %arg11: memref<128x128xf32, #tpu.memory_space<vmem>>, %arg12: memref<10048x128xf32, #tpu.memory_space<vmem_shared>>, %arg13: memref<!tpu.dma_semaphore, #tpu.memory_space<semaphore_mem>>, %arg14: memref<!tpu.dma_semaphore, #tpu.memory_space<semaphore_mem>>) attributes {dimension_semantics = [#tpu.dimension_semantics<core_parallel>, #tpu.dimension_semantics<subcore_parallel>], iteration_bounds = array<i64: 2, 16>, scalar_prefetch = 0 : i64, scratch_operands = 7 : i64, tpu.core_type = #tpu.core_type<sc_vector_subcore>, window_params = [{transform_indices = #map}, {transform_indices = #map}, {transform_indices = #map1}, {transform_indices = #map1}, {transform_indices = #map}, {transform_indices = #map}]} {
    %eq3A = arith.constant 0 : i32
    %eq3A_0 = arith.cmpi eq, %arg0, %eq3A : i32
    %convert_element_type3A = arith.extui %eq3A_0 : i1 to i32
    %cond3A = arith.constant 0 : i32
    %cond3A_1 = arith.cmpi ne, %convert_element_type3A, %cond3A : i32
    scf.if %cond3A_1 {
      "tpu.region"() ({
        %run_scoped3A = tpu.sem_alloc : memref<!tpu.dma_semaphore, #tpu.memory_space<semaphore_mem>>
        %dma_start3A_65 = arith.constant 0 : i32
        %dma_start3A_66 = arith.constant 0 : i32
        %dma_start3A_67 = tpu.memref_slice %arg4[%arg1, %dma_start3A_65, %dma_start3A_66] : memref<16x80x128xi32, #tpu.memory_space<hbm>> -> memref<1x40x128xi32, #tpu.memory_space<hbm>>
        %dma_start3A_68 = tpu.memref_squeeze %dma_start3A_67 : memref<1x40x128xi32, #tpu.memory_space<hbm>> -> memref<40x128xi32, #tpu.memory_space<hbm>>
        %dma_start3A_69 = arith.constant 0 : i32
        %dma_start3A_70 = arith.constant 0 : i32
        %dma_start3A_71 = tpu.memref_slice %arg4[%arg1, %dma_start3A_69, %dma_start3A_70] : memref<16x80x128xi32, #tpu.memory_space<hbm>> -> memref<1x40x128xi32, #tpu.memory_space<hbm>>
        %dma_start3A_72 = tpu.memref_squeeze %dma_start3A_71 : memref<1x40x128xi32, #tpu.memory_space<hbm>> -> memref<40x128xi32, #tpu.memory_space<hbm>>
        tpu.enqueue_dma source(%dma_start3A_72 : memref<40x128xi32, #tpu.memory_space<hbm>>) target(%arg8 : memref<40x128xi32, #tpu.memory_space<vmem>>) target_semaphore(%run_scoped3A : memref<!tpu.dma_semaphore, #tpu.memory_space<semaphore_mem>>)
        %dma_wait3A = arith.constant 0 : i32
        %dma_wait3A_73 = arith.constant 0 : i32
        %dma_wait3A_74 = tpu.memref_slice %arg4[%arg1, %dma_wait3A, %dma_wait3A_73] : memref<16x80x128xi32, #tpu.memory_space<hbm>> -> memref<1x40x128xi32, #tpu.memory_space<hbm>>
        %dma_wait3A_75 = tpu.memref_squeeze %dma_wait3A_74 : memref<1x40x128xi32, #tpu.memory_space<hbm>> -> memref<40x128xi32, #tpu.memory_space<hbm>>
        %dma_wait3A_76 = arith.constant 0 : i32
        %dma_wait3A_77 = arith.constant 0 : i32
        %dma_wait3A_78 = tpu.memref_slice %arg4[%arg1, %dma_wait3A_76, %dma_wait3A_77] : memref<16x80x128xi32, #tpu.memory_space<hbm>> -> memref<1x40x128xi32, #tpu.memory_space<hbm>>
        %dma_wait3A_79 = tpu.memref_squeeze %dma_wait3A_78 : memref<1x40x128xi32, #tpu.memory_space<hbm>> -> memref<40x128xi32, #tpu.memory_space<hbm>>
        tpu.wait_dma2 semaphore(%run_scoped3A : memref<!tpu.dma_semaphore, #tpu.memory_space<semaphore_mem>>) src(%dma_wait3A_79 : memref<40x128xi32, #tpu.memory_space<hbm>>) dst(%arg8 : memref<40x128xi32, #tpu.memory_space<vmem>>)
        tpu.yield
      }) : () -> ()
      "tpu.region"() ({
        %run_scoped3A = tpu.sem_alloc : memref<!tpu.dma_semaphore, #tpu.memory_space<semaphore_mem>>
        %dma_start3A_65 = arith.constant 0 : i32
        %dma_start3A_66 = arith.constant 0 : i32
        %dma_start3A_67 = tpu.memref_slice %arg5[%arg1, %dma_start3A_65, %dma_start3A_66] : memref<16x80x128xi32, #tpu.memory_space<hbm>> -> memref<1x40x128xi32, #tpu.memory_space<hbm>>
        %dma_start3A_68 = tpu.memref_squeeze %dma_start3A_67 : memref<1x40x128xi32, #tpu.memory_space<hbm>> -> memref<40x128xi32, #tpu.memory_space<hbm>>
        %dma_start3A_69 = arith.constant 0 : i32
        %dma_start3A_70 = arith.constant 0 : i32
        %dma_start3A_71 = tpu.memref_slice %arg5[%arg1, %dma_start3A_69, %dma_start3A_70] : memref<16x80x128xi32, #tpu.memory_space<hbm>> -> memref<1x40x128xi32, #tpu.memory_space<hbm>>
        %dma_start3A_72 = tpu.memref_squeeze %dma_start3A_71 : memref<1x40x128xi32, #tpu.memory_space<hbm>> -> memref<40x128xi32, #tpu.memory_space<hbm>>
        tpu.enqueue_dma source(%dma_start3A_72 : memref<40x128xi32, #tpu.memory_space<hbm>>) target(%arg9 : memref<40x128xi32, #tpu.memory_space<vmem>>) target_semaphore(%run_scoped3A : memref<!tpu.dma_semaphore, #tpu.memory_space<semaphore_mem>>)
        %dma_wait3A = arith.constant 0 : i32
        %dma_wait3A_73 = arith.constant 0 : i32
        %dma_wait3A_74 = tpu.memref_slice %arg5[%arg1, %dma_wait3A, %dma_wait3A_73] : memref<16x80x128xi32, #tpu.memory_space<hbm>> -> memref<1x40x128xi32, #tpu.memory_space<hbm>>
        %dma_wait3A_75 = tpu.memref_squeeze %dma_wait3A_74 : memref<1x40x128xi32, #tpu.memory_space<hbm>> -> memref<40x128xi32, #tpu.memory_space<hbm>>
        %dma_wait3A_76 = arith.constant 0 : i32
        %dma_wait3A_77 = arith.constant 0 : i32
        %dma_wait3A_78 = tpu.memref_slice %arg5[%arg1, %dma_wait3A_76, %dma_wait3A_77] : memref<16x80x128xi32, #tpu.memory_space<hbm>> -> memref<1x40x128xi32, #tpu.memory_space<hbm>>
        %dma_wait3A_79 = tpu.memref_squeeze %dma_wait3A_78 : memref<1x40x128xi32, #tpu.memory_space<hbm>> -> memref<40x128xi32, #tpu.memory_space<hbm>>
        tpu.wait_dma2 semaphore(%run_scoped3A : memref<!tpu.dma_semaphore, #tpu.memory_space<semaphore_mem>>) src(%dma_wait3A_79 : memref<40x128xi32, #tpu.memory_space<hbm>>) dst(%arg9 : memref<40x128xi32, #tpu.memory_space<vmem>>)
        tpu.yield
      }) : () -> ()
      %dma_start3A = arith.constant 0 : i32
      %dma_start3A_7 = arith.constant 0 : i32
      %dma_start3A_8 = tpu.memref_slice %arg8[%dma_start3A, %dma_start3A_7] : memref<40x128xi32, #tpu.memory_space<vmem>> -> memref<1x128xi32, #tpu.memory_space<vmem>>
      %dma_start3A_9 = tpu.memref_squeeze %dma_start3A_8 : memref<1x128xi32, #tpu.memory_space<vmem>> -> memref<128xi32, #tpu.memory_space<vmem>>
      %dma_start3A_10 = arith.constant 0 : i32
      %dma_start3A_11 = arith.constant 0 : i32
      %dma_start3A_12 = tpu.memref_slice %arg2[%dma_start3A_10, %dma_start3A_11] : memref<10000x128xf32, #tpu.memory_space<hbm>> -> memref<10000x128xf32, #tpu.memory_space<hbm>>
      tpu.enqueue_indirect_dma source(%dma_start3A_12 : memref<10000x128xf32, #tpu.memory_space<hbm>>) target(%arg10 : memref<128x128xf32, #tpu.memory_space<vmem>>) offsets(%dma_start3A_9 : memref<128xi32, #tpu.memory_space<vmem>>) semaphore(%arg13 : memref<!tpu.dma_semaphore, #tpu.memory_space<semaphore_mem>>)
      %dma_start3A_13 = arith.constant 1 : i32
      %dma_start3A_14 = arith.constant 0 : i32
      %dma_start3A_15 = tpu.memref_slice %arg8[%dma_start3A_13, %dma_start3A_14] : memref<40x128xi32, #tpu.memory_space<vmem>> -> memref<1x128xi32, #tpu.memory_space<vmem>>
      %dma_start3A_16 = tpu.memref_squeeze %dma_start3A_15 : memref<1x128xi32, #tpu.memory_space<vmem>> -> memref<128xi32, #tpu.memory_space<vmem>>
      %dma_start3A_17 = arith.constant 0 : i32
      %dma_start3A_18 = arith.constant 0 : i32
      %dma_start3A_19 = tpu.memref_slice %arg2[%dma_start3A_17, %dma_start3A_18] : memref<10000x128xf32, #tpu.memory_space<hbm>> -> memref<10000x128xf32, #tpu.memory_space<hbm>>
      tpu.enqueue_indirect_dma source(%dma_start3A_19 : memref<10000x128xf32, #tpu.memory_space<hbm>>) target(%arg11 : memref<128x128xf32, #tpu.memory_space<vmem>>) offsets(%dma_start3A_16 : memref<128xi32, #tpu.memory_space<vmem>>) semaphore(%arg14 : memref<!tpu.dma_semaphore, #tpu.memory_space<semaphore_mem>>)
      %lt3A = arith.constant 15 : i32
      %lt3A_20 = arith.cmpi slt, %arg1, %lt3A : i32
      %convert_element_type3A_21 = arith.extui %lt3A_20 : i1 to i32
      %cond3A_22 = arith.constant 0 : i32
      %cond3A_23 = arith.cmpi ne, %convert_element_type3A_21, %cond3A_22 : i32
      scf.if %cond3A_23 {
        %mul3A = arith.constant 640 : i32
        %mul3A_65 = arith.muli %arg1, %mul3A : i32
        %mul3A_66 = arith.constant 640 : i32
        %mul3A_67 = arith.muli %arg1, %mul3A_66 : i32
        "tpu.region"() ({
          %run_scoped3A = tpu.sem_alloc : memref<!tpu.dma_semaphore, #tpu.memory_space<semaphore_mem>>
          %dma_start3A_68 = arith.constant 0 : i32
          %dma_start3A_69 = tpu.memref_slice %arg12[%mul3A_67, %dma_start3A_68] : memref<10048x128xf32, #tpu.memory_space<vmem_shared>> -> memref<640x128xf32, #tpu.memory_space<vmem_shared>>
          %dma_start3A_70 = arith.constant 0 : i32
          %dma_start3A_71 = tpu.memref_slice %arg2[%mul3A_65, %dma_start3A_70] : memref<10000x128xf32, #tpu.memory_space<hbm>> -> memref<640x128xf32, #tpu.memory_space<hbm>>
          tpu.enqueue_dma source(%dma_start3A_71 : memref<640x128xf32, #tpu.memory_space<hbm>>) target(%dma_start3A_69 : memref<640x128xf32, #tpu.memory_space<vmem_shared>>) target_semaphore(%run_scoped3A : memref<!tpu.dma_semaphore, #tpu.memory_space<semaphore_mem>>)
          %dma_wait3A = arith.constant 0 : i32
          %dma_wait3A_72 = tpu.memref_slice %arg12[%mul3A_67, %dma_wait3A] : memref<10048x128xf32, #tpu.memory_space<vmem_shared>> -> memref<640x128xf32, #tpu.memory_space<vmem_shared>>
          %dma_wait3A_73 = arith.constant 0 : i32
          %dma_wait3A_74 = tpu.memref_slice %arg2[%mul3A_65, %dma_wait3A_73] : memref<10000x128xf32, #tpu.memory_space<hbm>> -> memref<640x128xf32, #tpu.memory_space<hbm>>
          tpu.wait_dma2 semaphore(%run_scoped3A : memref<!tpu.dma_semaphore, #tpu.memory_space<semaphore_mem>>) src(%dma_wait3A_74 : memref<640x128xf32, #tpu.memory_space<hbm>>) dst(%dma_wait3A_72 : memref<640x128xf32, #tpu.memory_space<vmem_shared>>)
          tpu.yield
        }) : () -> ()
      } else {
      }
      %eq3A_24 = arith.constant 15 : i32
      %eq3A_25 = arith.cmpi eq, %arg1, %eq3A_24 : i32
      %convert_element_type3A_26 = arith.extui %eq3A_25 : i1 to i32
      %cond3A_27 = arith.constant 0 : i32
      %cond3A_28 = arith.cmpi ne, %convert_element_type3A_26, %cond3A_27 : i32
      scf.if %cond3A_28 {
        "tpu.region"() ({
          %run_scoped3A = tpu.sem_alloc : memref<!tpu.dma_semaphore, #tpu.memory_space<semaphore_mem>>
          %dma_start3A_65 = arith.constant 9600 : i32
          %dma_start3A_66 = arith.constant 0 : i32
          %dma_start3A_67 = tpu.memref_slice %arg12[%dma_start3A_65, %dma_start3A_66] : memref<10048x128xf32, #tpu.memory_space<vmem_shared>> -> memref<400x128xf32, #tpu.memory_space<vmem_shared>>
          %dma_start3A_68 = arith.constant 9600 : i32
          %dma_start3A_69 = arith.constant 0 : i32
          %dma_start3A_70 = tpu.memref_slice %arg2[%dma_start3A_68, %dma_start3A_69] : memref<10000x128xf32, #tpu.memory_space<hbm>> -> memref<400x128xf32, #tpu.memory_space<hbm>>
          tpu.enqueue_dma source(%dma_start3A_70 : memref<400x128xf32, #tpu.memory_space<hbm>>) target(%dma_start3A_67 : memref<400x128xf32, #tpu.memory_space<vmem_shared>>) target_semaphore(%run_scoped3A : memref<!tpu.dma_semaphore, #tpu.memory_space<semaphore_mem>>)
          %dma_wait3A = arith.constant 9600 : i32
          %dma_wait3A_71 = arith.constant 0 : i32
          %dma_wait3A_72 = tpu.memref_slice %arg12[%dma_wait3A, %dma_wait3A_71] : memref<10048x128xf32, #tpu.memory_space<vmem_shared>> -> memref<400x128xf32, #tpu.memory_space<vmem_shared>>
          %dma_wait3A_73 = arith.constant 9600 : i32
          %dma_wait3A_74 = arith.constant 0 : i32
          %dma_wait3A_75 = tpu.memref_slice %arg2[%dma_wait3A_73, %dma_wait3A_74] : memref<10000x128xf32, #tpu.memory_space<hbm>> -> memref<400x128xf32, #tpu.memory_space<hbm>>
          tpu.wait_dma2 semaphore(%run_scoped3A : memref<!tpu.dma_semaphore, #tpu.memory_space<semaphore_mem>>) src(%dma_wait3A_75 : memref<400x128xf32, #tpu.memory_space<hbm>>) dst(%dma_wait3A_72 : memref<400x128xf32, #tpu.memory_space<vmem_shared>>)
          tpu.yield
        }) : () -> ()
      } else {
      }
      %barrier3A = arith.constant 0 : index
      tpu.barrier barrier_id(%barrier3A)
      %scan3A = arith.constant 0 : i32
      %scan3A_29 = arith.constant 0 : i32
      %scan3A_30 = arith.constant 20 : i32
      %scan3A_31 = arith.addi %scan3A_29, %scan3A_30 : i32
      %scan3A_32 = arith.constant 1 : i32
      scf.for %scan3A_65 = %scan3A_29 to %scan3A_31 step %scan3A_32  : i32 {
        %mul3A = arith.constant 2 : i32
        %mul3A_66 = arith.muli %mul3A, %scan3A_65 : i32
        %add3A = arith.constant 0 : i32
        %add3A_67 = arith.addi %mul3A_66, %add3A : i32
        %dma_wait3A = arith.constant 0 : i32
        %dma_wait3A_68 = tpu.memref_slice %arg8[%add3A_67, %dma_wait3A] : memref<40x128xi32, #tpu.memory_space<vmem>> -> memref<1x128xi32, #tpu.memory_space<vmem>>
        %dma_wait3A_69 = tpu.memref_squeeze %dma_wait3A_68 : memref<1x128xi32, #tpu.memory_space<vmem>> -> memref<128xi32, #tpu.memory_space<vmem>>
        %dma_wait3A_70 = arith.constant 0 : i32
        %dma_wait3A_71 = arith.constant 0 : i32
        %dma_wait3A_72 = tpu.memref_slice %arg2[%dma_wait3A_70, %dma_wait3A_71] : memref<10000x128xf32, #tpu.memory_space<hbm>> -> memref<10000x128xf32, #tpu.memory_space<hbm>>
        tpu.wait_indirect_dma semaphore(%arg13 : memref<!tpu.dma_semaphore, #tpu.memory_space<semaphore_mem>>) src(%dma_wait3A_72 : memref<10000x128xf32, #tpu.memory_space<hbm>>) dst(%arg10 : memref<128x128xf32, #tpu.memory_space<vmem>>)
        %add3A_73 = arith.constant 0 : i32
        %add3A_74 = arith.addi %mul3A_66, %add3A_73 : i32
        "tpu.region"() ({
          %run_scoped3A = tpu.sem_alloc : memref<!tpu.dma_semaphore, #tpu.memory_space<semaphore_mem>>
          %dma_start3A_103 = arith.constant 0 : i32
          %dma_start3A_104 = tpu.memref_slice %arg9[%add3A_74, %dma_start3A_103] : memref<40x128xi32, #tpu.memory_space<vmem>> -> memref<1x128xi32, #tpu.memory_space<vmem>>
          %dma_start3A_105 = tpu.memref_squeeze %dma_start3A_104 : memref<1x128xi32, #tpu.memory_space<vmem>> -> memref<128xi32, #tpu.memory_space<vmem>>
          %dma_start3A_106 = arith.constant 0 : i32
          %dma_start3A_107 = arith.constant 0 : i32
          %dma_start3A_108 = tpu.memref_slice %arg12[%dma_start3A_106, %dma_start3A_107] : memref<10048x128xf32, #tpu.memory_space<vmem_shared>> -> memref<10048x128xf32, #tpu.memory_space<vmem_shared>>
          tpu.enqueue_indirect_dma source(%arg10 : memref<128x128xf32, #tpu.memory_space<vmem>>) target(%dma_start3A_108 : memref<10048x128xf32, #tpu.memory_space<vmem_shared>>) offsets(%dma_start3A_105 : memref<128xi32, #tpu.memory_space<vmem>>) semaphore(%run_scoped3A : memref<!tpu.dma_semaphore, #tpu.memory_space<semaphore_mem>>) {add = true}
          %dma_wait3A_109 = arith.constant 0 : i32
          %dma_wait3A_110 = tpu.memref_slice %arg9[%add3A_74, %dma_wait3A_109] : memref<40x128xi32, #tpu.memory_space<vmem>> -> memref<1x128xi32, #tpu.memory_space<vmem>>
          %dma_wait3A_111 = tpu.memref_squeeze %dma_wait3A_110 : memref<1x128xi32, #tpu.memory_space<vmem>> -> memref<128xi32, #tpu.memory_space<vmem>>
          %dma_wait3A_112 = arith.constant 0 : i32
          %dma_wait3A_113 = arith.constant 0 : i32
          %dma_wait3A_114 = tpu.memref_slice %arg12[%dma_wait3A_112, %dma_wait3A_113] : memref<10048x128xf32, #tpu.memory_space<vmem_shared>> -> memref<10048x128xf32, #tpu.memory_space<vmem_shared>>
          tpu.wait_indirect_dma semaphore(%run_scoped3A : memref<!tpu.dma_semaphore, #tpu.memory_space<semaphore_mem>>) src(%arg10 : memref<128x128xf32, #tpu.memory_space<vmem>>) dst(%dma_wait3A_114 : memref<10048x128xf32, #tpu.memory_space<vmem_shared>>)
          tpu.yield
        }) : () -> ()
        %add3A_75 = arith.constant 0 : i32
        %add3A_76 = arith.addi %mul3A_66, %add3A_75 : i32
        %add3A_77 = arith.constant 2 : i32
        %add3A_78 = arith.addi %add3A_76, %add3A_77 : i32
        %lt3A_79 = arith.constant 40 : i32
        %lt3A_80 = arith.cmpi slt, %add3A_78, %lt3A_79 : i32
        %convert_element_type3A_81 = arith.extui %lt3A_80 : i1 to i32
        %cond3A_82 = arith.constant 0 : i32
        %cond3A_83 = arith.cmpi ne, %convert_element_type3A_81, %cond3A_82 : i32
        scf.if %cond3A_83 {
          %add3A_103 = arith.constant 0 : i32
          %add3A_104 = arith.addi %mul3A_66, %add3A_103 : i32
          %add3A_105 = arith.constant 2 : i32
          %add3A_106 = arith.addi %add3A_104, %add3A_105 : i32
          %dma_start3A_107 = arith.constant 0 : i32
          %dma_start3A_108 = tpu.memref_slice %arg8[%add3A_106, %dma_start3A_107] : memref<40x128xi32, #tpu.memory_space<vmem>> -> memref<1x128xi32, #tpu.memory_space<vmem>>
          %dma_start3A_109 = tpu.memref_squeeze %dma_start3A_108 : memref<1x128xi32, #tpu.memory_space<vmem>> -> memref<128xi32, #tpu.memory_space<vmem>>
          %dma_start3A_110 = arith.constant 0 : i32
          %dma_start3A_111 = arith.constant 0 : i32
          %dma_start3A_112 = tpu.memref_slice %arg2[%dma_start3A_110, %dma_start3A_111] : memref<10000x128xf32, #tpu.memory_space<hbm>> -> memref<10000x128xf32, #tpu.memory_space<hbm>>
          tpu.enqueue_indirect_dma source(%dma_start3A_112 : memref<10000x128xf32, #tpu.memory_space<hbm>>) target(%arg10 : memref<128x128xf32, #tpu.memory_space<vmem>>) offsets(%dma_start3A_109 : memref<128xi32, #tpu.memory_space<vmem>>) semaphore(%arg13 : memref<!tpu.dma_semaphore, #tpu.memory_space<semaphore_mem>>)
        } else {
        }
        %add3A_84 = arith.constant 1 : i32
        %add3A_85 = arith.addi %mul3A_66, %add3A_84 : i32
        %dma_wait3A_86 = arith.constant 0 : i32
        %dma_wait3A_87 = tpu.memref_slice %arg8[%add3A_85, %dma_wait3A_86] : memref<40x128xi32, #tpu.memory_space<vmem>> -> memref<1x128xi32, #tpu.memory_space<vmem>>
        %dma_wait3A_88 = tpu.memref_squeeze %dma_wait3A_87 : memref<1x128xi32, #tpu.memory_space<vmem>> -> memref<128xi32, #tpu.memory_space<vmem>>
        %dma_wait3A_89 = arith.constant 0 : i32
        %dma_wait3A_90 = arith.constant 0 : i32
        %dma_wait3A_91 = tpu.memref_slice %arg2[%dma_wait3A_89, %dma_wait3A_90] : memref<10000x128xf32, #tpu.memory_space<hbm>> -> memref<10000x128xf32, #tpu.memory_space<hbm>>
        tpu.wait_indirect_dma semaphore(%arg14 : memref<!tpu.dma_semaphore, #tpu.memory_space<semaphore_mem>>) src(%dma_wait3A_91 : memref<10000x128xf32, #tpu.memory_space<hbm>>) dst(%arg11 : memref<128x128xf32, #tpu.memory_space<vmem>>)
        %add3A_92 = arith.constant 1 : i32
        %add3A_93 = arith.addi %mul3A_66, %add3A_92 : i32
        "tpu.region"() ({
          %run_scoped3A = tpu.sem_alloc : memref<!tpu.dma_semaphore, #tpu.memory_space<semaphore_mem>>
          %dma_start3A_103 = arith.constant 0 : i32
          %dma_start3A_104 = tpu.memref_slice %arg9[%add3A_93, %dma_start3A_103] : memref<40x128xi32, #tpu.memory_space<vmem>> -> memref<1x128xi32, #tpu.memory_space<vmem>>
          %dma_start3A_105 = tpu.memref_squeeze %dma_start3A_104 : memref<1x128xi32, #tpu.memory_space<vmem>> -> memref<128xi32, #tpu.memory_space<vmem>>
          %dma_start3A_106 = arith.constant 0 : i32
          %dma_start3A_107 = arith.constant 0 : i32
          %dma_start3A_108 = tpu.memref_slice %arg12[%dma_start3A_106, %dma_start3A_107] : memref<10048x128xf32, #tpu.memory_space<vmem_shared>> -> memref<10048x128xf32, #tpu.memory_space<vmem_shared>>
          tpu.enqueue_indirect_dma source(%arg11 : memref<128x128xf32, #tpu.memory_space<vmem>>) target(%dma_start3A_108 : memref<10048x128xf32, #tpu.memory_space<vmem_shared>>) offsets(%dma_start3A_105 : memref<128xi32, #tpu.memory_space<vmem>>) semaphore(%run_scoped3A : memref<!tpu.dma_semaphore, #tpu.memory_space<semaphore_mem>>) {add = true}
          %dma_wait3A_109 = arith.constant 0 : i32
          %dma_wait3A_110 = tpu.memref_slice %arg9[%add3A_93, %dma_wait3A_109] : memref<40x128xi32, #tpu.memory_space<vmem>> -> memref<1x128xi32, #tpu.memory_space<vmem>>
          %dma_wait3A_111 = tpu.memref_squeeze %dma_wait3A_110 : memref<1x128xi32, #tpu.memory_space<vmem>> -> memref<128xi32, #tpu.memory_space<vmem>>
          %dma_wait3A_112 = arith.constant 0 : i32
          %dma_wait3A_113 = arith.constant 0 : i32
          %dma_wait3A_114 = tpu.memref_slice %arg12[%dma_wait3A_112, %dma_wait3A_113] : memref<10048x128xf32, #tpu.memory_space<vmem_shared>> -> memref<10048x128xf32, #tpu.memory_space<vmem_shared>>
          tpu.wait_indirect_dma semaphore(%run_scoped3A : memref<!tpu.dma_semaphore, #tpu.memory_space<semaphore_mem>>) src(%arg11 : memref<128x128xf32, #tpu.memory_space<vmem>>) dst(%dma_wait3A_114 : memref<10048x128xf32, #tpu.memory_space<vmem_shared>>)
          tpu.yield
        }) : () -> ()
        %add3A_94 = arith.constant 1 : i32
        %add3A_95 = arith.addi %mul3A_66, %add3A_94 : i32
        %add3A_96 = arith.constant 2 : i32
        %add3A_97 = arith.addi %add3A_95, %add3A_96 : i32
        %lt3A_98 = arith.constant 40 : i32
        %lt3A_99 = arith.cmpi slt, %add3A_97, %lt3A_98 : i32
        %convert_element_type3A_100 = arith.extui %lt3A_99 : i1 to i32
        %cond3A_101 = arith.constant 0 : i32
        %cond3A_102 = arith.cmpi ne, %convert_element_type3A_100, %cond3A_101 : i32
        scf.if %cond3A_102 {
          %add3A_103 = arith.constant 1 : i32
          %add3A_104 = arith.addi %mul3A_66, %add3A_103 : i32
          %add3A_105 = arith.constant 2 : i32
          %add3A_106 = arith.addi %add3A_104, %add3A_105 : i32
          %dma_start3A_107 = arith.constant 0 : i32
          %dma_start3A_108 = tpu.memref_slice %arg8[%add3A_106, %dma_start3A_107] : memref<40x128xi32, #tpu.memory_space<vmem>> -> memref<1x128xi32, #tpu.memory_space<vmem>>
          %dma_start3A_109 = tpu.memref_squeeze %dma_start3A_108 : memref<1x128xi32, #tpu.memory_space<vmem>> -> memref<128xi32, #tpu.memory_space<vmem>>
          %dma_start3A_110 = arith.constant 0 : i32
          %dma_start3A_111 = arith.constant 0 : i32
          %dma_start3A_112 = tpu.memref_slice %arg2[%dma_start3A_110, %dma_start3A_111] : memref<10000x128xf32, #tpu.memory_space<hbm>> -> memref<10000x128xf32, #tpu.memory_space<hbm>>
          tpu.enqueue_indirect_dma source(%dma_start3A_112 : memref<10000x128xf32, #tpu.memory_space<hbm>>) target(%arg11 : memref<128x128xf32, #tpu.memory_space<vmem>>) offsets(%dma_start3A_109 : memref<128xi32, #tpu.memory_space<vmem>>) semaphore(%arg14 : memref<!tpu.dma_semaphore, #tpu.memory_space<semaphore_mem>>)
        } else {
        }
      }
      %scan3A_33 = arith.constant 20 : i32
      "tpu.region"() ({
        %run_scoped3A = tpu.sem_alloc : memref<!tpu.dma_semaphore, #tpu.memory_space<semaphore_mem>>
        %dma_start3A_65 = arith.constant 40 : i32
        %dma_start3A_66 = arith.constant 0 : i32
        %dma_start3A_67 = tpu.memref_slice %arg4[%arg1, %dma_start3A_65, %dma_start3A_66] : memref<16x80x128xi32, #tpu.memory_space<hbm>> -> memref<1x40x128xi32, #tpu.memory_space<hbm>>
        %dma_start3A_68 = tpu.memref_squeeze %dma_start3A_67 : memref<1x40x128xi32, #tpu.memory_space<hbm>> -> memref<40x128xi32, #tpu.memory_space<hbm>>
        %dma_start3A_69 = arith.constant 40 : i32
        %dma_start3A_70 = arith.constant 0 : i32
        %dma_start3A_71 = tpu.memref_slice %arg4[%arg1, %dma_start3A_69, %dma_start3A_70] : memref<16x80x128xi32, #tpu.memory_space<hbm>> -> memref<1x40x128xi32, #tpu.memory_space<hbm>>
        %dma_start3A_72 = tpu.memref_squeeze %dma_start3A_71 : memref<1x40x128xi32, #tpu.memory_space<hbm>> -> memref<40x128xi32, #tpu.memory_space<hbm>>
        tpu.enqueue_dma source(%dma_start3A_72 : memref<40x128xi32, #tpu.memory_space<hbm>>) target(%arg8 : memref<40x128xi32, #tpu.memory_space<vmem>>) target_semaphore(%run_scoped3A : memref<!tpu.dma_semaphore, #tpu.memory_space<semaphore_mem>>)
        %dma_wait3A = arith.constant 40 : i32
        %dma_wait3A_73 = arith.constant 0 : i32
        %dma_wait3A_74 = tpu.memref_slice %arg4[%arg1, %dma_wait3A, %dma_wait3A_73] : memref<16x80x128xi32, #tpu.memory_space<hbm>> -> memref<1x40x128xi32, #tpu.memory_space<hbm>>
        %dma_wait3A_75 = tpu.memref_squeeze %dma_wait3A_74 : memref<1x40x128xi32, #tpu.memory_space<hbm>> -> memref<40x128xi32, #tpu.memory_space<hbm>>
        %dma_wait3A_76 = arith.constant 40 : i32
        %dma_wait3A_77 = arith.constant 0 : i32
        %dma_wait3A_78 = tpu.memref_slice %arg4[%arg1, %dma_wait3A_76, %dma_wait3A_77] : memref<16x80x128xi32, #tpu.memory_space<hbm>> -> memref<1x40x128xi32, #tpu.memory_space<hbm>>
        %dma_wait3A_79 = tpu.memref_squeeze %dma_wait3A_78 : memref<1x40x128xi32, #tpu.memory_space<hbm>> -> memref<40x128xi32, #tpu.memory_space<hbm>>
        tpu.wait_dma2 semaphore(%run_scoped3A : memref<!tpu.dma_semaphore, #tpu.memory_space<semaphore_mem>>) src(%dma_wait3A_79 : memref<40x128xi32, #tpu.memory_space<hbm>>) dst(%arg8 : memref<40x128xi32, #tpu.memory_space<vmem>>)
        tpu.yield
      }) : () -> ()
      "tpu.region"() ({
        %run_scoped3A = tpu.sem_alloc : memref<!tpu.dma_semaphore, #tpu.memory_space<semaphore_mem>>
        %dma_start3A_65 = arith.constant 40 : i32
        %dma_start3A_66 = arith.constant 0 : i32
        %dma_start3A_67 = tpu.memref_slice %arg5[%arg1, %dma_start3A_65, %dma_start3A_66] : memref<16x80x128xi32, #tpu.memory_space<hbm>> -> memref<1x40x128xi32, #tpu.memory_space<hbm>>
        %dma_start3A_68 = tpu.memref_squeeze %dma_start3A_67 : memref<1x40x128xi32, #tpu.memory_space<hbm>> -> memref<40x128xi32, #tpu.memory_space<hbm>>
        %dma_start3A_69 = arith.constant 40 : i32
        %dma_start3A_70 = arith.constant 0 : i32
        %dma_start3A_71 = tpu.memref_slice %arg5[%arg1, %dma_start3A_69, %dma_start3A_70] : memref<16x80x128xi32, #tpu.memory_space<hbm>> -> memref<1x40x128xi32, #tpu.memory_space<hbm>>
        %dma_start3A_72 = tpu.memref_squeeze %dma_start3A_71 : memref<1x40x128xi32, #tpu.memory_space<hbm>> -> memref<40x128xi32, #tpu.memory_space<hbm>>
        tpu.enqueue_dma source(%dma_start3A_72 : memref<40x128xi32, #tpu.memory_space<hbm>>) target(%arg9 : memref<40x128xi32, #tpu.memory_space<vmem>>) target_semaphore(%run_scoped3A : memref<!tpu.dma_semaphore, #tpu.memory_space<semaphore_mem>>)
        %dma_wait3A = arith.constant 40 : i32
        %dma_wait3A_73 = arith.constant 0 : i32
        %dma_wait3A_74 = tpu.memref_slice %arg5[%arg1, %dma_wait3A, %dma_wait3A_73] : memref<16x80x128xi32, #tpu.memory_space<hbm>> -> memref<1x40x128xi32, #tpu.memory_space<hbm>>
        %dma_wait3A_75 = tpu.memref_squeeze %dma_wait3A_74 : memref<1x40x128xi32, #tpu.memory_space<hbm>> -> memref<40x128xi32, #tpu.memory_space<hbm>>
        %dma_wait3A_76 = arith.constant 40 : i32
        %dma_wait3A_77 = arith.constant 0 : i32
        %dma_wait3A_78 = tpu.memref_slice %arg5[%arg1, %dma_wait3A_76, %dma_wait3A_77] : memref<16x80x128xi32, #tpu.memory_space<hbm>> -> memref<1x40x128xi32, #tpu.memory_space<hbm>>
        %dma_wait3A_79 = tpu.memref_squeeze %dma_wait3A_78 : memref<1x40x128xi32, #tpu.memory_space<hbm>> -> memref<40x128xi32, #tpu.memory_space<hbm>>
        tpu.wait_dma2 semaphore(%run_scoped3A : memref<!tpu.dma_semaphore, #tpu.memory_space<semaphore_mem>>) src(%dma_wait3A_79 : memref<40x128xi32, #tpu.memory_space<hbm>>) dst(%arg9 : memref<40x128xi32, #tpu.memory_space<vmem>>)
        tpu.yield
      }) : () -> ()
      %dma_start3A_34 = arith.constant 0 : i32
      %dma_start3A_35 = arith.constant 0 : i32
      %dma_start3A_36 = tpu.memref_slice %arg8[%dma_start3A_34, %dma_start3A_35] : memref<40x128xi32, #tpu.memory_space<vmem>> -> memref<1x128xi32, #tpu.memory_space<vmem>>
      %dma_start3A_37 = tpu.memref_squeeze %dma_start3A_36 : memref<1x128xi32, #tpu.memory_space<vmem>> -> memref<128xi32, #tpu.memory_space<vmem>>
      %dma_start3A_38 = arith.constant 0 : i32
      %dma_start3A_39 = arith.constant 0 : i32
      %dma_start3A_40 = tpu.memref_slice %arg2[%dma_start3A_38, %dma_start3A_39] : memref<10000x128xf32, #tpu.memory_space<hbm>> -> memref<10000x128xf32, #tpu.memory_space<hbm>>
      tpu.enqueue_indirect_dma source(%dma_start3A_40 : memref<10000x128xf32, #tpu.memory_space<hbm>>) target(%arg10 : memref<128x128xf32, #tpu.memory_space<vmem>>) offsets(%dma_start3A_37 : memref<128xi32, #tpu.memory_space<vmem>>) semaphore(%arg13 : memref<!tpu.dma_semaphore, #tpu.memory_space<semaphore_mem>>)
      %dma_start3A_41 = arith.constant 1 : i32
      %dma_start3A_42 = arith.constant 0 : i32
      %dma_start3A_43 = tpu.memref_slice %arg8[%dma_start3A_41, %dma_start3A_42] : memref<40x128xi32, #tpu.memory_space<vmem>> -> memref<1x128xi32, #tpu.memory_space<vmem>>
      %dma_start3A_44 = tpu.memref_squeeze %dma_start3A_43 : memref<1x128xi32, #tpu.memory_space<vmem>> -> memref<128xi32, #tpu.memory_space<vmem>>
      %dma_start3A_45 = arith.constant 0 : i32
      %dma_start3A_46 = arith.constant 0 : i32
      %dma_start3A_47 = tpu.memref_slice %arg2[%dma_start3A_45, %dma_start3A_46] : memref<10000x128xf32, #tpu.memory_space<hbm>> -> memref<10000x128xf32, #tpu.memory_space<hbm>>
      tpu.enqueue_indirect_dma source(%dma_start3A_47 : memref<10000x128xf32, #tpu.memory_space<hbm>>) target(%arg11 : memref<128x128xf32, #tpu.memory_space<vmem>>) offsets(%dma_start3A_44 : memref<128xi32, #tpu.memory_space<vmem>>) semaphore(%arg14 : memref<!tpu.dma_semaphore, #tpu.memory_space<semaphore_mem>>)
      %scan3A_48 = arith.constant 0 : i32
      %scan3A_49 = arith.constant 0 : i32
      %scan3A_50 = arith.constant 20 : i32
      %scan3A_51 = arith.addi %scan3A_49, %scan3A_50 : i32
      %scan3A_52 = arith.constant 1 : i32
      scf.for %scan3A_65 = %scan3A_49 to %scan3A_51 step %scan3A_52  : i32 {
        %mul3A = arith.constant 2 : i32
        %mul3A_66 = arith.muli %mul3A, %scan3A_65 : i32
        %add3A = arith.constant 0 : i32
        %add3A_67 = arith.addi %mul3A_66, %add3A : i32
        %dma_wait3A = arith.constant 0 : i32
        %dma_wait3A_68 = tpu.memref_slice %arg8[%add3A_67, %dma_wait3A] : memref<40x128xi32, #tpu.memory_space<vmem>> -> memref<1x128xi32, #tpu.memory_space<vmem>>
        %dma_wait3A_69 = tpu.memref_squeeze %dma_wait3A_68 : memref<1x128xi32, #tpu.memory_space<vmem>> -> memref<128xi32, #tpu.memory_space<vmem>>
        %dma_wait3A_70 = arith.constant 0 : i32
        %dma_wait3A_71 = arith.constant 0 : i32
        %dma_wait3A_72 = tpu.memref_slice %arg2[%dma_wait3A_70, %dma_wait3A_71] : memref<10000x128xf32, #tpu.memory_space<hbm>> -> memref<10000x128xf32, #tpu.memory_space<hbm>>
        tpu.wait_indirect_dma semaphore(%arg13 : memref<!tpu.dma_semaphore, #tpu.memory_space<semaphore_mem>>) src(%dma_wait3A_72 : memref<10000x128xf32, #tpu.memory_space<hbm>>) dst(%arg10 : memref<128x128xf32, #tpu.memory_space<vmem>>)
        %add3A_73 = arith.constant 0 : i32
        %add3A_74 = arith.addi %mul3A_66, %add3A_73 : i32
        "tpu.region"() ({
          %run_scoped3A = tpu.sem_alloc : memref<!tpu.dma_semaphore, #tpu.memory_space<semaphore_mem>>
          %dma_start3A_103 = arith.constant 0 : i32
          %dma_start3A_104 = tpu.memref_slice %arg9[%add3A_74, %dma_start3A_103] : memref<40x128xi32, #tpu.memory_space<vmem>> -> memref<1x128xi32, #tpu.memory_space<vmem>>
          %dma_start3A_105 = tpu.memref_squeeze %dma_start3A_104 : memref<1x128xi32, #tpu.memory_space<vmem>> -> memref<128xi32, #tpu.memory_space<vmem>>
          %dma_start3A_106 = arith.constant 0 : i32
          %dma_start3A_107 = arith.constant 0 : i32
          %dma_start3A_108 = tpu.memref_slice %arg12[%dma_start3A_106, %dma_start3A_107] : memref<10048x128xf32, #tpu.memory_space<vmem_shared>> -> memref<10048x128xf32, #tpu.memory_space<vmem_shared>>
          tpu.enqueue_indirect_dma source(%arg10 : memref<128x128xf32, #tpu.memory_space<vmem>>) target(%dma_start3A_108 : memref<10048x128xf32, #tpu.memory_space<vmem_shared>>) offsets(%dma_start3A_105 : memref<128xi32, #tpu.memory_space<vmem>>) semaphore(%run_scoped3A : memref<!tpu.dma_semaphore, #tpu.memory_space<semaphore_mem>>) {add = true}
          %dma_wait3A_109 = arith.constant 0 : i32
          %dma_wait3A_110 = tpu.memref_slice %arg9[%add3A_74, %dma_wait3A_109] : memref<40x128xi32, #tpu.memory_space<vmem>> -> memref<1x128xi32, #tpu.memory_space<vmem>>
          %dma_wait3A_111 = tpu.memref_squeeze %dma_wait3A_110 : memref<1x128xi32, #tpu.memory_space<vmem>> -> memref<128xi32, #tpu.memory_space<vmem>>
          %dma_wait3A_112 = arith.constant 0 : i32
          %dma_wait3A_113 = arith.constant 0 : i32
          %dma_wait3A_114 = tpu.memref_slice %arg12[%dma_wait3A_112, %dma_wait3A_113] : memref<10048x128xf32, #tpu.memory_space<vmem_shared>> -> memref<10048x128xf32, #tpu.memory_space<vmem_shared>>
          tpu.wait_indirect_dma semaphore(%run_scoped3A : memref<!tpu.dma_semaphore, #tpu.memory_space<semaphore_mem>>) src(%arg10 : memref<128x128xf32, #tpu.memory_space<vmem>>) dst(%dma_wait3A_114 : memref<10048x128xf32, #tpu.memory_space<vmem_shared>>)
          tpu.yield
        }) : () -> ()
        %add3A_75 = arith.constant 0 : i32
        %add3A_76 = arith.addi %mul3A_66, %add3A_75 : i32
        %add3A_77 = arith.constant 2 : i32
        %add3A_78 = arith.addi %add3A_76, %add3A_77 : i32
        %lt3A_79 = arith.constant 40 : i32
        %lt3A_80 = arith.cmpi slt, %add3A_78, %lt3A_79 : i32
        %convert_element_type3A_81 = arith.extui %lt3A_80 : i1 to i32
        %cond3A_82 = arith.constant 0 : i32
        %cond3A_83 = arith.cmpi ne, %convert_element_type3A_81, %cond3A_82 : i32
        scf.if %cond3A_83 {
          %add3A_103 = arith.constant 0 : i32
          %add3A_104 = arith.addi %mul3A_66, %add3A_103 : i32
          %add3A_105 = arith.constant 2 : i32
          %add3A_106 = arith.addi %add3A_104, %add3A_105 : i32
          %dma_start3A_107 = arith.constant 0 : i32
          %dma_start3A_108 = tpu.memref_slice %arg8[%add3A_106, %dma_start3A_107] : memref<40x128xi32, #tpu.memory_space<vmem>> -> memref<1x128xi32, #tpu.memory_space<vmem>>
          %dma_start3A_109 = tpu.memref_squeeze %dma_start3A_108 : memref<1x128xi32, #tpu.memory_space<vmem>> -> memref<128xi32, #tpu.memory_space<vmem>>
          %dma_start3A_110 = arith.constant 0 : i32
          %dma_start3A_111 = arith.constant 0 : i32
          %dma_start3A_112 = tpu.memref_slice %arg2[%dma_start3A_110, %dma_start3A_111] : memref<10000x128xf32, #tpu.memory_space<hbm>> -> memref<10000x128xf32, #tpu.memory_space<hbm>>
          tpu.enqueue_indirect_dma source(%dma_start3A_112 : memref<10000x128xf32, #tpu.memory_space<hbm>>) target(%arg10 : memref<128x128xf32, #tpu.memory_space<vmem>>) offsets(%dma_start3A_109 : memref<128xi32, #tpu.memory_space<vmem>>) semaphore(%arg13 : memref<!tpu.dma_semaphore, #tpu.memory_space<semaphore_mem>>)
        } else {
        }
        %add3A_84 = arith.constant 1 : i32
        %add3A_85 = arith.addi %mul3A_66, %add3A_84 : i32
        %dma_wait3A_86 = arith.constant 0 : i32
        %dma_wait3A_87 = tpu.memref_slice %arg8[%add3A_85, %dma_wait3A_86] : memref<40x128xi32, #tpu.memory_space<vmem>> -> memref<1x128xi32, #tpu.memory_space<vmem>>
        %dma_wait3A_88 = tpu.memref_squeeze %dma_wait3A_87 : memref<1x128xi32, #tpu.memory_space<vmem>> -> memref<128xi32, #tpu.memory_space<vmem>>
        %dma_wait3A_89 = arith.constant 0 : i32
        %dma_wait3A_90 = arith.constant 0 : i32
        %dma_wait3A_91 = tpu.memref_slice %arg2[%dma_wait3A_89, %dma_wait3A_90] : memref<10000x128xf32, #tpu.memory_space<hbm>> -> memref<10000x128xf32, #tpu.memory_space<hbm>>
        tpu.wait_indirect_dma semaphore(%arg14 : memref<!tpu.dma_semaphore, #tpu.memory_space<semaphore_mem>>) src(%dma_wait3A_91 : memref<10000x128xf32, #tpu.memory_space<hbm>>) dst(%arg11 : memref<128x128xf32, #tpu.memory_space<vmem>>)
        %add3A_92 = arith.constant 1 : i32
        %add3A_93 = arith.addi %mul3A_66, %add3A_92 : i32
        "tpu.region"() ({
          %run_scoped3A = tpu.sem_alloc : memref<!tpu.dma_semaphore, #tpu.memory_space<semaphore_mem>>
          %dma_start3A_103 = arith.constant 0 : i32
          %dma_start3A_104 = tpu.memref_slice %arg9[%add3A_93, %dma_start3A_103] : memref<40x128xi32, #tpu.memory_space<vmem>> -> memref<1x128xi32, #tpu.memory_space<vmem>>
          %dma_start3A_105 = tpu.memref_squeeze %dma_start3A_104 : memref<1x128xi32, #tpu.memory_space<vmem>> -> memref<128xi32, #tpu.memory_space<vmem>>
          %dma_start3A_106 = arith.constant 0 : i32
          %dma_start3A_107 = arith.constant 0 : i32
          %dma_start3A_108 = tpu.memref_slice %arg12[%dma_start3A_106, %dma_start3A_107] : memref<10048x128xf32, #tpu.memory_space<vmem_shared>> -> memref<10048x128xf32, #tpu.memory_space<vmem_shared>>
          tpu.enqueue_indirect_dma source(%arg11 : memref<128x128xf32, #tpu.memory_space<vmem>>) target(%dma_start3A_108 : memref<10048x128xf32, #tpu.memory_space<vmem_shared>>) offsets(%dma_start3A_105 : memref<128xi32, #tpu.memory_space<vmem>>) semaphore(%run_scoped3A : memref<!tpu.dma_semaphore, #tpu.memory_space<semaphore_mem>>) {add = true}
          %dma_wait3A_109 = arith.constant 0 : i32
          %dma_wait3A_110 = tpu.memref_slice %arg9[%add3A_93, %dma_wait3A_109] : memref<40x128xi32, #tpu.memory_space<vmem>> -> memref<1x128xi32, #tpu.memory_space<vmem>>
          %dma_wait3A_111 = tpu.memref_squeeze %dma_wait3A_110 : memref<1x128xi32, #tpu.memory_space<vmem>> -> memref<128xi32, #tpu.memory_space<vmem>>
          %dma_wait3A_112 = arith.constant 0 : i32
          %dma_wait3A_113 = arith.constant 0 : i32
          %dma_wait3A_114 = tpu.memref_slice %arg12[%dma_wait3A_112, %dma_wait3A_113] : memref<10048x128xf32, #tpu.memory_space<vmem_shared>> -> memref<10048x128xf32, #tpu.memory_space<vmem_shared>>
          tpu.wait_indirect_dma semaphore(%run_scoped3A : memref<!tpu.dma_semaphore, #tpu.memory_space<semaphore_mem>>) src(%arg11 : memref<128x128xf32, #tpu.memory_space<vmem>>) dst(%dma_wait3A_114 : memref<10048x128xf32, #tpu.memory_space<vmem_shared>>)
          tpu.yield
        }) : () -> ()
        %add3A_94 = arith.constant 1 : i32
        %add3A_95 = arith.addi %mul3A_66, %add3A_94 : i32
        %add3A_96 = arith.constant 2 : i32
        %add3A_97 = arith.addi %add3A_95, %add3A_96 : i32
        %lt3A_98 = arith.constant 40 : i32
        %lt3A_99 = arith.cmpi slt, %add3A_97, %lt3A_98 : i32
        %convert_element_type3A_100 = arith.extui %lt3A_99 : i1 to i32
        %cond3A_101 = arith.constant 0 : i32
        %cond3A_102 = arith.cmpi ne, %convert_element_type3A_100, %cond3A_101 : i32
        scf.if %cond3A_102 {
          %add3A_103 = arith.constant 1 : i32
          %add3A_104 = arith.addi %mul3A_66, %add3A_103 : i32
          %add3A_105 = arith.constant 2 : i32
          %add3A_106 = arith.addi %add3A_104, %add3A_105 : i32
          %dma_start3A_107 = arith.constant 0 : i32
          %dma_start3A_108 = tpu.memref_slice %arg8[%add3A_106, %dma_start3A_107] : memref<40x128xi32, #tpu.memory_space<vmem>> -> memref<1x128xi32, #tpu.memory_space<vmem>>
          %dma_start3A_109 = tpu.memref_squeeze %dma_start3A_108 : memref<1x128xi32, #tpu.memory_space<vmem>> -> memref<128xi32, #tpu.memory_space<vmem>>
          %dma_start3A_110 = arith.constant 0 : i32
          %dma_start3A_111 = arith.constant 0 : i32
          %dma_start3A_112 = tpu.memref_slice %arg2[%dma_start3A_110, %dma_start3A_111] : memref<10000x128xf32, #tpu.memory_space<hbm>> -> memref<10000x128xf32, #tpu.memory_space<hbm>>
          tpu.enqueue_indirect_dma source(%dma_start3A_112 : memref<10000x128xf32, #tpu.memory_space<hbm>>) target(%arg11 : memref<128x128xf32, #tpu.memory_space<vmem>>) offsets(%dma_start3A_109 : memref<128xi32, #tpu.memory_space<vmem>>) semaphore(%arg14 : memref<!tpu.dma_semaphore, #tpu.memory_space<semaphore_mem>>)
        } else {
        }
      }
      %scan3A_53 = arith.constant 20 : i32
      %barrier3A_54 = arith.constant 0 : index
      tpu.barrier barrier_id(%barrier3A_54)
      %lt3A_55 = arith.constant 15 : i32
      %lt3A_56 = arith.cmpi slt, %arg1, %lt3A_55 : i32
      %convert_element_type3A_57 = arith.extui %lt3A_56 : i1 to i32
      %cond3A_58 = arith.constant 0 : i32
      %cond3A_59 = arith.cmpi ne, %convert_element_type3A_57, %cond3A_58 : i32
      scf.if %cond3A_59 {
        %mul3A = arith.constant 640 : i32
        %mul3A_65 = arith.muli %arg1, %mul3A : i32
        %mul3A_66 = arith.constant 640 : i32
        %mul3A_67 = arith.muli %arg1, %mul3A_66 : i32
        "tpu.region"() ({
          %run_scoped3A = tpu.sem_alloc : memref<!tpu.dma_semaphore, #tpu.memory_space<semaphore_mem>>
          %dma_start3A_68 = arith.constant 0 : i32
          %dma_start3A_69 = tpu.memref_slice %arg6[%mul3A_67, %dma_start3A_68] : memref<10000x128xf32, #tpu.memory_space<hbm>> -> memref<640x128xf32, #tpu.memory_space<hbm>>
          %dma_start3A_70 = arith.constant 0 : i32
          %dma_start3A_71 = tpu.memref_slice %arg12[%mul3A_65, %dma_start3A_70] : memref<10048x128xf32, #tpu.memory_space<vmem_shared>> -> memref<640x128xf32, #tpu.memory_space<vmem_shared>>
          tpu.enqueue_dma source(%dma_start3A_71 : memref<640x128xf32, #tpu.memory_space<vmem_shared>>) target(%dma_start3A_69 : memref<640x128xf32, #tpu.memory_space<hbm>>) target_semaphore(%run_scoped3A : memref<!tpu.dma_semaphore, #tpu.memory_space<semaphore_mem>>)
          %dma_wait3A = arith.constant 0 : i32
          %dma_wait3A_72 = tpu.memref_slice %arg6[%mul3A_67, %dma_wait3A] : memref<10000x128xf32, #tpu.memory_space<hbm>> -> memref<640x128xf32, #tpu.memory_space<hbm>>
          %dma_wait3A_73 = arith.constant 0 : i32
          %dma_wait3A_74 = tpu.memref_slice %arg12[%mul3A_65, %dma_wait3A_73] : memref<10048x128xf32, #tpu.memory_space<vmem_shared>> -> memref<640x128xf32, #tpu.memory_space<vmem_shared>>
          tpu.wait_dma2 semaphore(%run_scoped3A : memref<!tpu.dma_semaphore, #tpu.memory_space<semaphore_mem>>) src(%dma_wait3A_74 : memref<640x128xf32, #tpu.memory_space<vmem_shared>>) dst(%dma_wait3A_72 : memref<640x128xf32, #tpu.memory_space<hbm>>)
          tpu.yield
        }) : () -> ()
      } else {
      }
      %eq3A_60 = arith.constant 15 : i32
      %eq3A_61 = arith.cmpi eq, %arg1, %eq3A_60 : i32
      %convert_element_type3A_62 = arith.extui %eq3A_61 : i1 to i32
      %cond3A_63 = arith.constant 0 : i32
      %cond3A_64 = arith.cmpi ne, %convert_element_type3A_62, %cond3A_63 : i32
      scf.if %cond3A_64 {
        "tpu.region"() ({
          %run_scoped3A = tpu.sem_alloc : memref<!tpu.dma_semaphore, #tpu.memory_space<semaphore_mem>>
          %dma_start3A_65 = arith.constant 9600 : i32
          %dma_start3A_66 = arith.constant 0 : i32
          %dma_start3A_67 = tpu.memref_slice %arg6[%dma_start3A_65, %dma_start3A_66] : memref<10000x128xf32, #tpu.memory_space<hbm>> -> memref<400x128xf32, #tpu.memory_space<hbm>>
          %dma_start3A_68 = arith.constant 9600 : i32
          %dma_start3A_69 = arith.constant 0 : i32
          %dma_start3A_70 = tpu.memref_slice %arg12[%dma_start3A_68, %dma_start3A_69] : memref<10048x128xf32, #tpu.memory_space<vmem_shared>> -> memref<400x128xf32, #tpu.memory_space<vmem_shared>>
          tpu.enqueue_dma source(%dma_start3A_70 : memref<400x128xf32, #tpu.memory_space<vmem_shared>>) target(%dma_start3A_67 : memref<400x128xf32, #tpu.memory_space<hbm>>) target_semaphore(%run_scoped3A : memref<!tpu.dma_semaphore, #tpu.memory_space<semaphore_mem>>)
          %dma_wait3A = arith.constant 9600 : i32
          %dma_wait3A_71 = arith.constant 0 : i32
          %dma_wait3A_72 = tpu.memref_slice %arg6[%dma_wait3A, %dma_wait3A_71] : memref<10000x128xf32, #tpu.memory_space<hbm>> -> memref<400x128xf32, #tpu.memory_space<hbm>>
          %dma_wait3A_73 = arith.constant 9600 : i32
          %dma_wait3A_74 = arith.constant 0 : i32
          %dma_wait3A_75 = tpu.memref_slice %arg12[%dma_wait3A_73, %dma_wait3A_74] : memref<10048x128xf32, #tpu.memory_space<vmem_shared>> -> memref<400x128xf32, #tpu.memory_space<vmem_shared>>
          tpu.wait_dma2 semaphore(%run_scoped3A : memref<!tpu.dma_semaphore, #tpu.memory_space<semaphore_mem>>) src(%dma_wait3A_75 : memref<400x128xf32, #tpu.memory_space<vmem_shared>>) dst(%dma_wait3A_72 : memref<400x128xf32, #tpu.memory_space<hbm>>)
          tpu.yield
        }) : () -> ()
      } else {
      }
    } else {
    }
    %eq3A_2 = arith.constant 1 : i32
    %eq3A_3 = arith.cmpi eq, %arg0, %eq3A_2 : i32
    %convert_element_type3A_4 = arith.extui %eq3A_3 : i1 to i32
    %cond3A_5 = arith.constant 0 : i32
    %cond3A_6 = arith.cmpi ne, %convert_element_type3A_4, %cond3A_5 : i32
    scf.if %cond3A_6 {
      "tpu.region"() ({
        %run_scoped3A = tpu.sem_alloc : memref<!tpu.dma_semaphore, #tpu.memory_space<semaphore_mem>>
        %dma_start3A_65 = arith.constant 0 : i32
        %dma_start3A_66 = arith.constant 0 : i32
        %dma_start3A_67 = tpu.memref_slice %arg4[%arg1, %dma_start3A_65, %dma_start3A_66] : memref<16x80x128xi32, #tpu.memory_space<hbm>> -> memref<1x40x128xi32, #tpu.memory_space<hbm>>
        %dma_start3A_68 = tpu.memref_squeeze %dma_start3A_67 : memref<1x40x128xi32, #tpu.memory_space<hbm>> -> memref<40x128xi32, #tpu.memory_space<hbm>>
        %dma_start3A_69 = arith.constant 0 : i32
        %dma_start3A_70 = arith.constant 0 : i32
        %dma_start3A_71 = tpu.memref_slice %arg4[%arg1, %dma_start3A_69, %dma_start3A_70] : memref<16x80x128xi32, #tpu.memory_space<hbm>> -> memref<1x40x128xi32, #tpu.memory_space<hbm>>
        %dma_start3A_72 = tpu.memref_squeeze %dma_start3A_71 : memref<1x40x128xi32, #tpu.memory_space<hbm>> -> memref<40x128xi32, #tpu.memory_space<hbm>>
        tpu.enqueue_dma source(%dma_start3A_72 : memref<40x128xi32, #tpu.memory_space<hbm>>) target(%arg8 : memref<40x128xi32, #tpu.memory_space<vmem>>) target_semaphore(%run_scoped3A : memref<!tpu.dma_semaphore, #tpu.memory_space<semaphore_mem>>)
        %dma_wait3A = arith.constant 0 : i32
        %dma_wait3A_73 = arith.constant 0 : i32
        %dma_wait3A_74 = tpu.memref_slice %arg4[%arg1, %dma_wait3A, %dma_wait3A_73] : memref<16x80x128xi32, #tpu.memory_space<hbm>> -> memref<1x40x128xi32, #tpu.memory_space<hbm>>
        %dma_wait3A_75 = tpu.memref_squeeze %dma_wait3A_74 : memref<1x40x128xi32, #tpu.memory_space<hbm>> -> memref<40x128xi32, #tpu.memory_space<hbm>>
        %dma_wait3A_76 = arith.constant 0 : i32
        %dma_wait3A_77 = arith.constant 0 : i32
        %dma_wait3A_78 = tpu.memref_slice %arg4[%arg1, %dma_wait3A_76, %dma_wait3A_77] : memref<16x80x128xi32, #tpu.memory_space<hbm>> -> memref<1x40x128xi32, #tpu.memory_space<hbm>>
        %dma_wait3A_79 = tpu.memref_squeeze %dma_wait3A_78 : memref<1x40x128xi32, #tpu.memory_space<hbm>> -> memref<40x128xi32, #tpu.memory_space<hbm>>
        tpu.wait_dma2 semaphore(%run_scoped3A : memref<!tpu.dma_semaphore, #tpu.memory_space<semaphore_mem>>) src(%dma_wait3A_79 : memref<40x128xi32, #tpu.memory_space<hbm>>) dst(%arg8 : memref<40x128xi32, #tpu.memory_space<vmem>>)
        tpu.yield
      }) : () -> ()
      "tpu.region"() ({
        %run_scoped3A = tpu.sem_alloc : memref<!tpu.dma_semaphore, #tpu.memory_space<semaphore_mem>>
        %dma_start3A_65 = arith.constant 0 : i32
        %dma_start3A_66 = arith.constant 0 : i32
        %dma_start3A_67 = tpu.memref_slice %arg5[%arg1, %dma_start3A_65, %dma_start3A_66] : memref<16x80x128xi32, #tpu.memory_space<hbm>> -> memref<1x40x128xi32, #tpu.memory_space<hbm>>
        %dma_start3A_68 = tpu.memref_squeeze %dma_start3A_67 : memref<1x40x128xi32, #tpu.memory_space<hbm>> -> memref<40x128xi32, #tpu.memory_space<hbm>>
        %dma_start3A_69 = arith.constant 0 : i32
        %dma_start3A_70 = arith.constant 0 : i32
        %dma_start3A_71 = tpu.memref_slice %arg5[%arg1, %dma_start3A_69, %dma_start3A_70] : memref<16x80x128xi32, #tpu.memory_space<hbm>> -> memref<1x40x128xi32, #tpu.memory_space<hbm>>
        %dma_start3A_72 = tpu.memref_squeeze %dma_start3A_71 : memref<1x40x128xi32, #tpu.memory_space<hbm>> -> memref<40x128xi32, #tpu.memory_space<hbm>>
        tpu.enqueue_dma source(%dma_start3A_72 : memref<40x128xi32, #tpu.memory_space<hbm>>) target(%arg9 : memref<40x128xi32, #tpu.memory_space<vmem>>) target_semaphore(%run_scoped3A : memref<!tpu.dma_semaphore, #tpu.memory_space<semaphore_mem>>)
        %dma_wait3A = arith.constant 0 : i32
        %dma_wait3A_73 = arith.constant 0 : i32
        %dma_wait3A_74 = tpu.memref_slice %arg5[%arg1, %dma_wait3A, %dma_wait3A_73] : memref<16x80x128xi32, #tpu.memory_space<hbm>> -> memref<1x40x128xi32, #tpu.memory_space<hbm>>
        %dma_wait3A_75 = tpu.memref_squeeze %dma_wait3A_74 : memref<1x40x128xi32, #tpu.memory_space<hbm>> -> memref<40x128xi32, #tpu.memory_space<hbm>>
        %dma_wait3A_76 = arith.constant 0 : i32
        %dma_wait3A_77 = arith.constant 0 : i32
        %dma_wait3A_78 = tpu.memref_slice %arg5[%arg1, %dma_wait3A_76, %dma_wait3A_77] : memref<16x80x128xi32, #tpu.memory_space<hbm>> -> memref<1x40x128xi32, #tpu.memory_space<hbm>>
        %dma_wait3A_79 = tpu.memref_squeeze %dma_wait3A_78 : memref<1x40x128xi32, #tpu.memory_space<hbm>> -> memref<40x128xi32, #tpu.memory_space<hbm>>
        tpu.wait_dma2 semaphore(%run_scoped3A : memref<!tpu.dma_semaphore, #tpu.memory_space<semaphore_mem>>) src(%dma_wait3A_79 : memref<40x128xi32, #tpu.memory_space<hbm>>) dst(%arg9 : memref<40x128xi32, #tpu.memory_space<vmem>>)
        tpu.yield
      }) : () -> ()
      %dma_start3A = arith.constant 0 : i32
      %dma_start3A_7 = arith.constant 0 : i32
      %dma_start3A_8 = tpu.memref_slice %arg8[%dma_start3A, %dma_start3A_7] : memref<40x128xi32, #tpu.memory_space<vmem>> -> memref<1x128xi32, #tpu.memory_space<vmem>>
      %dma_start3A_9 = tpu.memref_squeeze %dma_start3A_8 : memref<1x128xi32, #tpu.memory_space<vmem>> -> memref<128xi32, #tpu.memory_space<vmem>>
      %dma_start3A_10 = arith.constant 0 : i32
      %dma_start3A_11 = arith.constant 0 : i32
      %dma_start3A_12 = tpu.memref_slice %arg3[%dma_start3A_10, %dma_start3A_11] : memref<10000x128xf32, #tpu.memory_space<hbm>> -> memref<10000x128xf32, #tpu.memory_space<hbm>>
      tpu.enqueue_indirect_dma source(%dma_start3A_12 : memref<10000x128xf32, #tpu.memory_space<hbm>>) target(%arg10 : memref<128x128xf32, #tpu.memory_space<vmem>>) offsets(%dma_start3A_9 : memref<128xi32, #tpu.memory_space<vmem>>) semaphore(%arg13 : memref<!tpu.dma_semaphore, #tpu.memory_space<semaphore_mem>>)
      %dma_start3A_13 = arith.constant 1 : i32
      %dma_start3A_14 = arith.constant 0 : i32
      %dma_start3A_15 = tpu.memref_slice %arg8[%dma_start3A_13, %dma_start3A_14] : memref<40x128xi32, #tpu.memory_space<vmem>> -> memref<1x128xi32, #tpu.memory_space<vmem>>
      %dma_start3A_16 = tpu.memref_squeeze %dma_start3A_15 : memref<1x128xi32, #tpu.memory_space<vmem>> -> memref<128xi32, #tpu.memory_space<vmem>>
      %dma_start3A_17 = arith.constant 0 : i32
      %dma_start3A_18 = arith.constant 0 : i32
      %dma_start3A_19 = tpu.memref_slice %arg3[%dma_start3A_17, %dma_start3A_18] : memref<10000x128xf32, #tpu.memory_space<hbm>> -> memref<10000x128xf32, #tpu.memory_space<hbm>>
      tpu.enqueue_indirect_dma source(%dma_start3A_19 : memref<10000x128xf32, #tpu.memory_space<hbm>>) target(%arg11 : memref<128x128xf32, #tpu.memory_space<vmem>>) offsets(%dma_start3A_16 : memref<128xi32, #tpu.memory_space<vmem>>) semaphore(%arg14 : memref<!tpu.dma_semaphore, #tpu.memory_space<semaphore_mem>>)
      %lt3A = arith.constant 15 : i32
      %lt3A_20 = arith.cmpi slt, %arg1, %lt3A : i32
      %convert_element_type3A_21 = arith.extui %lt3A_20 : i1 to i32
      %cond3A_22 = arith.constant 0 : i32
      %cond3A_23 = arith.cmpi ne, %convert_element_type3A_21, %cond3A_22 : i32
      scf.if %cond3A_23 {
        %mul3A = arith.constant 640 : i32
        %mul3A_65 = arith.muli %arg1, %mul3A : i32
        %mul3A_66 = arith.constant 640 : i32
        %mul3A_67 = arith.muli %arg1, %mul3A_66 : i32
        "tpu.region"() ({
          %run_scoped3A = tpu.sem_alloc : memref<!tpu.dma_semaphore, #tpu.memory_space<semaphore_mem>>
          %dma_start3A_68 = arith.constant 0 : i32
          %dma_start3A_69 = tpu.memref_slice %arg12[%mul3A_67, %dma_start3A_68] : memref<10048x128xf32, #tpu.memory_space<vmem_shared>> -> memref<640x128xf32, #tpu.memory_space<vmem_shared>>
          %dma_start3A_70 = arith.constant 0 : i32
          %dma_start3A_71 = tpu.memref_slice %arg3[%mul3A_65, %dma_start3A_70] : memref<10000x128xf32, #tpu.memory_space<hbm>> -> memref<640x128xf32, #tpu.memory_space<hbm>>
          tpu.enqueue_dma source(%dma_start3A_71 : memref<640x128xf32, #tpu.memory_space<hbm>>) target(%dma_start3A_69 : memref<640x128xf32, #tpu.memory_space<vmem_shared>>) target_semaphore(%run_scoped3A : memref<!tpu.dma_semaphore, #tpu.memory_space<semaphore_mem>>)
          %dma_wait3A = arith.constant 0 : i32
          %dma_wait3A_72 = tpu.memref_slice %arg12[%mul3A_67, %dma_wait3A] : memref<10048x128xf32, #tpu.memory_space<vmem_shared>> -> memref<640x128xf32, #tpu.memory_space<vmem_shared>>
          %dma_wait3A_73 = arith.constant 0 : i32
          %dma_wait3A_74 = tpu.memref_slice %arg3[%mul3A_65, %dma_wait3A_73] : memref<10000x128xf32, #tpu.memory_space<hbm>> -> memref<640x128xf32, #tpu.memory_space<hbm>>
          tpu.wait_dma2 semaphore(%run_scoped3A : memref<!tpu.dma_semaphore, #tpu.memory_space<semaphore_mem>>) src(%dma_wait3A_74 : memref<640x128xf32, #tpu.memory_space<hbm>>) dst(%dma_wait3A_72 : memref<640x128xf32, #tpu.memory_space<vmem_shared>>)
          tpu.yield
        }) : () -> ()
      } else {
      }
      %eq3A_24 = arith.constant 15 : i32
      %eq3A_25 = arith.cmpi eq, %arg1, %eq3A_24 : i32
      %convert_element_type3A_26 = arith.extui %eq3A_25 : i1 to i32
      %cond3A_27 = arith.constant 0 : i32
      %cond3A_28 = arith.cmpi ne, %convert_element_type3A_26, %cond3A_27 : i32
      scf.if %cond3A_28 {
        "tpu.region"() ({
          %run_scoped3A = tpu.sem_alloc : memref<!tpu.dma_semaphore, #tpu.memory_space<semaphore_mem>>
          %dma_start3A_65 = arith.constant 9600 : i32
          %dma_start3A_66 = arith.constant 0 : i32
          %dma_start3A_67 = tpu.memref_slice %arg12[%dma_start3A_65, %dma_start3A_66] : memref<10048x128xf32, #tpu.memory_space<vmem_shared>> -> memref<400x128xf32, #tpu.memory_space<vmem_shared>>
          %dma_start3A_68 = arith.constant 9600 : i32
          %dma_start3A_69 = arith.constant 0 : i32
          %dma_start3A_70 = tpu.memref_slice %arg3[%dma_start3A_68, %dma_start3A_69] : memref<10000x128xf32, #tpu.memory_space<hbm>> -> memref<400x128xf32, #tpu.memory_space<hbm>>
          tpu.enqueue_dma source(%dma_start3A_70 : memref<400x128xf32, #tpu.memory_space<hbm>>) target(%dma_start3A_67 : memref<400x128xf32, #tpu.memory_space<vmem_shared>>) target_semaphore(%run_scoped3A : memref<!tpu.dma_semaphore, #tpu.memory_space<semaphore_mem>>)
          %dma_wait3A = arith.constant 9600 : i32
          %dma_wait3A_71 = arith.constant 0 : i32
          %dma_wait3A_72 = tpu.memref_slice %arg12[%dma_wait3A, %dma_wait3A_71] : memref<10048x128xf32, #tpu.memory_space<vmem_shared>> -> memref<400x128xf32, #tpu.memory_space<vmem_shared>>
          %dma_wait3A_73 = arith.constant 9600 : i32
          %dma_wait3A_74 = arith.constant 0 : i32
          %dma_wait3A_75 = tpu.memref_slice %arg3[%dma_wait3A_73, %dma_wait3A_74] : memref<10000x128xf32, #tpu.memory_space<hbm>> -> memref<400x128xf32, #tpu.memory_space<hbm>>
          tpu.wait_dma2 semaphore(%run_scoped3A : memref<!tpu.dma_semaphore, #tpu.memory_space<semaphore_mem>>) src(%dma_wait3A_75 : memref<400x128xf32, #tpu.memory_space<hbm>>) dst(%dma_wait3A_72 : memref<400x128xf32, #tpu.memory_space<vmem_shared>>)
          tpu.yield
        }) : () -> ()
      } else {
      }
      %barrier3A = arith.constant 0 : index
      tpu.barrier barrier_id(%barrier3A)
      %scan3A = arith.constant 0 : i32
      %scan3A_29 = arith.constant 0 : i32
      %scan3A_30 = arith.constant 20 : i32
      %scan3A_31 = arith.addi %scan3A_29, %scan3A_30 : i32
      %scan3A_32 = arith.constant 1 : i32
      scf.for %scan3A_65 = %scan3A_29 to %scan3A_31 step %scan3A_32  : i32 {
        %mul3A = arith.constant 2 : i32
        %mul3A_66 = arith.muli %mul3A, %scan3A_65 : i32
        %add3A = arith.constant 0 : i32
        %add3A_67 = arith.addi %mul3A_66, %add3A : i32
        %dma_wait3A = arith.constant 0 : i32
        %dma_wait3A_68 = tpu.memref_slice %arg8[%add3A_67, %dma_wait3A] : memref<40x128xi32, #tpu.memory_space<vmem>> -> memref<1x128xi32, #tpu.memory_space<vmem>>
        %dma_wait3A_69 = tpu.memref_squeeze %dma_wait3A_68 : memref<1x128xi32, #tpu.memory_space<vmem>> -> memref<128xi32, #tpu.memory_space<vmem>>
        %dma_wait3A_70 = arith.constant 0 : i32
        %dma_wait3A_71 = arith.constant 0 : i32
        %dma_wait3A_72 = tpu.memref_slice %arg3[%dma_wait3A_70, %dma_wait3A_71] : memref<10000x128xf32, #tpu.memory_space<hbm>> -> memref<10000x128xf32, #tpu.memory_space<hbm>>
        tpu.wait_indirect_dma semaphore(%arg13 : memref<!tpu.dma_semaphore, #tpu.memory_space<semaphore_mem>>) src(%dma_wait3A_72 : memref<10000x128xf32, #tpu.memory_space<hbm>>) dst(%arg10 : memref<128x128xf32, #tpu.memory_space<vmem>>)
        %add3A_73 = arith.constant 0 : i32
        %add3A_74 = arith.addi %mul3A_66, %add3A_73 : i32
        "tpu.region"() ({
          %run_scoped3A = tpu.sem_alloc : memref<!tpu.dma_semaphore, #tpu.memory_space<semaphore_mem>>
          %dma_start3A_103 = arith.constant 0 : i32
          %dma_start3A_104 = tpu.memref_slice %arg9[%add3A_74, %dma_start3A_103] : memref<40x128xi32, #tpu.memory_space<vmem>> -> memref<1x128xi32, #tpu.memory_space<vmem>>
          %dma_start3A_105 = tpu.memref_squeeze %dma_start3A_104 : memref<1x128xi32, #tpu.memory_space<vmem>> -> memref<128xi32, #tpu.memory_space<vmem>>
          %dma_start3A_106 = arith.constant 0 : i32
          %dma_start3A_107 = arith.constant 0 : i32
          %dma_start3A_108 = tpu.memref_slice %arg12[%dma_start3A_106, %dma_start3A_107] : memref<10048x128xf32, #tpu.memory_space<vmem_shared>> -> memref<10048x128xf32, #tpu.memory_space<vmem_shared>>
          tpu.enqueue_indirect_dma source(%arg10 : memref<128x128xf32, #tpu.memory_space<vmem>>) target(%dma_start3A_108 : memref<10048x128xf32, #tpu.memory_space<vmem_shared>>) offsets(%dma_start3A_105 : memref<128xi32, #tpu.memory_space<vmem>>) semaphore(%run_scoped3A : memref<!tpu.dma_semaphore, #tpu.memory_space<semaphore_mem>>) {add = true}
          %dma_wait3A_109 = arith.constant 0 : i32
          %dma_wait3A_110 = tpu.memref_slice %arg9[%add3A_74, %dma_wait3A_109] : memref<40x128xi32, #tpu.memory_space<vmem>> -> memref<1x128xi32, #tpu.memory_space<vmem>>
          %dma_wait3A_111 = tpu.memref_squeeze %dma_wait3A_110 : memref<1x128xi32, #tpu.memory_space<vmem>> -> memref<128xi32, #tpu.memory_space<vmem>>
          %dma_wait3A_112 = arith.constant 0 : i32
          %dma_wait3A_113 = arith.constant 0 : i32
          %dma_wait3A_114 = tpu.memref_slice %arg12[%dma_wait3A_112, %dma_wait3A_113] : memref<10048x128xf32, #tpu.memory_space<vmem_shared>> -> memref<10048x128xf32, #tpu.memory_space<vmem_shared>>
          tpu.wait_indirect_dma semaphore(%run_scoped3A : memref<!tpu.dma_semaphore, #tpu.memory_space<semaphore_mem>>) src(%arg10 : memref<128x128xf32, #tpu.memory_space<vmem>>) dst(%dma_wait3A_114 : memref<10048x128xf32, #tpu.memory_space<vmem_shared>>)
          tpu.yield
        }) : () -> ()
        %add3A_75 = arith.constant 0 : i32
        %add3A_76 = arith.addi %mul3A_66, %add3A_75 : i32
        %add3A_77 = arith.constant 2 : i32
        %add3A_78 = arith.addi %add3A_76, %add3A_77 : i32
        %lt3A_79 = arith.constant 40 : i32
        %lt3A_80 = arith.cmpi slt, %add3A_78, %lt3A_79 : i32
        %convert_element_type3A_81 = arith.extui %lt3A_80 : i1 to i32
        %cond3A_82 = arith.constant 0 : i32
        %cond3A_83 = arith.cmpi ne, %convert_element_type3A_81, %cond3A_82 : i32
        scf.if %cond3A_83 {
          %add3A_103 = arith.constant 0 : i32
          %add3A_104 = arith.addi %mul3A_66, %add3A_103 : i32
          %add3A_105 = arith.constant 2 : i32
          %add3A_106 = arith.addi %add3A_104, %add3A_105 : i32
          %dma_start3A_107 = arith.constant 0 : i32
          %dma_start3A_108 = tpu.memref_slice %arg8[%add3A_106, %dma_start3A_107] : memref<40x128xi32, #tpu.memory_space<vmem>> -> memref<1x128xi32, #tpu.memory_space<vmem>>
          %dma_start3A_109 = tpu.memref_squeeze %dma_start3A_108 : memref<1x128xi32, #tpu.memory_space<vmem>> -> memref<128xi32, #tpu.memory_space<vmem>>
          %dma_start3A_110 = arith.constant 0 : i32
          %dma_start3A_111 = arith.constant 0 : i32
          %dma_start3A_112 = tpu.memref_slice %arg3[%dma_start3A_110, %dma_start3A_111] : memref<10000x128xf32, #tpu.memory_space<hbm>> -> memref<10000x128xf32, #tpu.memory_space<hbm>>
          tpu.enqueue_indirect_dma source(%dma_start3A_112 : memref<10000x128xf32, #tpu.memory_space<hbm>>) target(%arg10 : memref<128x128xf32, #tpu.memory_space<vmem>>) offsets(%dma_start3A_109 : memref<128xi32, #tpu.memory_space<vmem>>) semaphore(%arg13 : memref<!tpu.dma_semaphore, #tpu.memory_space<semaphore_mem>>)
        } else {
        }
        %add3A_84 = arith.constant 1 : i32
        %add3A_85 = arith.addi %mul3A_66, %add3A_84 : i32
        %dma_wait3A_86 = arith.constant 0 : i32
        %dma_wait3A_87 = tpu.memref_slice %arg8[%add3A_85, %dma_wait3A_86] : memref<40x128xi32, #tpu.memory_space<vmem>> -> memref<1x128xi32, #tpu.memory_space<vmem>>
        %dma_wait3A_88 = tpu.memref_squeeze %dma_wait3A_87 : memref<1x128xi32, #tpu.memory_space<vmem>> -> memref<128xi32, #tpu.memory_space<vmem>>
        %dma_wait3A_89 = arith.constant 0 : i32
        %dma_wait3A_90 = arith.constant 0 : i32
        %dma_wait3A_91 = tpu.memref_slice %arg3[%dma_wait3A_89, %dma_wait3A_90] : memref<10000x128xf32, #tpu.memory_space<hbm>> -> memref<10000x128xf32, #tpu.memory_space<hbm>>
        tpu.wait_indirect_dma semaphore(%arg14 : memref<!tpu.dma_semaphore, #tpu.memory_space<semaphore_mem>>) src(%dma_wait3A_91 : memref<10000x128xf32, #tpu.memory_space<hbm>>) dst(%arg11 : memref<128x128xf32, #tpu.memory_space<vmem>>)
        %add3A_92 = arith.constant 1 : i32
        %add3A_93 = arith.addi %mul3A_66, %add3A_92 : i32
        "tpu.region"() ({
          %run_scoped3A = tpu.sem_alloc : memref<!tpu.dma_semaphore, #tpu.memory_space<semaphore_mem>>
          %dma_start3A_103 = arith.constant 0 : i32
          %dma_start3A_104 = tpu.memref_slice %arg9[%add3A_93, %dma_start3A_103] : memref<40x128xi32, #tpu.memory_space<vmem>> -> memref<1x128xi32, #tpu.memory_space<vmem>>
          %dma_start3A_105 = tpu.memref_squeeze %dma_start3A_104 : memref<1x128xi32, #tpu.memory_space<vmem>> -> memref<128xi32, #tpu.memory_space<vmem>>
          %dma_start3A_106 = arith.constant 0 : i32
          %dma_start3A_107 = arith.constant 0 : i32
          %dma_start3A_108 = tpu.memref_slice %arg12[%dma_start3A_106, %dma_start3A_107] : memref<10048x128xf32, #tpu.memory_space<vmem_shared>> -> memref<10048x128xf32, #tpu.memory_space<vmem_shared>>
          tpu.enqueue_indirect_dma source(%arg11 : memref<128x128xf32, #tpu.memory_space<vmem>>) target(%dma_start3A_108 : memref<10048x128xf32, #tpu.memory_space<vmem_shared>>) offsets(%dma_start3A_105 : memref<128xi32, #tpu.memory_space<vmem>>) semaphore(%run_scoped3A : memref<!tpu.dma_semaphore, #tpu.memory_space<semaphore_mem>>) {add = true}
          %dma_wait3A_109 = arith.constant 0 : i32
          %dma_wait3A_110 = tpu.memref_slice %arg9[%add3A_93, %dma_wait3A_109] : memref<40x128xi32, #tpu.memory_space<vmem>> -> memref<1x128xi32, #tpu.memory_space<vmem>>
          %dma_wait3A_111 = tpu.memref_squeeze %dma_wait3A_110 : memref<1x128xi32, #tpu.memory_space<vmem>> -> memref<128xi32, #tpu.memory_space<vmem>>
          %dma_wait3A_112 = arith.constant 0 : i32
          %dma_wait3A_113 = arith.constant 0 : i32
          %dma_wait3A_114 = tpu.memref_slice %arg12[%dma_wait3A_112, %dma_wait3A_113] : memref<10048x128xf32, #tpu.memory_space<vmem_shared>> -> memref<10048x128xf32, #tpu.memory_space<vmem_shared>>
          tpu.wait_indirect_dma semaphore(%run_scoped3A : memref<!tpu.dma_semaphore, #tpu.memory_space<semaphore_mem>>) src(%arg11 : memref<128x128xf32, #tpu.memory_space<vmem>>) dst(%dma_wait3A_114 : memref<10048x128xf32, #tpu.memory_space<vmem_shared>>)
          tpu.yield
        }) : () -> ()
        %add3A_94 = arith.constant 1 : i32
        %add3A_95 = arith.addi %mul3A_66, %add3A_94 : i32
        %add3A_96 = arith.constant 2 : i32
        %add3A_97 = arith.addi %add3A_95, %add3A_96 : i32
        %lt3A_98 = arith.constant 40 : i32
        %lt3A_99 = arith.cmpi slt, %add3A_97, %lt3A_98 : i32
        %convert_element_type3A_100 = arith.extui %lt3A_99 : i1 to i32
        %cond3A_101 = arith.constant 0 : i32
        %cond3A_102 = arith.cmpi ne, %convert_element_type3A_100, %cond3A_101 : i32
        scf.if %cond3A_102 {
          %add3A_103 = arith.constant 1 : i32
          %add3A_104 = arith.addi %mul3A_66, %add3A_103 : i32
          %add3A_105 = arith.constant 2 : i32
          %add3A_106 = arith.addi %add3A_104, %add3A_105 : i32
          %dma_start3A_107 = arith.constant 0 : i32
          %dma_start3A_108 = tpu.memref_slice %arg8[%add3A_106, %dma_start3A_107] : memref<40x128xi32, #tpu.memory_space<vmem>> -> memref<1x128xi32, #tpu.memory_space<vmem>>
          %dma_start3A_109 = tpu.memref_squeeze %dma_start3A_108 : memref<1x128xi32, #tpu.memory_space<vmem>> -> memref<128xi32, #tpu.memory_space<vmem>>
          %dma_start3A_110 = arith.constant 0 : i32
          %dma_start3A_111 = arith.constant 0 : i32
          %dma_start3A_112 = tpu.memref_slice %arg3[%dma_start3A_110, %dma_start3A_111] : memref<10000x128xf32, #tpu.memory_space<hbm>> -> memref<10000x128xf32, #tpu.memory_space<hbm>>
          tpu.enqueue_indirect_dma source(%dma_start3A_112 : memref<10000x128xf32, #tpu.memory_space<hbm>>) target(%arg11 : memref<128x128xf32, #tpu.memory_space<vmem>>) offsets(%dma_start3A_109 : memref<128xi32, #tpu.memory_space<vmem>>) semaphore(%arg14 : memref<!tpu.dma_semaphore, #tpu.memory_space<semaphore_mem>>)
        } else {
        }
      }
      %scan3A_33 = arith.constant 20 : i32
      "tpu.region"() ({
        %run_scoped3A = tpu.sem_alloc : memref<!tpu.dma_semaphore, #tpu.memory_space<semaphore_mem>>
        %dma_start3A_65 = arith.constant 40 : i32
        %dma_start3A_66 = arith.constant 0 : i32
        %dma_start3A_67 = tpu.memref_slice %arg4[%arg1, %dma_start3A_65, %dma_start3A_66] : memref<16x80x128xi32, #tpu.memory_space<hbm>> -> memref<1x40x128xi32, #tpu.memory_space<hbm>>
        %dma_start3A_68 = tpu.memref_squeeze %dma_start3A_67 : memref<1x40x128xi32, #tpu.memory_space<hbm>> -> memref<40x128xi32, #tpu.memory_space<hbm>>
        %dma_start3A_69 = arith.constant 40 : i32
        %dma_start3A_70 = arith.constant 0 : i32
        %dma_start3A_71 = tpu.memref_slice %arg4[%arg1, %dma_start3A_69, %dma_start3A_70] : memref<16x80x128xi32, #tpu.memory_space<hbm>> -> memref<1x40x128xi32, #tpu.memory_space<hbm>>
        %dma_start3A_72 = tpu.memref_squeeze %dma_start3A_71 : memref<1x40x128xi32, #tpu.memory_space<hbm>> -> memref<40x128xi32, #tpu.memory_space<hbm>>
        tpu.enqueue_dma source(%dma_start3A_72 : memref<40x128xi32, #tpu.memory_space<hbm>>) target(%arg8 : memref<40x128xi32, #tpu.memory_space<vmem>>) target_semaphore(%run_scoped3A : memref<!tpu.dma_semaphore, #tpu.memory_space<semaphore_mem>>)
        %dma_wait3A = arith.constant 40 : i32
        %dma_wait3A_73 = arith.constant 0 : i32
        %dma_wait3A_74 = tpu.memref_slice %arg4[%arg1, %dma_wait3A, %dma_wait3A_73] : memref<16x80x128xi32, #tpu.memory_space<hbm>> -> memref<1x40x128xi32, #tpu.memory_space<hbm>>
        %dma_wait3A_75 = tpu.memref_squeeze %dma_wait3A_74 : memref<1x40x128xi32, #tpu.memory_space<hbm>> -> memref<40x128xi32, #tpu.memory_space<hbm>>
        %dma_wait3A_76 = arith.constant 40 : i32
        %dma_wait3A_77 = arith.constant 0 : i32
        %dma_wait3A_78 = tpu.memref_slice %arg4[%arg1, %dma_wait3A_76, %dma_wait3A_77] : memref<16x80x128xi32, #tpu.memory_space<hbm>> -> memref<1x40x128xi32, #tpu.memory_space<hbm>>
        %dma_wait3A_79 = tpu.memref_squeeze %dma_wait3A_78 : memref<1x40x128xi32, #tpu.memory_space<hbm>> -> memref<40x128xi32, #tpu.memory_space<hbm>>
        tpu.wait_dma2 semaphore(%run_scoped3A : memref<!tpu.dma_semaphore, #tpu.memory_space<semaphore_mem>>) src(%dma_wait3A_79 : memref<40x128xi32, #tpu.memory_space<hbm>>) dst(%arg8 : memref<40x128xi32, #tpu.memory_space<vmem>>)
        tpu.yield
      }) : () -> ()
      "tpu.region"() ({
        %run_scoped3A = tpu.sem_alloc : memref<!tpu.dma_semaphore, #tpu.memory_space<semaphore_mem>>
        %dma_start3A_65 = arith.constant 40 : i32
        %dma_start3A_66 = arith.constant 0 : i32
        %dma_start3A_67 = tpu.memref_slice %arg5[%arg1, %dma_start3A_65, %dma_start3A_66] : memref<16x80x128xi32, #tpu.memory_space<hbm>> -> memref<1x40x128xi32, #tpu.memory_space<hbm>>
        %dma_start3A_68 = tpu.memref_squeeze %dma_start3A_67 : memref<1x40x128xi32, #tpu.memory_space<hbm>> -> memref<40x128xi32, #tpu.memory_space<hbm>>
        %dma_start3A_69 = arith.constant 40 : i32
        %dma_start3A_70 = arith.constant 0 : i32
        %dma_start3A_71 = tpu.memref_slice %arg5[%arg1, %dma_start3A_69, %dma_start3A_70] : memref<16x80x128xi32, #tpu.memory_space<hbm>> -> memref<1x40x128xi32, #tpu.memory_space<hbm>>
        %dma_start3A_72 = tpu.memref_squeeze %dma_start3A_71 : memref<1x40x128xi32, #tpu.memory_space<hbm>> -> memref<40x128xi32, #tpu.memory_space<hbm>>
        tpu.enqueue_dma source(%dma_start3A_72 : memref<40x128xi32, #tpu.memory_space<hbm>>) target(%arg9 : memref<40x128xi32, #tpu.memory_space<vmem>>) target_semaphore(%run_scoped3A : memref<!tpu.dma_semaphore, #tpu.memory_space<semaphore_mem>>)
        %dma_wait3A = arith.constant 40 : i32
        %dma_wait3A_73 = arith.constant 0 : i32
        %dma_wait3A_74 = tpu.memref_slice %arg5[%arg1, %dma_wait3A, %dma_wait3A_73] : memref<16x80x128xi32, #tpu.memory_space<hbm>> -> memref<1x40x128xi32, #tpu.memory_space<hbm>>
        %dma_wait3A_75 = tpu.memref_squeeze %dma_wait3A_74 : memref<1x40x128xi32, #tpu.memory_space<hbm>> -> memref<40x128xi32, #tpu.memory_space<hbm>>
        %dma_wait3A_76 = arith.constant 40 : i32
        %dma_wait3A_77 = arith.constant 0 : i32
        %dma_wait3A_78 = tpu.memref_slice %arg5[%arg1, %dma_wait3A_76, %dma_wait3A_77] : memref<16x80x128xi32, #tpu.memory_space<hbm>> -> memref<1x40x128xi32, #tpu.memory_space<hbm>>
        %dma_wait3A_79 = tpu.memref_squeeze %dma_wait3A_78 : memref<1x40x128xi32, #tpu.memory_space<hbm>> -> memref<40x128xi32, #tpu.memory_space<hbm>>
        tpu.wait_dma2 semaphore(%run_scoped3A : memref<!tpu.dma_semaphore, #tpu.memory_space<semaphore_mem>>) src(%dma_wait3A_79 : memref<40x128xi32, #tpu.memory_space<hbm>>) dst(%arg9 : memref<40x128xi32, #tpu.memory_space<vmem>>)
        tpu.yield
      }) : () -> ()
      %dma_start3A_34 = arith.constant 0 : i32
      %dma_start3A_35 = arith.constant 0 : i32
      %dma_start3A_36 = tpu.memref_slice %arg8[%dma_start3A_34, %dma_start3A_35] : memref<40x128xi32, #tpu.memory_space<vmem>> -> memref<1x128xi32, #tpu.memory_space<vmem>>
      %dma_start3A_37 = tpu.memref_squeeze %dma_start3A_36 : memref<1x128xi32, #tpu.memory_space<vmem>> -> memref<128xi32, #tpu.memory_space<vmem>>
      %dma_start3A_38 = arith.constant 0 : i32
      %dma_start3A_39 = arith.constant 0 : i32
      %dma_start3A_40 = tpu.memref_slice %arg3[%dma_start3A_38, %dma_start3A_39] : memref<10000x128xf32, #tpu.memory_space<hbm>> -> memref<10000x128xf32, #tpu.memory_space<hbm>>
      tpu.enqueue_indirect_dma source(%dma_start3A_40 : memref<10000x128xf32, #tpu.memory_space<hbm>>) target(%arg10 : memref<128x128xf32, #tpu.memory_space<vmem>>) offsets(%dma_start3A_37 : memref<128xi32, #tpu.memory_space<vmem>>) semaphore(%arg13 : memref<!tpu.dma_semaphore, #tpu.memory_space<semaphore_mem>>)
      %dma_start3A_41 = arith.constant 1 : i32
      %dma_start3A_42 = arith.constant 0 : i32
      %dma_start3A_43 = tpu.memref_slice %arg8[%dma_start3A_41, %dma_start3A_42] : memref<40x128xi32, #tpu.memory_space<vmem>> -> memref<1x128xi32, #tpu.memory_space<vmem>>
      %dma_start3A_44 = tpu.memref_squeeze %dma_start3A_43 : memref<1x128xi32, #tpu.memory_space<vmem>> -> memref<128xi32, #tpu.memory_space<vmem>>
      %dma_start3A_45 = arith.constant 0 : i32
      %dma_start3A_46 = arith.constant 0 : i32
      %dma_start3A_47 = tpu.memref_slice %arg3[%dma_start3A_45, %dma_start3A_46] : memref<10000x128xf32, #tpu.memory_space<hbm>> -> memref<10000x128xf32, #tpu.memory_space<hbm>>
      tpu.enqueue_indirect_dma source(%dma_start3A_47 : memref<10000x128xf32, #tpu.memory_space<hbm>>) target(%arg11 : memref<128x128xf32, #tpu.memory_space<vmem>>) offsets(%dma_start3A_44 : memref<128xi32, #tpu.memory_space<vmem>>) semaphore(%arg14 : memref<!tpu.dma_semaphore, #tpu.memory_space<semaphore_mem>>)
      %scan3A_48 = arith.constant 0 : i32
      %scan3A_49 = arith.constant 0 : i32
      %scan3A_50 = arith.constant 20 : i32
      %scan3A_51 = arith.addi %scan3A_49, %scan3A_50 : i32
      %scan3A_52 = arith.constant 1 : i32
      scf.for %scan3A_65 = %scan3A_49 to %scan3A_51 step %scan3A_52  : i32 {
        %mul3A = arith.constant 2 : i32
        %mul3A_66 = arith.muli %mul3A, %scan3A_65 : i32
        %add3A = arith.constant 0 : i32
        %add3A_67 = arith.addi %mul3A_66, %add3A : i32
        %dma_wait3A = arith.constant 0 : i32
        %dma_wait3A_68 = tpu.memref_slice %arg8[%add3A_67, %dma_wait3A] : memref<40x128xi32, #tpu.memory_space<vmem>> -> memref<1x128xi32, #tpu.memory_space<vmem>>
        %dma_wait3A_69 = tpu.memref_squeeze %dma_wait3A_68 : memref<1x128xi32, #tpu.memory_space<vmem>> -> memref<128xi32, #tpu.memory_space<vmem>>
        %dma_wait3A_70 = arith.constant 0 : i32
        %dma_wait3A_71 = arith.constant 0 : i32
        %dma_wait3A_72 = tpu.memref_slice %arg3[%dma_wait3A_70, %dma_wait3A_71] : memref<10000x128xf32, #tpu.memory_space<hbm>> -> memref<10000x128xf32, #tpu.memory_space<hbm>>
        tpu.wait_indirect_dma semaphore(%arg13 : memref<!tpu.dma_semaphore, #tpu.memory_space<semaphore_mem>>) src(%dma_wait3A_72 : memref<10000x128xf32, #tpu.memory_space<hbm>>) dst(%arg10 : memref<128x128xf32, #tpu.memory_space<vmem>>)
        %add3A_73 = arith.constant 0 : i32
        %add3A_74 = arith.addi %mul3A_66, %add3A_73 : i32
        "tpu.region"() ({
          %run_scoped3A = tpu.sem_alloc : memref<!tpu.dma_semaphore, #tpu.memory_space<semaphore_mem>>
          %dma_start3A_103 = arith.constant 0 : i32
          %dma_start3A_104 = tpu.memref_slice %arg9[%add3A_74, %dma_start3A_103] : memref<40x128xi32, #tpu.memory_space<vmem>> -> memref<1x128xi32, #tpu.memory_space<vmem>>
          %dma_start3A_105 = tpu.memref_squeeze %dma_start3A_104 : memref<1x128xi32, #tpu.memory_space<vmem>> -> memref<128xi32, #tpu.memory_space<vmem>>
          %dma_start3A_106 = arith.constant 0 : i32
          %dma_start3A_107 = arith.constant 0 : i32
          %dma_start3A_108 = tpu.memref_slice %arg12[%dma_start3A_106, %dma_start3A_107] : memref<10048x128xf32, #tpu.memory_space<vmem_shared>> -> memref<10048x128xf32, #tpu.memory_space<vmem_shared>>
          tpu.enqueue_indirect_dma source(%arg10 : memref<128x128xf32, #tpu.memory_space<vmem>>) target(%dma_start3A_108 : memref<10048x128xf32, #tpu.memory_space<vmem_shared>>) offsets(%dma_start3A_105 : memref<128xi32, #tpu.memory_space<vmem>>) semaphore(%run_scoped3A : memref<!tpu.dma_semaphore, #tpu.memory_space<semaphore_mem>>) {add = true}
          %dma_wait3A_109 = arith.constant 0 : i32
          %dma_wait3A_110 = tpu.memref_slice %arg9[%add3A_74, %dma_wait3A_109] : memref<40x128xi32, #tpu.memory_space<vmem>> -> memref<1x128xi32, #tpu.memory_space<vmem>>
          %dma_wait3A_111 = tpu.memref_squeeze %dma_wait3A_110 : memref<1x128xi32, #tpu.memory_space<vmem>> -> memref<128xi32, #tpu.memory_space<vmem>>
          %dma_wait3A_112 = arith.constant 0 : i32
          %dma_wait3A_113 = arith.constant 0 : i32
          %dma_wait3A_114 = tpu.memref_slice %arg12[%dma_wait3A_112, %dma_wait3A_113] : memref<10048x128xf32, #tpu.memory_space<vmem_shared>> -> memref<10048x128xf32, #tpu.memory_space<vmem_shared>>
          tpu.wait_indirect_dma semaphore(%run_scoped3A : memref<!tpu.dma_semaphore, #tpu.memory_space<semaphore_mem>>) src(%arg10 : memref<128x128xf32, #tpu.memory_space<vmem>>) dst(%dma_wait3A_114 : memref<10048x128xf32, #tpu.memory_space<vmem_shared>>)
          tpu.yield
        }) : () -> ()
        %add3A_75 = arith.constant 0 : i32
        %add3A_76 = arith.addi %mul3A_66, %add3A_75 : i32
        %add3A_77 = arith.constant 2 : i32
        %add3A_78 = arith.addi %add3A_76, %add3A_77 : i32
        %lt3A_79 = arith.constant 40 : i32
        %lt3A_80 = arith.cmpi slt, %add3A_78, %lt3A_79 : i32
        %convert_element_type3A_81 = arith.extui %lt3A_80 : i1 to i32
        %cond3A_82 = arith.constant 0 : i32
        %cond3A_83 = arith.cmpi ne, %convert_element_type3A_81, %cond3A_82 : i32
        scf.if %cond3A_83 {
          %add3A_103 = arith.constant 0 : i32
          %add3A_104 = arith.addi %mul3A_66, %add3A_103 : i32
          %add3A_105 = arith.constant 2 : i32
          %add3A_106 = arith.addi %add3A_104, %add3A_105 : i32
          %dma_start3A_107 = arith.constant 0 : i32
          %dma_start3A_108 = tpu.memref_slice %arg8[%add3A_106, %dma_start3A_107] : memref<40x128xi32, #tpu.memory_space<vmem>> -> memref<1x128xi32, #tpu.memory_space<vmem>>
          %dma_start3A_109 = tpu.memref_squeeze %dma_start3A_108 : memref<1x128xi32, #tpu.memory_space<vmem>> -> memref<128xi32, #tpu.memory_space<vmem>>
          %dma_start3A_110 = arith.constant 0 : i32
          %dma_start3A_111 = arith.constant 0 : i32
          %dma_start3A_112 = tpu.memref_slice %arg3[%dma_start3A_110, %dma_start3A_111] : memref<10000x128xf32, #tpu.memory_space<hbm>> -> memref<10000x128xf32, #tpu.memory_space<hbm>>
          tpu.enqueue_indirect_dma source(%dma_start3A_112 : memref<10000x128xf32, #tpu.memory_space<hbm>>) target(%arg10 : memref<128x128xf32, #tpu.memory_space<vmem>>) offsets(%dma_start3A_109 : memref<128xi32, #tpu.memory_space<vmem>>) semaphore(%arg13 : memref<!tpu.dma_semaphore, #tpu.memory_space<semaphore_mem>>)
        } else {
        }
        %add3A_84 = arith.constant 1 : i32
        %add3A_85 = arith.addi %mul3A_66, %add3A_84 : i32
        %dma_wait3A_86 = arith.constant 0 : i32
        %dma_wait3A_87 = tpu.memref_slice %arg8[%add3A_85, %dma_wait3A_86] : memref<40x128xi32, #tpu.memory_space<vmem>> -> memref<1x128xi32, #tpu.memory_space<vmem>>
        %dma_wait3A_88 = tpu.memref_squeeze %dma_wait3A_87 : memref<1x128xi32, #tpu.memory_space<vmem>> -> memref<128xi32, #tpu.memory_space<vmem>>
        %dma_wait3A_89 = arith.constant 0 : i32
        %dma_wait3A_90 = arith.constant 0 : i32
        %dma_wait3A_91 = tpu.memref_slice %arg3[%dma_wait3A_89, %dma_wait3A_90] : memref<10000x128xf32, #tpu.memory_space<hbm>> -> memref<10000x128xf32, #tpu.memory_space<hbm>>
        tpu.wait_indirect_dma semaphore(%arg14 : memref<!tpu.dma_semaphore, #tpu.memory_space<semaphore_mem>>) src(%dma_wait3A_91 : memref<10000x128xf32, #tpu.memory_space<hbm>>) dst(%arg11 : memref<128x128xf32, #tpu.memory_space<vmem>>)
        %add3A_92 = arith.constant 1 : i32
        %add3A_93 = arith.addi %mul3A_66, %add3A_92 : i32
        "tpu.region"() ({
          %run_scoped3A = tpu.sem_alloc : memref<!tpu.dma_semaphore, #tpu.memory_space<semaphore_mem>>
          %dma_start3A_103 = arith.constant 0 : i32
          %dma_start3A_104 = tpu.memref_slice %arg9[%add3A_93, %dma_start3A_103] : memref<40x128xi32, #tpu.memory_space<vmem>> -> memref<1x128xi32, #tpu.memory_space<vmem>>
          %dma_start3A_105 = tpu.memref_squeeze %dma_start3A_104 : memref<1x128xi32, #tpu.memory_space<vmem>> -> memref<128xi32, #tpu.memory_space<vmem>>
          %dma_start3A_106 = arith.constant 0 : i32
          %dma_start3A_107 = arith.constant 0 : i32
          %dma_start3A_108 = tpu.memref_slice %arg12[%dma_start3A_106, %dma_start3A_107] : memref<10048x128xf32, #tpu.memory_space<vmem_shared>> -> memref<10048x128xf32, #tpu.memory_space<vmem_shared>>
          tpu.enqueue_indirect_dma source(%arg11 : memref<128x128xf32, #tpu.memory_space<vmem>>) target(%dma_start3A_108 : memref<10048x128xf32, #tpu.memory_space<vmem_shared>>) offsets(%dma_start3A_105 : memref<128xi32, #tpu.memory_space<vmem>>) semaphore(%run_scoped3A : memref<!tpu.dma_semaphore, #tpu.memory_space<semaphore_mem>>) {add = true}
          %dma_wait3A_109 = arith.constant 0 : i32
          %dma_wait3A_110 = tpu.memref_slice %arg9[%add3A_93, %dma_wait3A_109] : memref<40x128xi32, #tpu.memory_space<vmem>> -> memref<1x128xi32, #tpu.memory_space<vmem>>
          %dma_wait3A_111 = tpu.memref_squeeze %dma_wait3A_110 : memref<1x128xi32, #tpu.memory_space<vmem>> -> memref<128xi32, #tpu.memory_space<vmem>>
          %dma_wait3A_112 = arith.constant 0 : i32
          %dma_wait3A_113 = arith.constant 0 : i32
          %dma_wait3A_114 = tpu.memref_slice %arg12[%dma_wait3A_112, %dma_wait3A_113] : memref<10048x128xf32, #tpu.memory_space<vmem_shared>> -> memref<10048x128xf32, #tpu.memory_space<vmem_shared>>
          tpu.wait_indirect_dma semaphore(%run_scoped3A : memref<!tpu.dma_semaphore, #tpu.memory_space<semaphore_mem>>) src(%arg11 : memref<128x128xf32, #tpu.memory_space<vmem>>) dst(%dma_wait3A_114 : memref<10048x128xf32, #tpu.memory_space<vmem_shared>>)
          tpu.yield
        }) : () -> ()
        %add3A_94 = arith.constant 1 : i32
        %add3A_95 = arith.addi %mul3A_66, %add3A_94 : i32
        %add3A_96 = arith.constant 2 : i32
        %add3A_97 = arith.addi %add3A_95, %add3A_96 : i32
        %lt3A_98 = arith.constant 40 : i32
        %lt3A_99 = arith.cmpi slt, %add3A_97, %lt3A_98 : i32
        %convert_element_type3A_100 = arith.extui %lt3A_99 : i1 to i32
        %cond3A_101 = arith.constant 0 : i32
        %cond3A_102 = arith.cmpi ne, %convert_element_type3A_100, %cond3A_101 : i32
        scf.if %cond3A_102 {
          %add3A_103 = arith.constant 1 : i32
          %add3A_104 = arith.addi %mul3A_66, %add3A_103 : i32
          %add3A_105 = arith.constant 2 : i32
          %add3A_106 = arith.addi %add3A_104, %add3A_105 : i32
          %dma_start3A_107 = arith.constant 0 : i32
          %dma_start3A_108 = tpu.memref_slice %arg8[%add3A_106, %dma_start3A_107] : memref<40x128xi32, #tpu.memory_space<vmem>> -> memref<1x128xi32, #tpu.memory_space<vmem>>
          %dma_start3A_109 = tpu.memref_squeeze %dma_start3A_108 : memref<1x128xi32, #tpu.memory_space<vmem>> -> memref<128xi32, #tpu.memory_space<vmem>>
          %dma_start3A_110 = arith.constant 0 : i32
          %dma_start3A_111 = arith.constant 0 : i32
          %dma_start3A_112 = tpu.memref_slice %arg3[%dma_start3A_110, %dma_start3A_111] : memref<10000x128xf32, #tpu.memory_space<hbm>> -> memref<10000x128xf32, #tpu.memory_space<hbm>>
          tpu.enqueue_indirect_dma source(%dma_start3A_112 : memref<10000x128xf32, #tpu.memory_space<hbm>>) target(%arg11 : memref<128x128xf32, #tpu.memory_space<vmem>>) offsets(%dma_start3A_109 : memref<128xi32, #tpu.memory_space<vmem>>) semaphore(%arg14 : memref<!tpu.dma_semaphore, #tpu.memory_space<semaphore_mem>>)
        } else {
        }
      }
      %scan3A_53 = arith.constant 20 : i32
      %barrier3A_54 = arith.constant 0 : index
      tpu.barrier barrier_id(%barrier3A_54)
      %lt3A_55 = arith.constant 15 : i32
      %lt3A_56 = arith.cmpi slt, %arg1, %lt3A_55 : i32
      %convert_element_type3A_57 = arith.extui %lt3A_56 : i1 to i32
      %cond3A_58 = arith.constant 0 : i32
      %cond3A_59 = arith.cmpi ne, %convert_element_type3A_57, %cond3A_58 : i32
      scf.if %cond3A_59 {
        %mul3A = arith.constant 640 : i32
        %mul3A_65 = arith.muli %arg1, %mul3A : i32
        %mul3A_66 = arith.constant 640 : i32
        %mul3A_67 = arith.muli %arg1, %mul3A_66 : i32
        "tpu.region"() ({
          %run_scoped3A = tpu.sem_alloc : memref<!tpu.dma_semaphore, #tpu.memory_space<semaphore_mem>>
          %dma_start3A_68 = arith.constant 0 : i32
          %dma_start3A_69 = tpu.memref_slice %arg7[%mul3A_67, %dma_start3A_68] : memref<10000x128xf32, #tpu.memory_space<hbm>> -> memref<640x128xf32, #tpu.memory_space<hbm>>
          %dma_start3A_70 = arith.constant 0 : i32
          %dma_start3A_71 = tpu.memref_slice %arg12[%mul3A_65, %dma_start3A_70] : memref<10048x128xf32, #tpu.memory_space<vmem_shared>> -> memref<640x128xf32, #tpu.memory_space<vmem_shared>>
          tpu.enqueue_dma source(%dma_start3A_71 : memref<640x128xf32, #tpu.memory_space<vmem_shared>>) target(%dma_start3A_69 : memref<640x128xf32, #tpu.memory_space<hbm>>) target_semaphore(%run_scoped3A : memref<!tpu.dma_semaphore, #tpu.memory_space<semaphore_mem>>)
          %dma_wait3A = arith.constant 0 : i32
          %dma_wait3A_72 = tpu.memref_slice %arg7[%mul3A_67, %dma_wait3A] : memref<10000x128xf32, #tpu.memory_space<hbm>> -> memref<640x128xf32, #tpu.memory_space<hbm>>
          %dma_wait3A_73 = arith.constant 0 : i32
          %dma_wait3A_74 = tpu.memref_slice %arg12[%mul3A_65, %dma_wait3A_73] : memref<10048x128xf32, #tpu.memory_space<vmem_shared>> -> memref<640x128xf32, #tpu.memory_space<vmem_shared>>
          tpu.wait_dma2 semaphore(%run_scoped3A : memref<!tpu.dma_semaphore, #tpu.memory_space<semaphore_mem>>) src(%dma_wait3A_74 : memref<640x128xf32, #tpu.memory_space<vmem_shared>>) dst(%dma_wait3A_72 : memref<640x128xf32, #tpu.memory_space<hbm>>)
          tpu.yield
        }) : () -> ()
      } else {
      }
      %eq3A_60 = arith.constant 15 : i32
      %eq3A_61 = arith.cmpi eq, %arg1, %eq3A_60 : i32
      %convert_element_type3A_62 = arith.extui %eq3A_61 : i1 to i32
      %cond3A_63 = arith.constant 0 : i32
      %cond3A_64 = arith.cmpi ne, %convert_element_type3A_62, %cond3A_63 : i32
      scf.if %cond3A_64 {
        "tpu.region"() ({
          %run_scoped3A = tpu.sem_alloc : memref<!tpu.dma_semaphore, #tpu.memory_space<semaphore_mem>>
          %dma_start3A_65 = arith.constant 9600 : i32
          %dma_start3A_66 = arith.constant 0 : i32
          %dma_start3A_67 = tpu.memref_slice %arg7[%dma_start3A_65, %dma_start3A_66] : memref<10000x128xf32, #tpu.memory_space<hbm>> -> memref<400x128xf32, #tpu.memory_space<hbm>>
          %dma_start3A_68 = arith.constant 9600 : i32
          %dma_start3A_69 = arith.constant 0 : i32
          %dma_start3A_70 = tpu.memref_slice %arg12[%dma_start3A_68, %dma_start3A_69] : memref<10048x128xf32, #tpu.memory_space<vmem_shared>> -> memref<400x128xf32, #tpu.memory_space<vmem_shared>>
          tpu.enqueue_dma source(%dma_start3A_70 : memref<400x128xf32, #tpu.memory_space<vmem_shared>>) target(%dma_start3A_67 : memref<400x128xf32, #tpu.memory_space<hbm>>) target_semaphore(%run_scoped3A : memref<!tpu.dma_semaphore, #tpu.memory_space<semaphore_mem>>)
          %dma_wait3A = arith.constant 9600 : i32
          %dma_wait3A_71 = arith.constant 0 : i32
          %dma_wait3A_72 = tpu.memref_slice %arg7[%dma_wait3A, %dma_wait3A_71] : memref<10000x128xf32, #tpu.memory_space<hbm>> -> memref<400x128xf32, #tpu.memory_space<hbm>>
          %dma_wait3A_73 = arith.constant 9600 : i32
          %dma_wait3A_74 = arith.constant 0 : i32
          %dma_wait3A_75 = tpu.memref_slice %arg12[%dma_wait3A_73, %dma_wait3A_74] : memref<10048x128xf32, #tpu.memory_space<vmem_shared>> -> memref<400x128xf32, #tpu.memory_space<vmem_shared>>
          tpu.wait_dma2 semaphore(%run_scoped3A : memref<!tpu.dma_semaphore, #tpu.memory_space<semaphore_mem>>) src(%dma_wait3A_75 : memref<400x128xf32, #tpu.memory_space<vmem_shared>>) dst(%dma_wait3A_72 : memref<400x128xf32, #tpu.memory_space<hbm>>)
          tpu.yield
        }) : () -> ()
      } else {
      }
    } else {
    }
    return
  }
}

#map = affine_map<(d0, d1) -> (0, 0)>
#map1 = affine_map<(d0, d1) -> (0, 0, 0)>
module attributes {stable_mosaic.version = 14 : i64} {
  func.func @_sc_agg_kernel(%arg0: i32, %arg1: i32, %arg2: memref<10000x128xf32, #tpu.memory_space<hbm>>, %arg3: memref<10000x128xf32, #tpu.memory_space<hbm>>, %arg4: memref<16x80x128xi32, #tpu.memory_space<hbm>>, %arg5: memref<16x80x128xi32, #tpu.memory_space<hbm>>, %arg6: memref<10000x128xf32, #tpu.memory_space<hbm>>, %arg7: memref<10000x128xf32, #tpu.memory_space<hbm>>, %arg8: memref<40x128xi32, #tpu.memory_space<vmem>>, %arg9: memref<40x128xi32, #tpu.memory_space<vmem>>, %arg10: memref<128x128xf32, #tpu.memory_space<vmem>>, %arg11: memref<128x128xf32, #tpu.memory_space<vmem>>, %arg12: memref<10048x128xf32, #tpu.memory_space<vmem_shared>>, %arg13: memref<!tpu.dma_semaphore, #tpu.memory_space<semaphore_mem>>, %arg14: memref<!tpu.dma_semaphore, #tpu.memory_space<semaphore_mem>>) attributes {dimension_semantics = [#tpu.dimension_semantics<core_parallel>, #tpu.dimension_semantics<subcore_parallel>], iteration_bounds = array<i64: 2, 16>, scalar_prefetch = 0 : i64, scratch_operands = 7 : i64, tpu.core_type = #tpu.core_type<sc_vector_subcore>, window_params = [{transform_indices = #map}, {transform_indices = #map}, {transform_indices = #map1}, {transform_indices = #map1}, {transform_indices = #map}, {transform_indices = #map}]} {
    %eq3A = arith.constant 0 : i32
    %eq3A_0 = arith.cmpi eq, %arg0, %eq3A : i32
    %convert_element_type3A = arith.extui %eq3A_0 : i1 to i32
    %cond3A = arith.constant 0 : i32
    %cond3A_1 = arith.cmpi ne, %convert_element_type3A, %cond3A : i32
    scf.if %cond3A_1 {
      "tpu.region"() ({
        %run_scoped3A = tpu.sem_alloc : memref<!tpu.dma_semaphore, #tpu.memory_space<semaphore_mem>>
        %dma_start3A_65 = arith.constant 0 : i32
        %dma_start3A_66 = arith.constant 0 : i32
        %dma_start3A_67 = tpu.memref_slice %arg4[%arg1, %dma_start3A_65, %dma_start3A_66] : memref<16x80x128xi32, #tpu.memory_space<hbm>> -> memref<1x40x128xi32, #tpu.memory_space<hbm>>
        %dma_start3A_68 = tpu.memref_squeeze %dma_start3A_67 : memref<1x40x128xi32, #tpu.memory_space<hbm>> -> memref<40x128xi32, #tpu.memory_space<hbm>>
        %dma_start3A_69 = arith.constant 0 : i32
        %dma_start3A_70 = arith.constant 0 : i32
        %dma_start3A_71 = tpu.memref_slice %arg4[%arg1, %dma_start3A_69, %dma_start3A_70] : memref<16x80x128xi32, #tpu.memory_space<hbm>> -> memref<1x40x128xi32, #tpu.memory_space<hbm>>
        %dma_start3A_72 = tpu.memref_squeeze %dma_start3A_71 : memref<1x40x128xi32, #tpu.memory_space<hbm>> -> memref<40x128xi32, #tpu.memory_space<hbm>>
        tpu.enqueue_dma source(%dma_start3A_72 : memref<40x128xi32, #tpu.memory_space<hbm>>) target(%arg8 : memref<40x128xi32, #tpu.memory_space<vmem>>) target_semaphore(%run_scoped3A : memref<!tpu.dma_semaphore, #tpu.memory_space<semaphore_mem>>)
        %dma_wait3A = arith.constant 0 : i32
        %dma_wait3A_73 = arith.constant 0 : i32
        %dma_wait3A_74 = tpu.memref_slice %arg4[%arg1, %dma_wait3A, %dma_wait3A_73] : memref<16x80x128xi32, #tpu.memory_space<hbm>> -> memref<1x40x128xi32, #tpu.memory_space<hbm>>
        %dma_wait3A_75 = tpu.memref_squeeze %dma_wait3A_74 : memref<1x40x128xi32, #tpu.memory_space<hbm>> -> memref<40x128xi32, #tpu.memory_space<hbm>>
        %dma_wait3A_76 = arith.constant 0 : i32
        %dma_wait3A_77 = arith.constant 0 : i32
        %dma_wait3A_78 = tpu.memref_slice %arg4[%arg1, %dma_wait3A_76, %dma_wait3A_77] : memref<16x80x128xi32, #tpu.memory_space<hbm>> -> memref<1x40x128xi32, #tpu.memory_space<hbm>>
        %dma_wait3A_79 = tpu.memref_squeeze %dma_wait3A_78 : memref<1x40x128xi32, #tpu.memory_space<hbm>> -> memref<40x128xi32, #tpu.memory_space<hbm>>
        tpu.wait_dma2 semaphore(%run_scoped3A : memref<!tpu.dma_semaphore, #tpu.memory_space<semaphore_mem>>) src(%dma_wait3A_79 : memref<40x128xi32, #tpu.memory_space<hbm>>) dst(%arg8 : memref<40x128xi32, #tpu.memory_space<vmem>>)
        tpu.yield
      }) : () -> ()
      "tpu.region"() ({
        %run_scoped3A = tpu.sem_alloc : memref<!tpu.dma_semaphore, #tpu.memory_space<semaphore_mem>>
        %dma_start3A_65 = arith.constant 0 : i32
        %dma_start3A_66 = arith.constant 0 : i32
        %dma_start3A_67 = tpu.memref_slice %arg5[%arg1, %dma_start3A_65, %dma_start3A_66] : memref<16x80x128xi32, #tpu.memory_space<hbm>> -> memref<1x40x128xi32, #tpu.memory_space<hbm>>
        %dma_start3A_68 = tpu.memref_squeeze %dma_start3A_67 : memref<1x40x128xi32, #tpu.memory_space<hbm>> -> memref<40x128xi32, #tpu.memory_space<hbm>>
        %dma_start3A_69 = arith.constant 0 : i32
        %dma_start3A_70 = arith.constant 0 : i32
        %dma_start3A_71 = tpu.memref_slice %arg5[%arg1, %dma_start3A_69, %dma_start3A_70] : memref<16x80x128xi32, #tpu.memory_space<hbm>> -> memref<1x40x128xi32, #tpu.memory_space<hbm>>
        %dma_start3A_72 = tpu.memref_squeeze %dma_start3A_71 : memref<1x40x128xi32, #tpu.memory_space<hbm>> -> memref<40x128xi32, #tpu.memory_space<hbm>>
        tpu.enqueue_dma source(%dma_start3A_72 : memref<40x128xi32, #tpu.memory_space<hbm>>) target(%arg9 : memref<40x128xi32, #tpu.memory_space<vmem>>) target_semaphore(%run_scoped3A : memref<!tpu.dma_semaphore, #tpu.memory_space<semaphore_mem>>)
        %dma_wait3A = arith.constant 0 : i32
        %dma_wait3A_73 = arith.constant 0 : i32
        %dma_wait3A_74 = tpu.memref_slice %arg5[%arg1, %dma_wait3A, %dma_wait3A_73] : memref<16x80x128xi32, #tpu.memory_space<hbm>> -> memref<1x40x128xi32, #tpu.memory_space<hbm>>
        %dma_wait3A_75 = tpu.memref_squeeze %dma_wait3A_74 : memref<1x40x128xi32, #tpu.memory_space<hbm>> -> memref<40x128xi32, #tpu.memory_space<hbm>>
        %dma_wait3A_76 = arith.constant 0 : i32
        %dma_wait3A_77 = arith.constant 0 : i32
        %dma_wait3A_78 = tpu.memref_slice %arg5[%arg1, %dma_wait3A_76, %dma_wait3A_77] : memref<16x80x128xi32, #tpu.memory_space<hbm>> -> memref<1x40x128xi32, #tpu.memory_space<hbm>>
        %dma_wait3A_79 = tpu.memref_squeeze %dma_wait3A_78 : memref<1x40x128xi32, #tpu.memory_space<hbm>> -> memref<40x128xi32, #tpu.memory_space<hbm>>
        tpu.wait_dma2 semaphore(%run_scoped3A : memref<!tpu.dma_semaphore, #tpu.memory_space<semaphore_mem>>) src(%dma_wait3A_79 : memref<40x128xi32, #tpu.memory_space<hbm>>) dst(%arg9 : memref<40x128xi32, #tpu.memory_space<vmem>>)
        tpu.yield
      }) : () -> ()
      %dma_start3A = arith.constant 0 : i32
      %dma_start3A_7 = arith.constant 0 : i32
      %dma_start3A_8 = tpu.memref_slice %arg8[%dma_start3A, %dma_start3A_7] : memref<40x128xi32, #tpu.memory_space<vmem>> -> memref<1x128xi32, #tpu.memory_space<vmem>>
      %dma_start3A_9 = tpu.memref_squeeze %dma_start3A_8 : memref<1x128xi32, #tpu.memory_space<vmem>> -> memref<128xi32, #tpu.memory_space<vmem>>
      %dma_start3A_10 = arith.constant 0 : i32
      %dma_start3A_11 = arith.constant 0 : i32
      %dma_start3A_12 = tpu.memref_slice %arg2[%dma_start3A_10, %dma_start3A_11] : memref<10000x128xf32, #tpu.memory_space<hbm>> -> memref<10000x128xf32, #tpu.memory_space<hbm>>
      tpu.enqueue_indirect_dma source(%dma_start3A_12 : memref<10000x128xf32, #tpu.memory_space<hbm>>) target(%arg10 : memref<128x128xf32, #tpu.memory_space<vmem>>) offsets(%dma_start3A_9 : memref<128xi32, #tpu.memory_space<vmem>>) semaphore(%arg13 : memref<!tpu.dma_semaphore, #tpu.memory_space<semaphore_mem>>)
      %dma_start3A_13 = arith.constant 1 : i32
      %dma_start3A_14 = arith.constant 0 : i32
      %dma_start3A_15 = tpu.memref_slice %arg8[%dma_start3A_13, %dma_start3A_14] : memref<40x128xi32, #tpu.memory_space<vmem>> -> memref<1x128xi32, #tpu.memory_space<vmem>>
      %dma_start3A_16 = tpu.memref_squeeze %dma_start3A_15 : memref<1x128xi32, #tpu.memory_space<vmem>> -> memref<128xi32, #tpu.memory_space<vmem>>
      %dma_start3A_17 = arith.constant 0 : i32
      %dma_start3A_18 = arith.constant 0 : i32
      %dma_start3A_19 = tpu.memref_slice %arg2[%dma_start3A_17, %dma_start3A_18] : memref<10000x128xf32, #tpu.memory_space<hbm>> -> memref<10000x128xf32, #tpu.memory_space<hbm>>
      tpu.enqueue_indirect_dma source(%dma_start3A_19 : memref<10000x128xf32, #tpu.memory_space<hbm>>) target(%arg11 : memref<128x128xf32, #tpu.memory_space<vmem>>) offsets(%dma_start3A_16 : memref<128xi32, #tpu.memory_space<vmem>>) semaphore(%arg14 : memref<!tpu.dma_semaphore, #tpu.memory_space<semaphore_mem>>)
      %lt3A = arith.constant 15 : i32
      %lt3A_20 = arith.cmpi slt, %arg1, %lt3A : i32
      %convert_element_type3A_21 = arith.extui %lt3A_20 : i1 to i32
      %cond3A_22 = arith.constant 0 : i32
      %cond3A_23 = arith.cmpi ne, %convert_element_type3A_21, %cond3A_22 : i32
      scf.if %cond3A_23 {
        %mul3A = arith.constant 640 : i32
        %mul3A_65 = arith.muli %arg1, %mul3A : i32
        %mul3A_66 = arith.constant 640 : i32
        %mul3A_67 = arith.muli %arg1, %mul3A_66 : i32
        "tpu.region"() ({
          %run_scoped3A = tpu.sem_alloc : memref<!tpu.dma_semaphore, #tpu.memory_space<semaphore_mem>>
          %dma_start3A_68 = arith.constant 0 : i32
          %dma_start3A_69 = tpu.memref_slice %arg12[%mul3A_67, %dma_start3A_68] : memref<10048x128xf32, #tpu.memory_space<vmem_shared>> -> memref<640x128xf32, #tpu.memory_space<vmem_shared>>
          %dma_start3A_70 = arith.constant 0 : i32
          %dma_start3A_71 = tpu.memref_slice %arg2[%mul3A_65, %dma_start3A_70] : memref<10000x128xf32, #tpu.memory_space<hbm>> -> memref<640x128xf32, #tpu.memory_space<hbm>>
          tpu.enqueue_dma source(%dma_start3A_71 : memref<640x128xf32, #tpu.memory_space<hbm>>) target(%dma_start3A_69 : memref<640x128xf32, #tpu.memory_space<vmem_shared>>) target_semaphore(%run_scoped3A : memref<!tpu.dma_semaphore, #tpu.memory_space<semaphore_mem>>)
          %dma_wait3A = arith.constant 0 : i32
          %dma_wait3A_72 = tpu.memref_slice %arg12[%mul3A_67, %dma_wait3A] : memref<10048x128xf32, #tpu.memory_space<vmem_shared>> -> memref<640x128xf32, #tpu.memory_space<vmem_shared>>
          %dma_wait3A_73 = arith.constant 0 : i32
          %dma_wait3A_74 = tpu.memref_slice %arg2[%mul3A_65, %dma_wait3A_73] : memref<10000x128xf32, #tpu.memory_space<hbm>> -> memref<640x128xf32, #tpu.memory_space<hbm>>
          tpu.wait_dma2 semaphore(%run_scoped3A : memref<!tpu.dma_semaphore, #tpu.memory_space<semaphore_mem>>) src(%dma_wait3A_74 : memref<640x128xf32, #tpu.memory_space<hbm>>) dst(%dma_wait3A_72 : memref<640x128xf32, #tpu.memory_space<vmem_shared>>)
          tpu.yield
        }) : () -> ()
      } else {
      }
      %eq3A_24 = arith.constant 15 : i32
      %eq3A_25 = arith.cmpi eq, %arg1, %eq3A_24 : i32
      %convert_element_type3A_26 = arith.extui %eq3A_25 : i1 to i32
      %cond3A_27 = arith.constant 0 : i32
      %cond3A_28 = arith.cmpi ne, %convert_element_type3A_26, %cond3A_27 : i32
      scf.if %cond3A_28 {
        "tpu.region"() ({
          %run_scoped3A = tpu.sem_alloc : memref<!tpu.dma_semaphore, #tpu.memory_space<semaphore_mem>>
          %dma_start3A_65 = arith.constant 9600 : i32
          %dma_start3A_66 = arith.constant 0 : i32
          %dma_start3A_67 = tpu.memref_slice %arg12[%dma_start3A_65, %dma_start3A_66] : memref<10048x128xf32, #tpu.memory_space<vmem_shared>> -> memref<400x128xf32, #tpu.memory_space<vmem_shared>>
          %dma_start3A_68 = arith.constant 9600 : i32
          %dma_start3A_69 = arith.constant 0 : i32
          %dma_start3A_70 = tpu.memref_slice %arg2[%dma_start3A_68, %dma_start3A_69] : memref<10000x128xf32, #tpu.memory_space<hbm>> -> memref<400x128xf32, #tpu.memory_space<hbm>>
          tpu.enqueue_dma source(%dma_start3A_70 : memref<400x128xf32, #tpu.memory_space<hbm>>) target(%dma_start3A_67 : memref<400x128xf32, #tpu.memory_space<vmem_shared>>) target_semaphore(%run_scoped3A : memref<!tpu.dma_semaphore, #tpu.memory_space<semaphore_mem>>)
          %dma_wait3A = arith.constant 9600 : i32
          %dma_wait3A_71 = arith.constant 0 : i32
          %dma_wait3A_72 = tpu.memref_slice %arg12[%dma_wait3A, %dma_wait3A_71] : memref<10048x128xf32, #tpu.memory_space<vmem_shared>> -> memref<400x128xf32, #tpu.memory_space<vmem_shared>>
          %dma_wait3A_73 = arith.constant 9600 : i32
          %dma_wait3A_74 = arith.constant 0 : i32
          %dma_wait3A_75 = tpu.memref_slice %arg2[%dma_wait3A_73, %dma_wait3A_74] : memref<10000x128xf32, #tpu.memory_space<hbm>> -> memref<400x128xf32, #tpu.memory_space<hbm>>
          tpu.wait_dma2 semaphore(%run_scoped3A : memref<!tpu.dma_semaphore, #tpu.memory_space<semaphore_mem>>) src(%dma_wait3A_75 : memref<400x128xf32, #tpu.memory_space<hbm>>) dst(%dma_wait3A_72 : memref<400x128xf32, #tpu.memory_space<vmem_shared>>)
          tpu.yield
        }) : () -> ()
      } else {
      }
      %barrier3A = arith.constant 0 : index
      tpu.barrier barrier_id(%barrier3A)
      %scan3A = arith.constant 0 : i32
      %scan3A_29 = arith.constant 0 : i32
      %scan3A_30 = arith.constant 20 : i32
      %scan3A_31 = arith.addi %scan3A_29, %scan3A_30 : i32
      %scan3A_32 = arith.constant 1 : i32
      scf.for %scan3A_65 = %scan3A_29 to %scan3A_31 step %scan3A_32  : i32 {
        %mul3A = arith.constant 2 : i32
        %mul3A_66 = arith.muli %mul3A, %scan3A_65 : i32
        %add3A = arith.constant 0 : i32
        %add3A_67 = arith.addi %mul3A_66, %add3A : i32
        %dma_wait3A = arith.constant 0 : i32
        %dma_wait3A_68 = tpu.memref_slice %arg8[%add3A_67, %dma_wait3A] : memref<40x128xi32, #tpu.memory_space<vmem>> -> memref<1x128xi32, #tpu.memory_space<vmem>>
        %dma_wait3A_69 = tpu.memref_squeeze %dma_wait3A_68 : memref<1x128xi32, #tpu.memory_space<vmem>> -> memref<128xi32, #tpu.memory_space<vmem>>
        %dma_wait3A_70 = arith.constant 0 : i32
        %dma_wait3A_71 = arith.constant 0 : i32
        %dma_wait3A_72 = tpu.memref_slice %arg2[%dma_wait3A_70, %dma_wait3A_71] : memref<10000x128xf32, #tpu.memory_space<hbm>> -> memref<10000x128xf32, #tpu.memory_space<hbm>>
        tpu.wait_indirect_dma semaphore(%arg13 : memref<!tpu.dma_semaphore, #tpu.memory_space<semaphore_mem>>) src(%dma_wait3A_72 : memref<10000x128xf32, #tpu.memory_space<hbm>>) dst(%arg10 : memref<128x128xf32, #tpu.memory_space<vmem>>)
        %add3A_73 = arith.constant 0 : i32
        %add3A_74 = arith.addi %mul3A_66, %add3A_73 : i32
        "tpu.region"() ({
          %run_scoped3A = tpu.sem_alloc : memref<!tpu.dma_semaphore, #tpu.memory_space<semaphore_mem>>
          %dma_start3A_103 = arith.constant 0 : i32
          %dma_start3A_104 = tpu.memref_slice %arg9[%add3A_74, %dma_start3A_103] : memref<40x128xi32, #tpu.memory_space<vmem>> -> memref<1x128xi32, #tpu.memory_space<vmem>>
          %dma_start3A_105 = tpu.memref_squeeze %dma_start3A_104 : memref<1x128xi32, #tpu.memory_space<vmem>> -> memref<128xi32, #tpu.memory_space<vmem>>
          %dma_start3A_106 = arith.constant 0 : i32
          %dma_start3A_107 = arith.constant 0 : i32
          %dma_start3A_108 = tpu.memref_slice %arg12[%dma_start3A_106, %dma_start3A_107] : memref<10048x128xf32, #tpu.memory_space<vmem_shared>> -> memref<10048x128xf32, #tpu.memory_space<vmem_shared>>
          tpu.enqueue_indirect_dma source(%arg10 : memref<128x128xf32, #tpu.memory_space<vmem>>) target(%dma_start3A_108 : memref<10048x128xf32, #tpu.memory_space<vmem_shared>>) offsets(%dma_start3A_105 : memref<128xi32, #tpu.memory_space<vmem>>) semaphore(%run_scoped3A : memref<!tpu.dma_semaphore, #tpu.memory_space<semaphore_mem>>) {add = true}
          %dma_wait3A_109 = arith.constant 0 : i32
          %dma_wait3A_110 = tpu.memref_slice %arg9[%add3A_74, %dma_wait3A_109] : memref<40x128xi32, #tpu.memory_space<vmem>> -> memref<1x128xi32, #tpu.memory_space<vmem>>
          %dma_wait3A_111 = tpu.memref_squeeze %dma_wait3A_110 : memref<1x128xi32, #tpu.memory_space<vmem>> -> memref<128xi32, #tpu.memory_space<vmem>>
          %dma_wait3A_112 = arith.constant 0 : i32
          %dma_wait3A_113 = arith.constant 0 : i32
          %dma_wait3A_114 = tpu.memref_slice %arg12[%dma_wait3A_112, %dma_wait3A_113] : memref<10048x128xf32, #tpu.memory_space<vmem_shared>> -> memref<10048x128xf32, #tpu.memory_space<vmem_shared>>
          tpu.wait_indirect_dma semaphore(%run_scoped3A : memref<!tpu.dma_semaphore, #tpu.memory_space<semaphore_mem>>) src(%arg10 : memref<128x128xf32, #tpu.memory_space<vmem>>) dst(%dma_wait3A_114 : memref<10048x128xf32, #tpu.memory_space<vmem_shared>>)
          tpu.yield
        }) : () -> ()
        %add3A_75 = arith.constant 0 : i32
        %add3A_76 = arith.addi %mul3A_66, %add3A_75 : i32
        %add3A_77 = arith.constant 2 : i32
        %add3A_78 = arith.addi %add3A_76, %add3A_77 : i32
        %lt3A_79 = arith.constant 40 : i32
        %lt3A_80 = arith.cmpi slt, %add3A_78, %lt3A_79 : i32
        %convert_element_type3A_81 = arith.extui %lt3A_80 : i1 to i32
        %cond3A_82 = arith.constant 0 : i32
        %cond3A_83 = arith.cmpi ne, %convert_element_type3A_81, %cond3A_82 : i32
        scf.if %cond3A_83 {
          %add3A_103 = arith.constant 0 : i32
          %add3A_104 = arith.addi %mul3A_66, %add3A_103 : i32
          %add3A_105 = arith.constant 2 : i32
          %add3A_106 = arith.addi %add3A_104, %add3A_105 : i32
          %dma_start3A_107 = arith.constant 0 : i32
          %dma_start3A_108 = tpu.memref_slice %arg8[%add3A_106, %dma_start3A_107] : memref<40x128xi32, #tpu.memory_space<vmem>> -> memref<1x128xi32, #tpu.memory_space<vmem>>
          %dma_start3A_109 = tpu.memref_squeeze %dma_start3A_108 : memref<1x128xi32, #tpu.memory_space<vmem>> -> memref<128xi32, #tpu.memory_space<vmem>>
          %dma_start3A_110 = arith.constant 0 : i32
          %dma_start3A_111 = arith.constant 0 : i32
          %dma_start3A_112 = tpu.memref_slice %arg2[%dma_start3A_110, %dma_start3A_111] : memref<10000x128xf32, #tpu.memory_space<hbm>> -> memref<10000x128xf32, #tpu.memory_space<hbm>>
          tpu.enqueue_indirect_dma source(%dma_start3A_112 : memref<10000x128xf32, #tpu.memory_space<hbm>>) target(%arg10 : memref<128x128xf32, #tpu.memory_space<vmem>>) offsets(%dma_start3A_109 : memref<128xi32, #tpu.memory_space<vmem>>) semaphore(%arg13 : memref<!tpu.dma_semaphore, #tpu.memory_space<semaphore_mem>>)
        } else {
        }
        %add3A_84 = arith.constant 1 : i32
        %add3A_85 = arith.addi %mul3A_66, %add3A_84 : i32
        %dma_wait3A_86 = arith.constant 0 : i32
        %dma_wait3A_87 = tpu.memref_slice %arg8[%add3A_85, %dma_wait3A_86] : memref<40x128xi32, #tpu.memory_space<vmem>> -> memref<1x128xi32, #tpu.memory_space<vmem>>
        %dma_wait3A_88 = tpu.memref_squeeze %dma_wait3A_87 : memref<1x128xi32, #tpu.memory_space<vmem>> -> memref<128xi32, #tpu.memory_space<vmem>>
        %dma_wait3A_89 = arith.constant 0 : i32
        %dma_wait3A_90 = arith.constant 0 : i32
        %dma_wait3A_91 = tpu.memref_slice %arg2[%dma_wait3A_89, %dma_wait3A_90] : memref<10000x128xf32, #tpu.memory_space<hbm>> -> memref<10000x128xf32, #tpu.memory_space<hbm>>
        tpu.wait_indirect_dma semaphore(%arg14 : memref<!tpu.dma_semaphore, #tpu.memory_space<semaphore_mem>>) src(%dma_wait3A_91 : memref<10000x128xf32, #tpu.memory_space<hbm>>) dst(%arg11 : memref<128x128xf32, #tpu.memory_space<vmem>>)
        %add3A_92 = arith.constant 1 : i32
        %add3A_93 = arith.addi %mul3A_66, %add3A_92 : i32
        "tpu.region"() ({
          %run_scoped3A = tpu.sem_alloc : memref<!tpu.dma_semaphore, #tpu.memory_space<semaphore_mem>>
          %dma_start3A_103 = arith.constant 0 : i32
          %dma_start3A_104 = tpu.memref_slice %arg9[%add3A_93, %dma_start3A_103] : memref<40x128xi32, #tpu.memory_space<vmem>> -> memref<1x128xi32, #tpu.memory_space<vmem>>
          %dma_start3A_105 = tpu.memref_squeeze %dma_start3A_104 : memref<1x128xi32, #tpu.memory_space<vmem>> -> memref<128xi32, #tpu.memory_space<vmem>>
          %dma_start3A_106 = arith.constant 0 : i32
          %dma_start3A_107 = arith.constant 0 : i32
          %dma_start3A_108 = tpu.memref_slice %arg12[%dma_start3A_106, %dma_start3A_107] : memref<10048x128xf32, #tpu.memory_space<vmem_shared>> -> memref<10048x128xf32, #tpu.memory_space<vmem_shared>>
          tpu.enqueue_indirect_dma source(%arg11 : memref<128x128xf32, #tpu.memory_space<vmem>>) target(%dma_start3A_108 : memref<10048x128xf32, #tpu.memory_space<vmem_shared>>) offsets(%dma_start3A_105 : memref<128xi32, #tpu.memory_space<vmem>>) semaphore(%run_scoped3A : memref<!tpu.dma_semaphore, #tpu.memory_space<semaphore_mem>>) {add = true}
          %dma_wait3A_109 = arith.constant 0 : i32
          %dma_wait3A_110 = tpu.memref_slice %arg9[%add3A_93, %dma_wait3A_109] : memref<40x128xi32, #tpu.memory_space<vmem>> -> memref<1x128xi32, #tpu.memory_space<vmem>>
          %dma_wait3A_111 = tpu.memref_squeeze %dma_wait3A_110 : memref<1x128xi32, #tpu.memory_space<vmem>> -> memref<128xi32, #tpu.memory_space<vmem>>
          %dma_wait3A_112 = arith.constant 0 : i32
          %dma_wait3A_113 = arith.constant 0 : i32
          %dma_wait3A_114 = tpu.memref_slice %arg12[%dma_wait3A_112, %dma_wait3A_113] : memref<10048x128xf32, #tpu.memory_space<vmem_shared>> -> memref<10048x128xf32, #tpu.memory_space<vmem_shared>>
          tpu.wait_indirect_dma semaphore(%run_scoped3A : memref<!tpu.dma_semaphore, #tpu.memory_space<semaphore_mem>>) src(%arg11 : memref<128x128xf32, #tpu.memory_space<vmem>>) dst(%dma_wait3A_114 : memref<10048x128xf32, #tpu.memory_space<vmem_shared>>)
          tpu.yield
        }) : () -> ()
        %add3A_94 = arith.constant 1 : i32
        %add3A_95 = arith.addi %mul3A_66, %add3A_94 : i32
        %add3A_96 = arith.constant 2 : i32
        %add3A_97 = arith.addi %add3A_95, %add3A_96 : i32
        %lt3A_98 = arith.constant 40 : i32
        %lt3A_99 = arith.cmpi slt, %add3A_97, %lt3A_98 : i32
        %convert_element_type3A_100 = arith.extui %lt3A_99 : i1 to i32
        %cond3A_101 = arith.constant 0 : i32
        %cond3A_102 = arith.cmpi ne, %convert_element_type3A_100, %cond3A_101 : i32
        scf.if %cond3A_102 {
          %add3A_103 = arith.constant 1 : i32
          %add3A_104 = arith.addi %mul3A_66, %add3A_103 : i32
          %add3A_105 = arith.constant 2 : i32
          %add3A_106 = arith.addi %add3A_104, %add3A_105 : i32
          %dma_start3A_107 = arith.constant 0 : i32
          %dma_start3A_108 = tpu.memref_slice %arg8[%add3A_106, %dma_start3A_107] : memref<40x128xi32, #tpu.memory_space<vmem>> -> memref<1x128xi32, #tpu.memory_space<vmem>>
          %dma_start3A_109 = tpu.memref_squeeze %dma_start3A_108 : memref<1x128xi32, #tpu.memory_space<vmem>> -> memref<128xi32, #tpu.memory_space<vmem>>
          %dma_start3A_110 = arith.constant 0 : i32
          %dma_start3A_111 = arith.constant 0 : i32
          %dma_start3A_112 = tpu.memref_slice %arg2[%dma_start3A_110, %dma_start3A_111] : memref<10000x128xf32, #tpu.memory_space<hbm>> -> memref<10000x128xf32, #tpu.memory_space<hbm>>
          tpu.enqueue_indirect_dma source(%dma_start3A_112 : memref<10000x128xf32, #tpu.memory_space<hbm>>) target(%arg11 : memref<128x128xf32, #tpu.memory_space<vmem>>) offsets(%dma_start3A_109 : memref<128xi32, #tpu.memory_space<vmem>>) semaphore(%arg14 : memref<!tpu.dma_semaphore, #tpu.memory_space<semaphore_mem>>)
        } else {
        }
      }
      %scan3A_33 = arith.constant 20 : i32
      "tpu.region"() ({
        %run_scoped3A = tpu.sem_alloc : memref<!tpu.dma_semaphore, #tpu.memory_space<semaphore_mem>>
        %dma_start3A_65 = arith.constant 40 : i32
        %dma_start3A_66 = arith.constant 0 : i32
        %dma_start3A_67 = tpu.memref_slice %arg4[%arg1, %dma_start3A_65, %dma_start3A_66] : memref<16x80x128xi32, #tpu.memory_space<hbm>> -> memref<1x40x128xi32, #tpu.memory_space<hbm>>
        %dma_start3A_68 = tpu.memref_squeeze %dma_start3A_67 : memref<1x40x128xi32, #tpu.memory_space<hbm>> -> memref<40x128xi32, #tpu.memory_space<hbm>>
        %dma_start3A_69 = arith.constant 40 : i32
        %dma_start3A_70 = arith.constant 0 : i32
        %dma_start3A_71 = tpu.memref_slice %arg4[%arg1, %dma_start3A_69, %dma_start3A_70] : memref<16x80x128xi32, #tpu.memory_space<hbm>> -> memref<1x40x128xi32, #tpu.memory_space<hbm>>
        %dma_start3A_72 = tpu.memref_squeeze %dma_start3A_71 : memref<1x40x128xi32, #tpu.memory_space<hbm>> -> memref<40x128xi32, #tpu.memory_space<hbm>>
        tpu.enqueue_dma source(%dma_start3A_72 : memref<40x128xi32, #tpu.memory_space<hbm>>) target(%arg8 : memref<40x128xi32, #tpu.memory_space<vmem>>) target_semaphore(%run_scoped3A : memref<!tpu.dma_semaphore, #tpu.memory_space<semaphore_mem>>)
        %dma_wait3A = arith.constant 40 : i32
        %dma_wait3A_73 = arith.constant 0 : i32
        %dma_wait3A_74 = tpu.memref_slice %arg4[%arg1, %dma_wait3A, %dma_wait3A_73] : memref<16x80x128xi32, #tpu.memory_space<hbm>> -> memref<1x40x128xi32, #tpu.memory_space<hbm>>
        %dma_wait3A_75 = tpu.memref_squeeze %dma_wait3A_74 : memref<1x40x128xi32, #tpu.memory_space<hbm>> -> memref<40x128xi32, #tpu.memory_space<hbm>>
        %dma_wait3A_76 = arith.constant 40 : i32
        %dma_wait3A_77 = arith.constant 0 : i32
        %dma_wait3A_78 = tpu.memref_slice %arg4[%arg1, %dma_wait3A_76, %dma_wait3A_77] : memref<16x80x128xi32, #tpu.memory_space<hbm>> -> memref<1x40x128xi32, #tpu.memory_space<hbm>>
        %dma_wait3A_79 = tpu.memref_squeeze %dma_wait3A_78 : memref<1x40x128xi32, #tpu.memory_space<hbm>> -> memref<40x128xi32, #tpu.memory_space<hbm>>
        tpu.wait_dma2 semaphore(%run_scoped3A : memref<!tpu.dma_semaphore, #tpu.memory_space<semaphore_mem>>) src(%dma_wait3A_79 : memref<40x128xi32, #tpu.memory_space<hbm>>) dst(%arg8 : memref<40x128xi32, #tpu.memory_space<vmem>>)
        tpu.yield
      }) : () -> ()
      "tpu.region"() ({
        %run_scoped3A = tpu.sem_alloc : memref<!tpu.dma_semaphore, #tpu.memory_space<semaphore_mem>>
        %dma_start3A_65 = arith.constant 40 : i32
        %dma_start3A_66 = arith.constant 0 : i32
        %dma_start3A_67 = tpu.memref_slice %arg5[%arg1, %dma_start3A_65, %dma_start3A_66] : memref<16x80x128xi32, #tpu.memory_space<hbm>> -> memref<1x40x128xi32, #tpu.memory_space<hbm>>
        %dma_start3A_68 = tpu.memref_squeeze %dma_start3A_67 : memref<1x40x128xi32, #tpu.memory_space<hbm>> -> memref<40x128xi32, #tpu.memory_space<hbm>>
        %dma_start3A_69 = arith.constant 40 : i32
        %dma_start3A_70 = arith.constant 0 : i32
        %dma_start3A_71 = tpu.memref_slice %arg5[%arg1, %dma_start3A_69, %dma_start3A_70] : memref<16x80x128xi32, #tpu.memory_space<hbm>> -> memref<1x40x128xi32, #tpu.memory_space<hbm>>
        %dma_start3A_72 = tpu.memref_squeeze %dma_start3A_71 : memref<1x40x128xi32, #tpu.memory_space<hbm>> -> memref<40x128xi32, #tpu.memory_space<hbm>>
        tpu.enqueue_dma source(%dma_start3A_72 : memref<40x128xi32, #tpu.memory_space<hbm>>) target(%arg9 : memref<40x128xi32, #tpu.memory_space<vmem>>) target_semaphore(%run_scoped3A : memref<!tpu.dma_semaphore, #tpu.memory_space<semaphore_mem>>)
        %dma_wait3A = arith.constant 40 : i32
        %dma_wait3A_73 = arith.constant 0 : i32
        %dma_wait3A_74 = tpu.memref_slice %arg5[%arg1, %dma_wait3A, %dma_wait3A_73] : memref<16x80x128xi32, #tpu.memory_space<hbm>> -> memref<1x40x128xi32, #tpu.memory_space<hbm>>
        %dma_wait3A_75 = tpu.memref_squeeze %dma_wait3A_74 : memref<1x40x128xi32, #tpu.memory_space<hbm>> -> memref<40x128xi32, #tpu.memory_space<hbm>>
        %dma_wait3A_76 = arith.constant 40 : i32
        %dma_wait3A_77 = arith.constant 0 : i32
        %dma_wait3A_78 = tpu.memref_slice %arg5[%arg1, %dma_wait3A_76, %dma_wait3A_77] : memref<16x80x128xi32, #tpu.memory_space<hbm>> -> memref<1x40x128xi32, #tpu.memory_space<hbm>>
        %dma_wait3A_79 = tpu.memref_squeeze %dma_wait3A_78 : memref<1x40x128xi32, #tpu.memory_space<hbm>> -> memref<40x128xi32, #tpu.memory_space<hbm>>
        tpu.wait_dma2 semaphore(%run_scoped3A : memref<!tpu.dma_semaphore, #tpu.memory_space<semaphore_mem>>) src(%dma_wait3A_79 : memref<40x128xi32, #tpu.memory_space<hbm>>) dst(%arg9 : memref<40x128xi32, #tpu.memory_space<vmem>>)
        tpu.yield
      }) : () -> ()
      %dma_start3A_34 = arith.constant 0 : i32
      %dma_start3A_35 = arith.constant 0 : i32
      %dma_start3A_36 = tpu.memref_slice %arg8[%dma_start3A_34, %dma_start3A_35] : memref<40x128xi32, #tpu.memory_space<vmem>> -> memref<1x128xi32, #tpu.memory_space<vmem>>
      %dma_start3A_37 = tpu.memref_squeeze %dma_start3A_36 : memref<1x128xi32, #tpu.memory_space<vmem>> -> memref<128xi32, #tpu.memory_space<vmem>>
      %dma_start3A_38 = arith.constant 0 : i32
      %dma_start3A_39 = arith.constant 0 : i32
      %dma_start3A_40 = tpu.memref_slice %arg2[%dma_start3A_38, %dma_start3A_39] : memref<10000x128xf32, #tpu.memory_space<hbm>> -> memref<10000x128xf32, #tpu.memory_space<hbm>>
      tpu.enqueue_indirect_dma source(%dma_start3A_40 : memref<10000x128xf32, #tpu.memory_space<hbm>>) target(%arg10 : memref<128x128xf32, #tpu.memory_space<vmem>>) offsets(%dma_start3A_37 : memref<128xi32, #tpu.memory_space<vmem>>) semaphore(%arg13 : memref<!tpu.dma_semaphore, #tpu.memory_space<semaphore_mem>>)
      %dma_start3A_41 = arith.constant 1 : i32
      %dma_start3A_42 = arith.constant 0 : i32
      %dma_start3A_43 = tpu.memref_slice %arg8[%dma_start3A_41, %dma_start3A_42] : memref<40x128xi32, #tpu.memory_space<vmem>> -> memref<1x128xi32, #tpu.memory_space<vmem>>
      %dma_start3A_44 = tpu.memref_squeeze %dma_start3A_43 : memref<1x128xi32, #tpu.memory_space<vmem>> -> memref<128xi32, #tpu.memory_space<vmem>>
      %dma_start3A_45 = arith.constant 0 : i32
      %dma_start3A_46 = arith.constant 0 : i32
      %dma_start3A_47 = tpu.memref_slice %arg2[%dma_start3A_45, %dma_start3A_46] : memref<10000x128xf32, #tpu.memory_space<hbm>> -> memref<10000x128xf32, #tpu.memory_space<hbm>>
      tpu.enqueue_indirect_dma source(%dma_start3A_47 : memref<10000x128xf32, #tpu.memory_space<hbm>>) target(%arg11 : memref<128x128xf32, #tpu.memory_space<vmem>>) offsets(%dma_start3A_44 : memref<128xi32, #tpu.memory_space<vmem>>) semaphore(%arg14 : memref<!tpu.dma_semaphore, #tpu.memory_space<semaphore_mem>>)
      %scan3A_48 = arith.constant 0 : i32
      %scan3A_49 = arith.constant 0 : i32
      %scan3A_50 = arith.constant 20 : i32
      %scan3A_51 = arith.addi %scan3A_49, %scan3A_50 : i32
      %scan3A_52 = arith.constant 1 : i32
      scf.for %scan3A_65 = %scan3A_49 to %scan3A_51 step %scan3A_52  : i32 {
        %mul3A = arith.constant 2 : i32
        %mul3A_66 = arith.muli %mul3A, %scan3A_65 : i32
        %add3A = arith.constant 0 : i32
        %add3A_67 = arith.addi %mul3A_66, %add3A : i32
        %dma_wait3A = arith.constant 0 : i32
        %dma_wait3A_68 = tpu.memref_slice %arg8[%add3A_67, %dma_wait3A] : memref<40x128xi32, #tpu.memory_space<vmem>> -> memref<1x128xi32, #tpu.memory_space<vmem>>
        %dma_wait3A_69 = tpu.memref_squeeze %dma_wait3A_68 : memref<1x128xi32, #tpu.memory_space<vmem>> -> memref<128xi32, #tpu.memory_space<vmem>>
        %dma_wait3A_70 = arith.constant 0 : i32
        %dma_wait3A_71 = arith.constant 0 : i32
        %dma_wait3A_72 = tpu.memref_slice %arg2[%dma_wait3A_70, %dma_wait3A_71] : memref<10000x128xf32, #tpu.memory_space<hbm>> -> memref<10000x128xf32, #tpu.memory_space<hbm>>
        tpu.wait_indirect_dma semaphore(%arg13 : memref<!tpu.dma_semaphore, #tpu.memory_space<semaphore_mem>>) src(%dma_wait3A_72 : memref<10000x128xf32, #tpu.memory_space<hbm>>) dst(%arg10 : memref<128x128xf32, #tpu.memory_space<vmem>>)
        %add3A_73 = arith.constant 0 : i32
        %add3A_74 = arith.addi %mul3A_66, %add3A_73 : i32
        "tpu.region"() ({
          %run_scoped3A = tpu.sem_alloc : memref<!tpu.dma_semaphore, #tpu.memory_space<semaphore_mem>>
          %dma_start3A_103 = arith.constant 0 : i32
          %dma_start3A_104 = tpu.memref_slice %arg9[%add3A_74, %dma_start3A_103] : memref<40x128xi32, #tpu.memory_space<vmem>> -> memref<1x128xi32, #tpu.memory_space<vmem>>
          %dma_start3A_105 = tpu.memref_squeeze %dma_start3A_104 : memref<1x128xi32, #tpu.memory_space<vmem>> -> memref<128xi32, #tpu.memory_space<vmem>>
          %dma_start3A_106 = arith.constant 0 : i32
          %dma_start3A_107 = arith.constant 0 : i32
          %dma_start3A_108 = tpu.memref_slice %arg12[%dma_start3A_106, %dma_start3A_107] : memref<10048x128xf32, #tpu.memory_space<vmem_shared>> -> memref<10048x128xf32, #tpu.memory_space<vmem_shared>>
          tpu.enqueue_indirect_dma source(%arg10 : memref<128x128xf32, #tpu.memory_space<vmem>>) target(%dma_start3A_108 : memref<10048x128xf32, #tpu.memory_space<vmem_shared>>) offsets(%dma_start3A_105 : memref<128xi32, #tpu.memory_space<vmem>>) semaphore(%run_scoped3A : memref<!tpu.dma_semaphore, #tpu.memory_space<semaphore_mem>>) {add = true}
          %dma_wait3A_109 = arith.constant 0 : i32
          %dma_wait3A_110 = tpu.memref_slice %arg9[%add3A_74, %dma_wait3A_109] : memref<40x128xi32, #tpu.memory_space<vmem>> -> memref<1x128xi32, #tpu.memory_space<vmem>>
          %dma_wait3A_111 = tpu.memref_squeeze %dma_wait3A_110 : memref<1x128xi32, #tpu.memory_space<vmem>> -> memref<128xi32, #tpu.memory_space<vmem>>
          %dma_wait3A_112 = arith.constant 0 : i32
          %dma_wait3A_113 = arith.constant 0 : i32
          %dma_wait3A_114 = tpu.memref_slice %arg12[%dma_wait3A_112, %dma_wait3A_113] : memref<10048x128xf32, #tpu.memory_space<vmem_shared>> -> memref<10048x128xf32, #tpu.memory_space<vmem_shared>>
          tpu.wait_indirect_dma semaphore(%run_scoped3A : memref<!tpu.dma_semaphore, #tpu.memory_space<semaphore_mem>>) src(%arg10 : memref<128x128xf32, #tpu.memory_space<vmem>>) dst(%dma_wait3A_114 : memref<10048x128xf32, #tpu.memory_space<vmem_shared>>)
          tpu.yield
        }) : () -> ()
        %add3A_75 = arith.constant 0 : i32
        %add3A_76 = arith.addi %mul3A_66, %add3A_75 : i32
        %add3A_77 = arith.constant 2 : i32
        %add3A_78 = arith.addi %add3A_76, %add3A_77 : i32
        %lt3A_79 = arith.constant 40 : i32
        %lt3A_80 = arith.cmpi slt, %add3A_78, %lt3A_79 : i32
        %convert_element_type3A_81 = arith.extui %lt3A_80 : i1 to i32
        %cond3A_82 = arith.constant 0 : i32
        %cond3A_83 = arith.cmpi ne, %convert_element_type3A_81, %cond3A_82 : i32
        scf.if %cond3A_83 {
          %add3A_103 = arith.constant 0 : i32
          %add3A_104 = arith.addi %mul3A_66, %add3A_103 : i32
          %add3A_105 = arith.constant 2 : i32
          %add3A_106 = arith.addi %add3A_104, %add3A_105 : i32
          %dma_start3A_107 = arith.constant 0 : i32
          %dma_start3A_108 = tpu.memref_slice %arg8[%add3A_106, %dma_start3A_107] : memref<40x128xi32, #tpu.memory_space<vmem>> -> memref<1x128xi32, #tpu.memory_space<vmem>>
          %dma_start3A_109 = tpu.memref_squeeze %dma_start3A_108 : memref<1x128xi32, #tpu.memory_space<vmem>> -> memref<128xi32, #tpu.memory_space<vmem>>
          %dma_start3A_110 = arith.constant 0 : i32
          %dma_start3A_111 = arith.constant 0 : i32
          %dma_start3A_112 = tpu.memref_slice %arg2[%dma_start3A_110, %dma_start3A_111] : memref<10000x128xf32, #tpu.memory_space<hbm>> -> memref<10000x128xf32, #tpu.memory_space<hbm>>
          tpu.enqueue_indirect_dma source(%dma_start3A_112 : memref<10000x128xf32, #tpu.memory_space<hbm>>) target(%arg10 : memref<128x128xf32, #tpu.memory_space<vmem>>) offsets(%dma_start3A_109 : memref<128xi32, #tpu.memory_space<vmem>>) semaphore(%arg13 : memref<!tpu.dma_semaphore, #tpu.memory_space<semaphore_mem>>)
        } else {
        }
        %add3A_84 = arith.constant 1 : i32
        %add3A_85 = arith.addi %mul3A_66, %add3A_84 : i32
        %dma_wait3A_86 = arith.constant 0 : i32
        %dma_wait3A_87 = tpu.memref_slice %arg8[%add3A_85, %dma_wait3A_86] : memref<40x128xi32, #tpu.memory_space<vmem>> -> memref<1x128xi32, #tpu.memory_space<vmem>>
        %dma_wait3A_88 = tpu.memref_squeeze %dma_wait3A_87 : memref<1x128xi32, #tpu.memory_space<vmem>> -> memref<128xi32, #tpu.memory_space<vmem>>
        %dma_wait3A_89 = arith.constant 0 : i32
        %dma_wait3A_90 = arith.constant 0 : i32
        %dma_wait3A_91 = tpu.memref_slice %arg2[%dma_wait3A_89, %dma_wait3A_90] : memref<10000x128xf32, #tpu.memory_space<hbm>> -> memref<10000x128xf32, #tpu.memory_space<hbm>>
        tpu.wait_indirect_dma semaphore(%arg14 : memref<!tpu.dma_semaphore, #tpu.memory_space<semaphore_mem>>) src(%dma_wait3A_91 : memref<10000x128xf32, #tpu.memory_space<hbm>>) dst(%arg11 : memref<128x128xf32, #tpu.memory_space<vmem>>)
        %add3A_92 = arith.constant 1 : i32
        %add3A_93 = arith.addi %mul3A_66, %add3A_92 : i32
        "tpu.region"() ({
          %run_scoped3A = tpu.sem_alloc : memref<!tpu.dma_semaphore, #tpu.memory_space<semaphore_mem>>
          %dma_start3A_103 = arith.constant 0 : i32
          %dma_start3A_104 = tpu.memref_slice %arg9[%add3A_93, %dma_start3A_103] : memref<40x128xi32, #tpu.memory_space<vmem>> -> memref<1x128xi32, #tpu.memory_space<vmem>>
          %dma_start3A_105 = tpu.memref_squeeze %dma_start3A_104 : memref<1x128xi32, #tpu.memory_space<vmem>> -> memref<128xi32, #tpu.memory_space<vmem>>
          %dma_start3A_106 = arith.constant 0 : i32
          %dma_start3A_107 = arith.constant 0 : i32
          %dma_start3A_108 = tpu.memref_slice %arg12[%dma_start3A_106, %dma_start3A_107] : memref<10048x128xf32, #tpu.memory_space<vmem_shared>> -> memref<10048x128xf32, #tpu.memory_space<vmem_shared>>
          tpu.enqueue_indirect_dma source(%arg11 : memref<128x128xf32, #tpu.memory_space<vmem>>) target(%dma_start3A_108 : memref<10048x128xf32, #tpu.memory_space<vmem_shared>>) offsets(%dma_start3A_105 : memref<128xi32, #tpu.memory_space<vmem>>) semaphore(%run_scoped3A : memref<!tpu.dma_semaphore, #tpu.memory_space<semaphore_mem>>) {add = true}
          %dma_wait3A_109 = arith.constant 0 : i32
          %dma_wait3A_110 = tpu.memref_slice %arg9[%add3A_93, %dma_wait3A_109] : memref<40x128xi32, #tpu.memory_space<vmem>> -> memref<1x128xi32, #tpu.memory_space<vmem>>
          %dma_wait3A_111 = tpu.memref_squeeze %dma_wait3A_110 : memref<1x128xi32, #tpu.memory_space<vmem>> -> memref<128xi32, #tpu.memory_space<vmem>>
          %dma_wait3A_112 = arith.constant 0 : i32
          %dma_wait3A_113 = arith.constant 0 : i32
          %dma_wait3A_114 = tpu.memref_slice %arg12[%dma_wait3A_112, %dma_wait3A_113] : memref<10048x128xf32, #tpu.memory_space<vmem_shared>> -> memref<10048x128xf32, #tpu.memory_space<vmem_shared>>
          tpu.wait_indirect_dma semaphore(%run_scoped3A : memref<!tpu.dma_semaphore, #tpu.memory_space<semaphore_mem>>) src(%arg11 : memref<128x128xf32, #tpu.memory_space<vmem>>) dst(%dma_wait3A_114 : memref<10048x128xf32, #tpu.memory_space<vmem_shared>>)
          tpu.yield
        }) : () -> ()
        %add3A_94 = arith.constant 1 : i32
        %add3A_95 = arith.addi %mul3A_66, %add3A_94 : i32
        %add3A_96 = arith.constant 2 : i32
        %add3A_97 = arith.addi %add3A_95, %add3A_96 : i32
        %lt3A_98 = arith.constant 40 : i32
        %lt3A_99 = arith.cmpi slt, %add3A_97, %lt3A_98 : i32
        %convert_element_type3A_100 = arith.extui %lt3A_99 : i1 to i32
        %cond3A_101 = arith.constant 0 : i32
        %cond3A_102 = arith.cmpi ne, %convert_element_type3A_100, %cond3A_101 : i32
        scf.if %cond3A_102 {
          %add3A_103 = arith.constant 1 : i32
          %add3A_104 = arith.addi %mul3A_66, %add3A_103 : i32
          %add3A_105 = arith.constant 2 : i32
          %add3A_106 = arith.addi %add3A_104, %add3A_105 : i32
          %dma_start3A_107 = arith.constant 0 : i32
          %dma_start3A_108 = tpu.memref_slice %arg8[%add3A_106, %dma_start3A_107] : memref<40x128xi32, #tpu.memory_space<vmem>> -> memref<1x128xi32, #tpu.memory_space<vmem>>
          %dma_start3A_109 = tpu.memref_squeeze %dma_start3A_108 : memref<1x128xi32, #tpu.memory_space<vmem>> -> memref<128xi32, #tpu.memory_space<vmem>>
          %dma_start3A_110 = arith.constant 0 : i32
          %dma_start3A_111 = arith.constant 0 : i32
          %dma_start3A_112 = tpu.memref_slice %arg2[%dma_start3A_110, %dma_start3A_111] : memref<10000x128xf32, #tpu.memory_space<hbm>> -> memref<10000x128xf32, #tpu.memory_space<hbm>>
          tpu.enqueue_indirect_dma source(%dma_start3A_112 : memref<10000x128xf32, #tpu.memory_space<hbm>>) target(%arg11 : memref<128x128xf32, #tpu.memory_space<vmem>>) offsets(%dma_start3A_109 : memref<128xi32, #tpu.memory_space<vmem>>) semaphore(%arg14 : memref<!tpu.dma_semaphore, #tpu.memory_space<semaphore_mem>>)
        } else {
        }
      }
      %scan3A_53 = arith.constant 20 : i32
      %barrier3A_54 = arith.constant 0 : index
      tpu.barrier barrier_id(%barrier3A_54)
      %lt3A_55 = arith.constant 15 : i32
      %lt3A_56 = arith.cmpi slt, %arg1, %lt3A_55 : i32
      %convert_element_type3A_57 = arith.extui %lt3A_56 : i1 to i32
      %cond3A_58 = arith.constant 0 : i32
      %cond3A_59 = arith.cmpi ne, %convert_element_type3A_57, %cond3A_58 : i32
      scf.if %cond3A_59 {
        %mul3A = arith.constant 640 : i32
        %mul3A_65 = arith.muli %arg1, %mul3A : i32
        %mul3A_66 = arith.constant 640 : i32
        %mul3A_67 = arith.muli %arg1, %mul3A_66 : i32
        "tpu.region"() ({
          %run_scoped3A = tpu.sem_alloc : memref<!tpu.dma_semaphore, #tpu.memory_space<semaphore_mem>>
          %dma_start3A_68 = arith.constant 0 : i32
          %dma_start3A_69 = tpu.memref_slice %arg6[%mul3A_67, %dma_start3A_68] : memref<10000x128xf32, #tpu.memory_space<hbm>> -> memref<640x128xf32, #tpu.memory_space<hbm>>
          %dma_start3A_70 = arith.constant 0 : i32
          %dma_start3A_71 = tpu.memref_slice %arg12[%mul3A_65, %dma_start3A_70] : memref<10048x128xf32, #tpu.memory_space<vmem_shared>> -> memref<640x128xf32, #tpu.memory_space<vmem_shared>>
          tpu.enqueue_dma source(%dma_start3A_71 : memref<640x128xf32, #tpu.memory_space<vmem_shared>>) target(%dma_start3A_69 : memref<640x128xf32, #tpu.memory_space<hbm>>) target_semaphore(%run_scoped3A : memref<!tpu.dma_semaphore, #tpu.memory_space<semaphore_mem>>)
          %dma_wait3A = arith.constant 0 : i32
          %dma_wait3A_72 = tpu.memref_slice %arg6[%mul3A_67, %dma_wait3A] : memref<10000x128xf32, #tpu.memory_space<hbm>> -> memref<640x128xf32, #tpu.memory_space<hbm>>
          %dma_wait3A_73 = arith.constant 0 : i32
          %dma_wait3A_74 = tpu.memref_slice %arg12[%mul3A_65, %dma_wait3A_73] : memref<10048x128xf32, #tpu.memory_space<vmem_shared>> -> memref<640x128xf32, #tpu.memory_space<vmem_shared>>
          tpu.wait_dma2 semaphore(%run_scoped3A : memref<!tpu.dma_semaphore, #tpu.memory_space<semaphore_mem>>) src(%dma_wait3A_74 : memref<640x128xf32, #tpu.memory_space<vmem_shared>>) dst(%dma_wait3A_72 : memref<640x128xf32, #tpu.memory_space<hbm>>)
          tpu.yield
        }) : () -> ()
      } else {
      }
      %eq3A_60 = arith.constant 15 : i32
      %eq3A_61 = arith.cmpi eq, %arg1, %eq3A_60 : i32
      %convert_element_type3A_62 = arith.extui %eq3A_61 : i1 to i32
      %cond3A_63 = arith.constant 0 : i32
      %cond3A_64 = arith.cmpi ne, %convert_element_type3A_62, %cond3A_63 : i32
      scf.if %cond3A_64 {
        "tpu.region"() ({
          %run_scoped3A = tpu.sem_alloc : memref<!tpu.dma_semaphore, #tpu.memory_space<semaphore_mem>>
          %dma_start3A_65 = arith.constant 9600 : i32
          %dma_start3A_66 = arith.constant 0 : i32
          %dma_start3A_67 = tpu.memref_slice %arg6[%dma_start3A_65, %dma_start3A_66] : memref<10000x128xf32, #tpu.memory_space<hbm>> -> memref<400x128xf32, #tpu.memory_space<hbm>>
          %dma_start3A_68 = arith.constant 9600 : i32
          %dma_start3A_69 = arith.constant 0 : i32
          %dma_start3A_70 = tpu.memref_slice %arg12[%dma_start3A_68, %dma_start3A_69] : memref<10048x128xf32, #tpu.memory_space<vmem_shared>> -> memref<400x128xf32, #tpu.memory_space<vmem_shared>>
          tpu.enqueue_dma source(%dma_start3A_70 : memref<400x128xf32, #tpu.memory_space<vmem_shared>>) target(%dma_start3A_67 : memref<400x128xf32, #tpu.memory_space<hbm>>) target_semaphore(%run_scoped3A : memref<!tpu.dma_semaphore, #tpu.memory_space<semaphore_mem>>)
          %dma_wait3A = arith.constant 9600 : i32
          %dma_wait3A_71 = arith.constant 0 : i32
          %dma_wait3A_72 = tpu.memref_slice %arg6[%dma_wait3A, %dma_wait3A_71] : memref<10000x128xf32, #tpu.memory_space<hbm>> -> memref<400x128xf32, #tpu.memory_space<hbm>>
          %dma_wait3A_73 = arith.constant 9600 : i32
          %dma_wait3A_74 = arith.constant 0 : i32
          %dma_wait3A_75 = tpu.memref_slice %arg12[%dma_wait3A_73, %dma_wait3A_74] : memref<10048x128xf32, #tpu.memory_space<vmem_shared>> -> memref<400x128xf32, #tpu.memory_space<vmem_shared>>
          tpu.wait_dma2 semaphore(%run_scoped3A : memref<!tpu.dma_semaphore, #tpu.memory_space<semaphore_mem>>) src(%dma_wait3A_75 : memref<400x128xf32, #tpu.memory_space<vmem_shared>>) dst(%dma_wait3A_72 : memref<400x128xf32, #tpu.memory_space<hbm>>)
          tpu.yield
        }) : () -> ()
      } else {
      }
    } else {
    }
    %eq3A_2 = arith.constant 1 : i32
    %eq3A_3 = arith.cmpi eq, %arg0, %eq3A_2 : i32
    %convert_element_type3A_4 = arith.extui %eq3A_3 : i1 to i32
    %cond3A_5 = arith.constant 0 : i32
    %cond3A_6 = arith.cmpi ne, %convert_element_type3A_4, %cond3A_5 : i32
    scf.if %cond3A_6 {
      "tpu.region"() ({
        %run_scoped3A = tpu.sem_alloc : memref<!tpu.dma_semaphore, #tpu.memory_space<semaphore_mem>>
        %dma_start3A_65 = arith.constant 0 : i32
        %dma_start3A_66 = arith.constant 0 : i32
        %dma_start3A_67 = tpu.memref_slice %arg4[%arg1, %dma_start3A_65, %dma_start3A_66] : memref<16x80x128xi32, #tpu.memory_space<hbm>> -> memref<1x40x128xi32, #tpu.memory_space<hbm>>
        %dma_start3A_68 = tpu.memref_squeeze %dma_start3A_67 : memref<1x40x128xi32, #tpu.memory_space<hbm>> -> memref<40x128xi32, #tpu.memory_space<hbm>>
        %dma_start3A_69 = arith.constant 0 : i32
        %dma_start3A_70 = arith.constant 0 : i32
        %dma_start3A_71 = tpu.memref_slice %arg4[%arg1, %dma_start3A_69, %dma_start3A_70] : memref<16x80x128xi32, #tpu.memory_space<hbm>> -> memref<1x40x128xi32, #tpu.memory_space<hbm>>
        %dma_start3A_72 = tpu.memref_squeeze %dma_start3A_71 : memref<1x40x128xi32, #tpu.memory_space<hbm>> -> memref<40x128xi32, #tpu.memory_space<hbm>>
        tpu.enqueue_dma source(%dma_start3A_72 : memref<40x128xi32, #tpu.memory_space<hbm>>) target(%arg8 : memref<40x128xi32, #tpu.memory_space<vmem>>) target_semaphore(%run_scoped3A : memref<!tpu.dma_semaphore, #tpu.memory_space<semaphore_mem>>)
        %dma_wait3A = arith.constant 0 : i32
        %dma_wait3A_73 = arith.constant 0 : i32
        %dma_wait3A_74 = tpu.memref_slice %arg4[%arg1, %dma_wait3A, %dma_wait3A_73] : memref<16x80x128xi32, #tpu.memory_space<hbm>> -> memref<1x40x128xi32, #tpu.memory_space<hbm>>
        %dma_wait3A_75 = tpu.memref_squeeze %dma_wait3A_74 : memref<1x40x128xi32, #tpu.memory_space<hbm>> -> memref<40x128xi32, #tpu.memory_space<hbm>>
        %dma_wait3A_76 = arith.constant 0 : i32
        %dma_wait3A_77 = arith.constant 0 : i32
        %dma_wait3A_78 = tpu.memref_slice %arg4[%arg1, %dma_wait3A_76, %dma_wait3A_77] : memref<16x80x128xi32, #tpu.memory_space<hbm>> -> memref<1x40x128xi32, #tpu.memory_space<hbm>>
        %dma_wait3A_79 = tpu.memref_squeeze %dma_wait3A_78 : memref<1x40x128xi32, #tpu.memory_space<hbm>> -> memref<40x128xi32, #tpu.memory_space<hbm>>
        tpu.wait_dma2 semaphore(%run_scoped3A : memref<!tpu.dma_semaphore, #tpu.memory_space<semaphore_mem>>) src(%dma_wait3A_79 : memref<40x128xi32, #tpu.memory_space<hbm>>) dst(%arg8 : memref<40x128xi32, #tpu.memory_space<vmem>>)
        tpu.yield
      }) : () -> ()
      "tpu.region"() ({
        %run_scoped3A = tpu.sem_alloc : memref<!tpu.dma_semaphore, #tpu.memory_space<semaphore_mem>>
        %dma_start3A_65 = arith.constant 0 : i32
        %dma_start3A_66 = arith.constant 0 : i32
        %dma_start3A_67 = tpu.memref_slice %arg5[%arg1, %dma_start3A_65, %dma_start3A_66] : memref<16x80x128xi32, #tpu.memory_space<hbm>> -> memref<1x40x128xi32, #tpu.memory_space<hbm>>
        %dma_start3A_68 = tpu.memref_squeeze %dma_start3A_67 : memref<1x40x128xi32, #tpu.memory_space<hbm>> -> memref<40x128xi32, #tpu.memory_space<hbm>>
        %dma_start3A_69 = arith.constant 0 : i32
        %dma_start3A_70 = arith.constant 0 : i32
        %dma_start3A_71 = tpu.memref_slice %arg5[%arg1, %dma_start3A_69, %dma_start3A_70] : memref<16x80x128xi32, #tpu.memory_space<hbm>> -> memref<1x40x128xi32, #tpu.memory_space<hbm>>
        %dma_start3A_72 = tpu.memref_squeeze %dma_start3A_71 : memref<1x40x128xi32, #tpu.memory_space<hbm>> -> memref<40x128xi32, #tpu.memory_space<hbm>>
        tpu.enqueue_dma source(%dma_start3A_72 : memref<40x128xi32, #tpu.memory_space<hbm>>) target(%arg9 : memref<40x128xi32, #tpu.memory_space<vmem>>) target_semaphore(%run_scoped3A : memref<!tpu.dma_semaphore, #tpu.memory_space<semaphore_mem>>)
        %dma_wait3A = arith.constant 0 : i32
        %dma_wait3A_73 = arith.constant 0 : i32
        %dma_wait3A_74 = tpu.memref_slice %arg5[%arg1, %dma_wait3A, %dma_wait3A_73] : memref<16x80x128xi32, #tpu.memory_space<hbm>> -> memref<1x40x128xi32, #tpu.memory_space<hbm>>
        %dma_wait3A_75 = tpu.memref_squeeze %dma_wait3A_74 : memref<1x40x128xi32, #tpu.memory_space<hbm>> -> memref<40x128xi32, #tpu.memory_space<hbm>>
        %dma_wait3A_76 = arith.constant 0 : i32
        %dma_wait3A_77 = arith.constant 0 : i32
        %dma_wait3A_78 = tpu.memref_slice %arg5[%arg1, %dma_wait3A_76, %dma_wait3A_77] : memref<16x80x128xi32, #tpu.memory_space<hbm>> -> memref<1x40x128xi32, #tpu.memory_space<hbm>>
        %dma_wait3A_79 = tpu.memref_squeeze %dma_wait3A_78 : memref<1x40x128xi32, #tpu.memory_space<hbm>> -> memref<40x128xi32, #tpu.memory_space<hbm>>
        tpu.wait_dma2 semaphore(%run_scoped3A : memref<!tpu.dma_semaphore, #tpu.memory_space<semaphore_mem>>) src(%dma_wait3A_79 : memref<40x128xi32, #tpu.memory_space<hbm>>) dst(%arg9 : memref<40x128xi32, #tpu.memory_space<vmem>>)
        tpu.yield
      }) : () -> ()
      %dma_start3A = arith.constant 0 : i32
      %dma_start3A_7 = arith.constant 0 : i32
      %dma_start3A_8 = tpu.memref_slice %arg8[%dma_start3A, %dma_start3A_7] : memref<40x128xi32, #tpu.memory_space<vmem>> -> memref<1x128xi32, #tpu.memory_space<vmem>>
      %dma_start3A_9 = tpu.memref_squeeze %dma_start3A_8 : memref<1x128xi32, #tpu.memory_space<vmem>> -> memref<128xi32, #tpu.memory_space<vmem>>
      %dma_start3A_10 = arith.constant 0 : i32
      %dma_start3A_11 = arith.constant 0 : i32
      %dma_start3A_12 = tpu.memref_slice %arg3[%dma_start3A_10, %dma_start3A_11] : memref<10000x128xf32, #tpu.memory_space<hbm>> -> memref<10000x128xf32, #tpu.memory_space<hbm>>
      tpu.enqueue_indirect_dma source(%dma_start3A_12 : memref<10000x128xf32, #tpu.memory_space<hbm>>) target(%arg10 : memref<128x128xf32, #tpu.memory_space<vmem>>) offsets(%dma_start3A_9 : memref<128xi32, #tpu.memory_space<vmem>>) semaphore(%arg13 : memref<!tpu.dma_semaphore, #tpu.memory_space<semaphore_mem>>)
      %dma_start3A_13 = arith.constant 1 : i32
      %dma_start3A_14 = arith.constant 0 : i32
      %dma_start3A_15 = tpu.memref_slice %arg8[%dma_start3A_13, %dma_start3A_14] : memref<40x128xi32, #tpu.memory_space<vmem>> -> memref<1x128xi32, #tpu.memory_space<vmem>>
      %dma_start3A_16 = tpu.memref_squeeze %dma_start3A_15 : memref<1x128xi32, #tpu.memory_space<vmem>> -> memref<128xi32, #tpu.memory_space<vmem>>
      %dma_start3A_17 = arith.constant 0 : i32
      %dma_start3A_18 = arith.constant 0 : i32
      %dma_start3A_19 = tpu.memref_slice %arg3[%dma_start3A_17, %dma_start3A_18] : memref<10000x128xf32, #tpu.memory_space<hbm>> -> memref<10000x128xf32, #tpu.memory_space<hbm>>
      tpu.enqueue_indirect_dma source(%dma_start3A_19 : memref<10000x128xf32, #tpu.memory_space<hbm>>) target(%arg11 : memref<128x128xf32, #tpu.memory_space<vmem>>) offsets(%dma_start3A_16 : memref<128xi32, #tpu.memory_space<vmem>>) semaphore(%arg14 : memref<!tpu.dma_semaphore, #tpu.memory_space<semaphore_mem>>)
      %lt3A = arith.constant 15 : i32
      %lt3A_20 = arith.cmpi slt, %arg1, %lt3A : i32
      %convert_element_type3A_21 = arith.extui %lt3A_20 : i1 to i32
      %cond3A_22 = arith.constant 0 : i32
      %cond3A_23 = arith.cmpi ne, %convert_element_type3A_21, %cond3A_22 : i32
      scf.if %cond3A_23 {
        %mul3A = arith.constant 640 : i32
        %mul3A_65 = arith.muli %arg1, %mul3A : i32
        %mul3A_66 = arith.constant 640 : i32
        %mul3A_67 = arith.muli %arg1, %mul3A_66 : i32
        "tpu.region"() ({
          %run_scoped3A = tpu.sem_alloc : memref<!tpu.dma_semaphore, #tpu.memory_space<semaphore_mem>>
          %dma_start3A_68 = arith.constant 0 : i32
          %dma_start3A_69 = tpu.memref_slice %arg12[%mul3A_67, %dma_start3A_68] : memref<10048x128xf32, #tpu.memory_space<vmem_shared>> -> memref<640x128xf32, #tpu.memory_space<vmem_shared>>
          %dma_start3A_70 = arith.constant 0 : i32
          %dma_start3A_71 = tpu.memref_slice %arg3[%mul3A_65, %dma_start3A_70] : memref<10000x128xf32, #tpu.memory_space<hbm>> -> memref<640x128xf32, #tpu.memory_space<hbm>>
          tpu.enqueue_dma source(%dma_start3A_71 : memref<640x128xf32, #tpu.memory_space<hbm>>) target(%dma_start3A_69 : memref<640x128xf32, #tpu.memory_space<vmem_shared>>) target_semaphore(%run_scoped3A : memref<!tpu.dma_semaphore, #tpu.memory_space<semaphore_mem>>)
          %dma_wait3A = arith.constant 0 : i32
          %dma_wait3A_72 = tpu.memref_slice %arg12[%mul3A_67, %dma_wait3A] : memref<10048x128xf32, #tpu.memory_space<vmem_shared>> -> memref<640x128xf32, #tpu.memory_space<vmem_shared>>
          %dma_wait3A_73 = arith.constant 0 : i32
          %dma_wait3A_74 = tpu.memref_slice %arg3[%mul3A_65, %dma_wait3A_73] : memref<10000x128xf32, #tpu.memory_space<hbm>> -> memref<640x128xf32, #tpu.memory_space<hbm>>
          tpu.wait_dma2 semaphore(%run_scoped3A : memref<!tpu.dma_semaphore, #tpu.memory_space<semaphore_mem>>) src(%dma_wait3A_74 : memref<640x128xf32, #tpu.memory_space<hbm>>) dst(%dma_wait3A_72 : memref<640x128xf32, #tpu.memory_space<vmem_shared>>)
          tpu.yield
        }) : () -> ()
      } else {
      }
      %eq3A_24 = arith.constant 15 : i32
      %eq3A_25 = arith.cmpi eq, %arg1, %eq3A_24 : i32
      %convert_element_type3A_26 = arith.extui %eq3A_25 : i1 to i32
      %cond3A_27 = arith.constant 0 : i32
      %cond3A_28 = arith.cmpi ne, %convert_element_type3A_26, %cond3A_27 : i32
      scf.if %cond3A_28 {
        "tpu.region"() ({
          %run_scoped3A = tpu.sem_alloc : memref<!tpu.dma_semaphore, #tpu.memory_space<semaphore_mem>>
          %dma_start3A_65 = arith.constant 9600 : i32
          %dma_start3A_66 = arith.constant 0 : i32
          %dma_start3A_67 = tpu.memref_slice %arg12[%dma_start3A_65, %dma_start3A_66] : memref<10048x128xf32, #tpu.memory_space<vmem_shared>> -> memref<400x128xf32, #tpu.memory_space<vmem_shared>>
          %dma_start3A_68 = arith.constant 9600 : i32
          %dma_start3A_69 = arith.constant 0 : i32
          %dma_start3A_70 = tpu.memref_slice %arg3[%dma_start3A_68, %dma_start3A_69] : memref<10000x128xf32, #tpu.memory_space<hbm>> -> memref<400x128xf32, #tpu.memory_space<hbm>>
          tpu.enqueue_dma source(%dma_start3A_70 : memref<400x128xf32, #tpu.memory_space<hbm>>) target(%dma_start3A_67 : memref<400x128xf32, #tpu.memory_space<vmem_shared>>) target_semaphore(%run_scoped3A : memref<!tpu.dma_semaphore, #tpu.memory_space<semaphore_mem>>)
          %dma_wait3A = arith.constant 9600 : i32
          %dma_wait3A_71 = arith.constant 0 : i32
          %dma_wait3A_72 = tpu.memref_slice %arg12[%dma_wait3A, %dma_wait3A_71] : memref<10048x128xf32, #tpu.memory_space<vmem_shared>> -> memref<400x128xf32, #tpu.memory_space<vmem_shared>>
          %dma_wait3A_73 = arith.constant 9600 : i32
          %dma_wait3A_74 = arith.constant 0 : i32
          %dma_wait3A_75 = tpu.memref_slice %arg3[%dma_wait3A_73, %dma_wait3A_74] : memref<10000x128xf32, #tpu.memory_space<hbm>> -> memref<400x128xf32, #tpu.memory_space<hbm>>
          tpu.wait_dma2 semaphore(%run_scoped3A : memref<!tpu.dma_semaphore, #tpu.memory_space<semaphore_mem>>) src(%dma_wait3A_75 : memref<400x128xf32, #tpu.memory_space<hbm>>) dst(%dma_wait3A_72 : memref<400x128xf32, #tpu.memory_space<vmem_shared>>)
          tpu.yield
        }) : () -> ()
      } else {
      }
      %barrier3A = arith.constant 0 : index
      tpu.barrier barrier_id(%barrier3A)
      %scan3A = arith.constant 0 : i32
      %scan3A_29 = arith.constant 0 : i32
      %scan3A_30 = arith.constant 20 : i32
      %scan3A_31 = arith.addi %scan3A_29, %scan3A_30 : i32
      %scan3A_32 = arith.constant 1 : i32
      scf.for %scan3A_65 = %scan3A_29 to %scan3A_31 step %scan3A_32  : i32 {
        %mul3A = arith.constant 2 : i32
        %mul3A_66 = arith.muli %mul3A, %scan3A_65 : i32
        %add3A = arith.constant 0 : i32
        %add3A_67 = arith.addi %mul3A_66, %add3A : i32
        %dma_wait3A = arith.constant 0 : i32
        %dma_wait3A_68 = tpu.memref_slice %arg8[%add3A_67, %dma_wait3A] : memref<40x128xi32, #tpu.memory_space<vmem>> -> memref<1x128xi32, #tpu.memory_space<vmem>>
        %dma_wait3A_69 = tpu.memref_squeeze %dma_wait3A_68 : memref<1x128xi32, #tpu.memory_space<vmem>> -> memref<128xi32, #tpu.memory_space<vmem>>
        %dma_wait3A_70 = arith.constant 0 : i32
        %dma_wait3A_71 = arith.constant 0 : i32
        %dma_wait3A_72 = tpu.memref_slice %arg3[%dma_wait3A_70, %dma_wait3A_71] : memref<10000x128xf32, #tpu.memory_space<hbm>> -> memref<10000x128xf32, #tpu.memory_space<hbm>>
        tpu.wait_indirect_dma semaphore(%arg13 : memref<!tpu.dma_semaphore, #tpu.memory_space<semaphore_mem>>) src(%dma_wait3A_72 : memref<10000x128xf32, #tpu.memory_space<hbm>>) dst(%arg10 : memref<128x128xf32, #tpu.memory_space<vmem>>)
        %add3A_73 = arith.constant 0 : i32
        %add3A_74 = arith.addi %mul3A_66, %add3A_73 : i32
        "tpu.region"() ({
          %run_scoped3A = tpu.sem_alloc : memref<!tpu.dma_semaphore, #tpu.memory_space<semaphore_mem>>
          %dma_start3A_103 = arith.constant 0 : i32
          %dma_start3A_104 = tpu.memref_slice %arg9[%add3A_74, %dma_start3A_103] : memref<40x128xi32, #tpu.memory_space<vmem>> -> memref<1x128xi32, #tpu.memory_space<vmem>>
          %dma_start3A_105 = tpu.memref_squeeze %dma_start3A_104 : memref<1x128xi32, #tpu.memory_space<vmem>> -> memref<128xi32, #tpu.memory_space<vmem>>
          %dma_start3A_106 = arith.constant 0 : i32
          %dma_start3A_107 = arith.constant 0 : i32
          %dma_start3A_108 = tpu.memref_slice %arg12[%dma_start3A_106, %dma_start3A_107] : memref<10048x128xf32, #tpu.memory_space<vmem_shared>> -> memref<10048x128xf32, #tpu.memory_space<vmem_shared>>
          tpu.enqueue_indirect_dma source(%arg10 : memref<128x128xf32, #tpu.memory_space<vmem>>) target(%dma_start3A_108 : memref<10048x128xf32, #tpu.memory_space<vmem_shared>>) offsets(%dma_start3A_105 : memref<128xi32, #tpu.memory_space<vmem>>) semaphore(%run_scoped3A : memref<!tpu.dma_semaphore, #tpu.memory_space<semaphore_mem>>) {add = true}
          %dma_wait3A_109 = arith.constant 0 : i32
          %dma_wait3A_110 = tpu.memref_slice %arg9[%add3A_74, %dma_wait3A_109] : memref<40x128xi32, #tpu.memory_space<vmem>> -> memref<1x128xi32, #tpu.memory_space<vmem>>
          %dma_wait3A_111 = tpu.memref_squeeze %dma_wait3A_110 : memref<1x128xi32, #tpu.memory_space<vmem>> -> memref<128xi32, #tpu.memory_space<vmem>>
          %dma_wait3A_112 = arith.constant 0 : i32
          %dma_wait3A_113 = arith.constant 0 : i32
          %dma_wait3A_114 = tpu.memref_slice %arg12[%dma_wait3A_112, %dma_wait3A_113] : memref<10048x128xf32, #tpu.memory_space<vmem_shared>> -> memref<10048x128xf32, #tpu.memory_space<vmem_shared>>
          tpu.wait_indirect_dma semaphore(%run_scoped3A : memref<!tpu.dma_semaphore, #tpu.memory_space<semaphore_mem>>) src(%arg10 : memref<128x128xf32, #tpu.memory_space<vmem>>) dst(%dma_wait3A_114 : memref<10048x128xf32, #tpu.memory_space<vmem_shared>>)
          tpu.yield
        }) : () -> ()
        %add3A_75 = arith.constant 0 : i32
        %add3A_76 = arith.addi %mul3A_66, %add3A_75 : i32
        %add3A_77 = arith.constant 2 : i32
        %add3A_78 = arith.addi %add3A_76, %add3A_77 : i32
        %lt3A_79 = arith.constant 40 : i32
        %lt3A_80 = arith.cmpi slt, %add3A_78, %lt3A_79 : i32
        %convert_element_type3A_81 = arith.extui %lt3A_80 : i1 to i32
        %cond3A_82 = arith.constant 0 : i32
        %cond3A_83 = arith.cmpi ne, %convert_element_type3A_81, %cond3A_82 : i32
        scf.if %cond3A_83 {
          %add3A_103 = arith.constant 0 : i32
          %add3A_104 = arith.addi %mul3A_66, %add3A_103 : i32
          %add3A_105 = arith.constant 2 : i32
          %add3A_106 = arith.addi %add3A_104, %add3A_105 : i32
          %dma_start3A_107 = arith.constant 0 : i32
          %dma_start3A_108 = tpu.memref_slice %arg8[%add3A_106, %dma_start3A_107] : memref<40x128xi32, #tpu.memory_space<vmem>> -> memref<1x128xi32, #tpu.memory_space<vmem>>
          %dma_start3A_109 = tpu.memref_squeeze %dma_start3A_108 : memref<1x128xi32, #tpu.memory_space<vmem>> -> memref<128xi32, #tpu.memory_space<vmem>>
          %dma_start3A_110 = arith.constant 0 : i32
          %dma_start3A_111 = arith.constant 0 : i32
          %dma_start3A_112 = tpu.memref_slice %arg3[%dma_start3A_110, %dma_start3A_111] : memref<10000x128xf32, #tpu.memory_space<hbm>> -> memref<10000x128xf32, #tpu.memory_space<hbm>>
          tpu.enqueue_indirect_dma source(%dma_start3A_112 : memref<10000x128xf32, #tpu.memory_space<hbm>>) target(%arg10 : memref<128x128xf32, #tpu.memory_space<vmem>>) offsets(%dma_start3A_109 : memref<128xi32, #tpu.memory_space<vmem>>) semaphore(%arg13 : memref<!tpu.dma_semaphore, #tpu.memory_space<semaphore_mem>>)
        } else {
        }
        %add3A_84 = arith.constant 1 : i32
        %add3A_85 = arith.addi %mul3A_66, %add3A_84 : i32
        %dma_wait3A_86 = arith.constant 0 : i32
        %dma_wait3A_87 = tpu.memref_slice %arg8[%add3A_85, %dma_wait3A_86] : memref<40x128xi32, #tpu.memory_space<vmem>> -> memref<1x128xi32, #tpu.memory_space<vmem>>
        %dma_wait3A_88 = tpu.memref_squeeze %dma_wait3A_87 : memref<1x128xi32, #tpu.memory_space<vmem>> -> memref<128xi32, #tpu.memory_space<vmem>>
        %dma_wait3A_89 = arith.constant 0 : i32
        %dma_wait3A_90 = arith.constant 0 : i32
        %dma_wait3A_91 = tpu.memref_slice %arg3[%dma_wait3A_89, %dma_wait3A_90] : memref<10000x128xf32, #tpu.memory_space<hbm>> -> memref<10000x128xf32, #tpu.memory_space<hbm>>
        tpu.wait_indirect_dma semaphore(%arg14 : memref<!tpu.dma_semaphore, #tpu.memory_space<semaphore_mem>>) src(%dma_wait3A_91 : memref<10000x128xf32, #tpu.memory_space<hbm>>) dst(%arg11 : memref<128x128xf32, #tpu.memory_space<vmem>>)
        %add3A_92 = arith.constant 1 : i32
        %add3A_93 = arith.addi %mul3A_66, %add3A_92 : i32
        "tpu.region"() ({
          %run_scoped3A = tpu.sem_alloc : memref<!tpu.dma_semaphore, #tpu.memory_space<semaphore_mem>>
          %dma_start3A_103 = arith.constant 0 : i32
          %dma_start3A_104 = tpu.memref_slice %arg9[%add3A_93, %dma_start3A_103] : memref<40x128xi32, #tpu.memory_space<vmem>> -> memref<1x128xi32, #tpu.memory_space<vmem>>
          %dma_start3A_105 = tpu.memref_squeeze %dma_start3A_104 : memref<1x128xi32, #tpu.memory_space<vmem>> -> memref<128xi32, #tpu.memory_space<vmem>>
          %dma_start3A_106 = arith.constant 0 : i32
          %dma_start3A_107 = arith.constant 0 : i32
          %dma_start3A_108 = tpu.memref_slice %arg12[%dma_start3A_106, %dma_start3A_107] : memref<10048x128xf32, #tpu.memory_space<vmem_shared>> -> memref<10048x128xf32, #tpu.memory_space<vmem_shared>>
          tpu.enqueue_indirect_dma source(%arg11 : memref<128x128xf32, #tpu.memory_space<vmem>>) target(%dma_start3A_108 : memref<10048x128xf32, #tpu.memory_space<vmem_shared>>) offsets(%dma_start3A_105 : memref<128xi32, #tpu.memory_space<vmem>>) semaphore(%run_scoped3A : memref<!tpu.dma_semaphore, #tpu.memory_space<semaphore_mem>>) {add = true}
          %dma_wait3A_109 = arith.constant 0 : i32
          %dma_wait3A_110 = tpu.memref_slice %arg9[%add3A_93, %dma_wait3A_109] : memref<40x128xi32, #tpu.memory_space<vmem>> -> memref<1x128xi32, #tpu.memory_space<vmem>>
          %dma_wait3A_111 = tpu.memref_squeeze %dma_wait3A_110 : memref<1x128xi32, #tpu.memory_space<vmem>> -> memref<128xi32, #tpu.memory_space<vmem>>
          %dma_wait3A_112 = arith.constant 0 : i32
          %dma_wait3A_113 = arith.constant 0 : i32
          %dma_wait3A_114 = tpu.memref_slice %arg12[%dma_wait3A_112, %dma_wait3A_113] : memref<10048x128xf32, #tpu.memory_space<vmem_shared>> -> memref<10048x128xf32, #tpu.memory_space<vmem_shared>>
          tpu.wait_indirect_dma semaphore(%run_scoped3A : memref<!tpu.dma_semaphore, #tpu.memory_space<semaphore_mem>>) src(%arg11 : memref<128x128xf32, #tpu.memory_space<vmem>>) dst(%dma_wait3A_114 : memref<10048x128xf32, #tpu.memory_space<vmem_shared>>)
          tpu.yield
        }) : () -> ()
        %add3A_94 = arith.constant 1 : i32
        %add3A_95 = arith.addi %mul3A_66, %add3A_94 : i32
        %add3A_96 = arith.constant 2 : i32
        %add3A_97 = arith.addi %add3A_95, %add3A_96 : i32
        %lt3A_98 = arith.constant 40 : i32
        %lt3A_99 = arith.cmpi slt, %add3A_97, %lt3A_98 : i32
        %convert_element_type3A_100 = arith.extui %lt3A_99 : i1 to i32
        %cond3A_101 = arith.constant 0 : i32
        %cond3A_102 = arith.cmpi ne, %convert_element_type3A_100, %cond3A_101 : i32
        scf.if %cond3A_102 {
          %add3A_103 = arith.constant 1 : i32
          %add3A_104 = arith.addi %mul3A_66, %add3A_103 : i32
          %add3A_105 = arith.constant 2 : i32
          %add3A_106 = arith.addi %add3A_104, %add3A_105 : i32
          %dma_start3A_107 = arith.constant 0 : i32
          %dma_start3A_108 = tpu.memref_slice %arg8[%add3A_106, %dma_start3A_107] : memref<40x128xi32, #tpu.memory_space<vmem>> -> memref<1x128xi32, #tpu.memory_space<vmem>>
          %dma_start3A_109 = tpu.memref_squeeze %dma_start3A_108 : memref<1x128xi32, #tpu.memory_space<vmem>> -> memref<128xi32, #tpu.memory_space<vmem>>
          %dma_start3A_110 = arith.constant 0 : i32
          %dma_start3A_111 = arith.constant 0 : i32
          %dma_start3A_112 = tpu.memref_slice %arg3[%dma_start3A_110, %dma_start3A_111] : memref<10000x128xf32, #tpu.memory_space<hbm>> -> memref<10000x128xf32, #tpu.memory_space<hbm>>
          tpu.enqueue_indirect_dma source(%dma_start3A_112 : memref<10000x128xf32, #tpu.memory_space<hbm>>) target(%arg11 : memref<128x128xf32, #tpu.memory_space<vmem>>) offsets(%dma_start3A_109 : memref<128xi32, #tpu.memory_space<vmem>>) semaphore(%arg14 : memref<!tpu.dma_semaphore, #tpu.memory_space<semaphore_mem>>)
        } else {
        }
      }
      %scan3A_33 = arith.constant 20 : i32
      "tpu.region"() ({
        %run_scoped3A = tpu.sem_alloc : memref<!tpu.dma_semaphore, #tpu.memory_space<semaphore_mem>>
        %dma_start3A_65 = arith.constant 40 : i32
        %dma_start3A_66 = arith.constant 0 : i32
        %dma_start3A_67 = tpu.memref_slice %arg4[%arg1, %dma_start3A_65, %dma_start3A_66] : memref<16x80x128xi32, #tpu.memory_space<hbm>> -> memref<1x40x128xi32, #tpu.memory_space<hbm>>
        %dma_start3A_68 = tpu.memref_squeeze %dma_start3A_67 : memref<1x40x128xi32, #tpu.memory_space<hbm>> -> memref<40x128xi32, #tpu.memory_space<hbm>>
        %dma_start3A_69 = arith.constant 40 : i32
        %dma_start3A_70 = arith.constant 0 : i32
        %dma_start3A_71 = tpu.memref_slice %arg4[%arg1, %dma_start3A_69, %dma_start3A_70] : memref<16x80x128xi32, #tpu.memory_space<hbm>> -> memref<1x40x128xi32, #tpu.memory_space<hbm>>
        %dma_start3A_72 = tpu.memref_squeeze %dma_start3A_71 : memref<1x40x128xi32, #tpu.memory_space<hbm>> -> memref<40x128xi32, #tpu.memory_space<hbm>>
        tpu.enqueue_dma source(%dma_start3A_72 : memref<40x128xi32, #tpu.memory_space<hbm>>) target(%arg8 : memref<40x128xi32, #tpu.memory_space<vmem>>) target_semaphore(%run_scoped3A : memref<!tpu.dma_semaphore, #tpu.memory_space<semaphore_mem>>)
        %dma_wait3A = arith.constant 40 : i32
        %dma_wait3A_73 = arith.constant 0 : i32
        %dma_wait3A_74 = tpu.memref_slice %arg4[%arg1, %dma_wait3A, %dma_wait3A_73] : memref<16x80x128xi32, #tpu.memory_space<hbm>> -> memref<1x40x128xi32, #tpu.memory_space<hbm>>
        %dma_wait3A_75 = tpu.memref_squeeze %dma_wait3A_74 : memref<1x40x128xi32, #tpu.memory_space<hbm>> -> memref<40x128xi32, #tpu.memory_space<hbm>>
        %dma_wait3A_76 = arith.constant 40 : i32
        %dma_wait3A_77 = arith.constant 0 : i32
        %dma_wait3A_78 = tpu.memref_slice %arg4[%arg1, %dma_wait3A_76, %dma_wait3A_77] : memref<16x80x128xi32, #tpu.memory_space<hbm>> -> memref<1x40x128xi32, #tpu.memory_space<hbm>>
        %dma_wait3A_79 = tpu.memref_squeeze %dma_wait3A_78 : memref<1x40x128xi32, #tpu.memory_space<hbm>> -> memref<40x128xi32, #tpu.memory_space<hbm>>
        tpu.wait_dma2 semaphore(%run_scoped3A : memref<!tpu.dma_semaphore, #tpu.memory_space<semaphore_mem>>) src(%dma_wait3A_79 : memref<40x128xi32, #tpu.memory_space<hbm>>) dst(%arg8 : memref<40x128xi32, #tpu.memory_space<vmem>>)
        tpu.yield
      }) : () -> ()
      "tpu.region"() ({
        %run_scoped3A = tpu.sem_alloc : memref<!tpu.dma_semaphore, #tpu.memory_space<semaphore_mem>>
        %dma_start3A_65 = arith.constant 40 : i32
        %dma_start3A_66 = arith.constant 0 : i32
        %dma_start3A_67 = tpu.memref_slice %arg5[%arg1, %dma_start3A_65, %dma_start3A_66] : memref<16x80x128xi32, #tpu.memory_space<hbm>> -> memref<1x40x128xi32, #tpu.memory_space<hbm>>
        %dma_start3A_68 = tpu.memref_squeeze %dma_start3A_67 : memref<1x40x128xi32, #tpu.memory_space<hbm>> -> memref<40x128xi32, #tpu.memory_space<hbm>>
        %dma_start3A_69 = arith.constant 40 : i32
        %dma_start3A_70 = arith.constant 0 : i32
        %dma_start3A_71 = tpu.memref_slice %arg5[%arg1, %dma_start3A_69, %dma_start3A_70] : memref<16x80x128xi32, #tpu.memory_space<hbm>> -> memref<1x40x128xi32, #tpu.memory_space<hbm>>
        %dma_start3A_72 = tpu.memref_squeeze %dma_start3A_71 : memref<1x40x128xi32, #tpu.memory_space<hbm>> -> memref<40x128xi32, #tpu.memory_space<hbm>>
        tpu.enqueue_dma source(%dma_start3A_72 : memref<40x128xi32, #tpu.memory_space<hbm>>) target(%arg9 : memref<40x128xi32, #tpu.memory_space<vmem>>) target_semaphore(%run_scoped3A : memref<!tpu.dma_semaphore, #tpu.memory_space<semaphore_mem>>)
        %dma_wait3A = arith.constant 40 : i32
        %dma_wait3A_73 = arith.constant 0 : i32
        %dma_wait3A_74 = tpu.memref_slice %arg5[%arg1, %dma_wait3A, %dma_wait3A_73] : memref<16x80x128xi32, #tpu.memory_space<hbm>> -> memref<1x40x128xi32, #tpu.memory_space<hbm>>
        %dma_wait3A_75 = tpu.memref_squeeze %dma_wait3A_74 : memref<1x40x128xi32, #tpu.memory_space<hbm>> -> memref<40x128xi32, #tpu.memory_space<hbm>>
        %dma_wait3A_76 = arith.constant 40 : i32
        %dma_wait3A_77 = arith.constant 0 : i32
        %dma_wait3A_78 = tpu.memref_slice %arg5[%arg1, %dma_wait3A_76, %dma_wait3A_77] : memref<16x80x128xi32, #tpu.memory_space<hbm>> -> memref<1x40x128xi32, #tpu.memory_space<hbm>>
        %dma_wait3A_79 = tpu.memref_squeeze %dma_wait3A_78 : memref<1x40x128xi32, #tpu.memory_space<hbm>> -> memref<40x128xi32, #tpu.memory_space<hbm>>
        tpu.wait_dma2 semaphore(%run_scoped3A : memref<!tpu.dma_semaphore, #tpu.memory_space<semaphore_mem>>) src(%dma_wait3A_79 : memref<40x128xi32, #tpu.memory_space<hbm>>) dst(%arg9 : memref<40x128xi32, #tpu.memory_space<vmem>>)
        tpu.yield
      }) : () -> ()
      %dma_start3A_34 = arith.constant 0 : i32
      %dma_start3A_35 = arith.constant 0 : i32
      %dma_start3A_36 = tpu.memref_slice %arg8[%dma_start3A_34, %dma_start3A_35] : memref<40x128xi32, #tpu.memory_space<vmem>> -> memref<1x128xi32, #tpu.memory_space<vmem>>
      %dma_start3A_37 = tpu.memref_squeeze %dma_start3A_36 : memref<1x128xi32, #tpu.memory_space<vmem>> -> memref<128xi32, #tpu.memory_space<vmem>>
      %dma_start3A_38 = arith.constant 0 : i32
      %dma_start3A_39 = arith.constant 0 : i32
      %dma_start3A_40 = tpu.memref_slice %arg3[%dma_start3A_38, %dma_start3A_39] : memref<10000x128xf32, #tpu.memory_space<hbm>> -> memref<10000x128xf32, #tpu.memory_space<hbm>>
      tpu.enqueue_indirect_dma source(%dma_start3A_40 : memref<10000x128xf32, #tpu.memory_space<hbm>>) target(%arg10 : memref<128x128xf32, #tpu.memory_space<vmem>>) offsets(%dma_start3A_37 : memref<128xi32, #tpu.memory_space<vmem>>) semaphore(%arg13 : memref<!tpu.dma_semaphore, #tpu.memory_space<semaphore_mem>>)
      %dma_start3A_41 = arith.constant 1 : i32
      %dma_start3A_42 = arith.constant 0 : i32
      %dma_start3A_43 = tpu.memref_slice %arg8[%dma_start3A_41, %dma_start3A_42] : memref<40x128xi32, #tpu.memory_space<vmem>> -> memref<1x128xi32, #tpu.memory_space<vmem>>
      %dma_start3A_44 = tpu.memref_squeeze %dma_start3A_43 : memref<1x128xi32, #tpu.memory_space<vmem>> -> memref<128xi32, #tpu.memory_space<vmem>>
      %dma_start3A_45 = arith.constant 0 : i32
      %dma_start3A_46 = arith.constant 0 : i32
      %dma_start3A_47 = tpu.memref_slice %arg3[%dma_start3A_45, %dma_start3A_46] : memref<10000x128xf32, #tpu.memory_space<hbm>> -> memref<10000x128xf32, #tpu.memory_space<hbm>>
      tpu.enqueue_indirect_dma source(%dma_start3A_47 : memref<10000x128xf32, #tpu.memory_space<hbm>>) target(%arg11 : memref<128x128xf32, #tpu.memory_space<vmem>>) offsets(%dma_start3A_44 : memref<128xi32, #tpu.memory_space<vmem>>) semaphore(%arg14 : memref<!tpu.dma_semaphore, #tpu.memory_space<semaphore_mem>>)
      %scan3A_48 = arith.constant 0 : i32
      %scan3A_49 = arith.constant 0 : i32
      %scan3A_50 = arith.constant 20 : i32
      %scan3A_51 = arith.addi %scan3A_49, %scan3A_50 : i32
      %scan3A_52 = arith.constant 1 : i32
      scf.for %scan3A_65 = %scan3A_49 to %scan3A_51 step %scan3A_52  : i32 {
        %mul3A = arith.constant 2 : i32
        %mul3A_66 = arith.muli %mul3A, %scan3A_65 : i32
        %add3A = arith.constant 0 : i32
        %add3A_67 = arith.addi %mul3A_66, %add3A : i32
        %dma_wait3A = arith.constant 0 : i32
        %dma_wait3A_68 = tpu.memref_slice %arg8[%add3A_67, %dma_wait3A] : memref<40x128xi32, #tpu.memory_space<vmem>> -> memref<1x128xi32, #tpu.memory_space<vmem>>
        %dma_wait3A_69 = tpu.memref_squeeze %dma_wait3A_68 : memref<1x128xi32, #tpu.memory_space<vmem>> -> memref<128xi32, #tpu.memory_space<vmem>>
        %dma_wait3A_70 = arith.constant 0 : i32
        %dma_wait3A_71 = arith.constant 0 : i32
        %dma_wait3A_72 = tpu.memref_slice %arg3[%dma_wait3A_70, %dma_wait3A_71] : memref<10000x128xf32, #tpu.memory_space<hbm>> -> memref<10000x128xf32, #tpu.memory_space<hbm>>
        tpu.wait_indirect_dma semaphore(%arg13 : memref<!tpu.dma_semaphore, #tpu.memory_space<semaphore_mem>>) src(%dma_wait3A_72 : memref<10000x128xf32, #tpu.memory_space<hbm>>) dst(%arg10 : memref<128x128xf32, #tpu.memory_space<vmem>>)
        %add3A_73 = arith.constant 0 : i32
        %add3A_74 = arith.addi %mul3A_66, %add3A_73 : i32
        "tpu.region"() ({
          %run_scoped3A = tpu.sem_alloc : memref<!tpu.dma_semaphore, #tpu.memory_space<semaphore_mem>>
          %dma_start3A_103 = arith.constant 0 : i32
          %dma_start3A_104 = tpu.memref_slice %arg9[%add3A_74, %dma_start3A_103] : memref<40x128xi32, #tpu.memory_space<vmem>> -> memref<1x128xi32, #tpu.memory_space<vmem>>
          %dma_start3A_105 = tpu.memref_squeeze %dma_start3A_104 : memref<1x128xi32, #tpu.memory_space<vmem>> -> memref<128xi32, #tpu.memory_space<vmem>>
          %dma_start3A_106 = arith.constant 0 : i32
          %dma_start3A_107 = arith.constant 0 : i32
          %dma_start3A_108 = tpu.memref_slice %arg12[%dma_start3A_106, %dma_start3A_107] : memref<10048x128xf32, #tpu.memory_space<vmem_shared>> -> memref<10048x128xf32, #tpu.memory_space<vmem_shared>>
          tpu.enqueue_indirect_dma source(%arg10 : memref<128x128xf32, #tpu.memory_space<vmem>>) target(%dma_start3A_108 : memref<10048x128xf32, #tpu.memory_space<vmem_shared>>) offsets(%dma_start3A_105 : memref<128xi32, #tpu.memory_space<vmem>>) semaphore(%run_scoped3A : memref<!tpu.dma_semaphore, #tpu.memory_space<semaphore_mem>>) {add = true}
          %dma_wait3A_109 = arith.constant 0 : i32
          %dma_wait3A_110 = tpu.memref_slice %arg9[%add3A_74, %dma_wait3A_109] : memref<40x128xi32, #tpu.memory_space<vmem>> -> memref<1x128xi32, #tpu.memory_space<vmem>>
          %dma_wait3A_111 = tpu.memref_squeeze %dma_wait3A_110 : memref<1x128xi32, #tpu.memory_space<vmem>> -> memref<128xi32, #tpu.memory_space<vmem>>
          %dma_wait3A_112 = arith.constant 0 : i32
          %dma_wait3A_113 = arith.constant 0 : i32
          %dma_wait3A_114 = tpu.memref_slice %arg12[%dma_wait3A_112, %dma_wait3A_113] : memref<10048x128xf32, #tpu.memory_space<vmem_shared>> -> memref<10048x128xf32, #tpu.memory_space<vmem_shared>>
          tpu.wait_indirect_dma semaphore(%run_scoped3A : memref<!tpu.dma_semaphore, #tpu.memory_space<semaphore_mem>>) src(%arg10 : memref<128x128xf32, #tpu.memory_space<vmem>>) dst(%dma_wait3A_114 : memref<10048x128xf32, #tpu.memory_space<vmem_shared>>)
          tpu.yield
        }) : () -> ()
        %add3A_75 = arith.constant 0 : i32
        %add3A_76 = arith.addi %mul3A_66, %add3A_75 : i32
        %add3A_77 = arith.constant 2 : i32
        %add3A_78 = arith.addi %add3A_76, %add3A_77 : i32
        %lt3A_79 = arith.constant 40 : i32
        %lt3A_80 = arith.cmpi slt, %add3A_78, %lt3A_79 : i32
        %convert_element_type3A_81 = arith.extui %lt3A_80 : i1 to i32
        %cond3A_82 = arith.constant 0 : i32
        %cond3A_83 = arith.cmpi ne, %convert_element_type3A_81, %cond3A_82 : i32
        scf.if %cond3A_83 {
          %add3A_103 = arith.constant 0 : i32
          %add3A_104 = arith.addi %mul3A_66, %add3A_103 : i32
          %add3A_105 = arith.constant 2 : i32
          %add3A_106 = arith.addi %add3A_104, %add3A_105 : i32
          %dma_start3A_107 = arith.constant 0 : i32
          %dma_start3A_108 = tpu.memref_slice %arg8[%add3A_106, %dma_start3A_107] : memref<40x128xi32, #tpu.memory_space<vmem>> -> memref<1x128xi32, #tpu.memory_space<vmem>>
          %dma_start3A_109 = tpu.memref_squeeze %dma_start3A_108 : memref<1x128xi32, #tpu.memory_space<vmem>> -> memref<128xi32, #tpu.memory_space<vmem>>
          %dma_start3A_110 = arith.constant 0 : i32
          %dma_start3A_111 = arith.constant 0 : i32
          %dma_start3A_112 = tpu.memref_slice %arg3[%dma_start3A_110, %dma_start3A_111] : memref<10000x128xf32, #tpu.memory_space<hbm>> -> memref<10000x128xf32, #tpu.memory_space<hbm>>
          tpu.enqueue_indirect_dma source(%dma_start3A_112 : memref<10000x128xf32, #tpu.memory_space<hbm>>) target(%arg10 : memref<128x128xf32, #tpu.memory_space<vmem>>) offsets(%dma_start3A_109 : memref<128xi32, #tpu.memory_space<vmem>>) semaphore(%arg13 : memref<!tpu.dma_semaphore, #tpu.memory_space<semaphore_mem>>)
        } else {
        }
        %add3A_84 = arith.constant 1 : i32
        %add3A_85 = arith.addi %mul3A_66, %add3A_84 : i32
        %dma_wait3A_86 = arith.constant 0 : i32
        %dma_wait3A_87 = tpu.memref_slice %arg8[%add3A_85, %dma_wait3A_86] : memref<40x128xi32, #tpu.memory_space<vmem>> -> memref<1x128xi32, #tpu.memory_space<vmem>>
        %dma_wait3A_88 = tpu.memref_squeeze %dma_wait3A_87 : memref<1x128xi32, #tpu.memory_space<vmem>> -> memref<128xi32, #tpu.memory_space<vmem>>
        %dma_wait3A_89 = arith.constant 0 : i32
        %dma_wait3A_90 = arith.constant 0 : i32
        %dma_wait3A_91 = tpu.memref_slice %arg3[%dma_wait3A_89, %dma_wait3A_90] : memref<10000x128xf32, #tpu.memory_space<hbm>> -> memref<10000x128xf32, #tpu.memory_space<hbm>>
        tpu.wait_indirect_dma semaphore(%arg14 : memref<!tpu.dma_semaphore, #tpu.memory_space<semaphore_mem>>) src(%dma_wait3A_91 : memref<10000x128xf32, #tpu.memory_space<hbm>>) dst(%arg11 : memref<128x128xf32, #tpu.memory_space<vmem>>)
        %add3A_92 = arith.constant 1 : i32
        %add3A_93 = arith.addi %mul3A_66, %add3A_92 : i32
        "tpu.region"() ({
          %run_scoped3A = tpu.sem_alloc : memref<!tpu.dma_semaphore, #tpu.memory_space<semaphore_mem>>
          %dma_start3A_103 = arith.constant 0 : i32
          %dma_start3A_104 = tpu.memref_slice %arg9[%add3A_93, %dma_start3A_103] : memref<40x128xi32, #tpu.memory_space<vmem>> -> memref<1x128xi32, #tpu.memory_space<vmem>>
          %dma_start3A_105 = tpu.memref_squeeze %dma_start3A_104 : memref<1x128xi32, #tpu.memory_space<vmem>> -> memref<128xi32, #tpu.memory_space<vmem>>
          %dma_start3A_106 = arith.constant 0 : i32
          %dma_start3A_107 = arith.constant 0 : i32
          %dma_start3A_108 = tpu.memref_slice %arg12[%dma_start3A_106, %dma_start3A_107] : memref<10048x128xf32, #tpu.memory_space<vmem_shared>> -> memref<10048x128xf32, #tpu.memory_space<vmem_shared>>
          tpu.enqueue_indirect_dma source(%arg11 : memref<128x128xf32, #tpu.memory_space<vmem>>) target(%dma_start3A_108 : memref<10048x128xf32, #tpu.memory_space<vmem_shared>>) offsets(%dma_start3A_105 : memref<128xi32, #tpu.memory_space<vmem>>) semaphore(%run_scoped3A : memref<!tpu.dma_semaphore, #tpu.memory_space<semaphore_mem>>) {add = true}
          %dma_wait3A_109 = arith.constant 0 : i32
          %dma_wait3A_110 = tpu.memref_slice %arg9[%add3A_93, %dma_wait3A_109] : memref<40x128xi32, #tpu.memory_space<vmem>> -> memref<1x128xi32, #tpu.memory_space<vmem>>
          %dma_wait3A_111 = tpu.memref_squeeze %dma_wait3A_110 : memref<1x128xi32, #tpu.memory_space<vmem>> -> memref<128xi32, #tpu.memory_space<vmem>>
          %dma_wait3A_112 = arith.constant 0 : i32
          %dma_wait3A_113 = arith.constant 0 : i32
          %dma_wait3A_114 = tpu.memref_slice %arg12[%dma_wait3A_112, %dma_wait3A_113] : memref<10048x128xf32, #tpu.memory_space<vmem_shared>> -> memref<10048x128xf32, #tpu.memory_space<vmem_shared>>
          tpu.wait_indirect_dma semaphore(%run_scoped3A : memref<!tpu.dma_semaphore, #tpu.memory_space<semaphore_mem>>) src(%arg11 : memref<128x128xf32, #tpu.memory_space<vmem>>) dst(%dma_wait3A_114 : memref<10048x128xf32, #tpu.memory_space<vmem_shared>>)
          tpu.yield
        }) : () -> ()
        %add3A_94 = arith.constant 1 : i32
        %add3A_95 = arith.addi %mul3A_66, %add3A_94 : i32
        %add3A_96 = arith.constant 2 : i32
        %add3A_97 = arith.addi %add3A_95, %add3A_96 : i32
        %lt3A_98 = arith.constant 40 : i32
        %lt3A_99 = arith.cmpi slt, %add3A_97, %lt3A_98 : i32
        %convert_element_type3A_100 = arith.extui %lt3A_99 : i1 to i32
        %cond3A_101 = arith.constant 0 : i32
        %cond3A_102 = arith.cmpi ne, %convert_element_type3A_100, %cond3A_101 : i32
        scf.if %cond3A_102 {
          %add3A_103 = arith.constant 1 : i32
          %add3A_104 = arith.addi %mul3A_66, %add3A_103 : i32
          %add3A_105 = arith.constant 2 : i32
          %add3A_106 = arith.addi %add3A_104, %add3A_105 : i32
          %dma_start3A_107 = arith.constant 0 : i32
          %dma_start3A_108 = tpu.memref_slice %arg8[%add3A_106, %dma_start3A_107] : memref<40x128xi32, #tpu.memory_space<vmem>> -> memref<1x128xi32, #tpu.memory_space<vmem>>
          %dma_start3A_109 = tpu.memref_squeeze %dma_start3A_108 : memref<1x128xi32, #tpu.memory_space<vmem>> -> memref<128xi32, #tpu.memory_space<vmem>>
          %dma_start3A_110 = arith.constant 0 : i32
          %dma_start3A_111 = arith.constant 0 : i32
          %dma_start3A_112 = tpu.memref_slice %arg3[%dma_start3A_110, %dma_start3A_111] : memref<10000x128xf32, #tpu.memory_space<hbm>> -> memref<10000x128xf32, #tpu.memory_space<hbm>>
          tpu.enqueue_indirect_dma source(%dma_start3A_112 : memref<10000x128xf32, #tpu.memory_space<hbm>>) target(%arg11 : memref<128x128xf32, #tpu.memory_space<vmem>>) offsets(%dma_start3A_109 : memref<128xi32, #tpu.memory_space<vmem>>) semaphore(%arg14 : memref<!tpu.dma_semaphore, #tpu.memory_space<semaphore_mem>>)
        } else {
        }
      }
      %scan3A_53 = arith.constant 20 : i32
      %barrier3A_54 = arith.constant 0 : index
      tpu.barrier barrier_id(%barrier3A_54)
      %lt3A_55 = arith.constant 15 : i32
      %lt3A_56 = arith.cmpi slt, %arg1, %lt3A_55 : i32
      %convert_element_type3A_57 = arith.extui %lt3A_56 : i1 to i32
      %cond3A_58 = arith.constant 0 : i32
      %cond3A_59 = arith.cmpi ne, %convert_element_type3A_57, %cond3A_58 : i32
      scf.if %cond3A_59 {
        %mul3A = arith.constant 640 : i32
        %mul3A_65 = arith.muli %arg1, %mul3A : i32
        %mul3A_66 = arith.constant 640 : i32
        %mul3A_67 = arith.muli %arg1, %mul3A_66 : i32
        "tpu.region"() ({
          %run_scoped3A = tpu.sem_alloc : memref<!tpu.dma_semaphore, #tpu.memory_space<semaphore_mem>>
          %dma_start3A_68 = arith.constant 0 : i32
          %dma_start3A_69 = tpu.memref_slice %arg7[%mul3A_67, %dma_start3A_68] : memref<10000x128xf32, #tpu.memory_space<hbm>> -> memref<640x128xf32, #tpu.memory_space<hbm>>
          %dma_start3A_70 = arith.constant 0 : i32
          %dma_start3A_71 = tpu.memref_slice %arg12[%mul3A_65, %dma_start3A_70] : memref<10048x128xf32, #tpu.memory_space<vmem_shared>> -> memref<640x128xf32, #tpu.memory_space<vmem_shared>>
          tpu.enqueue_dma source(%dma_start3A_71 : memref<640x128xf32, #tpu.memory_space<vmem_shared>>) target(%dma_start3A_69 : memref<640x128xf32, #tpu.memory_space<hbm>>) target_semaphore(%run_scoped3A : memref<!tpu.dma_semaphore, #tpu.memory_space<semaphore_mem>>)
          %dma_wait3A = arith.constant 0 : i32
          %dma_wait3A_72 = tpu.memref_slice %arg7[%mul3A_67, %dma_wait3A] : memref<10000x128xf32, #tpu.memory_space<hbm>> -> memref<640x128xf32, #tpu.memory_space<hbm>>
          %dma_wait3A_73 = arith.constant 0 : i32
          %dma_wait3A_74 = tpu.memref_slice %arg12[%mul3A_65, %dma_wait3A_73] : memref<10048x128xf32, #tpu.memory_space<vmem_shared>> -> memref<640x128xf32, #tpu.memory_space<vmem_shared>>
          tpu.wait_dma2 semaphore(%run_scoped3A : memref<!tpu.dma_semaphore, #tpu.memory_space<semaphore_mem>>) src(%dma_wait3A_74 : memref<640x128xf32, #tpu.memory_space<vmem_shared>>) dst(%dma_wait3A_72 : memref<640x128xf32, #tpu.memory_space<hbm>>)
          tpu.yield
        }) : () -> ()
      } else {
      }
      %eq3A_60 = arith.constant 15 : i32
      %eq3A_61 = arith.cmpi eq, %arg1, %eq3A_60 : i32
      %convert_element_type3A_62 = arith.extui %eq3A_61 : i1 to i32
      %cond3A_63 = arith.constant 0 : i32
      %cond3A_64 = arith.cmpi ne, %convert_element_type3A_62, %cond3A_63 : i32
      scf.if %cond3A_64 {
        "tpu.region"() ({
          %run_scoped3A = tpu.sem_alloc : memref<!tpu.dma_semaphore, #tpu.memory_space<semaphore_mem>>
          %dma_start3A_65 = arith.constant 9600 : i32
          %dma_start3A_66 = arith.constant 0 : i32
          %dma_start3A_67 = tpu.memref_slice %arg7[%dma_start3A_65, %dma_start3A_66] : memref<10000x128xf32, #tpu.memory_space<hbm>> -> memref<400x128xf32, #tpu.memory_space<hbm>>
          %dma_start3A_68 = arith.constant 9600 : i32
          %dma_start3A_69 = arith.constant 0 : i32
          %dma_start3A_70 = tpu.memref_slice %arg12[%dma_start3A_68, %dma_start3A_69] : memref<10048x128xf32, #tpu.memory_space<vmem_shared>> -> memref<400x128xf32, #tpu.memory_space<vmem_shared>>
          tpu.enqueue_dma source(%dma_start3A_70 : memref<400x128xf32, #tpu.memory_space<vmem_shared>>) target(%dma_start3A_67 : memref<400x128xf32, #tpu.memory_space<hbm>>) target_semaphore(%run_scoped3A : memref<!tpu.dma_semaphore, #tpu.memory_space<semaphore_mem>>)
          %dma_wait3A = arith.constant 9600 : i32
          %dma_wait3A_71 = arith.constant 0 : i32
          %dma_wait3A_72 = tpu.memref_slice %arg7[%dma_wait3A, %dma_wait3A_71] : memref<10000x128xf32, #tpu.memory_space<hbm>> -> memref<400x128xf32, #tpu.memory_space<hbm>>
          %dma_wait3A_73 = arith.constant 9600 : i32
          %dma_wait3A_74 = arith.constant 0 : i32
          %dma_wait3A_75 = tpu.memref_slice %arg12[%dma_wait3A_73, %dma_wait3A_74] : memref<10048x128xf32, #tpu.memory_space<vmem_shared>> -> memref<400x128xf32, #tpu.memory_space<vmem_shared>>
          tpu.wait_dma2 semaphore(%run_scoped3A : memref<!tpu.dma_semaphore, #tpu.memory_space<semaphore_mem>>) src(%dma_wait3A_75 : memref<400x128xf32, #tpu.memory_space<vmem_shared>>) dst(%dma_wait3A_72 : memref<400x128xf32, #tpu.memory_space<hbm>>)
          tpu.yield
        }) : () -> ()
      } else {
      }
    } else {
    }
    return
  }
}

#map = affine_map<(d0, d1) -> (0, 0)>
#map1 = affine_map<(d0, d1) -> (0, 0, 0)>
module attributes {stable_mosaic.version = 14 : i64} {
  func.func @_sc_agg_kernel(%arg0: i32, %arg1: i32, %arg2: memref<10000x128xf32, #tpu.memory_space<hbm>>, %arg3: memref<10000x128xf32, #tpu.memory_space<hbm>>, %arg4: memref<16x80x128xi32, #tpu.memory_space<hbm>>, %arg5: memref<16x80x128xi32, #tpu.memory_space<hbm>>, %arg6: memref<10000x128xf32, #tpu.memory_space<hbm>>, %arg7: memref<10000x128xf32, #tpu.memory_space<hbm>>, %arg8: memref<40x128xi32, #tpu.memory_space<vmem>>, %arg9: memref<40x128xi32, #tpu.memory_space<vmem>>, %arg10: memref<128x128xf32, #tpu.memory_space<vmem>>, %arg11: memref<128x128xf32, #tpu.memory_space<vmem>>, %arg12: memref<10048x128xf32, #tpu.memory_space<vmem_shared>>, %arg13: memref<!tpu.dma_semaphore, #tpu.memory_space<semaphore_mem>>, %arg14: memref<!tpu.dma_semaphore, #tpu.memory_space<semaphore_mem>>) attributes {dimension_semantics = [#tpu.dimension_semantics<core_parallel>, #tpu.dimension_semantics<subcore_parallel>], iteration_bounds = array<i64: 2, 16>, scalar_prefetch = 0 : i64, scratch_operands = 7 : i64, tpu.core_type = #tpu.core_type<sc_vector_subcore>, window_params = [{transform_indices = #map}, {transform_indices = #map}, {transform_indices = #map1}, {transform_indices = #map1}, {transform_indices = #map}, {transform_indices = #map}]} {
    %eq3A = arith.constant 0 : i32
    %eq3A_0 = arith.cmpi eq, %arg0, %eq3A : i32
    %convert_element_type3A = arith.extui %eq3A_0 : i1 to i32
    %cond3A = arith.constant 0 : i32
    %cond3A_1 = arith.cmpi ne, %convert_element_type3A, %cond3A : i32
    scf.if %cond3A_1 {
      "tpu.region"() ({
        %run_scoped3A = tpu.sem_alloc : memref<!tpu.dma_semaphore, #tpu.memory_space<semaphore_mem>>
        %dma_start3A_65 = arith.constant 0 : i32
        %dma_start3A_66 = arith.constant 0 : i32
        %dma_start3A_67 = tpu.memref_slice %arg4[%arg1, %dma_start3A_65, %dma_start3A_66] : memref<16x80x128xi32, #tpu.memory_space<hbm>> -> memref<1x40x128xi32, #tpu.memory_space<hbm>>
        %dma_start3A_68 = tpu.memref_squeeze %dma_start3A_67 : memref<1x40x128xi32, #tpu.memory_space<hbm>> -> memref<40x128xi32, #tpu.memory_space<hbm>>
        %dma_start3A_69 = arith.constant 0 : i32
        %dma_start3A_70 = arith.constant 0 : i32
        %dma_start3A_71 = tpu.memref_slice %arg4[%arg1, %dma_start3A_69, %dma_start3A_70] : memref<16x80x128xi32, #tpu.memory_space<hbm>> -> memref<1x40x128xi32, #tpu.memory_space<hbm>>
        %dma_start3A_72 = tpu.memref_squeeze %dma_start3A_71 : memref<1x40x128xi32, #tpu.memory_space<hbm>> -> memref<40x128xi32, #tpu.memory_space<hbm>>
        tpu.enqueue_dma source(%dma_start3A_72 : memref<40x128xi32, #tpu.memory_space<hbm>>) target(%arg8 : memref<40x128xi32, #tpu.memory_space<vmem>>) target_semaphore(%run_scoped3A : memref<!tpu.dma_semaphore, #tpu.memory_space<semaphore_mem>>)
        %dma_wait3A = arith.constant 0 : i32
        %dma_wait3A_73 = arith.constant 0 : i32
        %dma_wait3A_74 = tpu.memref_slice %arg4[%arg1, %dma_wait3A, %dma_wait3A_73] : memref<16x80x128xi32, #tpu.memory_space<hbm>> -> memref<1x40x128xi32, #tpu.memory_space<hbm>>
        %dma_wait3A_75 = tpu.memref_squeeze %dma_wait3A_74 : memref<1x40x128xi32, #tpu.memory_space<hbm>> -> memref<40x128xi32, #tpu.memory_space<hbm>>
        %dma_wait3A_76 = arith.constant 0 : i32
        %dma_wait3A_77 = arith.constant 0 : i32
        %dma_wait3A_78 = tpu.memref_slice %arg4[%arg1, %dma_wait3A_76, %dma_wait3A_77] : memref<16x80x128xi32, #tpu.memory_space<hbm>> -> memref<1x40x128xi32, #tpu.memory_space<hbm>>
        %dma_wait3A_79 = tpu.memref_squeeze %dma_wait3A_78 : memref<1x40x128xi32, #tpu.memory_space<hbm>> -> memref<40x128xi32, #tpu.memory_space<hbm>>
        tpu.wait_dma2 semaphore(%run_scoped3A : memref<!tpu.dma_semaphore, #tpu.memory_space<semaphore_mem>>) src(%dma_wait3A_79 : memref<40x128xi32, #tpu.memory_space<hbm>>) dst(%arg8 : memref<40x128xi32, #tpu.memory_space<vmem>>)
        tpu.yield
      }) : () -> ()
      "tpu.region"() ({
        %run_scoped3A = tpu.sem_alloc : memref<!tpu.dma_semaphore, #tpu.memory_space<semaphore_mem>>
        %dma_start3A_65 = arith.constant 0 : i32
        %dma_start3A_66 = arith.constant 0 : i32
        %dma_start3A_67 = tpu.memref_slice %arg5[%arg1, %dma_start3A_65, %dma_start3A_66] : memref<16x80x128xi32, #tpu.memory_space<hbm>> -> memref<1x40x128xi32, #tpu.memory_space<hbm>>
        %dma_start3A_68 = tpu.memref_squeeze %dma_start3A_67 : memref<1x40x128xi32, #tpu.memory_space<hbm>> -> memref<40x128xi32, #tpu.memory_space<hbm>>
        %dma_start3A_69 = arith.constant 0 : i32
        %dma_start3A_70 = arith.constant 0 : i32
        %dma_start3A_71 = tpu.memref_slice %arg5[%arg1, %dma_start3A_69, %dma_start3A_70] : memref<16x80x128xi32, #tpu.memory_space<hbm>> -> memref<1x40x128xi32, #tpu.memory_space<hbm>>
        %dma_start3A_72 = tpu.memref_squeeze %dma_start3A_71 : memref<1x40x128xi32, #tpu.memory_space<hbm>> -> memref<40x128xi32, #tpu.memory_space<hbm>>
        tpu.enqueue_dma source(%dma_start3A_72 : memref<40x128xi32, #tpu.memory_space<hbm>>) target(%arg9 : memref<40x128xi32, #tpu.memory_space<vmem>>) target_semaphore(%run_scoped3A : memref<!tpu.dma_semaphore, #tpu.memory_space<semaphore_mem>>)
        %dma_wait3A = arith.constant 0 : i32
        %dma_wait3A_73 = arith.constant 0 : i32
        %dma_wait3A_74 = tpu.memref_slice %arg5[%arg1, %dma_wait3A, %dma_wait3A_73] : memref<16x80x128xi32, #tpu.memory_space<hbm>> -> memref<1x40x128xi32, #tpu.memory_space<hbm>>
        %dma_wait3A_75 = tpu.memref_squeeze %dma_wait3A_74 : memref<1x40x128xi32, #tpu.memory_space<hbm>> -> memref<40x128xi32, #tpu.memory_space<hbm>>
        %dma_wait3A_76 = arith.constant 0 : i32
        %dma_wait3A_77 = arith.constant 0 : i32
        %dma_wait3A_78 = tpu.memref_slice %arg5[%arg1, %dma_wait3A_76, %dma_wait3A_77] : memref<16x80x128xi32, #tpu.memory_space<hbm>> -> memref<1x40x128xi32, #tpu.memory_space<hbm>>
        %dma_wait3A_79 = tpu.memref_squeeze %dma_wait3A_78 : memref<1x40x128xi32, #tpu.memory_space<hbm>> -> memref<40x128xi32, #tpu.memory_space<hbm>>
        tpu.wait_dma2 semaphore(%run_scoped3A : memref<!tpu.dma_semaphore, #tpu.memory_space<semaphore_mem>>) src(%dma_wait3A_79 : memref<40x128xi32, #tpu.memory_space<hbm>>) dst(%arg9 : memref<40x128xi32, #tpu.memory_space<vmem>>)
        tpu.yield
      }) : () -> ()
      %dma_start3A = arith.constant 0 : i32
      %dma_start3A_7 = arith.constant 0 : i32
      %dma_start3A_8 = tpu.memref_slice %arg8[%dma_start3A, %dma_start3A_7] : memref<40x128xi32, #tpu.memory_space<vmem>> -> memref<1x128xi32, #tpu.memory_space<vmem>>
      %dma_start3A_9 = tpu.memref_squeeze %dma_start3A_8 : memref<1x128xi32, #tpu.memory_space<vmem>> -> memref<128xi32, #tpu.memory_space<vmem>>
      %dma_start3A_10 = arith.constant 0 : i32
      %dma_start3A_11 = arith.constant 0 : i32
      %dma_start3A_12 = tpu.memref_slice %arg2[%dma_start3A_10, %dma_start3A_11] : memref<10000x128xf32, #tpu.memory_space<hbm>> -> memref<10000x128xf32, #tpu.memory_space<hbm>>
      tpu.enqueue_indirect_dma source(%dma_start3A_12 : memref<10000x128xf32, #tpu.memory_space<hbm>>) target(%arg10 : memref<128x128xf32, #tpu.memory_space<vmem>>) offsets(%dma_start3A_9 : memref<128xi32, #tpu.memory_space<vmem>>) semaphore(%arg13 : memref<!tpu.dma_semaphore, #tpu.memory_space<semaphore_mem>>)
      %dma_start3A_13 = arith.constant 1 : i32
      %dma_start3A_14 = arith.constant 0 : i32
      %dma_start3A_15 = tpu.memref_slice %arg8[%dma_start3A_13, %dma_start3A_14] : memref<40x128xi32, #tpu.memory_space<vmem>> -> memref<1x128xi32, #tpu.memory_space<vmem>>
      %dma_start3A_16 = tpu.memref_squeeze %dma_start3A_15 : memref<1x128xi32, #tpu.memory_space<vmem>> -> memref<128xi32, #tpu.memory_space<vmem>>
      %dma_start3A_17 = arith.constant 0 : i32
      %dma_start3A_18 = arith.constant 0 : i32
      %dma_start3A_19 = tpu.memref_slice %arg2[%dma_start3A_17, %dma_start3A_18] : memref<10000x128xf32, #tpu.memory_space<hbm>> -> memref<10000x128xf32, #tpu.memory_space<hbm>>
      tpu.enqueue_indirect_dma source(%dma_start3A_19 : memref<10000x128xf32, #tpu.memory_space<hbm>>) target(%arg11 : memref<128x128xf32, #tpu.memory_space<vmem>>) offsets(%dma_start3A_16 : memref<128xi32, #tpu.memory_space<vmem>>) semaphore(%arg14 : memref<!tpu.dma_semaphore, #tpu.memory_space<semaphore_mem>>)
      %lt3A = arith.constant 15 : i32
      %lt3A_20 = arith.cmpi slt, %arg1, %lt3A : i32
      %convert_element_type3A_21 = arith.extui %lt3A_20 : i1 to i32
      %cond3A_22 = arith.constant 0 : i32
      %cond3A_23 = arith.cmpi ne, %convert_element_type3A_21, %cond3A_22 : i32
      scf.if %cond3A_23 {
        %mul3A = arith.constant 640 : i32
        %mul3A_65 = arith.muli %arg1, %mul3A : i32
        %mul3A_66 = arith.constant 640 : i32
        %mul3A_67 = arith.muli %arg1, %mul3A_66 : i32
        "tpu.region"() ({
          %run_scoped3A = tpu.sem_alloc : memref<!tpu.dma_semaphore, #tpu.memory_space<semaphore_mem>>
          %dma_start3A_68 = arith.constant 0 : i32
          %dma_start3A_69 = tpu.memref_slice %arg12[%mul3A_67, %dma_start3A_68] : memref<10048x128xf32, #tpu.memory_space<vmem_shared>> -> memref<640x128xf32, #tpu.memory_space<vmem_shared>>
          %dma_start3A_70 = arith.constant 0 : i32
          %dma_start3A_71 = tpu.memref_slice %arg2[%mul3A_65, %dma_start3A_70] : memref<10000x128xf32, #tpu.memory_space<hbm>> -> memref<640x128xf32, #tpu.memory_space<hbm>>
          tpu.enqueue_dma source(%dma_start3A_71 : memref<640x128xf32, #tpu.memory_space<hbm>>) target(%dma_start3A_69 : memref<640x128xf32, #tpu.memory_space<vmem_shared>>) target_semaphore(%run_scoped3A : memref<!tpu.dma_semaphore, #tpu.memory_space<semaphore_mem>>)
          %dma_wait3A = arith.constant 0 : i32
          %dma_wait3A_72 = tpu.memref_slice %arg12[%mul3A_67, %dma_wait3A] : memref<10048x128xf32, #tpu.memory_space<vmem_shared>> -> memref<640x128xf32, #tpu.memory_space<vmem_shared>>
          %dma_wait3A_73 = arith.constant 0 : i32
          %dma_wait3A_74 = tpu.memref_slice %arg2[%mul3A_65, %dma_wait3A_73] : memref<10000x128xf32, #tpu.memory_space<hbm>> -> memref<640x128xf32, #tpu.memory_space<hbm>>
          tpu.wait_dma2 semaphore(%run_scoped3A : memref<!tpu.dma_semaphore, #tpu.memory_space<semaphore_mem>>) src(%dma_wait3A_74 : memref<640x128xf32, #tpu.memory_space<hbm>>) dst(%dma_wait3A_72 : memref<640x128xf32, #tpu.memory_space<vmem_shared>>)
          tpu.yield
        }) : () -> ()
      } else {
      }
      %eq3A_24 = arith.constant 15 : i32
      %eq3A_25 = arith.cmpi eq, %arg1, %eq3A_24 : i32
      %convert_element_type3A_26 = arith.extui %eq3A_25 : i1 to i32
      %cond3A_27 = arith.constant 0 : i32
      %cond3A_28 = arith.cmpi ne, %convert_element_type3A_26, %cond3A_27 : i32
      scf.if %cond3A_28 {
        "tpu.region"() ({
          %run_scoped3A = tpu.sem_alloc : memref<!tpu.dma_semaphore, #tpu.memory_space<semaphore_mem>>
          %dma_start3A_65 = arith.constant 9600 : i32
          %dma_start3A_66 = arith.constant 0 : i32
          %dma_start3A_67 = tpu.memref_slice %arg12[%dma_start3A_65, %dma_start3A_66] : memref<10048x128xf32, #tpu.memory_space<vmem_shared>> -> memref<400x128xf32, #tpu.memory_space<vmem_shared>>
          %dma_start3A_68 = arith.constant 9600 : i32
          %dma_start3A_69 = arith.constant 0 : i32
          %dma_start3A_70 = tpu.memref_slice %arg2[%dma_start3A_68, %dma_start3A_69] : memref<10000x128xf32, #tpu.memory_space<hbm>> -> memref<400x128xf32, #tpu.memory_space<hbm>>
          tpu.enqueue_dma source(%dma_start3A_70 : memref<400x128xf32, #tpu.memory_space<hbm>>) target(%dma_start3A_67 : memref<400x128xf32, #tpu.memory_space<vmem_shared>>) target_semaphore(%run_scoped3A : memref<!tpu.dma_semaphore, #tpu.memory_space<semaphore_mem>>)
          %dma_wait3A = arith.constant 9600 : i32
          %dma_wait3A_71 = arith.constant 0 : i32
          %dma_wait3A_72 = tpu.memref_slice %arg12[%dma_wait3A, %dma_wait3A_71] : memref<10048x128xf32, #tpu.memory_space<vmem_shared>> -> memref<400x128xf32, #tpu.memory_space<vmem_shared>>
          %dma_wait3A_73 = arith.constant 9600 : i32
          %dma_wait3A_74 = arith.constant 0 : i32
          %dma_wait3A_75 = tpu.memref_slice %arg2[%dma_wait3A_73, %dma_wait3A_74] : memref<10000x128xf32, #tpu.memory_space<hbm>> -> memref<400x128xf32, #tpu.memory_space<hbm>>
          tpu.wait_dma2 semaphore(%run_scoped3A : memref<!tpu.dma_semaphore, #tpu.memory_space<semaphore_mem>>) src(%dma_wait3A_75 : memref<400x128xf32, #tpu.memory_space<hbm>>) dst(%dma_wait3A_72 : memref<400x128xf32, #tpu.memory_space<vmem_shared>>)
          tpu.yield
        }) : () -> ()
      } else {
      }
      %barrier3A = arith.constant 0 : index
      tpu.barrier barrier_id(%barrier3A)
      %scan3A = arith.constant 0 : i32
      %scan3A_29 = arith.constant 0 : i32
      %scan3A_30 = arith.constant 20 : i32
      %scan3A_31 = arith.addi %scan3A_29, %scan3A_30 : i32
      %scan3A_32 = arith.constant 1 : i32
      scf.for %scan3A_65 = %scan3A_29 to %scan3A_31 step %scan3A_32  : i32 {
        %mul3A = arith.constant 2 : i32
        %mul3A_66 = arith.muli %mul3A, %scan3A_65 : i32
        %add3A = arith.constant 0 : i32
        %add3A_67 = arith.addi %mul3A_66, %add3A : i32
        %dma_wait3A = arith.constant 0 : i32
        %dma_wait3A_68 = tpu.memref_slice %arg8[%add3A_67, %dma_wait3A] : memref<40x128xi32, #tpu.memory_space<vmem>> -> memref<1x128xi32, #tpu.memory_space<vmem>>
        %dma_wait3A_69 = tpu.memref_squeeze %dma_wait3A_68 : memref<1x128xi32, #tpu.memory_space<vmem>> -> memref<128xi32, #tpu.memory_space<vmem>>
        %dma_wait3A_70 = arith.constant 0 : i32
        %dma_wait3A_71 = arith.constant 0 : i32
        %dma_wait3A_72 = tpu.memref_slice %arg2[%dma_wait3A_70, %dma_wait3A_71] : memref<10000x128xf32, #tpu.memory_space<hbm>> -> memref<10000x128xf32, #tpu.memory_space<hbm>>
        tpu.wait_indirect_dma semaphore(%arg13 : memref<!tpu.dma_semaphore, #tpu.memory_space<semaphore_mem>>) src(%dma_wait3A_72 : memref<10000x128xf32, #tpu.memory_space<hbm>>) dst(%arg10 : memref<128x128xf32, #tpu.memory_space<vmem>>)
        %add3A_73 = arith.constant 0 : i32
        %add3A_74 = arith.addi %mul3A_66, %add3A_73 : i32
        "tpu.region"() ({
          %run_scoped3A = tpu.sem_alloc : memref<!tpu.dma_semaphore, #tpu.memory_space<semaphore_mem>>
          %dma_start3A_103 = arith.constant 0 : i32
          %dma_start3A_104 = tpu.memref_slice %arg9[%add3A_74, %dma_start3A_103] : memref<40x128xi32, #tpu.memory_space<vmem>> -> memref<1x128xi32, #tpu.memory_space<vmem>>
          %dma_start3A_105 = tpu.memref_squeeze %dma_start3A_104 : memref<1x128xi32, #tpu.memory_space<vmem>> -> memref<128xi32, #tpu.memory_space<vmem>>
          %dma_start3A_106 = arith.constant 0 : i32
          %dma_start3A_107 = arith.constant 0 : i32
          %dma_start3A_108 = tpu.memref_slice %arg12[%dma_start3A_106, %dma_start3A_107] : memref<10048x128xf32, #tpu.memory_space<vmem_shared>> -> memref<10048x128xf32, #tpu.memory_space<vmem_shared>>
          tpu.enqueue_indirect_dma source(%arg10 : memref<128x128xf32, #tpu.memory_space<vmem>>) target(%dma_start3A_108 : memref<10048x128xf32, #tpu.memory_space<vmem_shared>>) offsets(%dma_start3A_105 : memref<128xi32, #tpu.memory_space<vmem>>) semaphore(%run_scoped3A : memref<!tpu.dma_semaphore, #tpu.memory_space<semaphore_mem>>) {add = true}
          %dma_wait3A_109 = arith.constant 0 : i32
          %dma_wait3A_110 = tpu.memref_slice %arg9[%add3A_74, %dma_wait3A_109] : memref<40x128xi32, #tpu.memory_space<vmem>> -> memref<1x128xi32, #tpu.memory_space<vmem>>
          %dma_wait3A_111 = tpu.memref_squeeze %dma_wait3A_110 : memref<1x128xi32, #tpu.memory_space<vmem>> -> memref<128xi32, #tpu.memory_space<vmem>>
          %dma_wait3A_112 = arith.constant 0 : i32
          %dma_wait3A_113 = arith.constant 0 : i32
          %dma_wait3A_114 = tpu.memref_slice %arg12[%dma_wait3A_112, %dma_wait3A_113] : memref<10048x128xf32, #tpu.memory_space<vmem_shared>> -> memref<10048x128xf32, #tpu.memory_space<vmem_shared>>
          tpu.wait_indirect_dma semaphore(%run_scoped3A : memref<!tpu.dma_semaphore, #tpu.memory_space<semaphore_mem>>) src(%arg10 : memref<128x128xf32, #tpu.memory_space<vmem>>) dst(%dma_wait3A_114 : memref<10048x128xf32, #tpu.memory_space<vmem_shared>>)
          tpu.yield
        }) : () -> ()
        %add3A_75 = arith.constant 0 : i32
        %add3A_76 = arith.addi %mul3A_66, %add3A_75 : i32
        %add3A_77 = arith.constant 2 : i32
        %add3A_78 = arith.addi %add3A_76, %add3A_77 : i32
        %lt3A_79 = arith.constant 40 : i32
        %lt3A_80 = arith.cmpi slt, %add3A_78, %lt3A_79 : i32
        %convert_element_type3A_81 = arith.extui %lt3A_80 : i1 to i32
        %cond3A_82 = arith.constant 0 : i32
        %cond3A_83 = arith.cmpi ne, %convert_element_type3A_81, %cond3A_82 : i32
        scf.if %cond3A_83 {
          %add3A_103 = arith.constant 0 : i32
          %add3A_104 = arith.addi %mul3A_66, %add3A_103 : i32
          %add3A_105 = arith.constant 2 : i32
          %add3A_106 = arith.addi %add3A_104, %add3A_105 : i32
          %dma_start3A_107 = arith.constant 0 : i32
          %dma_start3A_108 = tpu.memref_slice %arg8[%add3A_106, %dma_start3A_107] : memref<40x128xi32, #tpu.memory_space<vmem>> -> memref<1x128xi32, #tpu.memory_space<vmem>>
          %dma_start3A_109 = tpu.memref_squeeze %dma_start3A_108 : memref<1x128xi32, #tpu.memory_space<vmem>> -> memref<128xi32, #tpu.memory_space<vmem>>
          %dma_start3A_110 = arith.constant 0 : i32
          %dma_start3A_111 = arith.constant 0 : i32
          %dma_start3A_112 = tpu.memref_slice %arg2[%dma_start3A_110, %dma_start3A_111] : memref<10000x128xf32, #tpu.memory_space<hbm>> -> memref<10000x128xf32, #tpu.memory_space<hbm>>
          tpu.enqueue_indirect_dma source(%dma_start3A_112 : memref<10000x128xf32, #tpu.memory_space<hbm>>) target(%arg10 : memref<128x128xf32, #tpu.memory_space<vmem>>) offsets(%dma_start3A_109 : memref<128xi32, #tpu.memory_space<vmem>>) semaphore(%arg13 : memref<!tpu.dma_semaphore, #tpu.memory_space<semaphore_mem>>)
        } else {
        }
        %add3A_84 = arith.constant 1 : i32
        %add3A_85 = arith.addi %mul3A_66, %add3A_84 : i32
        %dma_wait3A_86 = arith.constant 0 : i32
        %dma_wait3A_87 = tpu.memref_slice %arg8[%add3A_85, %dma_wait3A_86] : memref<40x128xi32, #tpu.memory_space<vmem>> -> memref<1x128xi32, #tpu.memory_space<vmem>>
        %dma_wait3A_88 = tpu.memref_squeeze %dma_wait3A_87 : memref<1x128xi32, #tpu.memory_space<vmem>> -> memref<128xi32, #tpu.memory_space<vmem>>
        %dma_wait3A_89 = arith.constant 0 : i32
        %dma_wait3A_90 = arith.constant 0 : i32
        %dma_wait3A_91 = tpu.memref_slice %arg2[%dma_wait3A_89, %dma_wait3A_90] : memref<10000x128xf32, #tpu.memory_space<hbm>> -> memref<10000x128xf32, #tpu.memory_space<hbm>>
        tpu.wait_indirect_dma semaphore(%arg14 : memref<!tpu.dma_semaphore, #tpu.memory_space<semaphore_mem>>) src(%dma_wait3A_91 : memref<10000x128xf32, #tpu.memory_space<hbm>>) dst(%arg11 : memref<128x128xf32, #tpu.memory_space<vmem>>)
        %add3A_92 = arith.constant 1 : i32
        %add3A_93 = arith.addi %mul3A_66, %add3A_92 : i32
        "tpu.region"() ({
          %run_scoped3A = tpu.sem_alloc : memref<!tpu.dma_semaphore, #tpu.memory_space<semaphore_mem>>
          %dma_start3A_103 = arith.constant 0 : i32
          %dma_start3A_104 = tpu.memref_slice %arg9[%add3A_93, %dma_start3A_103] : memref<40x128xi32, #tpu.memory_space<vmem>> -> memref<1x128xi32, #tpu.memory_space<vmem>>
          %dma_start3A_105 = tpu.memref_squeeze %dma_start3A_104 : memref<1x128xi32, #tpu.memory_space<vmem>> -> memref<128xi32, #tpu.memory_space<vmem>>
          %dma_start3A_106 = arith.constant 0 : i32
          %dma_start3A_107 = arith.constant 0 : i32
          %dma_start3A_108 = tpu.memref_slice %arg12[%dma_start3A_106, %dma_start3A_107] : memref<10048x128xf32, #tpu.memory_space<vmem_shared>> -> memref<10048x128xf32, #tpu.memory_space<vmem_shared>>
          tpu.enqueue_indirect_dma source(%arg11 : memref<128x128xf32, #tpu.memory_space<vmem>>) target(%dma_start3A_108 : memref<10048x128xf32, #tpu.memory_space<vmem_shared>>) offsets(%dma_start3A_105 : memref<128xi32, #tpu.memory_space<vmem>>) semaphore(%run_scoped3A : memref<!tpu.dma_semaphore, #tpu.memory_space<semaphore_mem>>) {add = true}
          %dma_wait3A_109 = arith.constant 0 : i32
          %dma_wait3A_110 = tpu.memref_slice %arg9[%add3A_93, %dma_wait3A_109] : memref<40x128xi32, #tpu.memory_space<vmem>> -> memref<1x128xi32, #tpu.memory_space<vmem>>
          %dma_wait3A_111 = tpu.memref_squeeze %dma_wait3A_110 : memref<1x128xi32, #tpu.memory_space<vmem>> -> memref<128xi32, #tpu.memory_space<vmem>>
          %dma_wait3A_112 = arith.constant 0 : i32
          %dma_wait3A_113 = arith.constant 0 : i32
          %dma_wait3A_114 = tpu.memref_slice %arg12[%dma_wait3A_112, %dma_wait3A_113] : memref<10048x128xf32, #tpu.memory_space<vmem_shared>> -> memref<10048x128xf32, #tpu.memory_space<vmem_shared>>
          tpu.wait_indirect_dma semaphore(%run_scoped3A : memref<!tpu.dma_semaphore, #tpu.memory_space<semaphore_mem>>) src(%arg11 : memref<128x128xf32, #tpu.memory_space<vmem>>) dst(%dma_wait3A_114 : memref<10048x128xf32, #tpu.memory_space<vmem_shared>>)
          tpu.yield
        }) : () -> ()
        %add3A_94 = arith.constant 1 : i32
        %add3A_95 = arith.addi %mul3A_66, %add3A_94 : i32
        %add3A_96 = arith.constant 2 : i32
        %add3A_97 = arith.addi %add3A_95, %add3A_96 : i32
        %lt3A_98 = arith.constant 40 : i32
        %lt3A_99 = arith.cmpi slt, %add3A_97, %lt3A_98 : i32
        %convert_element_type3A_100 = arith.extui %lt3A_99 : i1 to i32
        %cond3A_101 = arith.constant 0 : i32
        %cond3A_102 = arith.cmpi ne, %convert_element_type3A_100, %cond3A_101 : i32
        scf.if %cond3A_102 {
          %add3A_103 = arith.constant 1 : i32
          %add3A_104 = arith.addi %mul3A_66, %add3A_103 : i32
          %add3A_105 = arith.constant 2 : i32
          %add3A_106 = arith.addi %add3A_104, %add3A_105 : i32
          %dma_start3A_107 = arith.constant 0 : i32
          %dma_start3A_108 = tpu.memref_slice %arg8[%add3A_106, %dma_start3A_107] : memref<40x128xi32, #tpu.memory_space<vmem>> -> memref<1x128xi32, #tpu.memory_space<vmem>>
          %dma_start3A_109 = tpu.memref_squeeze %dma_start3A_108 : memref<1x128xi32, #tpu.memory_space<vmem>> -> memref<128xi32, #tpu.memory_space<vmem>>
          %dma_start3A_110 = arith.constant 0 : i32
          %dma_start3A_111 = arith.constant 0 : i32
          %dma_start3A_112 = tpu.memref_slice %arg2[%dma_start3A_110, %dma_start3A_111] : memref<10000x128xf32, #tpu.memory_space<hbm>> -> memref<10000x128xf32, #tpu.memory_space<hbm>>
          tpu.enqueue_indirect_dma source(%dma_start3A_112 : memref<10000x128xf32, #tpu.memory_space<hbm>>) target(%arg11 : memref<128x128xf32, #tpu.memory_space<vmem>>) offsets(%dma_start3A_109 : memref<128xi32, #tpu.memory_space<vmem>>) semaphore(%arg14 : memref<!tpu.dma_semaphore, #tpu.memory_space<semaphore_mem>>)
        } else {
        }
      }
      %scan3A_33 = arith.constant 20 : i32
      "tpu.region"() ({
        %run_scoped3A = tpu.sem_alloc : memref<!tpu.dma_semaphore, #tpu.memory_space<semaphore_mem>>
        %dma_start3A_65 = arith.constant 40 : i32
        %dma_start3A_66 = arith.constant 0 : i32
        %dma_start3A_67 = tpu.memref_slice %arg4[%arg1, %dma_start3A_65, %dma_start3A_66] : memref<16x80x128xi32, #tpu.memory_space<hbm>> -> memref<1x40x128xi32, #tpu.memory_space<hbm>>
        %dma_start3A_68 = tpu.memref_squeeze %dma_start3A_67 : memref<1x40x128xi32, #tpu.memory_space<hbm>> -> memref<40x128xi32, #tpu.memory_space<hbm>>
        %dma_start3A_69 = arith.constant 40 : i32
        %dma_start3A_70 = arith.constant 0 : i32
        %dma_start3A_71 = tpu.memref_slice %arg4[%arg1, %dma_start3A_69, %dma_start3A_70] : memref<16x80x128xi32, #tpu.memory_space<hbm>> -> memref<1x40x128xi32, #tpu.memory_space<hbm>>
        %dma_start3A_72 = tpu.memref_squeeze %dma_start3A_71 : memref<1x40x128xi32, #tpu.memory_space<hbm>> -> memref<40x128xi32, #tpu.memory_space<hbm>>
        tpu.enqueue_dma source(%dma_start3A_72 : memref<40x128xi32, #tpu.memory_space<hbm>>) target(%arg8 : memref<40x128xi32, #tpu.memory_space<vmem>>) target_semaphore(%run_scoped3A : memref<!tpu.dma_semaphore, #tpu.memory_space<semaphore_mem>>)
        %dma_wait3A = arith.constant 40 : i32
        %dma_wait3A_73 = arith.constant 0 : i32
        %dma_wait3A_74 = tpu.memref_slice %arg4[%arg1, %dma_wait3A, %dma_wait3A_73] : memref<16x80x128xi32, #tpu.memory_space<hbm>> -> memref<1x40x128xi32, #tpu.memory_space<hbm>>
        %dma_wait3A_75 = tpu.memref_squeeze %dma_wait3A_74 : memref<1x40x128xi32, #tpu.memory_space<hbm>> -> memref<40x128xi32, #tpu.memory_space<hbm>>
        %dma_wait3A_76 = arith.constant 40 : i32
        %dma_wait3A_77 = arith.constant 0 : i32
        %dma_wait3A_78 = tpu.memref_slice %arg4[%arg1, %dma_wait3A_76, %dma_wait3A_77] : memref<16x80x128xi32, #tpu.memory_space<hbm>> -> memref<1x40x128xi32, #tpu.memory_space<hbm>>
        %dma_wait3A_79 = tpu.memref_squeeze %dma_wait3A_78 : memref<1x40x128xi32, #tpu.memory_space<hbm>> -> memref<40x128xi32, #tpu.memory_space<hbm>>
        tpu.wait_dma2 semaphore(%run_scoped3A : memref<!tpu.dma_semaphore, #tpu.memory_space<semaphore_mem>>) src(%dma_wait3A_79 : memref<40x128xi32, #tpu.memory_space<hbm>>) dst(%arg8 : memref<40x128xi32, #tpu.memory_space<vmem>>)
        tpu.yield
      }) : () -> ()
      "tpu.region"() ({
        %run_scoped3A = tpu.sem_alloc : memref<!tpu.dma_semaphore, #tpu.memory_space<semaphore_mem>>
        %dma_start3A_65 = arith.constant 40 : i32
        %dma_start3A_66 = arith.constant 0 : i32
        %dma_start3A_67 = tpu.memref_slice %arg5[%arg1, %dma_start3A_65, %dma_start3A_66] : memref<16x80x128xi32, #tpu.memory_space<hbm>> -> memref<1x40x128xi32, #tpu.memory_space<hbm>>
        %dma_start3A_68 = tpu.memref_squeeze %dma_start3A_67 : memref<1x40x128xi32, #tpu.memory_space<hbm>> -> memref<40x128xi32, #tpu.memory_space<hbm>>
        %dma_start3A_69 = arith.constant 40 : i32
        %dma_start3A_70 = arith.constant 0 : i32
        %dma_start3A_71 = tpu.memref_slice %arg5[%arg1, %dma_start3A_69, %dma_start3A_70] : memref<16x80x128xi32, #tpu.memory_space<hbm>> -> memref<1x40x128xi32, #tpu.memory_space<hbm>>
        %dma_start3A_72 = tpu.memref_squeeze %dma_start3A_71 : memref<1x40x128xi32, #tpu.memory_space<hbm>> -> memref<40x128xi32, #tpu.memory_space<hbm>>
        tpu.enqueue_dma source(%dma_start3A_72 : memref<40x128xi32, #tpu.memory_space<hbm>>) target(%arg9 : memref<40x128xi32, #tpu.memory_space<vmem>>) target_semaphore(%run_scoped3A : memref<!tpu.dma_semaphore, #tpu.memory_space<semaphore_mem>>)
        %dma_wait3A = arith.constant 40 : i32
        %dma_wait3A_73 = arith.constant 0 : i32
        %dma_wait3A_74 = tpu.memref_slice %arg5[%arg1, %dma_wait3A, %dma_wait3A_73] : memref<16x80x128xi32, #tpu.memory_space<hbm>> -> memref<1x40x128xi32, #tpu.memory_space<hbm>>
        %dma_wait3A_75 = tpu.memref_squeeze %dma_wait3A_74 : memref<1x40x128xi32, #tpu.memory_space<hbm>> -> memref<40x128xi32, #tpu.memory_space<hbm>>
        %dma_wait3A_76 = arith.constant 40 : i32
        %dma_wait3A_77 = arith.constant 0 : i32
        %dma_wait3A_78 = tpu.memref_slice %arg5[%arg1, %dma_wait3A_76, %dma_wait3A_77] : memref<16x80x128xi32, #tpu.memory_space<hbm>> -> memref<1x40x128xi32, #tpu.memory_space<hbm>>
        %dma_wait3A_79 = tpu.memref_squeeze %dma_wait3A_78 : memref<1x40x128xi32, #tpu.memory_space<hbm>> -> memref<40x128xi32, #tpu.memory_space<hbm>>
        tpu.wait_dma2 semaphore(%run_scoped3A : memref<!tpu.dma_semaphore, #tpu.memory_space<semaphore_mem>>) src(%dma_wait3A_79 : memref<40x128xi32, #tpu.memory_space<hbm>>) dst(%arg9 : memref<40x128xi32, #tpu.memory_space<vmem>>)
        tpu.yield
      }) : () -> ()
      %dma_start3A_34 = arith.constant 0 : i32
      %dma_start3A_35 = arith.constant 0 : i32
      %dma_start3A_36 = tpu.memref_slice %arg8[%dma_start3A_34, %dma_start3A_35] : memref<40x128xi32, #tpu.memory_space<vmem>> -> memref<1x128xi32, #tpu.memory_space<vmem>>
      %dma_start3A_37 = tpu.memref_squeeze %dma_start3A_36 : memref<1x128xi32, #tpu.memory_space<vmem>> -> memref<128xi32, #tpu.memory_space<vmem>>
      %dma_start3A_38 = arith.constant 0 : i32
      %dma_start3A_39 = arith.constant 0 : i32
      %dma_start3A_40 = tpu.memref_slice %arg2[%dma_start3A_38, %dma_start3A_39] : memref<10000x128xf32, #tpu.memory_space<hbm>> -> memref<10000x128xf32, #tpu.memory_space<hbm>>
      tpu.enqueue_indirect_dma source(%dma_start3A_40 : memref<10000x128xf32, #tpu.memory_space<hbm>>) target(%arg10 : memref<128x128xf32, #tpu.memory_space<vmem>>) offsets(%dma_start3A_37 : memref<128xi32, #tpu.memory_space<vmem>>) semaphore(%arg13 : memref<!tpu.dma_semaphore, #tpu.memory_space<semaphore_mem>>)
      %dma_start3A_41 = arith.constant 1 : i32
      %dma_start3A_42 = arith.constant 0 : i32
      %dma_start3A_43 = tpu.memref_slice %arg8[%dma_start3A_41, %dma_start3A_42] : memref<40x128xi32, #tpu.memory_space<vmem>> -> memref<1x128xi32, #tpu.memory_space<vmem>>
      %dma_start3A_44 = tpu.memref_squeeze %dma_start3A_43 : memref<1x128xi32, #tpu.memory_space<vmem>> -> memref<128xi32, #tpu.memory_space<vmem>>
      %dma_start3A_45 = arith.constant 0 : i32
      %dma_start3A_46 = arith.constant 0 : i32
      %dma_start3A_47 = tpu.memref_slice %arg2[%dma_start3A_45, %dma_start3A_46] : memref<10000x128xf32, #tpu.memory_space<hbm>> -> memref<10000x128xf32, #tpu.memory_space<hbm>>
      tpu.enqueue_indirect_dma source(%dma_start3A_47 : memref<10000x128xf32, #tpu.memory_space<hbm>>) target(%arg11 : memref<128x128xf32, #tpu.memory_space<vmem>>) offsets(%dma_start3A_44 : memref<128xi32, #tpu.memory_space<vmem>>) semaphore(%arg14 : memref<!tpu.dma_semaphore, #tpu.memory_space<semaphore_mem>>)
      %scan3A_48 = arith.constant 0 : i32
      %scan3A_49 = arith.constant 0 : i32
      %scan3A_50 = arith.constant 20 : i32
      %scan3A_51 = arith.addi %scan3A_49, %scan3A_50 : i32
      %scan3A_52 = arith.constant 1 : i32
      scf.for %scan3A_65 = %scan3A_49 to %scan3A_51 step %scan3A_52  : i32 {
        %mul3A = arith.constant 2 : i32
        %mul3A_66 = arith.muli %mul3A, %scan3A_65 : i32
        %add3A = arith.constant 0 : i32
        %add3A_67 = arith.addi %mul3A_66, %add3A : i32
        %dma_wait3A = arith.constant 0 : i32
        %dma_wait3A_68 = tpu.memref_slice %arg8[%add3A_67, %dma_wait3A] : memref<40x128xi32, #tpu.memory_space<vmem>> -> memref<1x128xi32, #tpu.memory_space<vmem>>
        %dma_wait3A_69 = tpu.memref_squeeze %dma_wait3A_68 : memref<1x128xi32, #tpu.memory_space<vmem>> -> memref<128xi32, #tpu.memory_space<vmem>>
        %dma_wait3A_70 = arith.constant 0 : i32
        %dma_wait3A_71 = arith.constant 0 : i32
        %dma_wait3A_72 = tpu.memref_slice %arg2[%dma_wait3A_70, %dma_wait3A_71] : memref<10000x128xf32, #tpu.memory_space<hbm>> -> memref<10000x128xf32, #tpu.memory_space<hbm>>
        tpu.wait_indirect_dma semaphore(%arg13 : memref<!tpu.dma_semaphore, #tpu.memory_space<semaphore_mem>>) src(%dma_wait3A_72 : memref<10000x128xf32, #tpu.memory_space<hbm>>) dst(%arg10 : memref<128x128xf32, #tpu.memory_space<vmem>>)
        %add3A_73 = arith.constant 0 : i32
        %add3A_74 = arith.addi %mul3A_66, %add3A_73 : i32
        "tpu.region"() ({
          %run_scoped3A = tpu.sem_alloc : memref<!tpu.dma_semaphore, #tpu.memory_space<semaphore_mem>>
          %dma_start3A_103 = arith.constant 0 : i32
          %dma_start3A_104 = tpu.memref_slice %arg9[%add3A_74, %dma_start3A_103] : memref<40x128xi32, #tpu.memory_space<vmem>> -> memref<1x128xi32, #tpu.memory_space<vmem>>
          %dma_start3A_105 = tpu.memref_squeeze %dma_start3A_104 : memref<1x128xi32, #tpu.memory_space<vmem>> -> memref<128xi32, #tpu.memory_space<vmem>>
          %dma_start3A_106 = arith.constant 0 : i32
          %dma_start3A_107 = arith.constant 0 : i32
          %dma_start3A_108 = tpu.memref_slice %arg12[%dma_start3A_106, %dma_start3A_107] : memref<10048x128xf32, #tpu.memory_space<vmem_shared>> -> memref<10048x128xf32, #tpu.memory_space<vmem_shared>>
          tpu.enqueue_indirect_dma source(%arg10 : memref<128x128xf32, #tpu.memory_space<vmem>>) target(%dma_start3A_108 : memref<10048x128xf32, #tpu.memory_space<vmem_shared>>) offsets(%dma_start3A_105 : memref<128xi32, #tpu.memory_space<vmem>>) semaphore(%run_scoped3A : memref<!tpu.dma_semaphore, #tpu.memory_space<semaphore_mem>>) {add = true}
          %dma_wait3A_109 = arith.constant 0 : i32
          %dma_wait3A_110 = tpu.memref_slice %arg9[%add3A_74, %dma_wait3A_109] : memref<40x128xi32, #tpu.memory_space<vmem>> -> memref<1x128xi32, #tpu.memory_space<vmem>>
          %dma_wait3A_111 = tpu.memref_squeeze %dma_wait3A_110 : memref<1x128xi32, #tpu.memory_space<vmem>> -> memref<128xi32, #tpu.memory_space<vmem>>
          %dma_wait3A_112 = arith.constant 0 : i32
          %dma_wait3A_113 = arith.constant 0 : i32
          %dma_wait3A_114 = tpu.memref_slice %arg12[%dma_wait3A_112, %dma_wait3A_113] : memref<10048x128xf32, #tpu.memory_space<vmem_shared>> -> memref<10048x128xf32, #tpu.memory_space<vmem_shared>>
          tpu.wait_indirect_dma semaphore(%run_scoped3A : memref<!tpu.dma_semaphore, #tpu.memory_space<semaphore_mem>>) src(%arg10 : memref<128x128xf32, #tpu.memory_space<vmem>>) dst(%dma_wait3A_114 : memref<10048x128xf32, #tpu.memory_space<vmem_shared>>)
          tpu.yield
        }) : () -> ()
        %add3A_75 = arith.constant 0 : i32
        %add3A_76 = arith.addi %mul3A_66, %add3A_75 : i32
        %add3A_77 = arith.constant 2 : i32
        %add3A_78 = arith.addi %add3A_76, %add3A_77 : i32
        %lt3A_79 = arith.constant 40 : i32
        %lt3A_80 = arith.cmpi slt, %add3A_78, %lt3A_79 : i32
        %convert_element_type3A_81 = arith.extui %lt3A_80 : i1 to i32
        %cond3A_82 = arith.constant 0 : i32
        %cond3A_83 = arith.cmpi ne, %convert_element_type3A_81, %cond3A_82 : i32
        scf.if %cond3A_83 {
          %add3A_103 = arith.constant 0 : i32
          %add3A_104 = arith.addi %mul3A_66, %add3A_103 : i32
          %add3A_105 = arith.constant 2 : i32
          %add3A_106 = arith.addi %add3A_104, %add3A_105 : i32
          %dma_start3A_107 = arith.constant 0 : i32
          %dma_start3A_108 = tpu.memref_slice %arg8[%add3A_106, %dma_start3A_107] : memref<40x128xi32, #tpu.memory_space<vmem>> -> memref<1x128xi32, #tpu.memory_space<vmem>>
          %dma_start3A_109 = tpu.memref_squeeze %dma_start3A_108 : memref<1x128xi32, #tpu.memory_space<vmem>> -> memref<128xi32, #tpu.memory_space<vmem>>
          %dma_start3A_110 = arith.constant 0 : i32
          %dma_start3A_111 = arith.constant 0 : i32
          %dma_start3A_112 = tpu.memref_slice %arg2[%dma_start3A_110, %dma_start3A_111] : memref<10000x128xf32, #tpu.memory_space<hbm>> -> memref<10000x128xf32, #tpu.memory_space<hbm>>
          tpu.enqueue_indirect_dma source(%dma_start3A_112 : memref<10000x128xf32, #tpu.memory_space<hbm>>) target(%arg10 : memref<128x128xf32, #tpu.memory_space<vmem>>) offsets(%dma_start3A_109 : memref<128xi32, #tpu.memory_space<vmem>>) semaphore(%arg13 : memref<!tpu.dma_semaphore, #tpu.memory_space<semaphore_mem>>)
        } else {
        }
        %add3A_84 = arith.constant 1 : i32
        %add3A_85 = arith.addi %mul3A_66, %add3A_84 : i32
        %dma_wait3A_86 = arith.constant 0 : i32
        %dma_wait3A_87 = tpu.memref_slice %arg8[%add3A_85, %dma_wait3A_86] : memref<40x128xi32, #tpu.memory_space<vmem>> -> memref<1x128xi32, #tpu.memory_space<vmem>>
        %dma_wait3A_88 = tpu.memref_squeeze %dma_wait3A_87 : memref<1x128xi32, #tpu.memory_space<vmem>> -> memref<128xi32, #tpu.memory_space<vmem>>
        %dma_wait3A_89 = arith.constant 0 : i32
        %dma_wait3A_90 = arith.constant 0 : i32
        %dma_wait3A_91 = tpu.memref_slice %arg2[%dma_wait3A_89, %dma_wait3A_90] : memref<10000x128xf32, #tpu.memory_space<hbm>> -> memref<10000x128xf32, #tpu.memory_space<hbm>>
        tpu.wait_indirect_dma semaphore(%arg14 : memref<!tpu.dma_semaphore, #tpu.memory_space<semaphore_mem>>) src(%dma_wait3A_91 : memref<10000x128xf32, #tpu.memory_space<hbm>>) dst(%arg11 : memref<128x128xf32, #tpu.memory_space<vmem>>)
        %add3A_92 = arith.constant 1 : i32
        %add3A_93 = arith.addi %mul3A_66, %add3A_92 : i32
        "tpu.region"() ({
          %run_scoped3A = tpu.sem_alloc : memref<!tpu.dma_semaphore, #tpu.memory_space<semaphore_mem>>
          %dma_start3A_103 = arith.constant 0 : i32
          %dma_start3A_104 = tpu.memref_slice %arg9[%add3A_93, %dma_start3A_103] : memref<40x128xi32, #tpu.memory_space<vmem>> -> memref<1x128xi32, #tpu.memory_space<vmem>>
          %dma_start3A_105 = tpu.memref_squeeze %dma_start3A_104 : memref<1x128xi32, #tpu.memory_space<vmem>> -> memref<128xi32, #tpu.memory_space<vmem>>
          %dma_start3A_106 = arith.constant 0 : i32
          %dma_start3A_107 = arith.constant 0 : i32
          %dma_start3A_108 = tpu.memref_slice %arg12[%dma_start3A_106, %dma_start3A_107] : memref<10048x128xf32, #tpu.memory_space<vmem_shared>> -> memref<10048x128xf32, #tpu.memory_space<vmem_shared>>
          tpu.enqueue_indirect_dma source(%arg11 : memref<128x128xf32, #tpu.memory_space<vmem>>) target(%dma_start3A_108 : memref<10048x128xf32, #tpu.memory_space<vmem_shared>>) offsets(%dma_start3A_105 : memref<128xi32, #tpu.memory_space<vmem>>) semaphore(%run_scoped3A : memref<!tpu.dma_semaphore, #tpu.memory_space<semaphore_mem>>) {add = true}
          %dma_wait3A_109 = arith.constant 0 : i32
          %dma_wait3A_110 = tpu.memref_slice %arg9[%add3A_93, %dma_wait3A_109] : memref<40x128xi32, #tpu.memory_space<vmem>> -> memref<1x128xi32, #tpu.memory_space<vmem>>
          %dma_wait3A_111 = tpu.memref_squeeze %dma_wait3A_110 : memref<1x128xi32, #tpu.memory_space<vmem>> -> memref<128xi32, #tpu.memory_space<vmem>>
          %dma_wait3A_112 = arith.constant 0 : i32
          %dma_wait3A_113 = arith.constant 0 : i32
          %dma_wait3A_114 = tpu.memref_slice %arg12[%dma_wait3A_112, %dma_wait3A_113] : memref<10048x128xf32, #tpu.memory_space<vmem_shared>> -> memref<10048x128xf32, #tpu.memory_space<vmem_shared>>
          tpu.wait_indirect_dma semaphore(%run_scoped3A : memref<!tpu.dma_semaphore, #tpu.memory_space<semaphore_mem>>) src(%arg11 : memref<128x128xf32, #tpu.memory_space<vmem>>) dst(%dma_wait3A_114 : memref<10048x128xf32, #tpu.memory_space<vmem_shared>>)
          tpu.yield
        }) : () -> ()
        %add3A_94 = arith.constant 1 : i32
        %add3A_95 = arith.addi %mul3A_66, %add3A_94 : i32
        %add3A_96 = arith.constant 2 : i32
        %add3A_97 = arith.addi %add3A_95, %add3A_96 : i32
        %lt3A_98 = arith.constant 40 : i32
        %lt3A_99 = arith.cmpi slt, %add3A_97, %lt3A_98 : i32
        %convert_element_type3A_100 = arith.extui %lt3A_99 : i1 to i32
        %cond3A_101 = arith.constant 0 : i32
        %cond3A_102 = arith.cmpi ne, %convert_element_type3A_100, %cond3A_101 : i32
        scf.if %cond3A_102 {
          %add3A_103 = arith.constant 1 : i32
          %add3A_104 = arith.addi %mul3A_66, %add3A_103 : i32
          %add3A_105 = arith.constant 2 : i32
          %add3A_106 = arith.addi %add3A_104, %add3A_105 : i32
          %dma_start3A_107 = arith.constant 0 : i32
          %dma_start3A_108 = tpu.memref_slice %arg8[%add3A_106, %dma_start3A_107] : memref<40x128xi32, #tpu.memory_space<vmem>> -> memref<1x128xi32, #tpu.memory_space<vmem>>
          %dma_start3A_109 = tpu.memref_squeeze %dma_start3A_108 : memref<1x128xi32, #tpu.memory_space<vmem>> -> memref<128xi32, #tpu.memory_space<vmem>>
          %dma_start3A_110 = arith.constant 0 : i32
          %dma_start3A_111 = arith.constant 0 : i32
          %dma_start3A_112 = tpu.memref_slice %arg2[%dma_start3A_110, %dma_start3A_111] : memref<10000x128xf32, #tpu.memory_space<hbm>> -> memref<10000x128xf32, #tpu.memory_space<hbm>>
          tpu.enqueue_indirect_dma source(%dma_start3A_112 : memref<10000x128xf32, #tpu.memory_space<hbm>>) target(%arg11 : memref<128x128xf32, #tpu.memory_space<vmem>>) offsets(%dma_start3A_109 : memref<128xi32, #tpu.memory_space<vmem>>) semaphore(%arg14 : memref<!tpu.dma_semaphore, #tpu.memory_space<semaphore_mem>>)
        } else {
        }
      }
      %scan3A_53 = arith.constant 20 : i32
      %barrier3A_54 = arith.constant 0 : index
      tpu.barrier barrier_id(%barrier3A_54)
      %lt3A_55 = arith.constant 15 : i32
      %lt3A_56 = arith.cmpi slt, %arg1, %lt3A_55 : i32
      %convert_element_type3A_57 = arith.extui %lt3A_56 : i1 to i32
      %cond3A_58 = arith.constant 0 : i32
      %cond3A_59 = arith.cmpi ne, %convert_element_type3A_57, %cond3A_58 : i32
      scf.if %cond3A_59 {
        %mul3A = arith.constant 640 : i32
        %mul3A_65 = arith.muli %arg1, %mul3A : i32
        %mul3A_66 = arith.constant 640 : i32
        %mul3A_67 = arith.muli %arg1, %mul3A_66 : i32
        "tpu.region"() ({
          %run_scoped3A = tpu.sem_alloc : memref<!tpu.dma_semaphore, #tpu.memory_space<semaphore_mem>>
          %dma_start3A_68 = arith.constant 0 : i32
          %dma_start3A_69 = tpu.memref_slice %arg6[%mul3A_67, %dma_start3A_68] : memref<10000x128xf32, #tpu.memory_space<hbm>> -> memref<640x128xf32, #tpu.memory_space<hbm>>
          %dma_start3A_70 = arith.constant 0 : i32
          %dma_start3A_71 = tpu.memref_slice %arg12[%mul3A_65, %dma_start3A_70] : memref<10048x128xf32, #tpu.memory_space<vmem_shared>> -> memref<640x128xf32, #tpu.memory_space<vmem_shared>>
          tpu.enqueue_dma source(%dma_start3A_71 : memref<640x128xf32, #tpu.memory_space<vmem_shared>>) target(%dma_start3A_69 : memref<640x128xf32, #tpu.memory_space<hbm>>) target_semaphore(%run_scoped3A : memref<!tpu.dma_semaphore, #tpu.memory_space<semaphore_mem>>)
          %dma_wait3A = arith.constant 0 : i32
          %dma_wait3A_72 = tpu.memref_slice %arg6[%mul3A_67, %dma_wait3A] : memref<10000x128xf32, #tpu.memory_space<hbm>> -> memref<640x128xf32, #tpu.memory_space<hbm>>
          %dma_wait3A_73 = arith.constant 0 : i32
          %dma_wait3A_74 = tpu.memref_slice %arg12[%mul3A_65, %dma_wait3A_73] : memref<10048x128xf32, #tpu.memory_space<vmem_shared>> -> memref<640x128xf32, #tpu.memory_space<vmem_shared>>
          tpu.wait_dma2 semaphore(%run_scoped3A : memref<!tpu.dma_semaphore, #tpu.memory_space<semaphore_mem>>) src(%dma_wait3A_74 : memref<640x128xf32, #tpu.memory_space<vmem_shared>>) dst(%dma_wait3A_72 : memref<640x128xf32, #tpu.memory_space<hbm>>)
          tpu.yield
        }) : () -> ()
      } else {
      }
      %eq3A_60 = arith.constant 15 : i32
      %eq3A_61 = arith.cmpi eq, %arg1, %eq3A_60 : i32
      %convert_element_type3A_62 = arith.extui %eq3A_61 : i1 to i32
      %cond3A_63 = arith.constant 0 : i32
      %cond3A_64 = arith.cmpi ne, %convert_element_type3A_62, %cond3A_63 : i32
      scf.if %cond3A_64 {
        "tpu.region"() ({
          %run_scoped3A = tpu.sem_alloc : memref<!tpu.dma_semaphore, #tpu.memory_space<semaphore_mem>>
          %dma_start3A_65 = arith.constant 9600 : i32
          %dma_start3A_66 = arith.constant 0 : i32
          %dma_start3A_67 = tpu.memref_slice %arg6[%dma_start3A_65, %dma_start3A_66] : memref<10000x128xf32, #tpu.memory_space<hbm>> -> memref<400x128xf32, #tpu.memory_space<hbm>>
          %dma_start3A_68 = arith.constant 9600 : i32
          %dma_start3A_69 = arith.constant 0 : i32
          %dma_start3A_70 = tpu.memref_slice %arg12[%dma_start3A_68, %dma_start3A_69] : memref<10048x128xf32, #tpu.memory_space<vmem_shared>> -> memref<400x128xf32, #tpu.memory_space<vmem_shared>>
          tpu.enqueue_dma source(%dma_start3A_70 : memref<400x128xf32, #tpu.memory_space<vmem_shared>>) target(%dma_start3A_67 : memref<400x128xf32, #tpu.memory_space<hbm>>) target_semaphore(%run_scoped3A : memref<!tpu.dma_semaphore, #tpu.memory_space<semaphore_mem>>)
          %dma_wait3A = arith.constant 9600 : i32
          %dma_wait3A_71 = arith.constant 0 : i32
          %dma_wait3A_72 = tpu.memref_slice %arg6[%dma_wait3A, %dma_wait3A_71] : memref<10000x128xf32, #tpu.memory_space<hbm>> -> memref<400x128xf32, #tpu.memory_space<hbm>>
          %dma_wait3A_73 = arith.constant 9600 : i32
          %dma_wait3A_74 = arith.constant 0 : i32
          %dma_wait3A_75 = tpu.memref_slice %arg12[%dma_wait3A_73, %dma_wait3A_74] : memref<10048x128xf32, #tpu.memory_space<vmem_shared>> -> memref<400x128xf32, #tpu.memory_space<vmem_shared>>
          tpu.wait_dma2 semaphore(%run_scoped3A : memref<!tpu.dma_semaphore, #tpu.memory_space<semaphore_mem>>) src(%dma_wait3A_75 : memref<400x128xf32, #tpu.memory_space<vmem_shared>>) dst(%dma_wait3A_72 : memref<400x128xf32, #tpu.memory_space<hbm>>)
          tpu.yield
        }) : () -> ()
      } else {
      }
    } else {
    }
    %eq3A_2 = arith.constant 1 : i32
    %eq3A_3 = arith.cmpi eq, %arg0, %eq3A_2 : i32
    %convert_element_type3A_4 = arith.extui %eq3A_3 : i1 to i32
    %cond3A_5 = arith.constant 0 : i32
    %cond3A_6 = arith.cmpi ne, %convert_element_type3A_4, %cond3A_5 : i32
    scf.if %cond3A_6 {
      "tpu.region"() ({
        %run_scoped3A = tpu.sem_alloc : memref<!tpu.dma_semaphore, #tpu.memory_space<semaphore_mem>>
        %dma_start3A_65 = arith.constant 0 : i32
        %dma_start3A_66 = arith.constant 0 : i32
        %dma_start3A_67 = tpu.memref_slice %arg4[%arg1, %dma_start3A_65, %dma_start3A_66] : memref<16x80x128xi32, #tpu.memory_space<hbm>> -> memref<1x40x128xi32, #tpu.memory_space<hbm>>
        %dma_start3A_68 = tpu.memref_squeeze %dma_start3A_67 : memref<1x40x128xi32, #tpu.memory_space<hbm>> -> memref<40x128xi32, #tpu.memory_space<hbm>>
        %dma_start3A_69 = arith.constant 0 : i32
        %dma_start3A_70 = arith.constant 0 : i32
        %dma_start3A_71 = tpu.memref_slice %arg4[%arg1, %dma_start3A_69, %dma_start3A_70] : memref<16x80x128xi32, #tpu.memory_space<hbm>> -> memref<1x40x128xi32, #tpu.memory_space<hbm>>
        %dma_start3A_72 = tpu.memref_squeeze %dma_start3A_71 : memref<1x40x128xi32, #tpu.memory_space<hbm>> -> memref<40x128xi32, #tpu.memory_space<hbm>>
        tpu.enqueue_dma source(%dma_start3A_72 : memref<40x128xi32, #tpu.memory_space<hbm>>) target(%arg8 : memref<40x128xi32, #tpu.memory_space<vmem>>) target_semaphore(%run_scoped3A : memref<!tpu.dma_semaphore, #tpu.memory_space<semaphore_mem>>)
        %dma_wait3A = arith.constant 0 : i32
        %dma_wait3A_73 = arith.constant 0 : i32
        %dma_wait3A_74 = tpu.memref_slice %arg4[%arg1, %dma_wait3A, %dma_wait3A_73] : memref<16x80x128xi32, #tpu.memory_space<hbm>> -> memref<1x40x128xi32, #tpu.memory_space<hbm>>
        %dma_wait3A_75 = tpu.memref_squeeze %dma_wait3A_74 : memref<1x40x128xi32, #tpu.memory_space<hbm>> -> memref<40x128xi32, #tpu.memory_space<hbm>>
        %dma_wait3A_76 = arith.constant 0 : i32
        %dma_wait3A_77 = arith.constant 0 : i32
        %dma_wait3A_78 = tpu.memref_slice %arg4[%arg1, %dma_wait3A_76, %dma_wait3A_77] : memref<16x80x128xi32, #tpu.memory_space<hbm>> -> memref<1x40x128xi32, #tpu.memory_space<hbm>>
        %dma_wait3A_79 = tpu.memref_squeeze %dma_wait3A_78 : memref<1x40x128xi32, #tpu.memory_space<hbm>> -> memref<40x128xi32, #tpu.memory_space<hbm>>
        tpu.wait_dma2 semaphore(%run_scoped3A : memref<!tpu.dma_semaphore, #tpu.memory_space<semaphore_mem>>) src(%dma_wait3A_79 : memref<40x128xi32, #tpu.memory_space<hbm>>) dst(%arg8 : memref<40x128xi32, #tpu.memory_space<vmem>>)
        tpu.yield
      }) : () -> ()
      "tpu.region"() ({
        %run_scoped3A = tpu.sem_alloc : memref<!tpu.dma_semaphore, #tpu.memory_space<semaphore_mem>>
        %dma_start3A_65 = arith.constant 0 : i32
        %dma_start3A_66 = arith.constant 0 : i32
        %dma_start3A_67 = tpu.memref_slice %arg5[%arg1, %dma_start3A_65, %dma_start3A_66] : memref<16x80x128xi32, #tpu.memory_space<hbm>> -> memref<1x40x128xi32, #tpu.memory_space<hbm>>
        %dma_start3A_68 = tpu.memref_squeeze %dma_start3A_67 : memref<1x40x128xi32, #tpu.memory_space<hbm>> -> memref<40x128xi32, #tpu.memory_space<hbm>>
        %dma_start3A_69 = arith.constant 0 : i32
        %dma_start3A_70 = arith.constant 0 : i32
        %dma_start3A_71 = tpu.memref_slice %arg5[%arg1, %dma_start3A_69, %dma_start3A_70] : memref<16x80x128xi32, #tpu.memory_space<hbm>> -> memref<1x40x128xi32, #tpu.memory_space<hbm>>
        %dma_start3A_72 = tpu.memref_squeeze %dma_start3A_71 : memref<1x40x128xi32, #tpu.memory_space<hbm>> -> memref<40x128xi32, #tpu.memory_space<hbm>>
        tpu.enqueue_dma source(%dma_start3A_72 : memref<40x128xi32, #tpu.memory_space<hbm>>) target(%arg9 : memref<40x128xi32, #tpu.memory_space<vmem>>) target_semaphore(%run_scoped3A : memref<!tpu.dma_semaphore, #tpu.memory_space<semaphore_mem>>)
        %dma_wait3A = arith.constant 0 : i32
        %dma_wait3A_73 = arith.constant 0 : i32
        %dma_wait3A_74 = tpu.memref_slice %arg5[%arg1, %dma_wait3A, %dma_wait3A_73] : memref<16x80x128xi32, #tpu.memory_space<hbm>> -> memref<1x40x128xi32, #tpu.memory_space<hbm>>
        %dma_wait3A_75 = tpu.memref_squeeze %dma_wait3A_74 : memref<1x40x128xi32, #tpu.memory_space<hbm>> -> memref<40x128xi32, #tpu.memory_space<hbm>>
        %dma_wait3A_76 = arith.constant 0 : i32
        %dma_wait3A_77 = arith.constant 0 : i32
        %dma_wait3A_78 = tpu.memref_slice %arg5[%arg1, %dma_wait3A_76, %dma_wait3A_77] : memref<16x80x128xi32, #tpu.memory_space<hbm>> -> memref<1x40x128xi32, #tpu.memory_space<hbm>>
        %dma_wait3A_79 = tpu.memref_squeeze %dma_wait3A_78 : memref<1x40x128xi32, #tpu.memory_space<hbm>> -> memref<40x128xi32, #tpu.memory_space<hbm>>
        tpu.wait_dma2 semaphore(%run_scoped3A : memref<!tpu.dma_semaphore, #tpu.memory_space<semaphore_mem>>) src(%dma_wait3A_79 : memref<40x128xi32, #tpu.memory_space<hbm>>) dst(%arg9 : memref<40x128xi32, #tpu.memory_space<vmem>>)
        tpu.yield
      }) : () -> ()
      %dma_start3A = arith.constant 0 : i32
      %dma_start3A_7 = arith.constant 0 : i32
      %dma_start3A_8 = tpu.memref_slice %arg8[%dma_start3A, %dma_start3A_7] : memref<40x128xi32, #tpu.memory_space<vmem>> -> memref<1x128xi32, #tpu.memory_space<vmem>>
      %dma_start3A_9 = tpu.memref_squeeze %dma_start3A_8 : memref<1x128xi32, #tpu.memory_space<vmem>> -> memref<128xi32, #tpu.memory_space<vmem>>
      %dma_start3A_10 = arith.constant 0 : i32
      %dma_start3A_11 = arith.constant 0 : i32
      %dma_start3A_12 = tpu.memref_slice %arg3[%dma_start3A_10, %dma_start3A_11] : memref<10000x128xf32, #tpu.memory_space<hbm>> -> memref<10000x128xf32, #tpu.memory_space<hbm>>
      tpu.enqueue_indirect_dma source(%dma_start3A_12 : memref<10000x128xf32, #tpu.memory_space<hbm>>) target(%arg10 : memref<128x128xf32, #tpu.memory_space<vmem>>) offsets(%dma_start3A_9 : memref<128xi32, #tpu.memory_space<vmem>>) semaphore(%arg13 : memref<!tpu.dma_semaphore, #tpu.memory_space<semaphore_mem>>)
      %dma_start3A_13 = arith.constant 1 : i32
      %dma_start3A_14 = arith.constant 0 : i32
      %dma_start3A_15 = tpu.memref_slice %arg8[%dma_start3A_13, %dma_start3A_14] : memref<40x128xi32, #tpu.memory_space<vmem>> -> memref<1x128xi32, #tpu.memory_space<vmem>>
      %dma_start3A_16 = tpu.memref_squeeze %dma_start3A_15 : memref<1x128xi32, #tpu.memory_space<vmem>> -> memref<128xi32, #tpu.memory_space<vmem>>
      %dma_start3A_17 = arith.constant 0 : i32
      %dma_start3A_18 = arith.constant 0 : i32
      %dma_start3A_19 = tpu.memref_slice %arg3[%dma_start3A_17, %dma_start3A_18] : memref<10000x128xf32, #tpu.memory_space<hbm>> -> memref<10000x128xf32, #tpu.memory_space<hbm>>
      tpu.enqueue_indirect_dma source(%dma_start3A_19 : memref<10000x128xf32, #tpu.memory_space<hbm>>) target(%arg11 : memref<128x128xf32, #tpu.memory_space<vmem>>) offsets(%dma_start3A_16 : memref<128xi32, #tpu.memory_space<vmem>>) semaphore(%arg14 : memref<!tpu.dma_semaphore, #tpu.memory_space<semaphore_mem>>)
      %lt3A = arith.constant 15 : i32
      %lt3A_20 = arith.cmpi slt, %arg1, %lt3A : i32
      %convert_element_type3A_21 = arith.extui %lt3A_20 : i1 to i32
      %cond3A_22 = arith.constant 0 : i32
      %cond3A_23 = arith.cmpi ne, %convert_element_type3A_21, %cond3A_22 : i32
      scf.if %cond3A_23 {
        %mul3A = arith.constant 640 : i32
        %mul3A_65 = arith.muli %arg1, %mul3A : i32
        %mul3A_66 = arith.constant 640 : i32
        %mul3A_67 = arith.muli %arg1, %mul3A_66 : i32
        "tpu.region"() ({
          %run_scoped3A = tpu.sem_alloc : memref<!tpu.dma_semaphore, #tpu.memory_space<semaphore_mem>>
          %dma_start3A_68 = arith.constant 0 : i32
          %dma_start3A_69 = tpu.memref_slice %arg12[%mul3A_67, %dma_start3A_68] : memref<10048x128xf32, #tpu.memory_space<vmem_shared>> -> memref<640x128xf32, #tpu.memory_space<vmem_shared>>
          %dma_start3A_70 = arith.constant 0 : i32
          %dma_start3A_71 = tpu.memref_slice %arg3[%mul3A_65, %dma_start3A_70] : memref<10000x128xf32, #tpu.memory_space<hbm>> -> memref<640x128xf32, #tpu.memory_space<hbm>>
          tpu.enqueue_dma source(%dma_start3A_71 : memref<640x128xf32, #tpu.memory_space<hbm>>) target(%dma_start3A_69 : memref<640x128xf32, #tpu.memory_space<vmem_shared>>) target_semaphore(%run_scoped3A : memref<!tpu.dma_semaphore, #tpu.memory_space<semaphore_mem>>)
          %dma_wait3A = arith.constant 0 : i32
          %dma_wait3A_72 = tpu.memref_slice %arg12[%mul3A_67, %dma_wait3A] : memref<10048x128xf32, #tpu.memory_space<vmem_shared>> -> memref<640x128xf32, #tpu.memory_space<vmem_shared>>
          %dma_wait3A_73 = arith.constant 0 : i32
          %dma_wait3A_74 = tpu.memref_slice %arg3[%mul3A_65, %dma_wait3A_73] : memref<10000x128xf32, #tpu.memory_space<hbm>> -> memref<640x128xf32, #tpu.memory_space<hbm>>
          tpu.wait_dma2 semaphore(%run_scoped3A : memref<!tpu.dma_semaphore, #tpu.memory_space<semaphore_mem>>) src(%dma_wait3A_74 : memref<640x128xf32, #tpu.memory_space<hbm>>) dst(%dma_wait3A_72 : memref<640x128xf32, #tpu.memory_space<vmem_shared>>)
          tpu.yield
        }) : () -> ()
      } else {
      }
      %eq3A_24 = arith.constant 15 : i32
      %eq3A_25 = arith.cmpi eq, %arg1, %eq3A_24 : i32
      %convert_element_type3A_26 = arith.extui %eq3A_25 : i1 to i32
      %cond3A_27 = arith.constant 0 : i32
      %cond3A_28 = arith.cmpi ne, %convert_element_type3A_26, %cond3A_27 : i32
      scf.if %cond3A_28 {
        "tpu.region"() ({
          %run_scoped3A = tpu.sem_alloc : memref<!tpu.dma_semaphore, #tpu.memory_space<semaphore_mem>>
          %dma_start3A_65 = arith.constant 9600 : i32
          %dma_start3A_66 = arith.constant 0 : i32
          %dma_start3A_67 = tpu.memref_slice %arg12[%dma_start3A_65, %dma_start3A_66] : memref<10048x128xf32, #tpu.memory_space<vmem_shared>> -> memref<400x128xf32, #tpu.memory_space<vmem_shared>>
          %dma_start3A_68 = arith.constant 9600 : i32
          %dma_start3A_69 = arith.constant 0 : i32
          %dma_start3A_70 = tpu.memref_slice %arg3[%dma_start3A_68, %dma_start3A_69] : memref<10000x128xf32, #tpu.memory_space<hbm>> -> memref<400x128xf32, #tpu.memory_space<hbm>>
          tpu.enqueue_dma source(%dma_start3A_70 : memref<400x128xf32, #tpu.memory_space<hbm>>) target(%dma_start3A_67 : memref<400x128xf32, #tpu.memory_space<vmem_shared>>) target_semaphore(%run_scoped3A : memref<!tpu.dma_semaphore, #tpu.memory_space<semaphore_mem>>)
          %dma_wait3A = arith.constant 9600 : i32
          %dma_wait3A_71 = arith.constant 0 : i32
          %dma_wait3A_72 = tpu.memref_slice %arg12[%dma_wait3A, %dma_wait3A_71] : memref<10048x128xf32, #tpu.memory_space<vmem_shared>> -> memref<400x128xf32, #tpu.memory_space<vmem_shared>>
          %dma_wait3A_73 = arith.constant 9600 : i32
          %dma_wait3A_74 = arith.constant 0 : i32
          %dma_wait3A_75 = tpu.memref_slice %arg3[%dma_wait3A_73, %dma_wait3A_74] : memref<10000x128xf32, #tpu.memory_space<hbm>> -> memref<400x128xf32, #tpu.memory_space<hbm>>
          tpu.wait_dma2 semaphore(%run_scoped3A : memref<!tpu.dma_semaphore, #tpu.memory_space<semaphore_mem>>) src(%dma_wait3A_75 : memref<400x128xf32, #tpu.memory_space<hbm>>) dst(%dma_wait3A_72 : memref<400x128xf32, #tpu.memory_space<vmem_shared>>)
          tpu.yield
        }) : () -> ()
      } else {
      }
      %barrier3A = arith.constant 0 : index
      tpu.barrier barrier_id(%barrier3A)
      %scan3A = arith.constant 0 : i32
      %scan3A_29 = arith.constant 0 : i32
      %scan3A_30 = arith.constant 20 : i32
      %scan3A_31 = arith.addi %scan3A_29, %scan3A_30 : i32
      %scan3A_32 = arith.constant 1 : i32
      scf.for %scan3A_65 = %scan3A_29 to %scan3A_31 step %scan3A_32  : i32 {
        %mul3A = arith.constant 2 : i32
        %mul3A_66 = arith.muli %mul3A, %scan3A_65 : i32
        %add3A = arith.constant 0 : i32
        %add3A_67 = arith.addi %mul3A_66, %add3A : i32
        %dma_wait3A = arith.constant 0 : i32
        %dma_wait3A_68 = tpu.memref_slice %arg8[%add3A_67, %dma_wait3A] : memref<40x128xi32, #tpu.memory_space<vmem>> -> memref<1x128xi32, #tpu.memory_space<vmem>>
        %dma_wait3A_69 = tpu.memref_squeeze %dma_wait3A_68 : memref<1x128xi32, #tpu.memory_space<vmem>> -> memref<128xi32, #tpu.memory_space<vmem>>
        %dma_wait3A_70 = arith.constant 0 : i32
        %dma_wait3A_71 = arith.constant 0 : i32
        %dma_wait3A_72 = tpu.memref_slice %arg3[%dma_wait3A_70, %dma_wait3A_71] : memref<10000x128xf32, #tpu.memory_space<hbm>> -> memref<10000x128xf32, #tpu.memory_space<hbm>>
        tpu.wait_indirect_dma semaphore(%arg13 : memref<!tpu.dma_semaphore, #tpu.memory_space<semaphore_mem>>) src(%dma_wait3A_72 : memref<10000x128xf32, #tpu.memory_space<hbm>>) dst(%arg10 : memref<128x128xf32, #tpu.memory_space<vmem>>)
        %add3A_73 = arith.constant 0 : i32
        %add3A_74 = arith.addi %mul3A_66, %add3A_73 : i32
        "tpu.region"() ({
          %run_scoped3A = tpu.sem_alloc : memref<!tpu.dma_semaphore, #tpu.memory_space<semaphore_mem>>
          %dma_start3A_103 = arith.constant 0 : i32
          %dma_start3A_104 = tpu.memref_slice %arg9[%add3A_74, %dma_start3A_103] : memref<40x128xi32, #tpu.memory_space<vmem>> -> memref<1x128xi32, #tpu.memory_space<vmem>>
          %dma_start3A_105 = tpu.memref_squeeze %dma_start3A_104 : memref<1x128xi32, #tpu.memory_space<vmem>> -> memref<128xi32, #tpu.memory_space<vmem>>
          %dma_start3A_106 = arith.constant 0 : i32
          %dma_start3A_107 = arith.constant 0 : i32
          %dma_start3A_108 = tpu.memref_slice %arg12[%dma_start3A_106, %dma_start3A_107] : memref<10048x128xf32, #tpu.memory_space<vmem_shared>> -> memref<10048x128xf32, #tpu.memory_space<vmem_shared>>
          tpu.enqueue_indirect_dma source(%arg10 : memref<128x128xf32, #tpu.memory_space<vmem>>) target(%dma_start3A_108 : memref<10048x128xf32, #tpu.memory_space<vmem_shared>>) offsets(%dma_start3A_105 : memref<128xi32, #tpu.memory_space<vmem>>) semaphore(%run_scoped3A : memref<!tpu.dma_semaphore, #tpu.memory_space<semaphore_mem>>) {add = true}
          %dma_wait3A_109 = arith.constant 0 : i32
          %dma_wait3A_110 = tpu.memref_slice %arg9[%add3A_74, %dma_wait3A_109] : memref<40x128xi32, #tpu.memory_space<vmem>> -> memref<1x128xi32, #tpu.memory_space<vmem>>
          %dma_wait3A_111 = tpu.memref_squeeze %dma_wait3A_110 : memref<1x128xi32, #tpu.memory_space<vmem>> -> memref<128xi32, #tpu.memory_space<vmem>>
          %dma_wait3A_112 = arith.constant 0 : i32
          %dma_wait3A_113 = arith.constant 0 : i32
          %dma_wait3A_114 = tpu.memref_slice %arg12[%dma_wait3A_112, %dma_wait3A_113] : memref<10048x128xf32, #tpu.memory_space<vmem_shared>> -> memref<10048x128xf32, #tpu.memory_space<vmem_shared>>
          tpu.wait_indirect_dma semaphore(%run_scoped3A : memref<!tpu.dma_semaphore, #tpu.memory_space<semaphore_mem>>) src(%arg10 : memref<128x128xf32, #tpu.memory_space<vmem>>) dst(%dma_wait3A_114 : memref<10048x128xf32, #tpu.memory_space<vmem_shared>>)
          tpu.yield
        }) : () -> ()
        %add3A_75 = arith.constant 0 : i32
        %add3A_76 = arith.addi %mul3A_66, %add3A_75 : i32
        %add3A_77 = arith.constant 2 : i32
        %add3A_78 = arith.addi %add3A_76, %add3A_77 : i32
        %lt3A_79 = arith.constant 40 : i32
        %lt3A_80 = arith.cmpi slt, %add3A_78, %lt3A_79 : i32
        %convert_element_type3A_81 = arith.extui %lt3A_80 : i1 to i32
        %cond3A_82 = arith.constant 0 : i32
        %cond3A_83 = arith.cmpi ne, %convert_element_type3A_81, %cond3A_82 : i32
        scf.if %cond3A_83 {
          %add3A_103 = arith.constant 0 : i32
          %add3A_104 = arith.addi %mul3A_66, %add3A_103 : i32
          %add3A_105 = arith.constant 2 : i32
          %add3A_106 = arith.addi %add3A_104, %add3A_105 : i32
          %dma_start3A_107 = arith.constant 0 : i32
          %dma_start3A_108 = tpu.memref_slice %arg8[%add3A_106, %dma_start3A_107] : memref<40x128xi32, #tpu.memory_space<vmem>> -> memref<1x128xi32, #tpu.memory_space<vmem>>
          %dma_start3A_109 = tpu.memref_squeeze %dma_start3A_108 : memref<1x128xi32, #tpu.memory_space<vmem>> -> memref<128xi32, #tpu.memory_space<vmem>>
          %dma_start3A_110 = arith.constant 0 : i32
          %dma_start3A_111 = arith.constant 0 : i32
          %dma_start3A_112 = tpu.memref_slice %arg3[%dma_start3A_110, %dma_start3A_111] : memref<10000x128xf32, #tpu.memory_space<hbm>> -> memref<10000x128xf32, #tpu.memory_space<hbm>>
          tpu.enqueue_indirect_dma source(%dma_start3A_112 : memref<10000x128xf32, #tpu.memory_space<hbm>>) target(%arg10 : memref<128x128xf32, #tpu.memory_space<vmem>>) offsets(%dma_start3A_109 : memref<128xi32, #tpu.memory_space<vmem>>) semaphore(%arg13 : memref<!tpu.dma_semaphore, #tpu.memory_space<semaphore_mem>>)
        } else {
        }
        %add3A_84 = arith.constant 1 : i32
        %add3A_85 = arith.addi %mul3A_66, %add3A_84 : i32
        %dma_wait3A_86 = arith.constant 0 : i32
        %dma_wait3A_87 = tpu.memref_slice %arg8[%add3A_85, %dma_wait3A_86] : memref<40x128xi32, #tpu.memory_space<vmem>> -> memref<1x128xi32, #tpu.memory_space<vmem>>
        %dma_wait3A_88 = tpu.memref_squeeze %dma_wait3A_87 : memref<1x128xi32, #tpu.memory_space<vmem>> -> memref<128xi32, #tpu.memory_space<vmem>>
        %dma_wait3A_89 = arith.constant 0 : i32
        %dma_wait3A_90 = arith.constant 0 : i32
        %dma_wait3A_91 = tpu.memref_slice %arg3[%dma_wait3A_89, %dma_wait3A_90] : memref<10000x128xf32, #tpu.memory_space<hbm>> -> memref<10000x128xf32, #tpu.memory_space<hbm>>
        tpu.wait_indirect_dma semaphore(%arg14 : memref<!tpu.dma_semaphore, #tpu.memory_space<semaphore_mem>>) src(%dma_wait3A_91 : memref<10000x128xf32, #tpu.memory_space<hbm>>) dst(%arg11 : memref<128x128xf32, #tpu.memory_space<vmem>>)
        %add3A_92 = arith.constant 1 : i32
        %add3A_93 = arith.addi %mul3A_66, %add3A_92 : i32
        "tpu.region"() ({
          %run_scoped3A = tpu.sem_alloc : memref<!tpu.dma_semaphore, #tpu.memory_space<semaphore_mem>>
          %dma_start3A_103 = arith.constant 0 : i32
          %dma_start3A_104 = tpu.memref_slice %arg9[%add3A_93, %dma_start3A_103] : memref<40x128xi32, #tpu.memory_space<vmem>> -> memref<1x128xi32, #tpu.memory_space<vmem>>
          %dma_start3A_105 = tpu.memref_squeeze %dma_start3A_104 : memref<1x128xi32, #tpu.memory_space<vmem>> -> memref<128xi32, #tpu.memory_space<vmem>>
          %dma_start3A_106 = arith.constant 0 : i32
          %dma_start3A_107 = arith.constant 0 : i32
          %dma_start3A_108 = tpu.memref_slice %arg12[%dma_start3A_106, %dma_start3A_107] : memref<10048x128xf32, #tpu.memory_space<vmem_shared>> -> memref<10048x128xf32, #tpu.memory_space<vmem_shared>>
          tpu.enqueue_indirect_dma source(%arg11 : memref<128x128xf32, #tpu.memory_space<vmem>>) target(%dma_start3A_108 : memref<10048x128xf32, #tpu.memory_space<vmem_shared>>) offsets(%dma_start3A_105 : memref<128xi32, #tpu.memory_space<vmem>>) semaphore(%run_scoped3A : memref<!tpu.dma_semaphore, #tpu.memory_space<semaphore_mem>>) {add = true}
          %dma_wait3A_109 = arith.constant 0 : i32
          %dma_wait3A_110 = tpu.memref_slice %arg9[%add3A_93, %dma_wait3A_109] : memref<40x128xi32, #tpu.memory_space<vmem>> -> memref<1x128xi32, #tpu.memory_space<vmem>>
          %dma_wait3A_111 = tpu.memref_squeeze %dma_wait3A_110 : memref<1x128xi32, #tpu.memory_space<vmem>> -> memref<128xi32, #tpu.memory_space<vmem>>
          %dma_wait3A_112 = arith.constant 0 : i32
          %dma_wait3A_113 = arith.constant 0 : i32
          %dma_wait3A_114 = tpu.memref_slice %arg12[%dma_wait3A_112, %dma_wait3A_113] : memref<10048x128xf32, #tpu.memory_space<vmem_shared>> -> memref<10048x128xf32, #tpu.memory_space<vmem_shared>>
          tpu.wait_indirect_dma semaphore(%run_scoped3A : memref<!tpu.dma_semaphore, #tpu.memory_space<semaphore_mem>>) src(%arg11 : memref<128x128xf32, #tpu.memory_space<vmem>>) dst(%dma_wait3A_114 : memref<10048x128xf32, #tpu.memory_space<vmem_shared>>)
          tpu.yield
        }) : () -> ()
        %add3A_94 = arith.constant 1 : i32
        %add3A_95 = arith.addi %mul3A_66, %add3A_94 : i32
        %add3A_96 = arith.constant 2 : i32
        %add3A_97 = arith.addi %add3A_95, %add3A_96 : i32
        %lt3A_98 = arith.constant 40 : i32
        %lt3A_99 = arith.cmpi slt, %add3A_97, %lt3A_98 : i32
        %convert_element_type3A_100 = arith.extui %lt3A_99 : i1 to i32
        %cond3A_101 = arith.constant 0 : i32
        %cond3A_102 = arith.cmpi ne, %convert_element_type3A_100, %cond3A_101 : i32
        scf.if %cond3A_102 {
          %add3A_103 = arith.constant 1 : i32
          %add3A_104 = arith.addi %mul3A_66, %add3A_103 : i32
          %add3A_105 = arith.constant 2 : i32
          %add3A_106 = arith.addi %add3A_104, %add3A_105 : i32
          %dma_start3A_107 = arith.constant 0 : i32
          %dma_start3A_108 = tpu.memref_slice %arg8[%add3A_106, %dma_start3A_107] : memref<40x128xi32, #tpu.memory_space<vmem>> -> memref<1x128xi32, #tpu.memory_space<vmem>>
          %dma_start3A_109 = tpu.memref_squeeze %dma_start3A_108 : memref<1x128xi32, #tpu.memory_space<vmem>> -> memref<128xi32, #tpu.memory_space<vmem>>
          %dma_start3A_110 = arith.constant 0 : i32
          %dma_start3A_111 = arith.constant 0 : i32
          %dma_start3A_112 = tpu.memref_slice %arg3[%dma_start3A_110, %dma_start3A_111] : memref<10000x128xf32, #tpu.memory_space<hbm>> -> memref<10000x128xf32, #tpu.memory_space<hbm>>
          tpu.enqueue_indirect_dma source(%dma_start3A_112 : memref<10000x128xf32, #tpu.memory_space<hbm>>) target(%arg11 : memref<128x128xf32, #tpu.memory_space<vmem>>) offsets(%dma_start3A_109 : memref<128xi32, #tpu.memory_space<vmem>>) semaphore(%arg14 : memref<!tpu.dma_semaphore, #tpu.memory_space<semaphore_mem>>)
        } else {
        }
      }
      %scan3A_33 = arith.constant 20 : i32
      "tpu.region"() ({
        %run_scoped3A = tpu.sem_alloc : memref<!tpu.dma_semaphore, #tpu.memory_space<semaphore_mem>>
        %dma_start3A_65 = arith.constant 40 : i32
        %dma_start3A_66 = arith.constant 0 : i32
        %dma_start3A_67 = tpu.memref_slice %arg4[%arg1, %dma_start3A_65, %dma_start3A_66] : memref<16x80x128xi32, #tpu.memory_space<hbm>> -> memref<1x40x128xi32, #tpu.memory_space<hbm>>
        %dma_start3A_68 = tpu.memref_squeeze %dma_start3A_67 : memref<1x40x128xi32, #tpu.memory_space<hbm>> -> memref<40x128xi32, #tpu.memory_space<hbm>>
        %dma_start3A_69 = arith.constant 40 : i32
        %dma_start3A_70 = arith.constant 0 : i32
        %dma_start3A_71 = tpu.memref_slice %arg4[%arg1, %dma_start3A_69, %dma_start3A_70] : memref<16x80x128xi32, #tpu.memory_space<hbm>> -> memref<1x40x128xi32, #tpu.memory_space<hbm>>
        %dma_start3A_72 = tpu.memref_squeeze %dma_start3A_71 : memref<1x40x128xi32, #tpu.memory_space<hbm>> -> memref<40x128xi32, #tpu.memory_space<hbm>>
        tpu.enqueue_dma source(%dma_start3A_72 : memref<40x128xi32, #tpu.memory_space<hbm>>) target(%arg8 : memref<40x128xi32, #tpu.memory_space<vmem>>) target_semaphore(%run_scoped3A : memref<!tpu.dma_semaphore, #tpu.memory_space<semaphore_mem>>)
        %dma_wait3A = arith.constant 40 : i32
        %dma_wait3A_73 = arith.constant 0 : i32
        %dma_wait3A_74 = tpu.memref_slice %arg4[%arg1, %dma_wait3A, %dma_wait3A_73] : memref<16x80x128xi32, #tpu.memory_space<hbm>> -> memref<1x40x128xi32, #tpu.memory_space<hbm>>
        %dma_wait3A_75 = tpu.memref_squeeze %dma_wait3A_74 : memref<1x40x128xi32, #tpu.memory_space<hbm>> -> memref<40x128xi32, #tpu.memory_space<hbm>>
        %dma_wait3A_76 = arith.constant 40 : i32
        %dma_wait3A_77 = arith.constant 0 : i32
        %dma_wait3A_78 = tpu.memref_slice %arg4[%arg1, %dma_wait3A_76, %dma_wait3A_77] : memref<16x80x128xi32, #tpu.memory_space<hbm>> -> memref<1x40x128xi32, #tpu.memory_space<hbm>>
        %dma_wait3A_79 = tpu.memref_squeeze %dma_wait3A_78 : memref<1x40x128xi32, #tpu.memory_space<hbm>> -> memref<40x128xi32, #tpu.memory_space<hbm>>
        tpu.wait_dma2 semaphore(%run_scoped3A : memref<!tpu.dma_semaphore, #tpu.memory_space<semaphore_mem>>) src(%dma_wait3A_79 : memref<40x128xi32, #tpu.memory_space<hbm>>) dst(%arg8 : memref<40x128xi32, #tpu.memory_space<vmem>>)
        tpu.yield
      }) : () -> ()
      "tpu.region"() ({
        %run_scoped3A = tpu.sem_alloc : memref<!tpu.dma_semaphore, #tpu.memory_space<semaphore_mem>>
        %dma_start3A_65 = arith.constant 40 : i32
        %dma_start3A_66 = arith.constant 0 : i32
        %dma_start3A_67 = tpu.memref_slice %arg5[%arg1, %dma_start3A_65, %dma_start3A_66] : memref<16x80x128xi32, #tpu.memory_space<hbm>> -> memref<1x40x128xi32, #tpu.memory_space<hbm>>
        %dma_start3A_68 = tpu.memref_squeeze %dma_start3A_67 : memref<1x40x128xi32, #tpu.memory_space<hbm>> -> memref<40x128xi32, #tpu.memory_space<hbm>>
        %dma_start3A_69 = arith.constant 40 : i32
        %dma_start3A_70 = arith.constant 0 : i32
        %dma_start3A_71 = tpu.memref_slice %arg5[%arg1, %dma_start3A_69, %dma_start3A_70] : memref<16x80x128xi32, #tpu.memory_space<hbm>> -> memref<1x40x128xi32, #tpu.memory_space<hbm>>
        %dma_start3A_72 = tpu.memref_squeeze %dma_start3A_71 : memref<1x40x128xi32, #tpu.memory_space<hbm>> -> memref<40x128xi32, #tpu.memory_space<hbm>>
        tpu.enqueue_dma source(%dma_start3A_72 : memref<40x128xi32, #tpu.memory_space<hbm>>) target(%arg9 : memref<40x128xi32, #tpu.memory_space<vmem>>) target_semaphore(%run_scoped3A : memref<!tpu.dma_semaphore, #tpu.memory_space<semaphore_mem>>)
        %dma_wait3A = arith.constant 40 : i32
        %dma_wait3A_73 = arith.constant 0 : i32
        %dma_wait3A_74 = tpu.memref_slice %arg5[%arg1, %dma_wait3A, %dma_wait3A_73] : memref<16x80x128xi32, #tpu.memory_space<hbm>> -> memref<1x40x128xi32, #tpu.memory_space<hbm>>
        %dma_wait3A_75 = tpu.memref_squeeze %dma_wait3A_74 : memref<1x40x128xi32, #tpu.memory_space<hbm>> -> memref<40x128xi32, #tpu.memory_space<hbm>>
        %dma_wait3A_76 = arith.constant 40 : i32
        %dma_wait3A_77 = arith.constant 0 : i32
        %dma_wait3A_78 = tpu.memref_slice %arg5[%arg1, %dma_wait3A_76, %dma_wait3A_77] : memref<16x80x128xi32, #tpu.memory_space<hbm>> -> memref<1x40x128xi32, #tpu.memory_space<hbm>>
        %dma_wait3A_79 = tpu.memref_squeeze %dma_wait3A_78 : memref<1x40x128xi32, #tpu.memory_space<hbm>> -> memref<40x128xi32, #tpu.memory_space<hbm>>
        tpu.wait_dma2 semaphore(%run_scoped3A : memref<!tpu.dma_semaphore, #tpu.memory_space<semaphore_mem>>) src(%dma_wait3A_79 : memref<40x128xi32, #tpu.memory_space<hbm>>) dst(%arg9 : memref<40x128xi32, #tpu.memory_space<vmem>>)
        tpu.yield
      }) : () -> ()
      %dma_start3A_34 = arith.constant 0 : i32
      %dma_start3A_35 = arith.constant 0 : i32
      %dma_start3A_36 = tpu.memref_slice %arg8[%dma_start3A_34, %dma_start3A_35] : memref<40x128xi32, #tpu.memory_space<vmem>> -> memref<1x128xi32, #tpu.memory_space<vmem>>
      %dma_start3A_37 = tpu.memref_squeeze %dma_start3A_36 : memref<1x128xi32, #tpu.memory_space<vmem>> -> memref<128xi32, #tpu.memory_space<vmem>>
      %dma_start3A_38 = arith.constant 0 : i32
      %dma_start3A_39 = arith.constant 0 : i32
      %dma_start3A_40 = tpu.memref_slice %arg3[%dma_start3A_38, %dma_start3A_39] : memref<10000x128xf32, #tpu.memory_space<hbm>> -> memref<10000x128xf32, #tpu.memory_space<hbm>>
      tpu.enqueue_indirect_dma source(%dma_start3A_40 : memref<10000x128xf32, #tpu.memory_space<hbm>>) target(%arg10 : memref<128x128xf32, #tpu.memory_space<vmem>>) offsets(%dma_start3A_37 : memref<128xi32, #tpu.memory_space<vmem>>) semaphore(%arg13 : memref<!tpu.dma_semaphore, #tpu.memory_space<semaphore_mem>>)
      %dma_start3A_41 = arith.constant 1 : i32
      %dma_start3A_42 = arith.constant 0 : i32
      %dma_start3A_43 = tpu.memref_slice %arg8[%dma_start3A_41, %dma_start3A_42] : memref<40x128xi32, #tpu.memory_space<vmem>> -> memref<1x128xi32, #tpu.memory_space<vmem>>
      %dma_start3A_44 = tpu.memref_squeeze %dma_start3A_43 : memref<1x128xi32, #tpu.memory_space<vmem>> -> memref<128xi32, #tpu.memory_space<vmem>>
      %dma_start3A_45 = arith.constant 0 : i32
      %dma_start3A_46 = arith.constant 0 : i32
      %dma_start3A_47 = tpu.memref_slice %arg3[%dma_start3A_45, %dma_start3A_46] : memref<10000x128xf32, #tpu.memory_space<hbm>> -> memref<10000x128xf32, #tpu.memory_space<hbm>>
      tpu.enqueue_indirect_dma source(%dma_start3A_47 : memref<10000x128xf32, #tpu.memory_space<hbm>>) target(%arg11 : memref<128x128xf32, #tpu.memory_space<vmem>>) offsets(%dma_start3A_44 : memref<128xi32, #tpu.memory_space<vmem>>) semaphore(%arg14 : memref<!tpu.dma_semaphore, #tpu.memory_space<semaphore_mem>>)
      %scan3A_48 = arith.constant 0 : i32
      %scan3A_49 = arith.constant 0 : i32
      %scan3A_50 = arith.constant 20 : i32
      %scan3A_51 = arith.addi %scan3A_49, %scan3A_50 : i32
      %scan3A_52 = arith.constant 1 : i32
      scf.for %scan3A_65 = %scan3A_49 to %scan3A_51 step %scan3A_52  : i32 {
        %mul3A = arith.constant 2 : i32
        %mul3A_66 = arith.muli %mul3A, %scan3A_65 : i32
        %add3A = arith.constant 0 : i32
        %add3A_67 = arith.addi %mul3A_66, %add3A : i32
        %dma_wait3A = arith.constant 0 : i32
        %dma_wait3A_68 = tpu.memref_slice %arg8[%add3A_67, %dma_wait3A] : memref<40x128xi32, #tpu.memory_space<vmem>> -> memref<1x128xi32, #tpu.memory_space<vmem>>
        %dma_wait3A_69 = tpu.memref_squeeze %dma_wait3A_68 : memref<1x128xi32, #tpu.memory_space<vmem>> -> memref<128xi32, #tpu.memory_space<vmem>>
        %dma_wait3A_70 = arith.constant 0 : i32
        %dma_wait3A_71 = arith.constant 0 : i32
        %dma_wait3A_72 = tpu.memref_slice %arg3[%dma_wait3A_70, %dma_wait3A_71] : memref<10000x128xf32, #tpu.memory_space<hbm>> -> memref<10000x128xf32, #tpu.memory_space<hbm>>
        tpu.wait_indirect_dma semaphore(%arg13 : memref<!tpu.dma_semaphore, #tpu.memory_space<semaphore_mem>>) src(%dma_wait3A_72 : memref<10000x128xf32, #tpu.memory_space<hbm>>) dst(%arg10 : memref<128x128xf32, #tpu.memory_space<vmem>>)
        %add3A_73 = arith.constant 0 : i32
        %add3A_74 = arith.addi %mul3A_66, %add3A_73 : i32
        "tpu.region"() ({
          %run_scoped3A = tpu.sem_alloc : memref<!tpu.dma_semaphore, #tpu.memory_space<semaphore_mem>>
          %dma_start3A_103 = arith.constant 0 : i32
          %dma_start3A_104 = tpu.memref_slice %arg9[%add3A_74, %dma_start3A_103] : memref<40x128xi32, #tpu.memory_space<vmem>> -> memref<1x128xi32, #tpu.memory_space<vmem>>
          %dma_start3A_105 = tpu.memref_squeeze %dma_start3A_104 : memref<1x128xi32, #tpu.memory_space<vmem>> -> memref<128xi32, #tpu.memory_space<vmem>>
          %dma_start3A_106 = arith.constant 0 : i32
          %dma_start3A_107 = arith.constant 0 : i32
          %dma_start3A_108 = tpu.memref_slice %arg12[%dma_start3A_106, %dma_start3A_107] : memref<10048x128xf32, #tpu.memory_space<vmem_shared>> -> memref<10048x128xf32, #tpu.memory_space<vmem_shared>>
          tpu.enqueue_indirect_dma source(%arg10 : memref<128x128xf32, #tpu.memory_space<vmem>>) target(%dma_start3A_108 : memref<10048x128xf32, #tpu.memory_space<vmem_shared>>) offsets(%dma_start3A_105 : memref<128xi32, #tpu.memory_space<vmem>>) semaphore(%run_scoped3A : memref<!tpu.dma_semaphore, #tpu.memory_space<semaphore_mem>>) {add = true}
          %dma_wait3A_109 = arith.constant 0 : i32
          %dma_wait3A_110 = tpu.memref_slice %arg9[%add3A_74, %dma_wait3A_109] : memref<40x128xi32, #tpu.memory_space<vmem>> -> memref<1x128xi32, #tpu.memory_space<vmem>>
          %dma_wait3A_111 = tpu.memref_squeeze %dma_wait3A_110 : memref<1x128xi32, #tpu.memory_space<vmem>> -> memref<128xi32, #tpu.memory_space<vmem>>
          %dma_wait3A_112 = arith.constant 0 : i32
          %dma_wait3A_113 = arith.constant 0 : i32
          %dma_wait3A_114 = tpu.memref_slice %arg12[%dma_wait3A_112, %dma_wait3A_113] : memref<10048x128xf32, #tpu.memory_space<vmem_shared>> -> memref<10048x128xf32, #tpu.memory_space<vmem_shared>>
          tpu.wait_indirect_dma semaphore(%run_scoped3A : memref<!tpu.dma_semaphore, #tpu.memory_space<semaphore_mem>>) src(%arg10 : memref<128x128xf32, #tpu.memory_space<vmem>>) dst(%dma_wait3A_114 : memref<10048x128xf32, #tpu.memory_space<vmem_shared>>)
          tpu.yield
        }) : () -> ()
        %add3A_75 = arith.constant 0 : i32
        %add3A_76 = arith.addi %mul3A_66, %add3A_75 : i32
        %add3A_77 = arith.constant 2 : i32
        %add3A_78 = arith.addi %add3A_76, %add3A_77 : i32
        %lt3A_79 = arith.constant 40 : i32
        %lt3A_80 = arith.cmpi slt, %add3A_78, %lt3A_79 : i32
        %convert_element_type3A_81 = arith.extui %lt3A_80 : i1 to i32
        %cond3A_82 = arith.constant 0 : i32
        %cond3A_83 = arith.cmpi ne, %convert_element_type3A_81, %cond3A_82 : i32
        scf.if %cond3A_83 {
          %add3A_103 = arith.constant 0 : i32
          %add3A_104 = arith.addi %mul3A_66, %add3A_103 : i32
          %add3A_105 = arith.constant 2 : i32
          %add3A_106 = arith.addi %add3A_104, %add3A_105 : i32
          %dma_start3A_107 = arith.constant 0 : i32
          %dma_start3A_108 = tpu.memref_slice %arg8[%add3A_106, %dma_start3A_107] : memref<40x128xi32, #tpu.memory_space<vmem>> -> memref<1x128xi32, #tpu.memory_space<vmem>>
          %dma_start3A_109 = tpu.memref_squeeze %dma_start3A_108 : memref<1x128xi32, #tpu.memory_space<vmem>> -> memref<128xi32, #tpu.memory_space<vmem>>
          %dma_start3A_110 = arith.constant 0 : i32
          %dma_start3A_111 = arith.constant 0 : i32
          %dma_start3A_112 = tpu.memref_slice %arg3[%dma_start3A_110, %dma_start3A_111] : memref<10000x128xf32, #tpu.memory_space<hbm>> -> memref<10000x128xf32, #tpu.memory_space<hbm>>
          tpu.enqueue_indirect_dma source(%dma_start3A_112 : memref<10000x128xf32, #tpu.memory_space<hbm>>) target(%arg10 : memref<128x128xf32, #tpu.memory_space<vmem>>) offsets(%dma_start3A_109 : memref<128xi32, #tpu.memory_space<vmem>>) semaphore(%arg13 : memref<!tpu.dma_semaphore, #tpu.memory_space<semaphore_mem>>)
        } else {
        }
        %add3A_84 = arith.constant 1 : i32
        %add3A_85 = arith.addi %mul3A_66, %add3A_84 : i32
        %dma_wait3A_86 = arith.constant 0 : i32
        %dma_wait3A_87 = tpu.memref_slice %arg8[%add3A_85, %dma_wait3A_86] : memref<40x128xi32, #tpu.memory_space<vmem>> -> memref<1x128xi32, #tpu.memory_space<vmem>>
        %dma_wait3A_88 = tpu.memref_squeeze %dma_wait3A_87 : memref<1x128xi32, #tpu.memory_space<vmem>> -> memref<128xi32, #tpu.memory_space<vmem>>
        %dma_wait3A_89 = arith.constant 0 : i32
        %dma_wait3A_90 = arith.constant 0 : i32
        %dma_wait3A_91 = tpu.memref_slice %arg3[%dma_wait3A_89, %dma_wait3A_90] : memref<10000x128xf32, #tpu.memory_space<hbm>> -> memref<10000x128xf32, #tpu.memory_space<hbm>>
        tpu.wait_indirect_dma semaphore(%arg14 : memref<!tpu.dma_semaphore, #tpu.memory_space<semaphore_mem>>) src(%dma_wait3A_91 : memref<10000x128xf32, #tpu.memory_space<hbm>>) dst(%arg11 : memref<128x128xf32, #tpu.memory_space<vmem>>)
        %add3A_92 = arith.constant 1 : i32
        %add3A_93 = arith.addi %mul3A_66, %add3A_92 : i32
        "tpu.region"() ({
          %run_scoped3A = tpu.sem_alloc : memref<!tpu.dma_semaphore, #tpu.memory_space<semaphore_mem>>
          %dma_start3A_103 = arith.constant 0 : i32
          %dma_start3A_104 = tpu.memref_slice %arg9[%add3A_93, %dma_start3A_103] : memref<40x128xi32, #tpu.memory_space<vmem>> -> memref<1x128xi32, #tpu.memory_space<vmem>>
          %dma_start3A_105 = tpu.memref_squeeze %dma_start3A_104 : memref<1x128xi32, #tpu.memory_space<vmem>> -> memref<128xi32, #tpu.memory_space<vmem>>
          %dma_start3A_106 = arith.constant 0 : i32
          %dma_start3A_107 = arith.constant 0 : i32
          %dma_start3A_108 = tpu.memref_slice %arg12[%dma_start3A_106, %dma_start3A_107] : memref<10048x128xf32, #tpu.memory_space<vmem_shared>> -> memref<10048x128xf32, #tpu.memory_space<vmem_shared>>
          tpu.enqueue_indirect_dma source(%arg11 : memref<128x128xf32, #tpu.memory_space<vmem>>) target(%dma_start3A_108 : memref<10048x128xf32, #tpu.memory_space<vmem_shared>>) offsets(%dma_start3A_105 : memref<128xi32, #tpu.memory_space<vmem>>) semaphore(%run_scoped3A : memref<!tpu.dma_semaphore, #tpu.memory_space<semaphore_mem>>) {add = true}
          %dma_wait3A_109 = arith.constant 0 : i32
          %dma_wait3A_110 = tpu.memref_slice %arg9[%add3A_93, %dma_wait3A_109] : memref<40x128xi32, #tpu.memory_space<vmem>> -> memref<1x128xi32, #tpu.memory_space<vmem>>
          %dma_wait3A_111 = tpu.memref_squeeze %dma_wait3A_110 : memref<1x128xi32, #tpu.memory_space<vmem>> -> memref<128xi32, #tpu.memory_space<vmem>>
          %dma_wait3A_112 = arith.constant 0 : i32
          %dma_wait3A_113 = arith.constant 0 : i32
          %dma_wait3A_114 = tpu.memref_slice %arg12[%dma_wait3A_112, %dma_wait3A_113] : memref<10048x128xf32, #tpu.memory_space<vmem_shared>> -> memref<10048x128xf32, #tpu.memory_space<vmem_shared>>
          tpu.wait_indirect_dma semaphore(%run_scoped3A : memref<!tpu.dma_semaphore, #tpu.memory_space<semaphore_mem>>) src(%arg11 : memref<128x128xf32, #tpu.memory_space<vmem>>) dst(%dma_wait3A_114 : memref<10048x128xf32, #tpu.memory_space<vmem_shared>>)
          tpu.yield
        }) : () -> ()
        %add3A_94 = arith.constant 1 : i32
        %add3A_95 = arith.addi %mul3A_66, %add3A_94 : i32
        %add3A_96 = arith.constant 2 : i32
        %add3A_97 = arith.addi %add3A_95, %add3A_96 : i32
        %lt3A_98 = arith.constant 40 : i32
        %lt3A_99 = arith.cmpi slt, %add3A_97, %lt3A_98 : i32
        %convert_element_type3A_100 = arith.extui %lt3A_99 : i1 to i32
        %cond3A_101 = arith.constant 0 : i32
        %cond3A_102 = arith.cmpi ne, %convert_element_type3A_100, %cond3A_101 : i32
        scf.if %cond3A_102 {
          %add3A_103 = arith.constant 1 : i32
          %add3A_104 = arith.addi %mul3A_66, %add3A_103 : i32
          %add3A_105 = arith.constant 2 : i32
          %add3A_106 = arith.addi %add3A_104, %add3A_105 : i32
          %dma_start3A_107 = arith.constant 0 : i32
          %dma_start3A_108 = tpu.memref_slice %arg8[%add3A_106, %dma_start3A_107] : memref<40x128xi32, #tpu.memory_space<vmem>> -> memref<1x128xi32, #tpu.memory_space<vmem>>
          %dma_start3A_109 = tpu.memref_squeeze %dma_start3A_108 : memref<1x128xi32, #tpu.memory_space<vmem>> -> memref<128xi32, #tpu.memory_space<vmem>>
          %dma_start3A_110 = arith.constant 0 : i32
          %dma_start3A_111 = arith.constant 0 : i32
          %dma_start3A_112 = tpu.memref_slice %arg3[%dma_start3A_110, %dma_start3A_111] : memref<10000x128xf32, #tpu.memory_space<hbm>> -> memref<10000x128xf32, #tpu.memory_space<hbm>>
          tpu.enqueue_indirect_dma source(%dma_start3A_112 : memref<10000x128xf32, #tpu.memory_space<hbm>>) target(%arg11 : memref<128x128xf32, #tpu.memory_space<vmem>>) offsets(%dma_start3A_109 : memref<128xi32, #tpu.memory_space<vmem>>) semaphore(%arg14 : memref<!tpu.dma_semaphore, #tpu.memory_space<semaphore_mem>>)
        } else {
        }
      }
      %scan3A_53 = arith.constant 20 : i32
      %barrier3A_54 = arith.constant 0 : index
      tpu.barrier barrier_id(%barrier3A_54)
      %lt3A_55 = arith.constant 15 : i32
      %lt3A_56 = arith.cmpi slt, %arg1, %lt3A_55 : i32
      %convert_element_type3A_57 = arith.extui %lt3A_56 : i1 to i32
      %cond3A_58 = arith.constant 0 : i32
      %cond3A_59 = arith.cmpi ne, %convert_element_type3A_57, %cond3A_58 : i32
      scf.if %cond3A_59 {
        %mul3A = arith.constant 640 : i32
        %mul3A_65 = arith.muli %arg1, %mul3A : i32
        %mul3A_66 = arith.constant 640 : i32
        %mul3A_67 = arith.muli %arg1, %mul3A_66 : i32
        "tpu.region"() ({
          %run_scoped3A = tpu.sem_alloc : memref<!tpu.dma_semaphore, #tpu.memory_space<semaphore_mem>>
          %dma_start3A_68 = arith.constant 0 : i32
          %dma_start3A_69 = tpu.memref_slice %arg7[%mul3A_67, %dma_start3A_68] : memref<10000x128xf32, #tpu.memory_space<hbm>> -> memref<640x128xf32, #tpu.memory_space<hbm>>
          %dma_start3A_70 = arith.constant 0 : i32
          %dma_start3A_71 = tpu.memref_slice %arg12[%mul3A_65, %dma_start3A_70] : memref<10048x128xf32, #tpu.memory_space<vmem_shared>> -> memref<640x128xf32, #tpu.memory_space<vmem_shared>>
          tpu.enqueue_dma source(%dma_start3A_71 : memref<640x128xf32, #tpu.memory_space<vmem_shared>>) target(%dma_start3A_69 : memref<640x128xf32, #tpu.memory_space<hbm>>) target_semaphore(%run_scoped3A : memref<!tpu.dma_semaphore, #tpu.memory_space<semaphore_mem>>)
          %dma_wait3A = arith.constant 0 : i32
          %dma_wait3A_72 = tpu.memref_slice %arg7[%mul3A_67, %dma_wait3A] : memref<10000x128xf32, #tpu.memory_space<hbm>> -> memref<640x128xf32, #tpu.memory_space<hbm>>
          %dma_wait3A_73 = arith.constant 0 : i32
          %dma_wait3A_74 = tpu.memref_slice %arg12[%mul3A_65, %dma_wait3A_73] : memref<10048x128xf32, #tpu.memory_space<vmem_shared>> -> memref<640x128xf32, #tpu.memory_space<vmem_shared>>
          tpu.wait_dma2 semaphore(%run_scoped3A : memref<!tpu.dma_semaphore, #tpu.memory_space<semaphore_mem>>) src(%dma_wait3A_74 : memref<640x128xf32, #tpu.memory_space<vmem_shared>>) dst(%dma_wait3A_72 : memref<640x128xf32, #tpu.memory_space<hbm>>)
          tpu.yield
        }) : () -> ()
      } else {
      }
      %eq3A_60 = arith.constant 15 : i32
      %eq3A_61 = arith.cmpi eq, %arg1, %eq3A_60 : i32
      %convert_element_type3A_62 = arith.extui %eq3A_61 : i1 to i32
      %cond3A_63 = arith.constant 0 : i32
      %cond3A_64 = arith.cmpi ne, %convert_element_type3A_62, %cond3A_63 : i32
      scf.if %cond3A_64 {
        "tpu.region"() ({
          %run_scoped3A = tpu.sem_alloc : memref<!tpu.dma_semaphore, #tpu.memory_space<semaphore_mem>>
          %dma_start3A_65 = arith.constant 9600 : i32
          %dma_start3A_66 = arith.constant 0 : i32
          %dma_start3A_67 = tpu.memref_slice %arg7[%dma_start3A_65, %dma_start3A_66] : memref<10000x128xf32, #tpu.memory_space<hbm>> -> memref<400x128xf32, #tpu.memory_space<hbm>>
          %dma_start3A_68 = arith.constant 9600 : i32
          %dma_start3A_69 = arith.constant 0 : i32
          %dma_start3A_70 = tpu.memref_slice %arg12[%dma_start3A_68, %dma_start3A_69] : memref<10048x128xf32, #tpu.memory_space<vmem_shared>> -> memref<400x128xf32, #tpu.memory_space<vmem_shared>>
          tpu.enqueue_dma source(%dma_start3A_70 : memref<400x128xf32, #tpu.memory_space<vmem_shared>>) target(%dma_start3A_67 : memref<400x128xf32, #tpu.memory_space<hbm>>) target_semaphore(%run_scoped3A : memref<!tpu.dma_semaphore, #tpu.memory_space<semaphore_mem>>)
          %dma_wait3A = arith.constant 9600 : i32
          %dma_wait3A_71 = arith.constant 0 : i32
          %dma_wait3A_72 = tpu.memref_slice %arg7[%dma_wait3A, %dma_wait3A_71] : memref<10000x128xf32, #tpu.memory_space<hbm>> -> memref<400x128xf32, #tpu.memory_space<hbm>>
          %dma_wait3A_73 = arith.constant 9600 : i32
          %dma_wait3A_74 = arith.constant 0 : i32
          %dma_wait3A_75 = tpu.memref_slice %arg12[%dma_wait3A_73, %dma_wait3A_74] : memref<10048x128xf32, #tpu.memory_space<vmem_shared>> -> memref<400x128xf32, #tpu.memory_space<vmem_shared>>
          tpu.wait_dma2 semaphore(%run_scoped3A : memref<!tpu.dma_semaphore, #tpu.memory_space<semaphore_mem>>) src(%dma_wait3A_75 : memref<400x128xf32, #tpu.memory_space<vmem_shared>>) dst(%dma_wait3A_72 : memref<400x128xf32, #tpu.memory_space<hbm>>)
          tpu.yield
        }) : () -> ()
      } else {
      }
    } else {
    }
    return
  }
}

module attributes {stable_mosaic.version = 14 : i64} {
  func.func @_mlp_body(%arg0: i32, %arg1: memref<2000x128xf32, #tpu.memory_space<vmem>>, %arg2: memref<2000x128xf32, #tpu.memory_space<vmem>>, %arg3: memref<256x256xf32, #tpu.memory_space<vmem>>, %arg4: memref<1x256xf32, #tpu.memory_space<vmem>>, %arg5: memref<256x256xf32, #tpu.memory_space<vmem>>, %arg6: memref<1x256xf32, #tpu.memory_space<vmem>>, %arg7: memref<2000x128xf32, #tpu.memory_space<vmem>>, %arg8: memref<2000x128xf32, #tpu.memory_space<vmem>>) attributes {dimension_semantics = [#tpu.dimension_semantics<arbitrary>], iteration_bounds = array<i64: 5>, scalar_prefetch = 0 : i64, scratch_operands = 0 : i64, tpu.core_type = #tpu.core_type<tc>, window_params = [{transform_indices = @transform_0, window_bounds = array<i64: 2000, 128>}, {transform_indices = @transform_1, window_bounds = array<i64: 2000, 128>}, {pipeline_mode = #tpu.pipeline_mode<synchronous>, transform_indices = @transform_2, window_bounds = array<i64: 256, 256>}, {pipeline_mode = #tpu.pipeline_mode<synchronous>, transform_indices = @transform_3, window_bounds = array<i64: 1, 256>}, {pipeline_mode = #tpu.pipeline_mode<synchronous>, transform_indices = @transform_4, window_bounds = array<i64: 256, 256>}, {pipeline_mode = #tpu.pipeline_mode<synchronous>, transform_indices = @transform_5, window_bounds = array<i64: 1, 256>}, {transform_indices = @transform_6, window_bounds = array<i64: 2000, 128>}, {transform_indices = @transform_7, window_bounds = array<i64: 2000, 128>}]} {
    %get3A = arith.constant 0 : index
    %get3A_0 = arith.constant 0 : index
    %get3A_1 = vector.load %arg1[%get3A, %get3A_0] : memref<2000x128xf32, #tpu.memory_space<vmem>>, vector<2000x128xf32>
    %get3A_2 = arith.constant 0 : index
    %get3A_3 = arith.constant 0 : index
    %get3A_4 = vector.load %arg2[%get3A_2, %get3A_3] : memref<2000x128xf32, #tpu.memory_space<vmem>>, vector<2000x128xf32>
    %concatenate3A = tpu.concatenate %get3A_1, %get3A_4 in 1 : vector<2000x128xf32>, vector<2000x128xf32> -> vector<2000x256xf32>
    %convert_element_type3A = arith.truncf %concatenate3A : vector<2000x256xf32> to vector<2000x256xbf16>
    %get3A_5 = arith.constant 0 : index
    %get3A_6 = arith.constant 0 : index
    %get3A_7 = vector.load %arg3[%get3A_5, %get3A_6] : memref<256x256xf32, #tpu.memory_space<vmem>>, vector<256x256xf32>
    %convert_element_type3A_8 = arith.truncf %get3A_7 : vector<256x256xf32> to vector<256x256xbf16>
    %dot_general3A = arith.constant dense<0.000000e+00> : vector<2000x256xf32>
    %dot_general3A_9 = tpu.matmul %convert_element_type3A, %convert_element_type3A_8, %dot_general3A {dimension_numbers = #tpu.dot_dimension_numbers<[1], [0], [0], [1], [0, 0, 1, 1], [], []>, transpose_lhs_hint = false} : vector<2000x256xbf16>, vector<256x256xbf16>, vector<2000x256xf32> -> vector<2000x256xf32>
    %get3A_10 = arith.constant 0 : index
    %get3A_11 = arith.constant 0 : index
    %get3A_12 = vector.load %arg4[%get3A_10, %get3A_11] : memref<1x256xf32, #tpu.memory_space<vmem>>, vector<1x256xf32>
    %add3A = vector.broadcast %get3A_12 : vector<1x256xf32> to vector<2000x256xf32>
    %add3A_13 = arith.addf %dot_general3A_9, %add3A : vector<2000x256xf32>
    %max3A = arith.constant 0.000000e+00 : f32
    %max3A_14 = vector.broadcast %max3A : f32 to vector<2000x256xf32>
    %max3A_15 = arith.maximumf %add3A_13, %max3A_14 : vector<2000x256xf32>
    %convert_element_type3A_16 = arith.truncf %max3A_15 : vector<2000x256xf32> to vector<2000x256xbf16>
    %get3A_17 = arith.constant 0 : index
    %get3A_18 = arith.constant 0 : index
    %get3A_19 = vector.load %arg5[%get3A_17, %get3A_18] : memref<256x256xf32, #tpu.memory_space<vmem>>, vector<256x256xf32>
    %convert_element_type3A_20 = arith.truncf %get3A_19 : vector<256x256xf32> to vector<256x256xbf16>
    %dot_general3A_21 = arith.constant dense<0.000000e+00> : vector<2000x256xf32>
    %dot_general3A_22 = tpu.matmul %convert_element_type3A_16, %convert_element_type3A_20, %dot_general3A_21 {dimension_numbers = #tpu.dot_dimension_numbers<[1], [0], [0], [1], [0, 0, 1, 1], [], []>, transpose_lhs_hint = false} : vector<2000x256xbf16>, vector<256x256xbf16>, vector<2000x256xf32> -> vector<2000x256xf32>
    %get3A_23 = arith.constant 0 : index
    %get3A_24 = arith.constant 0 : index
    %get3A_25 = vector.load %arg6[%get3A_23, %get3A_24] : memref<1x256xf32, #tpu.memory_space<vmem>>, vector<1x256xf32>
    %add3A_26 = vector.broadcast %get3A_25 : vector<1x256xf32> to vector<2000x256xf32>
    %add3A_27 = arith.addf %dot_general3A_22, %add3A_26 : vector<2000x256xf32>
    %max3A_28 = arith.constant 0.000000e+00 : f32
    %max3A_29 = vector.broadcast %max3A_28 : f32 to vector<2000x256xf32>
    %max3A_30 = arith.maximumf %add3A_27, %max3A_29 : vector<2000x256xf32>
    %slice3A = vector.extract_strided_slice %max3A_30 {offsets = [0, 0], sizes = [2000, 128], strides = [1, 1]} : vector<2000x256xf32> to vector<2000x128xf32>
    %swap3A = arith.constant 0 : index
    %swap3A_31 = arith.constant 0 : index
    %swap3A_32 = vector.load %arg7[%swap3A, %swap3A_31] : memref<2000x128xf32, #tpu.memory_space<vmem>>, vector<2000x128xf32>
    tpu.vector_store %arg7[%swap3A, %swap3A_31], %slice3A {strides = array<i32>} : memref<2000x128xf32, #tpu.memory_space<vmem>>, vector<2000x128xf32>,
    %slice3A_33 = vector.extract_strided_slice %max3A_30 {offsets = [0, 128], sizes = [2000, 128], strides = [1, 1]} : vector<2000x256xf32> to vector<2000x128xf32>
    %swap3A_34 = arith.constant 0 : index
    %swap3A_35 = arith.constant 0 : index
    %swap3A_36 = vector.load %arg8[%swap3A_34, %swap3A_35] : memref<2000x128xf32, #tpu.memory_space<vmem>>, vector<2000x128xf32>
    tpu.vector_store %arg8[%swap3A_34, %swap3A_35], %slice3A_33 {strides = array<i32>} : memref<2000x128xf32, #tpu.memory_space<vmem>>, vector<2000x128xf32>,
    return
  }
  func.func @transform_0(%arg0: i32) -> (i32, i32) {
    %c0_i32 = arith.constant 0 : i32
    %c0_i32_0 = arith.constant 0 : i32
    return %arg0, %c0_i32 : i32, i32
  }
  func.func @transform_1(%arg0: i32) -> (i32, i32) {
    %c0_i32 = arith.constant 0 : i32
    %c0_i32_0 = arith.constant 0 : i32
    return %arg0, %c0_i32 : i32, i32
  }
  func.func @transform_2(%arg0: i32) -> (i32, i32) {
    %c0_i32 = arith.constant 0 : i32
    %c0_i32_0 = arith.constant 0 : i32
    %c0_i32_1 = arith.constant 0 : i32
    return %c0_i32, %c0_i32_0 : i32, i32
  }
  func.func @transform_3(%arg0: i32) -> (i32, i32) {
    %c0_i32 = arith.constant 0 : i32
    %c0_i32_0 = arith.constant 0 : i32
    %c0_i32_1 = arith.constant 0 : i32
    return %c0_i32, %c0_i32_0 : i32, i32
  }
  func.func @transform_4(%arg0: i32) -> (i32, i32) {
    %c0_i32 = arith.constant 0 : i32
    %c0_i32_0 = arith.constant 0 : i32
    %c0_i32_1 = arith.constant 0 : i32
    return %c0_i32, %c0_i32_0 : i32, i32
  }
  func.func @transform_5(%arg0: i32) -> (i32, i32) {
    %c0_i32 = arith.constant 0 : i32
    %c0_i32_0 = arith.constant 0 : i32
    %c0_i32_1 = arith.constant 0 : i32
    return %c0_i32, %c0_i32_0 : i32, i32
  }
  func.func @transform_6(%arg0: i32) -> (i32, i32) {
    %c0_i32 = arith.constant 0 : i32
    %c0_i32_0 = arith.constant 0 : i32
    return %arg0, %c0_i32 : i32, i32
  }
  func.func @transform_7(%arg0: i32) -> (i32, i32) {
    %c0_i32 = arith.constant 0 : i32
    %c0_i32_0 = arith.constant 0 : i32
    return %arg0, %c0_i32 : i32, i32
  }
}

module attributes {stable_mosaic.version = 14 : i64} {
  func.func @_mlp_body_final(%arg0: i32, %arg1: memref<2000x128xf32, #tpu.memory_space<vmem>>, %arg2: memref<2000x128xf32, #tpu.memory_space<vmem>>, %arg3: memref<256x256xf32, #tpu.memory_space<vmem>>, %arg4: memref<1x256xf32, #tpu.memory_space<vmem>>, %arg5: memref<256x256xf32, #tpu.memory_space<vmem>>, %arg6: memref<1x256xf32, #tpu.memory_space<vmem>>, %arg7: memref<2000x256xf32, #tpu.memory_space<vmem>>) attributes {dimension_semantics = [#tpu.dimension_semantics<arbitrary>], iteration_bounds = array<i64: 5>, scalar_prefetch = 0 : i64, scratch_operands = 0 : i64, tpu.core_type = #tpu.core_type<tc>, window_params = [{transform_indices = @transform_0, window_bounds = array<i64: 2000, 128>}, {transform_indices = @transform_1, window_bounds = array<i64: 2000, 128>}, {pipeline_mode = #tpu.pipeline_mode<synchronous>, transform_indices = @transform_2, window_bounds = array<i64: 256, 256>}, {pipeline_mode = #tpu.pipeline_mode<synchronous>, transform_indices = @transform_3, window_bounds = array<i64: 1, 256>}, {pipeline_mode = #tpu.pipeline_mode<synchronous>, transform_indices = @transform_4, window_bounds = array<i64: 256, 256>}, {pipeline_mode = #tpu.pipeline_mode<synchronous>, transform_indices = @transform_5, window_bounds = array<i64: 1, 256>}, {transform_indices = @transform_6, window_bounds = array<i64: 2000, 256>}]} {
    %get3A = arith.constant 0 : index
    %get3A_0 = arith.constant 0 : index
    %get3A_1 = vector.load %arg1[%get3A, %get3A_0] : memref<2000x128xf32, #tpu.memory_space<vmem>>, vector<2000x128xf32>
    %get3A_2 = arith.constant 0 : index
    %get3A_3 = arith.constant 0 : index
    %get3A_4 = vector.load %arg2[%get3A_2, %get3A_3] : memref<2000x128xf32, #tpu.memory_space<vmem>>, vector<2000x128xf32>
    %concatenate3A = tpu.concatenate %get3A_1, %get3A_4 in 1 : vector<2000x128xf32>, vector<2000x128xf32> -> vector<2000x256xf32>
    %convert_element_type3A = arith.truncf %concatenate3A : vector<2000x256xf32> to vector<2000x256xbf16>
    %get3A_5 = arith.constant 0 : index
    %get3A_6 = arith.constant 0 : index
    %get3A_7 = vector.load %arg3[%get3A_5, %get3A_6] : memref<256x256xf32, #tpu.memory_space<vmem>>, vector<256x256xf32>
    %convert_element_type3A_8 = arith.truncf %get3A_7 : vector<256x256xf32> to vector<256x256xbf16>
    %dot_general3A = arith.constant dense<0.000000e+00> : vector<2000x256xf32>
    %dot_general3A_9 = tpu.matmul %convert_element_type3A, %convert_element_type3A_8, %dot_general3A {dimension_numbers = #tpu.dot_dimension_numbers<[1], [0], [0], [1], [0, 0, 1, 1], [], []>, transpose_lhs_hint = false} : vector<2000x256xbf16>, vector<256x256xbf16>, vector<2000x256xf32> -> vector<2000x256xf32>
    %get3A_10 = arith.constant 0 : index
    %get3A_11 = arith.constant 0 : index
    %get3A_12 = vector.load %arg4[%get3A_10, %get3A_11] : memref<1x256xf32, #tpu.memory_space<vmem>>, vector<1x256xf32>
    %add3A = vector.broadcast %get3A_12 : vector<1x256xf32> to vector<2000x256xf32>
    %add3A_13 = arith.addf %dot_general3A_9, %add3A : vector<2000x256xf32>
    %max3A = arith.constant 0.000000e+00 : f32
    %max3A_14 = vector.broadcast %max3A : f32 to vector<2000x256xf32>
    %max3A_15 = arith.maximumf %add3A_13, %max3A_14 : vector<2000x256xf32>
    %convert_element_type3A_16 = arith.truncf %max3A_15 : vector<2000x256xf32> to vector<2000x256xbf16>
    %get3A_17 = arith.constant 0 : index
    %get3A_18 = arith.constant 0 : index
    %get3A_19 = vector.load %arg5[%get3A_17, %get3A_18] : memref<256x256xf32, #tpu.memory_space<vmem>>, vector<256x256xf32>
    %convert_element_type3A_20 = arith.truncf %get3A_19 : vector<256x256xf32> to vector<256x256xbf16>
    %dot_general3A_21 = arith.constant dense<0.000000e+00> : vector<2000x256xf32>
    %dot_general3A_22 = tpu.matmul %convert_element_type3A_16, %convert_element_type3A_20, %dot_general3A_21 {dimension_numbers = #tpu.dot_dimension_numbers<[1], [0], [0], [1], [0, 0, 1, 1], [], []>, transpose_lhs_hint = false} : vector<2000x256xbf16>, vector<256x256xbf16>, vector<2000x256xf32> -> vector<2000x256xf32>
    %get3A_23 = arith.constant 0 : index
    %get3A_24 = arith.constant 0 : index
    %get3A_25 = vector.load %arg6[%get3A_23, %get3A_24] : memref<1x256xf32, #tpu.memory_space<vmem>>, vector<1x256xf32>
    %add3A_26 = vector.broadcast %get3A_25 : vector<1x256xf32> to vector<2000x256xf32>
    %add3A_27 = arith.addf %dot_general3A_22, %add3A_26 : vector<2000x256xf32>
    %max3A_28 = arith.constant 0.000000e+00 : f32
    %max3A_29 = vector.broadcast %max3A_28 : f32 to vector<2000x256xf32>
    %max3A_30 = arith.maximumf %add3A_27, %max3A_29 : vector<2000x256xf32>
    %swap3A = arith.constant 0 : index
    %swap3A_31 = arith.constant 0 : index
    %swap3A_32 = vector.load %arg7[%swap3A, %swap3A_31] : memref<2000x256xf32, #tpu.memory_space<vmem>>, vector<2000x256xf32>
    tpu.vector_store %arg7[%swap3A, %swap3A_31], %max3A_30 {strides = array<i32>} : memref<2000x256xf32, #tpu.memory_space<vmem>>, vector<2000x256xf32>,
    return
  }
  func.func @transform_0(%arg0: i32) -> (i32, i32) {
    %c0_i32 = arith.constant 0 : i32
    %c0_i32_0 = arith.constant 0 : i32
    return %arg0, %c0_i32 : i32, i32
  }
  func.func @transform_1(%arg0: i32) -> (i32, i32) {
    %c0_i32 = arith.constant 0 : i32
    %c0_i32_0 = arith.constant 0 : i32
    return %arg0, %c0_i32 : i32, i32
  }
  func.func @transform_2(%arg0: i32) -> (i32, i32) {
    %c0_i32 = arith.constant 0 : i32
    %c0_i32_0 = arith.constant 0 : i32
    %c0_i32_1 = arith.constant 0 : i32
    return %c0_i32, %c0_i32_0 : i32, i32
  }
  func.func @transform_3(%arg0: i32) -> (i32, i32) {
    %c0_i32 = arith.constant 0 : i32
    %c0_i32_0 = arith.constant 0 : i32
    %c0_i32_1 = arith.constant 0 : i32
    return %c0_i32, %c0_i32_0 : i32, i32
  }
  func.func @transform_4(%arg0: i32) -> (i32, i32) {
    %c0_i32 = arith.constant 0 : i32
    %c0_i32_0 = arith.constant 0 : i32
    %c0_i32_1 = arith.constant 0 : i32
    return %c0_i32, %c0_i32_0 : i32, i32
  }
  func.func @transform_5(%arg0: i32) -> (i32, i32) {
    %c0_i32 = arith.constant 0 : i32
    %c0_i32_0 = arith.constant 0 : i32
    %c0_i32_1 = arith.constant 0 : i32
    return %c0_i32, %c0_i32_0 : i32, i32
  }
  func.func @transform_6(%arg0: i32) -> (i32, i32) {
    %c0_i32 = arith.constant 0 : i32
    %c0_i32_0 = arith.constant 0 : i32
    return %arg0, %c0_i32 : i32, i32
  }
}

</mosaic_0001>

<sc_bundles>
// kernel: kernel.10.cloned.1.call-start
scs
__scs_entry_jumppad:
0x0: {  	(pc) =	sbr.rel $0x88, $3  }
0x1: {  	(tag) =	ssettag $0x0;
	lr =	simm.s32 $0x1  }
0x2: {  	[smem:$0x3F8F] =	sst lr;
	_ =	strace $0xD0000000  }
0x3: {  	_ = 	snop  }
0x4: {  	_ = 	snop  }
0x5: {  	_ = 	snop  }
0x6: {  	_ = 	snop  }
0x7: {  	_ = 	snop  }
__scs_overlays_trampoline_lowered:
0x8: {  	[smem:$0x3F9E] =	sst s0  }
0x9: {  	[smem:$0x3F9F] =	sst s1  }
0xa: {  	[smem:$0x3FA0] =	sst s2  }
0xb: {  	[smem:$0x3FA1] =	sst s3  }
0xc: {  	[smem:$0x3FA2] =	sst s4  }
0xd: {  	[smem:$0x3FA3] =	sst s5  }
0xe: {  	[smem:$0x3FA4] =	sst s6  }
0xf: {  	[smem:$0x3FA5] =	sst s7  }
0x10: {  	[smem:$0x3FA6] =	sst s8  }
0x11: {  	[smem:$0x3FA7] =	sst s9;
	s0 =	simm.s32 @!p0 $0x0  }
0x12: {  	s1 =	sld [smem:$0x3F8D];
	s0 =	simm.s32 @p0 $0x1  }
0x13: {  	[smem:$0x3FA8] =	sst s0;
	s0 =	simm.s32 @!p1 $0x0  }
0x14: {  	s2 =	sld [smem:$0x3F8C];
	s0 =	simm.s32 @p1 $0x1  }
0x15: {  	[smem:$0x3FA9] =	sst s0;
	s0 =	simm.s32 @!p2 $0x0  }
0x16: {  	s3 =	sld [smem:$0x3FDB];
	s0 =	simm.s32 @p2 $0x1  }
0x17: {  	s4 =	simm.s32 $0x1BF5;
	[smem:$0x3FAB] =	sst s0  }
0x18: {  	s0 =	sld [smem:$0x3F8E];
	_ =	swait.ge [sflag:s4], $0x0  }
0x19: {  	s7 =	sld [smem:$0x3F8F]  }
0x1a: {  	s8 =	sadd.s32 $0xFFFFE003, lr  }
0x1b: {  	s9 =	sadd.s32 $0xFFFFFEF7, lr;
	s5 =	simm.s32 $0xFFFFFFFF;
	p2 =	slt.u32 s8, $0xFFFFF086  }
0x1c: {  	p1 =	slt.u32 s9, $0xF7A;
	s5 =	simm.s32 @!p2 $0x0  }
0x1d: {  	s5 =	simm.s32 @p1 $0x1;
	p0 =	seq.s32 s7, s2  }
0x1e: {  	s7 =	smul.u32 @!p0 $0xF7A, s2;
	p2 =	seq.s32 @!p0 s5, $0x0  }
0x1f: {  	s9 =	smul.u32 $0xF7A, s1;
	s8 =	simm.s32 @!p0 $0x1BF5;
	p2 =	por !p2, p0  }
0x20: {  	[sflag:s8] =	ssyncset.s32 @!p0 $0xFFFFF086;
	s6 =	sadd.s32 @!p0 s3, s7;
	s7 =	simm.s32 @!p0 $0x108  }
0x21: {  	s3 =	sadd.s32 s3, s9;
	s6 =	sadd.s32 @!p0 $0x88, s6;
	s7 =	simm.s32 @p2 $0x1082  }
0x22: {  	[simem:s7], [sflag:s8] =	dma.local @!p0 [hbm:s6], $0xF7A  }
0x23: {  	s9 =	sor.u32 $0xD0000000, s2;
	s6 =	simm.s32 $0x108;
	_ =	swait.ge @!p0 [sflag:s8], $0x0  }
0x24: {  	s3 =	sadd.s32 $0x88, s3;
	s6 =	simm.s32 @!p1 $0x1082;
	[sflag:s4] =	ssyncset.s32 $0xFFFFF086  }
0x25: {  	[simem:s6], [sflag:s4] =	dma.local [hbm:s3], $0xF7A  }
0x26: {  	[smem:$0x3F8F] =	sst s1;
	(tag) =	ssettag s2;
	_ =	strace s9  }
0x27: {  	s1 =	sld [smem:$0x3F9F]  }
0x28: {  	s2 =	sld [smem:$0x3FA0]  }
0x29: {  	s4 =	sld [smem:$0x3FA2]  }
0x2a: {  	p0 =	seq.s32 s5, $0x0;
	s5 =	sld [smem:$0x3FA3]  }
0x2b: {  	s6 =	sld [smem:$0x3FA4]  }
0x2c: {  	s7 =	sld [smem:$0x3FA5]  }
0x2d: {  	s3 =	simm.s32 $0x108;
	s8 =	sld [smem:$0x3FA6]  }
0x2e: {  	s3 =	simm.s32 @!p0 $0x1082;
	s9 =	sld [smem:$0x3FA7]  }
0x2f: {  	lr =	sadd.s32 s0, s3;
	s0 =	sld [smem:$0x3F9E]  }
0x30: {  	s3 =	sld [smem:$0x3FA1]  }
0x31: {  	[smem:$0x3FAA] =	sst s10  }
0x32: {  	s10 =	sld [smem:$0x3FA8];
	_ =	sdelay $0x3  }
0x33: {  	p0 =	seq.s32 s10, $0x1;
	s10 =	sld [smem:$0x3FAA];
	_ =	sdelay $0x3  }
0x34: {  	[smem:$0x3FAA] =	sst s10  }
0x35: {  	s10 =	sld [smem:$0x3FA9];
	_ =	sdelay $0x3  }
0x36: {  	p1 =	seq.s32 s10, $0x1;
	s10 =	sld [smem:$0x3FAA];
	_ =	sdelay $0x3  }
0x37: {  	[smem:$0x3FAA] =	sst s10  }
0x38: {  	s10 =	sld [smem:$0x3FAB]  }
0x39: {  	_ = 	snop;
	(pc) =	sbr.ind lr, $3  }
0x3a: {  	_ = 	snop  }
0x3b: {  	_ = 	snop  }
0x3c: {  	p2 =	seq.s32 s10, $0x1;
	s10 =	sld [smem:$0x3FAA]  }
0x3d: {  	_ =	shalt  }
0x3e: {  	_ =	shalt  }
0x3f: {  	_ =	shalt  }
0x40: {  	_ =	shalt  }
0x41: {  	_ =	shalt  }
0x42: {  	_ =	shalt  }
0x43: {  	_ =	shalt  }
0x44: {  	_ =	shalt  }
0x45: {  	_ =	shalt  }
0x46: {  	_ =	shalt  }
0x47: {  	_ =	shalt  }
0x48: {  	_ =	shalt  }
0x49: {  	_ =	shalt  }
0x4a: {  	_ =	shalt  }
0x4b: {  	_ =	shalt  }
0x4c: {  	_ =	shalt  }
0x4d: {  	_ =	shalt  }
0x4e: {  	_ =	shalt  }
0x4f: {  	_ =	shalt  }
0x50: {  	_ =	shalt  }
0x51: {  	_ =	shalt  }
0x52: {  	_ =	shalt  }
0x53: {  	_ =	shalt  }
0x54: {  	_ =	shalt  }
0x55: {  	_ =	shalt  }
0x56: {  	_ =	shalt  }
0x57: {  	_ =	shalt  }
0x58: {  	_ =	shalt  }
0x59: {  	_ =	shalt  }
0x5a: {  	_ =	shalt  }
0x5b: {  	_ =	shalt  }
0x5c: {  	_ =	shalt  }
0x5d: {  	_ =	shalt  }
0x5e: {  	_ =	shalt  }
0x5f: {  	_ =	shalt  }
0x60: {  	_ =	shalt  }
0x61: {  	_ =	shalt  }
0x62: {  	_ =	shalt  }
0x63: {  	_ =	shalt  }
0x64: {  	_ =	shalt  }
0x65: {  	_ =	shalt  }
0x66: {  	_ =	shalt  }
0x67: {  	_ =	shalt  }
0x68: {  	_ =	shalt  }
0x69: {  	_ =	shalt  }
0x6a: {  	_ =	shalt  }
0x6b: {  	_ =	shalt  }
0x6c: {  	_ =	shalt  }
0x6d: {  	_ =	shalt  }
0x6e: {  	_ =	shalt  }
0x6f: {  	_ =	shalt  }
0x70: {  	_ =	shalt  }
0x71: {  	_ =	shalt  }
0x72: {  	_ =	shalt  }
0x73: {  	_ =	shalt  }
0x74: {  	_ =	shalt  }
0x75: {  	_ =	shalt  }
0x76: {  	_ =	shalt  }
0x77: {  	_ =	shalt  }
0x78: {  	_ =	shalt  }
0x79: {  	_ =	shalt  }
0x7a: {  	_ =	shalt  }
0x7b: {  	_ =	shalt  }
0x7c: {  	_ =	shalt  }
0x7d: {  	_ =	shalt  }
0x7e: {  	_ =	shalt  }
0x7f: {  	_ =	shalt  }
0x80: {  	_ =	shalt  }
0x81: {  	_ =	shalt  }
0x82: {  	_ =	shalt  }
0x83: {  	_ =	shalt  }
0x84: {  	_ =	shalt  }
0x85: {  	_ =	shalt  }
0x86: {  	_ =	shalt  }
0x87: {  	_ =	shalt  }
.Lfunc_end0:
.L_simem_size_0:
called_computation_lowered:
.L_overlay_start_0:
0x88: {  	s2 =	sld [smem:$0x3FD9]  }
0x89: {  	s3 =	sld [smem:$0x3FFE];
	_ =	sdelay $0x1  }
0x8a: {  	s1 =	srdreg.scid  }
0x8b: {  	s0 =	sand.u32 $0x1, s1  }
0x8c: {  	s17 =	sshll.u32 s0, $0xA;
	s2 =	sadd.s32 s3, s2  }
0x8d: {  	s2 =	sadd.s32 s2, s17  }
0x8e: {  	[smem:$0x3FB6] =	sst s2  }
0x8f: {  	_ = 	snop  }
0x90: {  	s2 =	sld [smem:$0x3FD0];
	(tm) =	ssettm $0x1  }
0x91: {  	s18 =	sld [smem:$0x3FFB];
	_ =	sdelay $0x3  }
0x92: {  	_ =	strace s18  }
0x93: {  	s3 =	sld [smem:$0x3FFC];
	_ =	sdelay $0x3  }
0x94: {  	_ =	strace s3  }
0x95: {  	s3 =	sld [smem:$0x3FFD];
	_ =	sdelay $0x3  }
0x96: {  	_ =	strace s3  }
0x97: {  	_ =	strace $0x8FFFFFFF  }
0x98: {  	s19 =	sld [smem:$0x3FDB];
	_ =	sdelay $0x1  }
0x99: {  	s4 =	simm.s32 $_scs_section_size  }
0x9a: {  	s5 =	simm.s32 $_size__tile_overlayer_lowered;
	s6 =	simm.s32 $_tile_overlayer_lowered  }
0x9b: {  	s22 =	simm.s32 $0x1BFF;
	s21 =	sshll.u32 s6, $0x1;
	s3 =	sadd.s32 s4, s19  }
0x9c: {  	s7 =	simm.s32 $0x0;
	s20 =	sshll.u32 s5, $0x1;
	s5 =	sadd.s32 s21, s3  }
0x9d: {  	[timem:s7], [sflag:s22] =	dma.local [hbm:s5], s20  }
0x9e: {  	_ =	swait.ge [sflag:s22], s20  }
0x9f: {  	s4 =	ssub.s32 $0x0, s20;
	[sflag:s22] =	ssyncset.done $0x0  }
0xa0: {  	[sflag:s22] =	ssyncadd.s32 s4;
	_ =	sdelay $0x1  }
0xa1: {  	s23 =	simm.s32 $0x1B8B  }
0xa2: {  	_ =	swait.ge [sflag:s23], $0x1  }
0xa3: {  	[sflag:s23] =	ssyncset.done $0x0  }
0xa4: {  	s25 =	simm.s32 $0x1B8E;
	s24 =	sld [smem:$0x3FFE];
	[sflag:s23] =	ssyncadd.s32 $0xFFFFFFFF  }
0xa5: {  	s26 =	simm.s32 $execute0_lowered;
	[smem:$0x3FD2] =	sst s25  }
0xa6: {  	s5 =	sshll.u32 s26, $0x1;
	_ =	strace $0x80000046;
	[dreg:$0x1] =	wrdreg $0xFFFFFFFF  }
0xa7: {  	s28 =	simm.s32 $_size_execute0_lowered;
	s3 =	sadd.s32 s3, s5;
	[dreg:$0x0] =	wrdreg $0x0  }
0xa8: {  	s5 =	sshll.u32 s28, $0x1;
	[dreg:$0x2] =	wrdreg s3  }
0xa9: {  	[dreg:$0x3] =	wrdreg s5  }
0xaa: {  	[dreg:$0x4] =	wrdreg $0xC0  }
0xab: {  	_ =	task [dreg:s7], $0x5FFFF  }
0xac: {  	[dreg:$0x1] =	wrdreg $0xFFFFFFFF  }
0xad: {  	[dreg:$0x0] =	wrdreg $0x60  }
0xae: {  	[dreg:$0x2] =	wrdreg s24  }
0xaf: {  	[dreg:$0x3] =	wrdreg s2  }
0xb0: {  	[dreg:$0x4] =	wrdreg $0xA8000  }
0xb1: {  	[dreg:$0x5] =	wrdreg $0x9  }
0xb2: {  	_ =	task.clear_ibuf [dreg:s7], $0x6FFFF;
	_ =	strace $0x90000046  }
0xb3: {  	s29 =	simm.s32 $0x9;
	_ =	strace $0x80000048  }
0xb4: {  	_ =	swait.ge [sflag:s29], $0x1  }
0xb5: {  	[sflag:s29] =	ssyncadd.s32 $0xFFFFFFFF  }
0xb6: {  	_ =	strace $0x90000048  }
0xb7: {  	_ =	sfence  }
0xb8: {  	s30 =	sld [smem:$0x0];
	_ =	sdelay $0x2  }
0xb9: {  	s31 =	sshll.u32 s1, $0xD;
	s1 =	sshrl.u32 s1, $0x2  }
0xba: {  	s3 =	sand.u32 $0x4000, s31;
	s1 =	sadd.s32 s1, s30  }
0xbb: {  	s0 =	sor.u32 s3, s0;
	s1 =	sshll.u32 s1, $0x11  }
0xbc: {  	s0 =	sor.u32 s1, s0  }
0xbd: {  	s0 =	sadd.s32 $0x8F2B, s0  }
0xbe: {  	[sflag:s0] =	ssyncadd.remote.s32 $0x1  }
0xbf: {  	_ =	sfence.sel $0xFFFF  }
0xc0: {  	[dreg:$0x0] =	wrdreg $0xFFFFFFFF;
	(pc) =	sbr.abs _section_cstart, $3  }
0xc1: {  	[dreg:$0x1] =	wrdreg $0xFFFFFFFF  }
0xc2: {  	_ =	task.clear_ibuf [dreg:s7], $0x2FFFF;
	_ =	strace $0x9FFFFFFF  }
0xc3: {  	(tm) =	ssettm $0x7FFFFFFF  }
tec
execute0_lowered:
.L_overlay_start_1:
0x0: {  	(tag) =	ssettag $0x1  }
0x1: {  	s0 =	rddreg [dreg:$0x0]  }
0x2: {  	s1 =	rddreg [dreg:$0x1]  }
0x3: {  	s2 =	rddreg [dreg:$0x2]  }
0x4: {  	s4 =	simm.s32 $0x0;
	s5 =	srdreg.scid;
	s3 =	stileid.u32  }
0x5: {  	s21 =	simm.s32 $0x3;
	s28 =	simm.s32 $0x2;
	s29 =	simm.s32 $0x2700  }
0x6: {  	s30 =	simm.s32 $0x2780;
	s31 =	simm.s32 $0x0;
	[smem:$0x7FF] =	sst s4  }
0x7: {  	s6 =	sand.u32 $0x1, s5;
	s5 =	sadd.s32 $0x5E00, s0;
	s9 =	smul.u32 $0x2800, s3  }
0x8: {  	s11 =	sadd.s32 $0x2D000, s0;
	s10 =	smul.u32 $0x50000, s3;
	s13 =	sadd.s32 $0x32000, s0  }
0x9: {  	s24 =	sadd.s32 $0x2B600, s0;
	s26 =	sadd.s32 $0x5C800, s0;
	s17 =	sadd.s32 $0x25800, s1  }
0xa: {  	s19 =	sadd.s32 $0x83A00, s0;
	p1 =	seq.s32 s3, $0xF;
	_ =	strace $0x80000047  }
0xb: {  	s7 =	ssub.s32 $0x2, s6;
	p0 =	seq.s32 s6, $0x1;
	[dreg:$0x5] =	wrdreg s24  }
0xc: {  	[dreg:$0x7] =	wrdreg s26;
	s24 =	simm.s32 $0x2800;
	s26 =	simm.s32 $0x1  }
0xd: {  	s8 =	sshrl.u32 s7, $0x1;
	s14 =	sadd.s32 s9, s0;
	s12 =	sshrl.u32 s9, $0x3  }
0xe: {  	s22 =	sshrl.u32 s10, $0x2;
	s23 =	sadd.s32 s5, s9;
	s10 =	sadd.s32 $0x12C000, s2  }
0xf: {  	s9 =	sadd.s32 s1, s9;
	s15 =	ssub.s32 s7, s8;
	s6 =	sadd.s32 s11, s12  }
.Ltmp0:
0x10: {  	s7 =	sadd.s32 s13, s12;
	s8 =	sadd.s32 s22, s2;
	(pc) =	sbr.rel .LBB2_1-.Ltmp0, $4  }
0x11: {  	[dreg:$0x4] =	wrdreg s23;
	s16 =	sadd.s32 $0x280, s12;
	s25 =	sadd.s32 $0x37000, s14  }
0x12: {  	[dreg:$0x8] =	wrdreg s9;
	s18 =	sadd.s32 $0x5E200, s14;
	s22 =	simm.s32 $0x1400  }
0x13: {  	s23 =	simm.s32 $0x80;
	s12 =	sadd.s32 s11, s16;
	s13 =	sadd.s32 s13, s16  }
0x14: {  	[dreg:$0x6] =	wrdreg s25;
	s20 =	smax.u32 s15, $0x1;
	s25 =	simm.s32 $0x6800  }
.LBB2_11:
0x15: {  	[tilespmem:s25], [sflag:$0x2] =	stream.indirect.gather [hbm4b:s1+s23], $0x80, s15, s23, $0xb8;
	[tilespmem:$0x1E200] =	vst v63  }
0x16: {  	_ =	swait.ge [sflag:s26], $0x4000  }
0x17: {  	[sflag:s26] =	ssyncset.done $0x0  }
0x18: {  	[sflag:s26] =	ssyncadd.s32 $0xFFFFC000  }
0x19: {  	[spmem:s2] =	stream.indirect.scatter.add.f32 [tilespmem:s24], [sflag:$0x3], $0x80, s29, s23, $0xb8;
	[tilespmem:$0x1E200] =	vst v63  }
0x1a: {  	_ =	swait.ge [sflag:s21], $0x4000  }
0x1b: {  	[sflag:s21] =	ssyncset.done $0x0  }
0x1c: {  	[sflag:s21] =	ssyncadd.s32 $0xFFFFC000  }
0x1d: {  	_ =	swait.ge [sflag:s28], $0x4000  }
0x1e: {  	[sflag:s28] =	ssyncset.done $0x0  }
0x1f: {  	[sflag:s28] =	ssyncadd.s32 $0xFFFFC000  }
0x20: {  	[spmem:s2] =	stream.indirect.scatter.add.f32 [tilespmem:s25], [sflag:$0x3], $0x80, s30, s23, $0xb8;
	[tilespmem:$0x1E200] =	vst v63  }
0x21: {  	_ =	swait.ge [sflag:s21], $0x4000  }
0x22: {  	[sflag:s21] =	ssyncset.done $0x0  }
0x23: {  	[sflag:s21] =	ssyncadd.s32 $0xFFFFC000  }
0x24: {  	s14 =	simm.s32 @p1 $0x1FC3;
	[bflag:$0x0] =	sbarrier.arrive $0xFFFF  }
0x25: {  	[hbm:s19], [sflag:s14] =	dma.local @p1 [spmem:s11], $0x1900  }
0x26: {  	s11 =	simm.s32 @p1 $0x3  }
0x27: {  	_ =	swait.ge @p1 [sflag:s11], $0x1900  }
0x28: {  	[sflag:s11] =	ssyncset.done @p1 $0x0  }
0x29: {  	[sflag:s11] =	ssyncadd.s32 @p1 $0xFFFFE700  }
0x2a: {  	[hbm:s18], [sflag:s9] =	dma.local @!p1 [spmem:s0], $0x2800  }
0x2b: {  	s0 =	simm.s32 @!p1 $0x3  }
0x2c: {  	_ =	swait.ge @!p1 [sflag:s0], $0x2800  }
0x2d: {  	[sflag:s0] =	ssyncset.done @!p1 $0x0  }
0x2e: {  	[sflag:s0] =	ssyncadd.s32 @!p1 $0xFFFFD800  }
.LBB2_12:
0x2f: {  	s31 =	sadd.s32 $0x1, s31  }
0x30: {  	p2 =	sne.s32 s31, s20  }
.Ltmp1:
0x31: {  	_ = 	snop;
	(pc) =	sbr.rel @!p2 .LBB2_13-.Ltmp1, $1  }
0x32: {  	_ =	sdelay $0x3  }
.LBB2_1:
0x33: {  	[tilespmem:s4], [sflag:$0x3] =	stream.linear.gather [hbm4b:s6+s4], $0x1400, $0x38;
	[tilespmem:$0x1E200] =	vst v63  }
0x34: {  	_ =	swait.ge [sflag:s21], $0x1400  }
0x35: {  	[sflag:s21] =	ssyncset.done $0x0  }
.Ltmp2:
0x36: {  	[sflag:s21] =	ssyncadd.s32 $0xFFFFEC00;
	(pc) =	sbr.rel @!p0 .LBB2_2-.Ltmp2, $4  }
0x37: {  	[tilespmem:s22], [sflag:$0x3] =	stream.linear.gather [hbm4b:s7+s4], $0x1400, $0x38;
	[tilespmem:$0x1E200] =	vst v63  }
0x38: {  	_ =	swait.ge [sflag:s21], $0x1400  }
0x39: {  	s9 =	sshll.u32 @!p1 s3, $0x6;
	s11 =	sshrl.u32 @p1 s10, $0x3;
	[sflag:s21] =	ssyncset.done $0x0  }
0x3a: {  	s0 =	sshrl.u32 @!p1 s8, $0x3;
	s9 =	sor.u32 @!p1 $0x1C03, s9;
	[sflag:s21] =	ssyncadd.s32 $0xFFFFEC00  }
0x3b: {  	[tilespmem:s24], [sflag:$0x1] =	stream.indirect.gather [hbm4b:s1+s23], $0x80, s4, s23, $0xb8;
	[tilespmem:$0x1E200] =	vst v63  }
0x3c: {  	s14 =	simm.s32 @p1 $0x1FC3  }
0x3d: {  	[tilespmem:s25], [sflag:$0x2] =	stream.indirect.gather [hbm4b:s1+s23], $0x80, s23, s23, $0xb8;
	[tilespmem:$0x1E200] =	vst v63  }
0x3e: {  	[spmem:s11], [sflag:s14] =	dma.local @p1 [hbm:s17], $0x1900  }
0x3f: {  	s14 =	simm.s32 @p1 $0x3  }
0x40: {  	_ =	swait.ge @p1 [sflag:s14], $0x1900  }
0x41: {  	[sflag:s14] =	ssyncset.done @p1 $0x0  }
0x42: {  	[sflag:s14] =	ssyncadd.s32 @p1 $0xFFFFE700;
	s14 =	rddreg [dreg:$0x8]  }
0x43: {  	[spmem:s0], [sflag:s9] =	dma.local @!p1 [hbm:s14], $0x2800  }
0x44: {  	s14 =	simm.s32 @!p1 $0x3  }
0x45: {  	_ =	swait.ge @!p1 [sflag:s14], $0x2800  }
0x46: {  	[sflag:s14] =	ssyncset.done @!p1 $0x0  }
0x47: {  	[sflag:s14] =	ssyncadd.s32 @!p1 $0xFFFFD800  }
0x48: {  	[bflag:$0x0] =	sbarrier.arrive $0xFFFF  }
0x49: {  	_ =	swait.ge [sflag:s26], $0x4000  }
0x4a: {  	[sflag:s26] =	ssyncset.done $0x0  }
0x4b: {  	s16 =	simm.s32 $0x1400;
	[sflag:s26] =	ssyncadd.s32 $0xFFFFC000  }
0x4c: {  	[spmem:s2] =	stream.indirect.scatter.add.f32 [tilespmem:s24], [sflag:$0x3], $0x80, s16, s23, $0xb8;
	[tilespmem:$0x1E200] =	vst v63  }
0x4d: {  	_ =	swait.ge [sflag:s21], $0x4000  }
0x4e: {  	[sflag:s21] =	ssyncset.done $0x0  }
0x4f: {  	s15 =	simm.s32 $0x100;
	[sflag:s21] =	ssyncadd.s32 $0xFFFFC000  }
0x50: {  	[tilespmem:s24], [sflag:$0x1] =	stream.indirect.gather [hbm4b:s1+s23], $0x80, s15, s23, $0xb8;
	[tilespmem:$0x1E200] =	vst v63  }
0x51: {  	_ =	swait.ge [sflag:s28], $0x4000  }
0x52: {  	[sflag:s28] =	ssyncset.done $0x0  }
0x53: {  	s16 =	simm.s32 $0x1480;
	[sflag:s28] =	ssyncadd.s32 $0xFFFFC000  }
0x54: {  	[spmem:s2] =	stream.indirect.scatter.add.f32 [tilespmem:s25], [sflag:$0x3], $0x80, s16, s23, $0xb8;
	[tilespmem:$0x1E200] =	vst v63  }
0x55: {  	_ =	swait.ge [sflag:s21], $0x4000  }
0x56: {  	[sflag:s21] =	ssyncset.done $0x0  }
0x57: {  	s14 =	simm.s32 $0x400;
	s15 =	simm.s32 $0x180;
	[sflag:s21] =	ssyncadd.s32 $0xFFFFC000  }
.LBB2_8:
0x58: {  	[tilespmem:s25], [sflag:$0x2] =	stream.indirect.gather [hbm4b:s1+s23], $0x80, s15, s23, $0xb8;
	[tilespmem:$0x1E200] =	vst v63  }
0x59: {  	s15 =	smov.u32 s14  }
0x5a: {  	p2 =	sne.s32 s14, $0x4800;
	s14 =	sadd.s32 $0x400, s14;
	_ =	swait.ge [sflag:s26], $0x4000  }
0x5b: {  	s15 =	sshra.s32 s15, $0x2;
	[sflag:s26] =	ssyncset.done $0x0  }
0x5c: {  	s16 =	sadd.s32 $0x1400, s15;
	[sflag:s26] =	ssyncadd.s32 $0xFFFFC000  }
0x5d: {  	[spmem:s2] =	stream.indirect.scatter.add.f32 [tilespmem:s24], [sflag:$0x3], $0x80, s16, s23, $0xb8;
	[tilespmem:$0x1E200] =	vst v63  }
0x5e: {  	_ =	swait.ge [sflag:s21], $0x4000  }
0x5f: {  	[sflag:s21] =	ssyncset.done $0x0  }
0x60: {  	s16 =	sadd.s32 $0x100, s15;
	[sflag:s21] =	ssyncadd.s32 $0xFFFFC000  }
0x61: {  	[tilespmem:s24], [sflag:$0x1] =	stream.indirect.gather [hbm4b:s1+s23], $0x80, s16, s23, $0xb8;
	[tilespmem:$0x1E200] =	vst v63  }
0x62: {  	_ =	swait.ge [sflag:s28], $0x4000  }
0x63: {  	[sflag:s28] =	ssyncset.done $0x0  }
.Ltmp3:
0x64: {  	s16 =	sadd.s32 $0x1480, s15;
	[sflag:s28] =	ssyncadd.s32 $0xFFFFC000;
	(pc) =	sbr.rel @p2 .LBB2_8-.Ltmp3, $4  }
0x65: {  	[spmem:s2] =	stream.indirect.scatter.add.f32 [tilespmem:s25], [sflag:$0x3], $0x80, s16, s23, $0xb8;
	[tilespmem:$0x1E200] =	vst v63  }
0x66: {  	_ =	swait.ge [sflag:s21], $0x4000  }
0x67: {  	[sflag:s21] =	ssyncset.done $0x0  }
0x68: {  	s15 =	sadd.s32 $0x180, s15;
	[sflag:s21] =	ssyncadd.s32 $0xFFFFC000  }
0x69: {  	[tilespmem:s25], [sflag:$0x2] =	stream.indirect.gather [hbm4b:s1+s23], $0x80, s15, s23, $0xb8;
	[tilespmem:$0x1E200] =	vst v63  }
0x6a: {  	_ =	swait.ge [sflag:s26], $0x4000  }
0x6b: {  	[sflag:s26] =	ssyncset.done $0x0  }
0x6c: {  	[sflag:s26] =	ssyncadd.s32 $0xFFFFC000  }
0x6d: {  	[spmem:s2] =	stream.indirect.scatter.add.f32 [tilespmem:s24], [sflag:$0x3], $0x80, s29, s23, $0xb8;
	[tilespmem:$0x1E200] =	vst v63  }
0x6e: {  	_ =	swait.ge [sflag:s21], $0x4000  }
0x6f: {  	[sflag:s21] =	ssyncset.done $0x0  }
0x70: {  	[sflag:s21] =	ssyncadd.s32 $0xFFFFC000  }
0x71: {  	_ =	swait.ge [sflag:s28], $0x4000  }
0x72: {  	[sflag:s28] =	ssyncset.done $0x0  }
0x73: {  	[sflag:s28] =	ssyncadd.s32 $0xFFFFC000  }
0x74: {  	[spmem:s2] =	stream.indirect.scatter.add.f32 [tilespmem:s25], [sflag:$0x3], $0x80, s30, s23, $0xb8;
	[tilespmem:$0x1E200] =	vst v63  }
0x75: {  	_ =	swait.ge [sflag:s21], $0x4000  }
0x76: {  	[sflag:s21] =	ssyncset.done $0x0  }
0x77: {  	s14 =	simm.s32 $0x0;
	[sflag:s21] =	ssyncadd.s32 $0xFFFFC000  }
0x78: {  	[tilespmem:s14], [sflag:$0x3] =	stream.linear.gather [hbm4b:s12+s14], $0x1400, $0x38;
	[tilespmem:$0x1E200] =	vst v63  }
0x79: {  	_ =	swait.ge [sflag:s21], $0x1400  }
0x7a: {  	[sflag:s21] =	ssyncset.done $0x0  }
0x7b: {  	[sflag:s21] =	ssyncadd.s32 $0xFFFFEC00  }
0x7c: {  	[tilespmem:s22], [sflag:$0x3] =	stream.linear.gather [hbm4b:s13+s14], $0x1400, $0x38;
	[tilespmem:$0x1E200] =	vst v63  }
0x7d: {  	_ =	swait.ge [sflag:s21], $0x1400  }
0x7e: {  	[sflag:s21] =	ssyncset.done $0x0  }
0x7f: {  	[sflag:s21] =	ssyncadd.s32 $0xFFFFEC00  }
0x80: {  	[tilespmem:s24], [sflag:$0x1] =	stream.indirect.gather [hbm4b:s1+s23], $0x80, s14, s23, $0xb8;
	[tilespmem:$0x1E200] =	vst v63  }
0x81: {  	_ = 	snop  }
0x82: {  	[tilespmem:s25], [sflag:$0x2] =	stream.indirect.gather [hbm4b:s1+s23], $0x80, s23, s23, $0xb8;
	[tilespmem:$0x1E200] =	vst v63  }
0x83: {  	_ =	swait.ge [sflag:s26], $0x4000  }
0x84: {  	[sflag:s26] =	ssyncset.done $0x0  }
0x85: {  	s16 =	simm.s32 $0x1400;
	[sflag:s26] =	ssyncadd.s32 $0xFFFFC000  }
0x86: {  	[spmem:s2] =	stream.indirect.scatter.add.f32 [tilespmem:s24], [sflag:$0x3], $0x80, s16, s23, $0xb8;
	[tilespmem:$0x1E200] =	vst v63  }
0x87: {  	_ =	swait.ge [sflag:s21], $0x4000  }
0x88: {  	[sflag:s21] =	ssyncset.done $0x0  }
0x89: {  	s15 =	simm.s32 $0x100;
	[sflag:s21] =	ssyncadd.s32 $0xFFFFC000  }
0x8a: {  	[tilespmem:s24], [sflag:$0x1] =	stream.indirect.gather [hbm4b:s1+s23], $0x80, s15, s23, $0xb8;
	[tilespmem:$0x1E200] =	vst v63  }
0x8b: {  	_ =	swait.ge [sflag:s28], $0x4000  }
0x8c: {  	[sflag:s28] =	ssyncset.done $0x0  }
0x8d: {  	s16 =	simm.s32 $0x1480;
	[sflag:s28] =	ssyncadd.s32 $0xFFFFC000  }
0x8e: {  	[spmem:s2] =	stream.indirect.scatter.add.f32 [tilespmem:s25], [sflag:$0x3], $0x80, s16, s23, $0xb8;
	[tilespmem:$0x1E200] =	vst v63  }
0x8f: {  	_ =	swait.ge [sflag:s21], $0x4000  }
0x90: {  	[sflag:s21] =	ssyncset.done $0x0  }
0x91: {  	s14 =	simm.s32 $0x400;
	s15 =	simm.s32 $0x180;
	[sflag:s21] =	ssyncadd.s32 $0xFFFFC000  }
.LBB2_10:
0x92: {  	[tilespmem:s25], [sflag:$0x2] =	stream.indirect.gather [hbm4b:s1+s23], $0x80, s15, s23, $0xb8;
	[tilespmem:$0x1E200] =	vst v63  }
0x93: {  	s15 =	smov.u32 s14  }
0x94: {  	p2 =	sne.s32 s14, $0x4800;
	s14 =	sadd.s32 $0x400, s14;
	_ =	swait.ge [sflag:s26], $0x4000  }
0x95: {  	s15 =	sshra.s32 s15, $0x2;
	[sflag:s26] =	ssyncset.done $0x0  }
0x96: {  	s16 =	sadd.s32 $0x1400, s15;
	[sflag:s26] =	ssyncadd.s32 $0xFFFFC000  }
0x97: {  	[spmem:s2] =	stream.indirect.scatter.add.f32 [tilespmem:s24], [sflag:$0x3], $0x80, s16, s23, $0xb8;
	[tilespmem:$0x1E200] =	vst v63  }
0x98: {  	_ =	swait.ge [sflag:s21], $0x4000  }
0x99: {  	[sflag:s21] =	ssyncset.done $0x0  }
0x9a: {  	s16 =	sadd.s32 $0x100, s15;
	[sflag:s21] =	ssyncadd.s32 $0xFFFFC000  }
0x9b: {  	[tilespmem:s24], [sflag:$0x1] =	stream.indirect.gather [hbm4b:s1+s23], $0x80, s16, s23, $0xb8;
	[tilespmem:$0x1E200] =	vst v63  }
0x9c: {  	_ =	swait.ge [sflag:s28], $0x4000  }
0x9d: {  	[sflag:s28] =	ssyncset.done $0x0  }
.Ltmp4:
0x9e: {  	s16 =	sadd.s32 $0x1480, s15;
	[sflag:s28] =	ssyncadd.s32 $0xFFFFC000;
	(pc) =	sbr.rel @p2 .LBB2_10-.Ltmp4, $4  }
0x9f: {  	[spmem:s2] =	stream.indirect.scatter.add.f32 [tilespmem:s25], [sflag:$0x3], $0x80, s16, s23, $0xb8;
	[tilespmem:$0x1E200] =	vst v63  }
0xa0: {  	_ =	swait.ge [sflag:s21], $0x4000  }
0xa1: {  	[sflag:s21] =	ssyncset.done $0x0  }
0xa2: {  	s15 =	sadd.s32 $0x180, s15;
	[sflag:s21] =	ssyncadd.s32 $0xFFFFC000  }
.Ltmp5:
0xa3: {  	_ = 	snop;
	(pc) =	sbr.rel .LBB2_11-.Ltmp5, $1  }
0xa4: {  	_ =	sdelay $0x3  }
.LBB2_2:
0xa5: {  	[tilespmem:s24], [sflag:$0x1] =	stream.indirect.gather [hbm4b:s5+s23], $0x80, s4, s23, $0xb8;
	[tilespmem:$0x1E200] =	vst v63  }
0xa6: {  	s14 =	simm.s32 @p1 $0x1FC3;
	s15 =	rddreg [dreg:$0x5]  }
0xa7: {  	[tilespmem:s25], [sflag:$0x2] =	stream.indirect.gather [hbm4b:s5+s23], $0x80, s23, s23, $0xb8;
	[tilespmem:$0x1E200] =	vst v63  }
0xa8: {  	[spmem:s11], [sflag:s14] =	dma.local @p1 [hbm:s15], $0x1900  }
0xa9: {  	s14 =	simm.s32 @p1 $0x3  }
0xaa: {  	_ =	swait.ge @p1 [sflag:s14], $0x1900  }
0xab: {  	[sflag:s14] =	ssyncset.done @p1 $0x0  }
0xac: {  	[sflag:s14] =	ssyncadd.s32 @p1 $0xFFFFE700;
	s14 =	rddreg [dreg:$0x4]  }
0xad: {  	[spmem:s0], [sflag:s9] =	dma.local @!p1 [hbm:s14], $0x2800  }
0xae: {  	s14 =	simm.s32 @!p1 $0x3  }
0xaf: {  	_ =	swait.ge @!p1 [sflag:s14], $0x2800  }
0xb0: {  	[sflag:s14] =	ssyncset.done @!p1 $0x0  }
0xb1: {  	[sflag:s14] =	ssyncadd.s32 @!p1 $0xFFFFD800  }
0xb2: {  	[bflag:$0x0] =	sbarrier.arrive $0xFFFF  }
0xb3: {  	_ =	swait.ge [sflag:s26], $0x4000  }
0xb4: {  	[sflag:s26] =	ssyncset.done $0x0  }
0xb5: {  	s16 =	simm.s32 $0x1400;
	[sflag:s26] =	ssyncadd.s32 $0xFFFFC000  }
0xb6: {  	[spmem:s2] =	stream.indirect.scatter.add.f32 [tilespmem:s24], [sflag:$0x3], $0x80, s16, s23, $0xb8;
	[tilespmem:$0x1E200] =	vst v63  }
0xb7: {  	_ =	swait.ge [sflag:s21], $0x4000  }
0xb8: {  	[sflag:s21] =	ssyncset.done $0x0  }
0xb9: {  	s15 =	simm.s32 $0x100;
	[sflag:s21] =	ssyncadd.s32 $0xFFFFC000  }
0xba: {  	[tilespmem:s24], [sflag:$0x1] =	stream.indirect.gather [hbm4b:s5+s23], $0x80, s15, s23, $0xb8;
	[tilespmem:$0x1E200] =	vst v63  }
0xbb: {  	_ =	swait.ge [sflag:s28], $0x4000  }
0xbc: {  	[sflag:s28] =	ssyncset.done $0x0  }
0xbd: {  	s16 =	simm.s32 $0x1480;
	[sflag:s28] =	ssyncadd.s32 $0xFFFFC000  }
0xbe: {  	[spmem:s2] =	stream.indirect.scatter.add.f32 [tilespmem:s25], [sflag:$0x3], $0x80, s16, s23, $0xb8;
	[tilespmem:$0x1E200] =	vst v63  }
0xbf: {  	_ =	swait.ge [sflag:s21], $0x4000  }
0xc0: {  	[sflag:s21] =	ssyncset.done $0x0  }
0xc1: {  	s14 =	simm.s32 $0x400;
	s15 =	simm.s32 $0x180;
	[sflag:s21] =	ssyncadd.s32 $0xFFFFC000  }
.LBB2_3:
0xc2: {  	[tilespmem:s25], [sflag:$0x2] =	stream.indirect.gather [hbm4b:s5+s23], $0x80, s15, s23, $0xb8;
	[tilespmem:$0x1E200] =	vst v63  }
0xc3: {  	s15 =	smov.u32 s14  }
0xc4: {  	p2 =	sne.s32 s14, $0x4800;
	s14 =	sadd.s32 $0x400, s14;
	_ =	swait.ge [sflag:s26], $0x4000  }
0xc5: {  	s15 =	sshra.s32 s15, $0x2;
	[sflag:s26] =	ssyncset.done $0x0  }
0xc6: {  	s16 =	sadd.s32 $0x1400, s15;
	[sflag:s26] =	ssyncadd.s32 $0xFFFFC000  }
0xc7: {  	[spmem:s2] =	stream.indirect.scatter.add.f32 [tilespmem:s24], [sflag:$0x3], $0x80, s16, s23, $0xb8;
	[tilespmem:$0x1E200] =	vst v63  }
0xc8: {  	_ =	swait.ge [sflag:s21], $0x4000  }
0xc9: {  	[sflag:s21] =	ssyncset.done $0x0  }
0xca: {  	s16 =	sadd.s32 $0x100, s15;
	[sflag:s21] =	ssyncadd.s32 $0xFFFFC000  }
0xcb: {  	[tilespmem:s24], [sflag:$0x1] =	stream.indirect.gather [hbm4b:s5+s23], $0x80, s16, s23, $0xb8;
	[tilespmem:$0x1E200] =	vst v63  }
0xcc: {  	_ =	swait.ge [sflag:s28], $0x4000  }
0xcd: {  	[sflag:s28] =	ssyncset.done $0x0  }
.Ltmp6:
0xce: {  	s16 =	sadd.s32 $0x1480, s15;
	[sflag:s28] =	ssyncadd.s32 $0xFFFFC000;
	(pc) =	sbr.rel @p2 .LBB2_3-.Ltmp6, $4  }
0xcf: {  	[spmem:s2] =	stream.indirect.scatter.add.f32 [tilespmem:s25], [sflag:$0x3], $0x80, s16, s23, $0xb8;
	[tilespmem:$0x1E200] =	vst v63  }
0xd0: {  	_ =	swait.ge [sflag:s21], $0x4000  }
0xd1: {  	[sflag:s21] =	ssyncset.done $0x0  }
0xd2: {  	s15 =	sadd.s32 $0x180, s15;
	[sflag:s21] =	ssyncadd.s32 $0xFFFFC000  }
0xd3: {  	[tilespmem:s25], [sflag:$0x2] =	stream.indirect.gather [hbm4b:s5+s23], $0x80, s15, s23, $0xb8;
	[tilespmem:$0x1E200] =	vst v63  }
0xd4: {  	_ =	swait.ge [sflag:s26], $0x4000  }
0xd5: {  	[sflag:s26] =	ssyncset.done $0x0  }
0xd6: {  	[sflag:s26] =	ssyncadd.s32 $0xFFFFC000  }
0xd7: {  	[spmem:s2] =	stream.indirect.scatter.add.f32 [tilespmem:s24], [sflag:$0x3], $0x80, s29, s23, $0xb8;
	[tilespmem:$0x1E200] =	vst v63  }
0xd8: {  	_ =	swait.ge [sflag:s21], $0x4000  }
0xd9: {  	[sflag:s21] =	ssyncset.done $0x0  }
0xda: {  	[sflag:s21] =	ssyncadd.s32 $0xFFFFC000  }
0xdb: {  	_ =	swait.ge [sflag:s28], $0x4000  }
0xdc: {  	[sflag:s28] =	ssyncset.done $0x0  }
0xdd: {  	[sflag:s28] =	ssyncadd.s32 $0xFFFFC000  }
0xde: {  	[spmem:s2] =	stream.indirect.scatter.add.f32 [tilespmem:s25], [sflag:$0x3], $0x80, s30, s23, $0xb8;
	[tilespmem:$0x1E200] =	vst v63  }
0xdf: {  	_ =	swait.ge [sflag:s21], $0x4000  }
0xe0: {  	[sflag:s21] =	ssyncset.done $0x0  }
0xe1: {  	s14 =	simm.s32 $0x0;
	[sflag:s21] =	ssyncadd.s32 $0xFFFFC000  }
0xe2: {  	[tilespmem:s14], [sflag:$0x3] =	stream.linear.gather [hbm4b:s12+s14], $0x1400, $0x38;
	[tilespmem:$0x1E200] =	vst v63  }
0xe3: {  	_ =	swait.ge [sflag:s21], $0x1400  }
0xe4: {  	[sflag:s21] =	ssyncset.done $0x0  }
0xe5: {  	[sflag:s21] =	ssyncadd.s32 $0xFFFFEC00  }
0xe6: {  	[tilespmem:s22], [sflag:$0x3] =	stream.linear.gather [hbm4b:s13+s14], $0x1400, $0x38;
	[tilespmem:$0x1E200] =	vst v63  }
0xe7: {  	_ =	swait.ge [sflag:s21], $0x1400  }
0xe8: {  	[sflag:s21] =	ssyncset.done $0x0  }
0xe9: {  	[sflag:s21] =	ssyncadd.s32 $0xFFFFEC00  }
0xea: {  	[tilespmem:s24], [sflag:$0x1] =	stream.indirect.gather [hbm4b:s5+s23], $0x80, s14, s23, $0xb8;
	[tilespmem:$0x1E200] =	vst v63  }
0xeb: {  	_ = 	snop  }
0xec: {  	[tilespmem:s25], [sflag:$0x2] =	stream.indirect.gather [hbm4b:s5+s23], $0x80, s23, s23, $0xb8;
	[tilespmem:$0x1E200] =	vst v63  }
0xed: {  	_ =	swait.ge [sflag:s26], $0x4000  }
0xee: {  	[sflag:s26] =	ssyncset.done $0x0  }
0xef: {  	s16 =	simm.s32 $0x1400;
	[sflag:s26] =	ssyncadd.s32 $0xFFFFC000  }
0xf0: {  	[spmem:s2] =	stream.indirect.scatter.add.f32 [tilespmem:s24], [sflag:$0x3], $0x80, s16, s23, $0xb8;
	[tilespmem:$0x1E200] =	vst v63  }
0xf1: {  	_ =	swait.ge [sflag:s21], $0x4000  }
0xf2: {  	[sflag:s21] =	ssyncset.done $0x0  }
0xf3: {  	s15 =	simm.s32 $0x100;
	[sflag:s21] =	ssyncadd.s32 $0xFFFFC000  }
0xf4: {  	[tilespmem:s24], [sflag:$0x1] =	stream.indirect.gather [hbm4b:s5+s23], $0x80, s15, s23, $0xb8;
	[tilespmem:$0x1E200] =	vst v63  }
0xf5: {  	_ =	swait.ge [sflag:s28], $0x4000  }
0xf6: {  	[sflag:s28] =	ssyncset.done $0x0  }
0xf7: {  	s16 =	simm.s32 $0x1480;
	[sflag:s28] =	ssyncadd.s32 $0xFFFFC000  }
0xf8: {  	[spmem:s2] =	stream.indirect.scatter.add.f32 [tilespmem:s25], [sflag:$0x3], $0x80, s16, s23, $0xb8;
	[tilespmem:$0x1E200] =	vst v63  }
0xf9: {  	_ =	swait.ge [sflag:s21], $0x4000  }
0xfa: {  	[sflag:s21] =	ssyncset.done $0x0  }
0xfb: {  	s14 =	simm.s32 $0x400;
	s15 =	simm.s32 $0x180;
	[sflag:s21] =	ssyncadd.s32 $0xFFFFC000  }
.LBB2_5:
0xfc: {  	[tilespmem:s25], [sflag:$0x2] =	stream.indirect.gather [hbm4b:s5+s23], $0x80, s15, s23, $0xb8;
	[tilespmem:$0x1E200] =	vst v63  }
0xfd: {  	s15 =	smov.u32 s14  }
0xfe: {  	p2 =	sne.s32 s14, $0x4800;
	s14 =	sadd.s32 $0x400, s14;
	_ =	swait.ge [sflag:s26], $0x4000  }
0xff: {  	s15 =	sshra.s32 s15, $0x2;
	[sflag:s26] =	ssyncset.done $0x0  }
0x100: {  	s16 =	sadd.s32 $0x1400, s15;
	[sflag:s26] =	ssyncadd.s32 $0xFFFFC000  }
0x101: {  	[spmem:s2] =	stream.indirect.scatter.add.f32 [tilespmem:s24], [sflag:$0x3], $0x80, s16, s23, $0xb8;
	[tilespmem:$0x1E200] =	vst v63  }
0x102: {  	_ =	swait.ge [sflag:s21], $0x4000  }
0x103: {  	[sflag:s21] =	ssyncset.done $0x0  }
0x104: {  	s16 =	sadd.s32 $0x100, s15;
	[sflag:s21] =	ssyncadd.s32 $0xFFFFC000  }
0x105: {  	[tilespmem:s24], [sflag:$0x1] =	stream.indirect.gather [hbm4b:s5+s23], $0x80, s16, s23, $0xb8;
	[tilespmem:$0x1E200] =	vst v63  }
0x106: {  	_ =	swait.ge [sflag:s28], $0x4000  }
0x107: {  	[sflag:s28] =	ssyncset.done $0x0  }
.Ltmp7:
0x108: {  	s16 =	sadd.s32 $0x1480, s15;
	[sflag:s28] =	ssyncadd.s32 $0xFFFFC000;
	(pc) =	sbr.rel @p2 .LBB2_5-.Ltmp7, $4  }
0x109: {  	[spmem:s2] =	stream.indirect.scatter.add.f32 [tilespmem:s25], [sflag:$0x3], $0x80, s16, s23, $0xb8;
	[tilespmem:$0x1E200] =	vst v63  }
0x10a: {  	_ =	swait.ge [sflag:s21], $0x4000  }
0x10b: {  	[sflag:s21] =	ssyncset.done $0x0  }
0x10c: {  	s15 =	sadd.s32 $0x180, s15;
	[sflag:s21] =	ssyncadd.s32 $0xFFFFC000  }
0x10d: {  	[tilespmem:s25], [sflag:$0x2] =	stream.indirect.gather [hbm4b:s5+s23], $0x80, s15, s23, $0xb8;
	[tilespmem:$0x1E200] =	vst v63  }
0x10e: {  	_ =	swait.ge [sflag:s26], $0x4000  }
0x10f: {  	[sflag:s26] =	ssyncset.done $0x0  }
0x110: {  	[sflag:s26] =	ssyncadd.s32 $0xFFFFC000  }
0x111: {  	[spmem:s2] =	stream.indirect.scatter.add.f32 [tilespmem:s24], [sflag:$0x3], $0x80, s29, s23, $0xb8;
	[tilespmem:$0x1E200] =	vst v63  }
0x112: {  	_ =	swait.ge [sflag:s21], $0x4000  }
0x113: {  	[sflag:s21] =	ssyncset.done $0x0  }
0x114: {  	[sflag:s21] =	ssyncadd.s32 $0xFFFFC000  }
0x115: {  	_ =	swait.ge [sflag:s28], $0x4000  }
0x116: {  	[sflag:s28] =	ssyncset.done $0x0  }
0x117: {  	[sflag:s28] =	ssyncadd.s32 $0xFFFFC000  }
0x118: {  	[spmem:s2] =	stream.indirect.scatter.add.f32 [tilespmem:s25], [sflag:$0x3], $0x80, s30, s23, $0xb8;
	[tilespmem:$0x1E200] =	vst v63  }
0x119: {  	_ =	swait.ge [sflag:s21], $0x4000  }
0x11a: {  	[sflag:s21] =	ssyncset.done $0x0  }
0x11b: {  	[sflag:s21] =	ssyncadd.s32 $0xFFFFC000  }
0x11c: {  	[bflag:$0x0] =	sbarrier.arrive $0xFFFF  }
0x11d: {  	s14 =	simm.s32 @p1 $0x1FC3;
	s15 =	rddreg [dreg:$0x7]  }
0x11e: {  	[hbm:s15], [sflag:s14] =	dma.local @p1 [spmem:s11], $0x1900  }
0x11f: {  	s11 =	simm.s32 @p1 $0x3  }
0x120: {  	_ =	swait.ge @p1 [sflag:s11], $0x1900  }
0x121: {  	[sflag:s11] =	ssyncset.done @p1 $0x0  }
0x122: {  	[sflag:s11] =	ssyncadd.s32 @p1 $0xFFFFE700;
	s11 =	rddreg [dreg:$0x6]  }
0x123: {  	[hbm:s11], [sflag:s9] =	dma.local @!p1 [spmem:s0], $0x2800  }
.Ltmp8:
0x124: {  	_ = 	snop;
	(pc) =	sbr.rel .LBB2_12-.Ltmp8, $4  }
0x125: {  	s0 =	simm.s32 @!p1 $0x3  }
0x126: {  	_ =	swait.ge @!p1 [sflag:s0], $0x2800  }
0x127: {  	[sflag:s0] =	ssyncset.done @!p1 $0x0  }
0x128: {  	[sflag:s0] =	ssyncadd.s32 @!p1 $0xFFFFD800  }
.LBB2_13:
0x129: {  	_ =	sfence.sel $0x180000  }
0x12a: {  	[bflag:$0x0] =	sbarrier.arrive $0xFFFF  }
0x12b: {  	_ =	strace $0x90000047  }
0x12c: {  	[bflag:$0x2] =	sbarrier.arrive $0xFFFF  }
0x12d: {  	p0 =	sne.s32 s3, $0x0;
	s0 =	rddreg [dreg:$0x3]  }
0x12e: {  	s0 =	sadd.s32 @!p0 $0x100000, s0  }
0x12f: {  	[sflag:s0] =	ssyncadd.tile.s32 @!p0 $0x1;
	_ =	shalt  }
.Lfunc_end2:
_tile_overlayer_lowered:
.L_overlay_start_2:
0x130: {  	(tag) =	ssettag $0x2  }
0x131: {  	s0 =	rddreg [dreg:$0x0];
	s2 =	stileid.u32  }
0x132: {  	s1 =	rddreg [dreg:$0x1];
	p0 =	sne.s32 s2, $0x0  }
0x133: {  	s3 =	rddreg [dreg:$0x2];
	[bflag:$0x3] =	sbarrier.arrive $0xFFFF;
	s2 =	simm.s32 @!p0 $0x1C03  }
0x134: {  	[timem:s3], [sflag:s2] =	dma.local @!p0 [hbm:s0], s1  }
0x135: {  	s0 =	simm.s32 @!p0 $0x3  }
0x136: {  	_ =	swait.ge @!p0 [sflag:s0], s1  }
0x137: {  	s1 =	ssub.s32 @!p0 $0x0, s1;
	[sflag:s0] =	ssyncset.done @!p0 $0x0  }
0x138: {  	[sflag:s0] =	ssyncadd.s32 @!p0 s1  }
0x139: {  	[bflag:$0x3] =	sbarrier.arrive $0xFFFF  }
0x13a: {  	_ =	shalt  }

// kernel: kernel.13.cloned.1.call-start
scs
__scs_entry_jumppad:
0x0: {  	(pc) =	sbr.rel $0x88, $3  }
0x1: {  	(tag) =	ssettag $0x0;
	lr =	simm.s32 $0x1  }
0x2: {  	[smem:$0x3F8F] =	sst lr;
	_ =	strace $0xD0000000  }
0x3: {  	_ = 	snop  }
0x4: {  	_ = 	snop  }
0x5: {  	_ = 	snop  }
0x6: {  	_ = 	snop  }
0x7: {  	_ = 	snop  }
__scs_overlays_trampoline_lowered:
0x8: {  	[smem:$0x3F9E] =	sst s0  }
0x9: {  	[smem:$0x3F9F] =	sst s1  }
0xa: {  	[smem:$0x3FA0] =	sst s2  }
0xb: {  	[smem:$0x3FA1] =	sst s3  }
0xc: {  	[smem:$0x3FA2] =	sst s4  }
0xd: {  	[smem:$0x3FA3] =	sst s5  }
0xe: {  	[smem:$0x3FA4] =	sst s6  }
0xf: {  	[smem:$0x3FA5] =	sst s7  }
0x10: {  	[smem:$0x3FA6] =	sst s8  }
0x11: {  	[smem:$0x3FA7] =	sst s9;
	s0 =	simm.s32 @!p0 $0x0  }
0x12: {  	s1 =	sld [smem:$0x3F8D];
	s0 =	simm.s32 @p0 $0x1  }
0x13: {  	[smem:$0x3FA8] =	sst s0;
	s0 =	simm.s32 @!p1 $0x0  }
0x14: {  	s2 =	sld [smem:$0x3F8C];
	s0 =	simm.s32 @p1 $0x1  }
0x15: {  	[smem:$0x3FA9] =	sst s0;
	s0 =	simm.s32 @!p2 $0x0  }
0x16: {  	s3 =	sld [smem:$0x3FDB];
	s0 =	simm.s32 @p2 $0x1  }
0x17: {  	s4 =	simm.s32 $0x1BF5;
	[smem:$0x3FAB] =	sst s0  }
0x18: {  	s0 =	sld [smem:$0x3F8E];
	_ =	swait.ge [sflag:s4], $0x0  }
0x19: {  	s7 =	sld [smem:$0x3F8F]  }
0x1a: {  	s8 =	sadd.s32 $0xFFFFE003, lr  }
0x1b: {  	s9 =	sadd.s32 $0xFFFFFEF7, lr;
	s5 =	simm.s32 $0xFFFFFFFF;
	p2 =	slt.u32 s8, $0xFFFFF086  }
0x1c: {  	p1 =	slt.u32 s9, $0xF7A;
	s5 =	simm.s32 @!p2 $0x0  }
0x1d: {  	s5 =	simm.s32 @p1 $0x1;
	p0 =	seq.s32 s7, s2  }
0x1e: {  	s7 =	smul.u32 @!p0 $0xF7A, s2;
	p2 =	seq.s32 @!p0 s5, $0x0  }
0x1f: {  	s9 =	smul.u32 $0xF7A, s1;
	s8 =	simm.s32 @!p0 $0x1BF5;
	p2 =	por !p2, p0  }
0x20: {  	[sflag:s8] =	ssyncset.s32 @!p0 $0xFFFFF086;
	s6 =	sadd.s32 @!p0 s3, s7;
	s7 =	simm.s32 @!p0 $0x108  }
0x21: {  	s3 =	sadd.s32 s3, s9;
	s6 =	sadd.s32 @!p0 $0x88, s6;
	s7 =	simm.s32 @p2 $0x1082  }
0x22: {  	[simem:s7], [sflag:s8] =	dma.local @!p0 [hbm:s6], $0xF7A  }
0x23: {  	s9 =	sor.u32 $0xD0000000, s2;
	s6 =	simm.s32 $0x108;
	_ =	swait.ge @!p0 [sflag:s8], $0x0  }
0x24: {  	s3 =	sadd.s32 $0x88, s3;
	s6 =	simm.s32 @!p1 $0x1082;
	[sflag:s4] =	ssyncset.s32 $0xFFFFF086  }
0x25: {  	[simem:s6], [sflag:s4] =	dma.local [hbm:s3], $0xF7A  }
0x26: {  	[smem:$0x3F8F] =	sst s1;
	(tag) =	ssettag s2;
	_ =	strace s9  }
0x27: {  	s1 =	sld [smem:$0x3F9F]  }
0x28: {  	s2 =	sld [smem:$0x3FA0]  }
0x29: {  	s4 =	sld [smem:$0x3FA2]  }
0x2a: {  	p0 =	seq.s32 s5, $0x0;
	s5 =	sld [smem:$0x3FA3]  }
0x2b: {  	s6 =	sld [smem:$0x3FA4]  }
0x2c: {  	s7 =	sld [smem:$0x3FA5]  }
0x2d: {  	s3 =	simm.s32 $0x108;
	s8 =	sld [smem:$0x3FA6]  }
0x2e: {  	s3 =	simm.s32 @!p0 $0x1082;
	s9 =	sld [smem:$0x3FA7]  }
0x2f: {  	lr =	sadd.s32 s0, s3;
	s0 =	sld [smem:$0x3F9E]  }
0x30: {  	s3 =	sld [smem:$0x3FA1]  }
0x31: {  	[smem:$0x3FAA] =	sst s10  }
0x32: {  	s10 =	sld [smem:$0x3FA8];
	_ =	sdelay $0x3  }
0x33: {  	p0 =	seq.s32 s10, $0x1;
	s10 =	sld [smem:$0x3FAA];
	_ =	sdelay $0x3  }
0x34: {  	[smem:$0x3FAA] =	sst s10  }
0x35: {  	s10 =	sld [smem:$0x3FA9];
	_ =	sdelay $0x3  }
0x36: {  	p1 =	seq.s32 s10, $0x1;
	s10 =	sld [smem:$0x3FAA];
	_ =	sdelay $0x3  }
0x37: {  	[smem:$0x3FAA] =	sst s10  }
0x38: {  	s10 =	sld [smem:$0x3FAB]  }
0x39: {  	_ = 	snop;
	(pc) =	sbr.ind lr, $3  }
0x3a: {  	_ = 	snop  }
0x3b: {  	_ = 	snop  }
0x3c: {  	p2 =	seq.s32 s10, $0x1;
	s10 =	sld [smem:$0x3FAA]  }
0x3d: {  	_ =	shalt  }
0x3e: {  	_ =	shalt  }
0x3f: {  	_ =	shalt  }
0x40: {  	_ =	shalt  }
0x41: {  	_ =	shalt  }
0x42: {  	_ =	shalt  }
0x43: {  	_ =	shalt  }
0x44: {  	_ =	shalt  }
0x45: {  	_ =	shalt  }
0x46: {  	_ =	shalt  }
0x47: {  	_ =	shalt  }
0x48: {  	_ =	shalt  }
0x49: {  	_ =	shalt  }
0x4a: {  	_ =	shalt  }
0x4b: {  	_ =	shalt  }
0x4c: {  	_ =	shalt  }
0x4d: {  	_ =	shalt  }
0x4e: {  	_ =	shalt  }
0x4f: {  	_ =	shalt  }
0x50: {  	_ =	shalt  }
0x51: {  	_ =	shalt  }
0x52: {  	_ =	shalt  }
0x53: {  	_ =	shalt  }
0x54: {  	_ =	shalt  }
0x55: {  	_ =	shalt  }
0x56: {  	_ =	shalt  }
0x57: {  	_ =	shalt  }
0x58: {  	_ =	shalt  }
0x59: {  	_ =	shalt  }
0x5a: {  	_ =	shalt  }
0x5b: {  	_ =	shalt  }
0x5c: {  	_ =	shalt  }
0x5d: {  	_ =	shalt  }
0x5e: {  	_ =	shalt  }
0x5f: {  	_ =	shalt  }
0x60: {  	_ =	shalt  }
0x61: {  	_ =	shalt  }
0x62: {  	_ =	shalt  }
0x63: {  	_ =	shalt  }
0x64: {  	_ =	shalt  }
0x65: {  	_ =	shalt  }
0x66: {  	_ =	shalt  }
0x67: {  	_ =	shalt  }
0x68: {  	_ =	shalt  }
0x69: {  	_ =	shalt  }
0x6a: {  	_ =	shalt  }
0x6b: {  	_ =	shalt  }
0x6c: {  	_ =	shalt  }
0x6d: {  	_ =	shalt  }
0x6e: {  	_ =	shalt  }
0x6f: {  	_ =	shalt  }
0x70: {  	_ =	shalt  }
0x71: {  	_ =	shalt  }
0x72: {  	_ =	shalt  }
0x73: {  	_ =	shalt  }
0x74: {  	_ =	shalt  }
0x75: {  	_ =	shalt  }
0x76: {  	_ =	shalt  }
0x77: {  	_ =	shalt  }
0x78: {  	_ =	shalt  }
0x79: {  	_ =	shalt  }
0x7a: {  	_ =	shalt  }
0x7b: {  	_ =	shalt  }
0x7c: {  	_ =	shalt  }
0x7d: {  	_ =	shalt  }
0x7e: {  	_ =	shalt  }
0x7f: {  	_ =	shalt  }
0x80: {  	_ =	shalt  }
0x81: {  	_ =	shalt  }
0x82: {  	_ =	shalt  }
0x83: {  	_ =	shalt  }
0x84: {  	_ =	shalt  }
0x85: {  	_ =	shalt  }
0x86: {  	_ =	shalt  }
0x87: {  	_ =	shalt  }
.Lfunc_end0:
.L_simem_size_0:
called_computation.1_lowered:
.L_overlay_start_0:
0x88: {  	s2 =	sld [smem:$0x3FD9]  }
0x89: {  	s3 =	sld [smem:$0x3FFE];
	_ =	sdelay $0x1  }
0x8a: {  	s1 =	srdreg.scid  }
0x8b: {  	s0 =	sand.u32 $0x1, s1  }
0x8c: {  	s17 =	sshll.u32 s0, $0xA;
	s2 =	sadd.s32 s3, s2  }
0x8d: {  	s2 =	sadd.s32 s2, s17  }
0x8e: {  	[smem:$0x3FB6] =	sst s2  }
0x8f: {  	_ = 	snop  }
0x90: {  	s2 =	sld [smem:$0x3FD0];
	(tm) =	ssettm $0x1  }
0x91: {  	s18 =	sld [smem:$0x3FFB];
	_ =	sdelay $0x3  }
0x92: {  	_ =	strace s18  }
0x93: {  	s3 =	sld [smem:$0x3FFC];
	_ =	sdelay $0x3  }
0x94: {  	_ =	strace s3  }
0x95: {  	s3 =	sld [smem:$0x3FFD];
	_ =	sdelay $0x3  }
0x96: {  	_ =	strace s3  }
0x97: {  	_ =	strace $0x8FFFFFFF  }
0x98: {  	s19 =	sld [smem:$0x3FDB];
	_ =	sdelay $0x1  }
0x99: {  	s4 =	simm.s32 $_scs_section_size  }
0x9a: {  	s5 =	simm.s32 $_size__tile_overlayer_lowered;
	s6 =	simm.s32 $_tile_overlayer_lowered  }
0x9b: {  	s22 =	simm.s32 $0x1BFF;
	s21 =	sshll.u32 s6, $0x1;
	s3 =	sadd.s32 s4, s19  }
0x9c: {  	s7 =	simm.s32 $0x0;
	s20 =	sshll.u32 s5, $0x1;
	s5 =	sadd.s32 s21, s3  }
0x9d: {  	[timem:s7], [sflag:s22] =	dma.local [hbm:s5], s20  }
0x9e: {  	_ =	swait.ge [sflag:s22], s20  }
0x9f: {  	s4 =	ssub.s32 $0x0, s20;
	[sflag:s22] =	ssyncset.done $0x0  }
0xa0: {  	[sflag:s22] =	ssyncadd.s32 s4;
	_ =	sdelay $0x1  }
0xa1: {  	s23 =	simm.s32 $0x1B8B  }
0xa2: {  	_ =	swait.ge [sflag:s23], $0x1  }
0xa3: {  	[sflag:s23] =	ssyncset.done $0x0  }
0xa4: {  	s25 =	simm.s32 $0x1B8E;
	s24 =	sld [smem:$0x3FFE];
	[sflag:s23] =	ssyncadd.s32 $0xFFFFFFFF  }
0xa5: {  	s26 =	simm.s32 $execute0_lowered;
	[smem:$0x3FD2] =	sst s25  }
0xa6: {  	s5 =	sshll.u32 s26, $0x1;
	_ =	strace $0x80000049;
	[dreg:$0x1] =	wrdreg $0xFFFFFFFF  }
0xa7: {  	s28 =	simm.s32 $_size_execute0_lowered;
	s3 =	sadd.s32 s3, s5;
	[dreg:$0x0] =	wrdreg $0x0  }
0xa8: {  	s5 =	sshll.u32 s28, $0x1;
	[dreg:$0x2] =	wrdreg s3  }
0xa9: {  	[dreg:$0x3] =	wrdreg s5  }
0xaa: {  	[dreg:$0x4] =	wrdreg $0xC0  }
0xab: {  	_ =	task [dreg:s7], $0x5FFFF  }
0xac: {  	[dreg:$0x1] =	wrdreg $0xFFFFFFFF  }
0xad: {  	[dreg:$0x0] =	wrdreg $0x60  }
0xae: {  	[dreg:$0x2] =	wrdreg s2  }
0xaf: {  	[dreg:$0x3] =	wrdreg s24  }
0xb0: {  	[dreg:$0x4] =	wrdreg $0xA8000  }
0xb1: {  	[dreg:$0x5] =	wrdreg $0x9  }
0xb2: {  	_ =	task.clear_ibuf [dreg:s7], $0x6FFFF;
	_ =	strace $0x90000049  }
0xb3: {  	s29 =	simm.s32 $0x9;
	_ =	strace $0x8000004B  }
0xb4: {  	_ =	swait.ge [sflag:s29], $0x1  }
0xb5: {  	[sflag:s29] =	ssyncadd.s32 $0xFFFFFFFF  }
0xb6: {  	_ =	strace $0x9000004B  }
0xb7: {  	_ =	sfence  }
0xb8: {  	s30 =	sld [smem:$0x0];
	_ =	sdelay $0x2  }
0xb9: {  	s31 =	sshll.u32 s1, $0xD;
	s1 =	sshrl.u32 s1, $0x2  }
0xba: {  	s3 =	sand.u32 $0x4000, s31;
	s1 =	sadd.s32 s1, s30  }
0xbb: {  	s0 =	sor.u32 s3, s0;
	s1 =	sshll.u32 s1, $0x11  }
0xbc: {  	s0 =	sor.u32 s1, s0  }
0xbd: {  	s0 =	sadd.s32 $0x8F2B, s0  }
0xbe: {  	[sflag:s0] =	ssyncadd.remote.s32 $0x1  }
0xbf: {  	_ =	sfence.sel $0xFFFF  }
0xc0: {  	[dreg:$0x0] =	wrdreg $0xFFFFFFFF;
	(pc) =	sbr.abs _section_cstart, $3  }
0xc1: {  	[dreg:$0x1] =	wrdreg $0xFFFFFFFF  }
0xc2: {  	_ =	task.clear_ibuf [dreg:s7], $0x2FFFF;
	_ =	strace $0x9FFFFFFF  }
0xc3: {  	(tm) =	ssettm $0x7FFFFFFF  }
tec
execute0_lowered:
.L_overlay_start_1:
0x0: {  	(tag) =	ssettag $0x1  }
0x1: {  	s1 =	rddreg [dreg:$0x0]  }
0x2: {  	s0 =	rddreg [dreg:$0x1]  }
0x3: {  	s2 =	rddreg [dreg:$0x2]  }
0x4: {  	s4 =	simm.s32 $0x0;
	s5 =	srdreg.scid;
	s3 =	stileid.u32  }
0x5: {  	s21 =	simm.s32 $0x3;
	s28 =	simm.s32 $0x2;
	s29 =	simm.s32 $0x2700  }
0x6: {  	s30 =	simm.s32 $0x2780;
	s31 =	simm.s32 $0x0;
	[smem:$0x7FF] =	sst s4  }
0x7: {  	s6 =	sand.u32 $0x1, s5;
	s5 =	sadd.s32 $0x5E00, s0;
	s9 =	smul.u32 $0x2800, s3  }
0x8: {  	s11 =	sadd.s32 $0x2D000, s0;
	s10 =	smul.u32 $0x50000, s3;
	s13 =	sadd.s32 $0x32000, s0  }
0x9: {  	s24 =	sadd.s32 $0x25800, s1;
	s26 =	sadd.s32 $0x5C800, s0;
	s17 =	sadd.s32 $0x2B600, s0  }
0xa: {  	s19 =	sadd.s32 $0x83A00, s0;
	p1 =	seq.s32 s3, $0xF;
	_ =	strace $0x8000004A  }
0xb: {  	s7 =	ssub.s32 $0x2, s6;
	p0 =	seq.s32 s6, $0x1;
	[dreg:$0x5] =	wrdreg s24  }
0xc: {  	[dreg:$0x7] =	wrdreg s26;
	s24 =	simm.s32 $0x2800;
	s26 =	simm.s32 $0x1  }
0xd: {  	s8 =	sshrl.u32 s7, $0x1;
	s14 =	sadd.s32 s9, s0;
	s12 =	sshrl.u32 s9, $0x3  }
0xe: {  	s22 =	sshrl.u32 s10, $0x2;
	s23 =	sadd.s32 s1, s9;
	s10 =	sadd.s32 $0x12C000, s2  }
0xf: {  	s9 =	sadd.s32 s5, s9;
	s15 =	ssub.s32 s7, s8;
	s6 =	sadd.s32 s11, s12  }
.Ltmp0:
0x10: {  	s7 =	sadd.s32 s13, s12;
	s8 =	sadd.s32 s22, s2;
	(pc) =	sbr.rel .LBB2_1-.Ltmp0, $4  }
0x11: {  	[dreg:$0x4] =	wrdreg s23;
	s16 =	sadd.s32 $0x280, s12;
	s25 =	sadd.s32 $0x37000, s14  }
0x12: {  	[dreg:$0x8] =	wrdreg s9;
	s18 =	sadd.s32 $0x5E200, s14;
	s22 =	simm.s32 $0x1400  }
0x13: {  	s23 =	simm.s32 $0x80;
	s12 =	sadd.s32 s11, s16;
	s13 =	sadd.s32 s13, s16  }
0x14: {  	[dreg:$0x6] =	wrdreg s25;
	s20 =	smax.u32 s15, $0x1;
	s25 =	simm.s32 $0x6800  }
.LBB2_11:
0x15: {  	[tilespmem:s25], [sflag:$0x2] =	stream.indirect.gather [hbm4b:s5+s23], $0x80, s15, s23, $0xb8;
	[tilespmem:$0x1E200] =	vst v63  }
0x16: {  	_ =	swait.ge [sflag:s26], $0x4000  }
0x17: {  	[sflag:s26] =	ssyncset.done $0x0  }
0x18: {  	[sflag:s26] =	ssyncadd.s32 $0xFFFFC000  }
0x19: {  	[spmem:s2] =	stream.indirect.scatter.add.f32 [tilespmem:s24], [sflag:$0x3], $0x80, s29, s23, $0xb8;
	[tilespmem:$0x1E200] =	vst v63  }
0x1a: {  	_ =	swait.ge [sflag:s21], $0x4000  }
0x1b: {  	[sflag:s21] =	ssyncset.done $0x0  }
0x1c: {  	[sflag:s21] =	ssyncadd.s32 $0xFFFFC000  }
0x1d: {  	_ =	swait.ge [sflag:s28], $0x4000  }
0x1e: {  	[sflag:s28] =	ssyncset.done $0x0  }
0x1f: {  	[sflag:s28] =	ssyncadd.s32 $0xFFFFC000  }
0x20: {  	[spmem:s2] =	stream.indirect.scatter.add.f32 [tilespmem:s25], [sflag:$0x3], $0x80, s30, s23, $0xb8;
	[tilespmem:$0x1E200] =	vst v63  }
0x21: {  	_ =	swait.ge [sflag:s21], $0x4000  }
0x22: {  	[sflag:s21] =	ssyncset.done $0x0  }
0x23: {  	[sflag:s21] =	ssyncadd.s32 $0xFFFFC000  }
0x24: {  	s14 =	simm.s32 @p1 $0x1FC3;
	[bflag:$0x0] =	sbarrier.arrive $0xFFFF  }
0x25: {  	[hbm:s19], [sflag:s14] =	dma.local @p1 [spmem:s11], $0x1900  }
0x26: {  	s11 =	simm.s32 @p1 $0x3  }
0x27: {  	_ =	swait.ge @p1 [sflag:s11], $0x1900  }
0x28: {  	[sflag:s11] =	ssyncset.done @p1 $0x0  }
0x29: {  	[sflag:s11] =	ssyncadd.s32 @p1 $0xFFFFE700  }
0x2a: {  	[hbm:s18], [sflag:s9] =	dma.local @!p1 [spmem:s0], $0x2800  }
0x2b: {  	s0 =	simm.s32 @!p1 $0x3  }
0x2c: {  	_ =	swait.ge @!p1 [sflag:s0], $0x2800  }
0x2d: {  	[sflag:s0] =	ssyncset.done @!p1 $0x0  }
0x2e: {  	[sflag:s0] =	ssyncadd.s32 @!p1 $0xFFFFD800  }
.LBB2_12:
0x2f: {  	s31 =	sadd.s32 $0x1, s31  }
0x30: {  	p2 =	sne.s32 s31, s20  }
.Ltmp1:
0x31: {  	_ = 	snop;
	(pc) =	sbr.rel @!p2 .LBB2_13-.Ltmp1, $1  }
0x32: {  	_ =	sdelay $0x3  }
.LBB2_1:
0x33: {  	[tilespmem:s4], [sflag:$0x3] =	stream.linear.gather [hbm4b:s6+s4], $0x1400, $0x38;
	[tilespmem:$0x1E200] =	vst v63  }
0x34: {  	_ =	swait.ge [sflag:s21], $0x1400  }
0x35: {  	[sflag:s21] =	ssyncset.done $0x0  }
.Ltmp2:
0x36: {  	[sflag:s21] =	ssyncadd.s32 $0xFFFFEC00;
	(pc) =	sbr.rel @!p0 .LBB2_2-.Ltmp2, $4  }
0x37: {  	[tilespmem:s22], [sflag:$0x3] =	stream.linear.gather [hbm4b:s7+s4], $0x1400, $0x38;
	[tilespmem:$0x1E200] =	vst v63  }
0x38: {  	_ =	swait.ge [sflag:s21], $0x1400  }
0x39: {  	s9 =	sshll.u32 @!p1 s3, $0x6;
	s11 =	sshrl.u32 @p1 s10, $0x3;
	[sflag:s21] =	ssyncset.done $0x0  }
0x3a: {  	s0 =	sshrl.u32 @!p1 s8, $0x3;
	s9 =	sor.u32 @!p1 $0x1C03, s9;
	[sflag:s21] =	ssyncadd.s32 $0xFFFFEC00  }
0x3b: {  	[tilespmem:s24], [sflag:$0x1] =	stream.indirect.gather [hbm4b:s5+s23], $0x80, s4, s23, $0xb8;
	[tilespmem:$0x1E200] =	vst v63  }
0x3c: {  	s14 =	simm.s32 @p1 $0x1FC3  }
0x3d: {  	[tilespmem:s25], [sflag:$0x2] =	stream.indirect.gather [hbm4b:s5+s23], $0x80, s23, s23, $0xb8;
	[tilespmem:$0x1E200] =	vst v63  }
0x3e: {  	[spmem:s11], [sflag:s14] =	dma.local @p1 [hbm:s17], $0x1900  }
0x3f: {  	s14 =	simm.s32 @p1 $0x3  }
0x40: {  	_ =	swait.ge @p1 [sflag:s14], $0x1900  }
0x41: {  	[sflag:s14] =	ssyncset.done @p1 $0x0  }
0x42: {  	[sflag:s14] =	ssyncadd.s32 @p1 $0xFFFFE700;
	s14 =	rddreg [dreg:$0x8]  }
0x43: {  	[spmem:s0], [sflag:s9] =	dma.local @!p1 [hbm:s14], $0x2800  }
0x44: {  	s14 =	simm.s32 @!p1 $0x3  }
0x45: {  	_ =	swait.ge @!p1 [sflag:s14], $0x2800  }
0x46: {  	[sflag:s14] =	ssyncset.done @!p1 $0x0  }
0x47: {  	[sflag:s14] =	ssyncadd.s32 @!p1 $0xFFFFD800  }
0x48: {  	[bflag:$0x0] =	sbarrier.arrive $0xFFFF  }
0x49: {  	_ =	swait.ge [sflag:s26], $0x4000  }
0x4a: {  	[sflag:s26] =	ssyncset.done $0x0  }
0x4b: {  	s16 =	simm.s32 $0x1400;
	[sflag:s26] =	ssyncadd.s32 $0xFFFFC000  }
0x4c: {  	[spmem:s2] =	stream.indirect.scatter.add.f32 [tilespmem:s24], [sflag:$0x3], $0x80, s16, s23, $0xb8;
	[tilespmem:$0x1E200] =	vst v63  }
0x4d: {  	_ =	swait.ge [sflag:s21], $0x4000  }
0x4e: {  	[sflag:s21] =	ssyncset.done $0x0  }
0x4f: {  	s15 =	simm.s32 $0x100;
	[sflag:s21] =	ssyncadd.s32 $0xFFFFC000  }
0x50: {  	[tilespmem:s24], [sflag:$0x1] =	stream.indirect.gather [hbm4b:s5+s23], $0x80, s15, s23, $0xb8;
	[tilespmem:$0x1E200] =	vst v63  }
0x51: {  	_ =	swait.ge [sflag:s28], $0x4000  }
0x52: {  	[sflag:s28] =	ssyncset.done $0x0  }
0x53: {  	s16 =	simm.s32 $0x1480;
	[sflag:s28] =	ssyncadd.s32 $0xFFFFC000  }
0x54: {  	[spmem:s2] =	stream.indirect.scatter.add.f32 [tilespmem:s25], [sflag:$0x3], $0x80, s16, s23, $0xb8;
	[tilespmem:$0x1E200] =	vst v63  }
0x55: {  	_ =	swait.ge [sflag:s21], $0x4000  }
0x56: {  	[sflag:s21] =	ssyncset.done $0x0  }
0x57: {  	s14 =	simm.s32 $0x400;
	s15 =	simm.s32 $0x180;
	[sflag:s21] =	ssyncadd.s32 $0xFFFFC000  }
.LBB2_8:
0x58: {  	[tilespmem:s25], [sflag:$0x2] =	stream.indirect.gather [hbm4b:s5+s23], $0x80, s15, s23, $0xb8;
	[tilespmem:$0x1E200] =	vst v63  }
0x59: {  	s15 =	smov.u32 s14  }
0x5a: {  	p2 =	sne.s32 s14, $0x4800;
	s14 =	sadd.s32 $0x400, s14;
	_ =	swait.ge [sflag:s26], $0x4000  }
0x5b: {  	s15 =	sshra.s32 s15, $0x2;
	[sflag:s26] =	ssyncset.done $0x0  }
0x5c: {  	s16 =	sadd.s32 $0x1400, s15;
	[sflag:s26] =	ssyncadd.s32 $0xFFFFC000  }
0x5d: {  	[spmem:s2] =	stream.indirect.scatter.add.f32 [tilespmem:s24], [sflag:$0x3], $0x80, s16, s23, $0xb8;
	[tilespmem:$0x1E200] =	vst v63  }
0x5e: {  	_ =	swait.ge [sflag:s21], $0x4000  }
0x5f: {  	[sflag:s21] =	ssyncset.done $0x0  }
0x60: {  	s16 =	sadd.s32 $0x100, s15;
	[sflag:s21] =	ssyncadd.s32 $0xFFFFC000  }
0x61: {  	[tilespmem:s24], [sflag:$0x1] =	stream.indirect.gather [hbm4b:s5+s23], $0x80, s16, s23, $0xb8;
	[tilespmem:$0x1E200] =	vst v63  }
0x62: {  	_ =	swait.ge [sflag:s28], $0x4000  }
0x63: {  	[sflag:s28] =	ssyncset.done $0x0  }
.Ltmp3:
0x64: {  	s16 =	sadd.s32 $0x1480, s15;
	[sflag:s28] =	ssyncadd.s32 $0xFFFFC000;
	(pc) =	sbr.rel @p2 .LBB2_8-.Ltmp3, $4  }
0x65: {  	[spmem:s2] =	stream.indirect.scatter.add.f32 [tilespmem:s25], [sflag:$0x3], $0x80, s16, s23, $0xb8;
	[tilespmem:$0x1E200] =	vst v63  }
0x66: {  	_ =	swait.ge [sflag:s21], $0x4000  }
0x67: {  	[sflag:s21] =	ssyncset.done $0x0  }
0x68: {  	s15 =	sadd.s32 $0x180, s15;
	[sflag:s21] =	ssyncadd.s32 $0xFFFFC000  }
0x69: {  	[tilespmem:s25], [sflag:$0x2] =	stream.indirect.gather [hbm4b:s5+s23], $0x80, s15, s23, $0xb8;
	[tilespmem:$0x1E200] =	vst v63  }
0x6a: {  	_ =	swait.ge [sflag:s26], $0x4000  }
0x6b: {  	[sflag:s26] =	ssyncset.done $0x0  }
0x6c: {  	[sflag:s26] =	ssyncadd.s32 $0xFFFFC000  }
0x6d: {  	[spmem:s2] =	stream.indirect.scatter.add.f32 [tilespmem:s24], [sflag:$0x3], $0x80, s29, s23, $0xb8;
	[tilespmem:$0x1E200] =	vst v63  }
0x6e: {  	_ =	swait.ge [sflag:s21], $0x4000  }
0x6f: {  	[sflag:s21] =	ssyncset.done $0x0  }
0x70: {  	[sflag:s21] =	ssyncadd.s32 $0xFFFFC000  }
0x71: {  	_ =	swait.ge [sflag:s28], $0x4000  }
0x72: {  	[sflag:s28] =	ssyncset.done $0x0  }
0x73: {  	[sflag:s28] =	ssyncadd.s32 $0xFFFFC000  }
0x74: {  	[spmem:s2] =	stream.indirect.scatter.add.f32 [tilespmem:s25], [sflag:$0x3], $0x80, s30, s23, $0xb8;
	[tilespmem:$0x1E200] =	vst v63  }
0x75: {  	_ =	swait.ge [sflag:s21], $0x4000  }
0x76: {  	[sflag:s21] =	ssyncset.done $0x0  }
0x77: {  	s14 =	simm.s32 $0x0;
	[sflag:s21] =	ssyncadd.s32 $0xFFFFC000  }
0x78: {  	[tilespmem:s14], [sflag:$0x3] =	stream.linear.gather [hbm4b:s12+s14], $0x1400, $0x38;
	[tilespmem:$0x1E200] =	vst v63  }
0x79: {  	_ =	swait.ge [sflag:s21], $0x1400  }
0x7a: {  	[sflag:s21] =	ssyncset.done $0x0  }
0x7b: {  	[sflag:s21] =	ssyncadd.s32 $0xFFFFEC00  }
0x7c: {  	[tilespmem:s22], [sflag:$0x3] =	stream.linear.gather [hbm4b:s13+s14], $0x1400, $0x38;
	[tilespmem:$0x1E200] =	vst v63  }
0x7d: {  	_ =	swait.ge [sflag:s21], $0x1400  }
0x7e: {  	[sflag:s21] =	ssyncset.done $0x0  }
0x7f: {  	[sflag:s21] =	ssyncadd.s32 $0xFFFFEC00  }
0x80: {  	[tilespmem:s24], [sflag:$0x1] =	stream.indirect.gather [hbm4b:s5+s23], $0x80, s14, s23, $0xb8;
	[tilespmem:$0x1E200] =	vst v63  }
0x81: {  	_ = 	snop  }
0x82: {  	[tilespmem:s25], [sflag:$0x2] =	stream.indirect.gather [hbm4b:s5+s23], $0x80, s23, s23, $0xb8;
	[tilespmem:$0x1E200] =	vst v63  }
0x83: {  	_ =	swait.ge [sflag:s26], $0x4000  }
0x84: {  	[sflag:s26] =	ssyncset.done $0x0  }
0x85: {  	s16 =	simm.s32 $0x1400;
	[sflag:s26] =	ssyncadd.s32 $0xFFFFC000  }
0x86: {  	[spmem:s2] =	stream.indirect.scatter.add.f32 [tilespmem:s24], [sflag:$0x3], $0x80, s16, s23, $0xb8;
	[tilespmem:$0x1E200] =	vst v63  }
0x87: {  	_ =	swait.ge [sflag:s21], $0x4000  }
0x88: {  	[sflag:s21] =	ssyncset.done $0x0  }
0x89: {  	s15 =	simm.s32 $0x100;
	[sflag:s21] =	ssyncadd.s32 $0xFFFFC000  }
0x8a: {  	[tilespmem:s24], [sflag:$0x1] =	stream.indirect.gather [hbm4b:s5+s23], $0x80, s15, s23, $0xb8;
	[tilespmem:$0x1E200] =	vst v63  }
0x8b: {  	_ =	swait.ge [sflag:s28], $0x4000  }
0x8c: {  	[sflag:s28] =	ssyncset.done $0x0  }
0x8d: {  	s16 =	simm.s32 $0x1480;
	[sflag:s28] =	ssyncadd.s32 $0xFFFFC000  }
0x8e: {  	[spmem:s2] =	stream.indirect.scatter.add.f32 [tilespmem:s25], [sflag:$0x3], $0x80, s16, s23, $0xb8;
	[tilespmem:$0x1E200] =	vst v63  }
0x8f: {  	_ =	swait.ge [sflag:s21], $0x4000  }
0x90: {  	[sflag:s21] =	ssyncset.done $0x0  }
0x91: {  	s14 =	simm.s32 $0x400;
	s15 =	simm.s32 $0x180;
	[sflag:s21] =	ssyncadd.s32 $0xFFFFC000  }
.LBB2_10:
0x92: {  	[tilespmem:s25], [sflag:$0x2] =	stream.indirect.gather [hbm4b:s5+s23], $0x80, s15, s23, $0xb8;
	[tilespmem:$0x1E200] =	vst v63  }
0x93: {  	s15 =	smov.u32 s14  }
0x94: {  	p2 =	sne.s32 s14, $0x4800;
	s14 =	sadd.s32 $0x400, s14;
	_ =	swait.ge [sflag:s26], $0x4000  }
0x95: {  	s15 =	sshra.s32 s15, $0x2;
	[sflag:s26] =	ssyncset.done $0x0  }
0x96: {  	s16 =	sadd.s32 $0x1400, s15;
	[sflag:s26] =	ssyncadd.s32 $0xFFFFC000  }
0x97: {  	[spmem:s2] =	stream.indirect.scatter.add.f32 [tilespmem:s24], [sflag:$0x3], $0x80, s16, s23, $0xb8;
	[tilespmem:$0x1E200] =	vst v63  }
0x98: {  	_ =	swait.ge [sflag:s21], $0x4000  }
0x99: {  	[sflag:s21] =	ssyncset.done $0x0  }
0x9a: {  	s16 =	sadd.s32 $0x100, s15;
	[sflag:s21] =	ssyncadd.s32 $0xFFFFC000  }
0x9b: {  	[tilespmem:s24], [sflag:$0x1] =	stream.indirect.gather [hbm4b:s5+s23], $0x80, s16, s23, $0xb8;
	[tilespmem:$0x1E200] =	vst v63  }
0x9c: {  	_ =	swait.ge [sflag:s28], $0x4000  }
0x9d: {  	[sflag:s28] =	ssyncset.done $0x0  }
.Ltmp4:
0x9e: {  	s16 =	sadd.s32 $0x1480, s15;
	[sflag:s28] =	ssyncadd.s32 $0xFFFFC000;
	(pc) =	sbr.rel @p2 .LBB2_10-.Ltmp4, $4  }
0x9f: {  	[spmem:s2] =	stream.indirect.scatter.add.f32 [tilespmem:s25], [sflag:$0x3], $0x80, s16, s23, $0xb8;
	[tilespmem:$0x1E200] =	vst v63  }
0xa0: {  	_ =	swait.ge [sflag:s21], $0x4000  }
0xa1: {  	[sflag:s21] =	ssyncset.done $0x0  }
0xa2: {  	s15 =	sadd.s32 $0x180, s15;
	[sflag:s21] =	ssyncadd.s32 $0xFFFFC000  }
.Ltmp5:
0xa3: {  	_ = 	snop;
	(pc) =	sbr.rel .LBB2_11-.Ltmp5, $1  }
0xa4: {  	_ =	sdelay $0x3  }
.LBB2_2:
0xa5: {  	[tilespmem:s24], [sflag:$0x1] =	stream.indirect.gather [hbm4b:s1+s23], $0x80, s4, s23, $0xb8;
	[tilespmem:$0x1E200] =	vst v63  }
0xa6: {  	s14 =	simm.s32 @p1 $0x1FC3;
	s15 =	rddreg [dreg:$0x5]  }
0xa7: {  	[tilespmem:s25], [sflag:$0x2] =	stream.indirect.gather [hbm4b:s1+s23], $0x80, s23, s23, $0xb8;
	[tilespmem:$0x1E200] =	vst v63  }
0xa8: {  	[spmem:s11], [sflag:s14] =	dma.local @p1 [hbm:s15], $0x1900  }
0xa9: {  	s14 =	simm.s32 @p1 $0x3  }
0xaa: {  	_ =	swait.ge @p1 [sflag:s14], $0x1900  }
0xab: {  	[sflag:s14] =	ssyncset.done @p1 $0x0  }
0xac: {  	[sflag:s14] =	ssyncadd.s32 @p1 $0xFFFFE700;
	s14 =	rddreg [dreg:$0x4]  }
0xad: {  	[spmem:s0], [sflag:s9] =	dma.local @!p1 [hbm:s14], $0x2800  }
0xae: {  	s14 =	simm.s32 @!p1 $0x3  }
0xaf: {  	_ =	swait.ge @!p1 [sflag:s14], $0x2800  }
0xb0: {  	[sflag:s14] =	ssyncset.done @!p1 $0x0  }
0xb1: {  	[sflag:s14] =	ssyncadd.s32 @!p1 $0xFFFFD800  }
0xb2: {  	[bflag:$0x0] =	sbarrier.arrive $0xFFFF  }
0xb3: {  	_ =	swait.ge [sflag:s26], $0x4000  }
0xb4: {  	[sflag:s26] =	ssyncset.done $0x0  }
0xb5: {  	s16 =	simm.s32 $0x1400;
	[sflag:s26] =	ssyncadd.s32 $0xFFFFC000  }
0xb6: {  	[spmem:s2] =	stream.indirect.scatter.add.f32 [tilespmem:s24], [sflag:$0x3], $0x80, s16, s23, $0xb8;
	[tilespmem:$0x1E200] =	vst v63  }
0xb7: {  	_ =	swait.ge [sflag:s21], $0x4000  }
0xb8: {  	[sflag:s21] =	ssyncset.done $0x0  }
0xb9: {  	s15 =	simm.s32 $0x100;
	[sflag:s21] =	ssyncadd.s32 $0xFFFFC000  }
0xba: {  	[tilespmem:s24], [sflag:$0x1] =	stream.indirect.gather [hbm4b:s1+s23], $0x80, s15, s23, $0xb8;
	[tilespmem:$0x1E200] =	vst v63  }
0xbb: {  	_ =	swait.ge [sflag:s28], $0x4000  }
0xbc: {  	[sflag:s28] =	ssyncset.done $0x0  }
0xbd: {  	s16 =	simm.s32 $0x1480;
	[sflag:s28] =	ssyncadd.s32 $0xFFFFC000  }
0xbe: {  	[spmem:s2] =	stream.indirect.scatter.add.f32 [tilespmem:s25], [sflag:$0x3], $0x80, s16, s23, $0xb8;
	[tilespmem:$0x1E200] =	vst v63  }
0xbf: {  	_ =	swait.ge [sflag:s21], $0x4000  }
0xc0: {  	[sflag:s21] =	ssyncset.done $0x0  }
0xc1: {  	s14 =	simm.s32 $0x400;
	s15 =	simm.s32 $0x180;
	[sflag:s21] =	ssyncadd.s32 $0xFFFFC000  }
.LBB2_3:
0xc2: {  	[tilespmem:s25], [sflag:$0x2] =	stream.indirect.gather [hbm4b:s1+s23], $0x80, s15, s23, $0xb8;
	[tilespmem:$0x1E200] =	vst v63  }
0xc3: {  	s15 =	smov.u32 s14  }
0xc4: {  	p2 =	sne.s32 s14, $0x4800;
	s14 =	sadd.s32 $0x400, s14;
	_ =	swait.ge [sflag:s26], $0x4000  }
0xc5: {  	s15 =	sshra.s32 s15, $0x2;
	[sflag:s26] =	ssyncset.done $0x0  }
0xc6: {  	s16 =	sadd.s32 $0x1400, s15;
	[sflag:s26] =	ssyncadd.s32 $0xFFFFC000  }
0xc7: {  	[spmem:s2] =	stream.indirect.scatter.add.f32 [tilespmem:s24], [sflag:$0x3], $0x80, s16, s23, $0xb8;
	[tilespmem:$0x1E200] =	vst v63  }
0xc8: {  	_ =	swait.ge [sflag:s21], $0x4000  }
0xc9: {  	[sflag:s21] =	ssyncset.done $0x0  }
0xca: {  	s16 =	sadd.s32 $0x100, s15;
	[sflag:s21] =	ssyncadd.s32 $0xFFFFC000  }
0xcb: {  	[tilespmem:s24], [sflag:$0x1] =	stream.indirect.gather [hbm4b:s1+s23], $0x80, s16, s23, $0xb8;
	[tilespmem:$0x1E200] =	vst v63  }
0xcc: {  	_ =	swait.ge [sflag:s28], $0x4000  }
0xcd: {  	[sflag:s28] =	ssyncset.done $0x0  }
.Ltmp6:
0xce: {  	s16 =	sadd.s32 $0x1480, s15;
	[sflag:s28] =	ssyncadd.s32 $0xFFFFC000;
	(pc) =	sbr.rel @p2 .LBB2_3-.Ltmp6, $4  }
0xcf: {  	[spmem:s2] =	stream.indirect.scatter.add.f32 [tilespmem:s25], [sflag:$0x3], $0x80, s16, s23, $0xb8;
	[tilespmem:$0x1E200] =	vst v63  }
0xd0: {  	_ =	swait.ge [sflag:s21], $0x4000  }
0xd1: {  	[sflag:s21] =	ssyncset.done $0x0  }
0xd2: {  	s15 =	sadd.s32 $0x180, s15;
	[sflag:s21] =	ssyncadd.s32 $0xFFFFC000  }
0xd3: {  	[tilespmem:s25], [sflag:$0x2] =	stream.indirect.gather [hbm4b:s1+s23], $0x80, s15, s23, $0xb8;
	[tilespmem:$0x1E200] =	vst v63  }
0xd4: {  	_ =	swait.ge [sflag:s26], $0x4000  }
0xd5: {  	[sflag:s26] =	ssyncset.done $0x0  }
0xd6: {  	[sflag:s26] =	ssyncadd.s32 $0xFFFFC000  }
0xd7: {  	[spmem:s2] =	stream.indirect.scatter.add.f32 [tilespmem:s24], [sflag:$0x3], $0x80, s29, s23, $0xb8;
	[tilespmem:$0x1E200] =	vst v63  }
0xd8: {  	_ =	swait.ge [sflag:s21], $0x4000  }
0xd9: {  	[sflag:s21] =	ssyncset.done $0x0  }
0xda: {  	[sflag:s21] =	ssyncadd.s32 $0xFFFFC000  }
0xdb: {  	_ =	swait.ge [sflag:s28], $0x4000  }
0xdc: {  	[sflag:s28] =	ssyncset.done $0x0  }
0xdd: {  	[sflag:s28] =	ssyncadd.s32 $0xFFFFC000  }
0xde: {  	[spmem:s2] =	stream.indirect.scatter.add.f32 [tilespmem:s25], [sflag:$0x3], $0x80, s30, s23, $0xb8;
	[tilespmem:$0x1E200] =	vst v63  }
0xdf: {  	_ =	swait.ge [sflag:s21], $0x4000  }
0xe0: {  	[sflag:s21] =	ssyncset.done $0x0  }
0xe1: {  	s14 =	simm.s32 $0x0;
	[sflag:s21] =	ssyncadd.s32 $0xFFFFC000  }
0xe2: {  	[tilespmem:s14], [sflag:$0x3] =	stream.linear.gather [hbm4b:s12+s14], $0x1400, $0x38;
	[tilespmem:$0x1E200] =	vst v63  }
0xe3: {  	_ =	swait.ge [sflag:s21], $0x1400  }
0xe4: {  	[sflag:s21] =	ssyncset.done $0x0  }
0xe5: {  	[sflag:s21] =	ssyncadd.s32 $0xFFFFEC00  }
0xe6: {  	[tilespmem:s22], [sflag:$0x3] =	stream.linear.gather [hbm4b:s13+s14], $0x1400, $0x38;
	[tilespmem:$0x1E200] =	vst v63  }
0xe7: {  	_ =	swait.ge [sflag:s21], $0x1400  }
0xe8: {  	[sflag:s21] =	ssyncset.done $0x0  }
0xe9: {  	[sflag:s21] =	ssyncadd.s32 $0xFFFFEC00  }
0xea: {  	[tilespmem:s24], [sflag:$0x1] =	stream.indirect.gather [hbm4b:s1+s23], $0x80, s14, s23, $0xb8;
	[tilespmem:$0x1E200] =	vst v63  }
0xeb: {  	_ = 	snop  }
0xec: {  	[tilespmem:s25], [sflag:$0x2] =	stream.indirect.gather [hbm4b:s1+s23], $0x80, s23, s23, $0xb8;
	[tilespmem:$0x1E200] =	vst v63  }
0xed: {  	_ =	swait.ge [sflag:s26], $0x4000  }
0xee: {  	[sflag:s26] =	ssyncset.done $0x0  }
0xef: {  	s16 =	simm.s32 $0x1400;
	[sflag:s26] =	ssyncadd.s32 $0xFFFFC000  }
0xf0: {  	[spmem:s2] =	stream.indirect.scatter.add.f32 [tilespmem:s24], [sflag:$0x3], $0x80, s16, s23, $0xb8;
	[tilespmem:$0x1E200] =	vst v63  }
0xf1: {  	_ =	swait.ge [sflag:s21], $0x4000  }
0xf2: {  	[sflag:s21] =	ssyncset.done $0x0  }
0xf3: {  	s15 =	simm.s32 $0x100;
	[sflag:s21] =	ssyncadd.s32 $0xFFFFC000  }
0xf4: {  	[tilespmem:s24], [sflag:$0x1] =	stream.indirect.gather [hbm4b:s1+s23], $0x80, s15, s23, $0xb8;
	[tilespmem:$0x1E200] =	vst v63  }
0xf5: {  	_ =	swait.ge [sflag:s28], $0x4000  }
0xf6: {  	[sflag:s28] =	ssyncset.done $0x0  }
0xf7: {  	s16 =	simm.s32 $0x1480;
	[sflag:s28] =	ssyncadd.s32 $0xFFFFC000  }
0xf8: {  	[spmem:s2] =	stream.indirect.scatter.add.f32 [tilespmem:s25], [sflag:$0x3], $0x80, s16, s23, $0xb8;
	[tilespmem:$0x1E200] =	vst v63  }
0xf9: {  	_ =	swait.ge [sflag:s21], $0x4000  }
0xfa: {  	[sflag:s21] =	ssyncset.done $0x0  }
0xfb: {  	s14 =	simm.s32 $0x400;
	s15 =	simm.s32 $0x180;
	[sflag:s21] =	ssyncadd.s32 $0xFFFFC000  }
.LBB2_5:
0xfc: {  	[tilespmem:s25], [sflag:$0x2] =	stream.indirect.gather [hbm4b:s1+s23], $0x80, s15, s23, $0xb8;
	[tilespmem:$0x1E200] =	vst v63  }
0xfd: {  	s15 =	smov.u32 s14  }
0xfe: {  	p2 =	sne.s32 s14, $0x4800;
	s14 =	sadd.s32 $0x400, s14;
	_ =	swait.ge [sflag:s26], $0x4000  }
0xff: {  	s15 =	sshra.s32 s15, $0x2;
	[sflag:s26] =	ssyncset.done $0x0  }
0x100: {  	s16 =	sadd.s32 $0x1400, s15;
	[sflag:s26] =	ssyncadd.s32 $0xFFFFC000  }
0x101: {  	[spmem:s2] =	stream.indirect.scatter.add.f32 [tilespmem:s24], [sflag:$0x3], $0x80, s16, s23, $0xb8;
	[tilespmem:$0x1E200] =	vst v63  }
0x102: {  	_ =	swait.ge [sflag:s21], $0x4000  }
0x103: {  	[sflag:s21] =	ssyncset.done $0x0  }
0x104: {  	s16 =	sadd.s32 $0x100, s15;
	[sflag:s21] =	ssyncadd.s32 $0xFFFFC000  }
0x105: {  	[tilespmem:s24], [sflag:$0x1] =	stream.indirect.gather [hbm4b:s1+s23], $0x80, s16, s23, $0xb8;
	[tilespmem:$0x1E200] =	vst v63  }
0x106: {  	_ =	swait.ge [sflag:s28], $0x4000  }
0x107: {  	[sflag:s28] =	ssyncset.done $0x0  }
.Ltmp7:
0x108: {  	s16 =	sadd.s32 $0x1480, s15;
	[sflag:s28] =	ssyncadd.s32 $0xFFFFC000;
	(pc) =	sbr.rel @p2 .LBB2_5-.Ltmp7, $4  }
0x109: {  	[spmem:s2] =	stream.indirect.scatter.add.f32 [tilespmem:s25], [sflag:$0x3], $0x80, s16, s23, $0xb8;
	[tilespmem:$0x1E200] =	vst v63  }
0x10a: {  	_ =	swait.ge [sflag:s21], $0x4000  }
0x10b: {  	[sflag:s21] =	ssyncset.done $0x0  }
0x10c: {  	s15 =	sadd.s32 $0x180, s15;
	[sflag:s21] =	ssyncadd.s32 $0xFFFFC000  }
0x10d: {  	[tilespmem:s25], [sflag:$0x2] =	stream.indirect.gather [hbm4b:s1+s23], $0x80, s15, s23, $0xb8;
	[tilespmem:$0x1E200] =	vst v63  }
0x10e: {  	_ =	swait.ge [sflag:s26], $0x4000  }
0x10f: {  	[sflag:s26] =	ssyncset.done $0x0  }
0x110: {  	[sflag:s26] =	ssyncadd.s32 $0xFFFFC000  }
0x111: {  	[spmem:s2] =	stream.indirect.scatter.add.f32 [tilespmem:s24], [sflag:$0x3], $0x80, s29, s23, $0xb8;
	[tilespmem:$0x1E200] =	vst v63  }
0x112: {  	_ =	swait.ge [sflag:s21], $0x4000  }
0x113: {  	[sflag:s21] =	ssyncset.done $0x0  }
0x114: {  	[sflag:s21] =	ssyncadd.s32 $0xFFFFC000  }
0x115: {  	_ =	swait.ge [sflag:s28], $0x4000  }
0x116: {  	[sflag:s28] =	ssyncset.done $0x0  }
0x117: {  	[sflag:s28] =	ssyncadd.s32 $0xFFFFC000  }
0x118: {  	[spmem:s2] =	stream.indirect.scatter.add.f32 [tilespmem:s25], [sflag:$0x3], $0x80, s30, s23, $0xb8;
	[tilespmem:$0x1E200] =	vst v63  }
0x119: {  	_ =	swait.ge [sflag:s21], $0x4000  }
0x11a: {  	[sflag:s21] =	ssyncset.done $0x0  }
0x11b: {  	[sflag:s21] =	ssyncadd.s32 $0xFFFFC000  }
0x11c: {  	[bflag:$0x0] =	sbarrier.arrive $0xFFFF  }
0x11d: {  	s14 =	simm.s32 @p1 $0x1FC3;
	s15 =	rddreg [dreg:$0x7]  }
0x11e: {  	[hbm:s15], [sflag:s14] =	dma.local @p1 [spmem:s11], $0x1900  }
0x11f: {  	s11 =	simm.s32 @p1 $0x3  }
0x120: {  	_ =	swait.ge @p1 [sflag:s11], $0x1900  }
0x121: {  	[sflag:s11] =	ssyncset.done @p1 $0x0  }
0x122: {  	[sflag:s11] =	ssyncadd.s32 @p1 $0xFFFFE700;
	s11 =	rddreg [dreg:$0x6]  }
0x123: {  	[hbm:s11], [sflag:s9] =	dma.local @!p1 [spmem:s0], $0x2800  }
.Ltmp8:
0x124: {  	_ = 	snop;
	(pc) =	sbr.rel .LBB2_12-.Ltmp8, $4  }
0x125: {  	s0 =	simm.s32 @!p1 $0x3  }
0x126: {  	_ =	swait.ge @!p1 [sflag:s0], $0x2800  }
0x127: {  	[sflag:s0] =	ssyncset.done @!p1 $0x0  }
0x128: {  	[sflag:s0] =	ssyncadd.s32 @!p1 $0xFFFFD800  }
.LBB2_13:
0x129: {  	_ =	sfence.sel $0x180000  }
0x12a: {  	[bflag:$0x0] =	sbarrier.arrive $0xFFFF  }
0x12b: {  	_ =	strace $0x9000004A  }
0x12c: {  	[bflag:$0x2] =	sbarrier.arrive $0xFFFF  }
0x12d: {  	p0 =	sne.s32 s3, $0x0;
	s0 =	rddreg [dreg:$0x3]  }
0x12e: {  	s0 =	sadd.s32 @!p0 $0x100000, s0  }
0x12f: {  	[sflag:s0] =	ssyncadd.tile.s32 @!p0 $0x1;
	_ =	shalt  }
.Lfunc_end2:
_tile_overlayer_lowered:
.L_overlay_start_2:
0x130: {  	(tag) =	ssettag $0x2  }
0x131: {  	s0 =	rddreg [dreg:$0x0];
	s2 =	stileid.u32  }
0x132: {  	s1 =	rddreg [dreg:$0x1];
	p0 =	sne.s32 s2, $0x0  }
0x133: {  	s3 =	rddreg [dreg:$0x2];
	[bflag:$0x3] =	sbarrier.arrive $0xFFFF;
	s2 =	simm.s32 @!p0 $0x1C03  }
0x134: {  	[timem:s3], [sflag:s2] =	dma.local @!p0 [hbm:s0], s1  }
0x135: {  	s0 =	simm.s32 @!p0 $0x3  }
0x136: {  	_ =	swait.ge @!p0 [sflag:s0], s1  }
0x137: {  	s1 =	ssub.s32 @!p0 $0x0, s1;
	[sflag:s0] =	ssyncset.done @!p0 $0x0  }
0x138: {  	[sflag:s0] =	ssyncadd.s32 @!p0 s1  }
0x139: {  	[bflag:$0x3] =	sbarrier.arrive $0xFFFF  }
0x13a: {  	_ =	shalt  }

// kernel: kernel.16.cloned.1.call-start
scs
__scs_entry_jumppad:
0x0: {  	(pc) =	sbr.rel $0x88, $3  }
0x1: {  	(tag) =	ssettag $0x0;
	lr =	simm.s32 $0x1  }
0x2: {  	[smem:$0x3F8F] =	sst lr;
	_ =	strace $0xD0000000  }
0x3: {  	_ = 	snop  }
0x4: {  	_ = 	snop  }
0x5: {  	_ = 	snop  }
0x6: {  	_ = 	snop  }
0x7: {  	_ = 	snop  }
__scs_overlays_trampoline_lowered:
0x8: {  	[smem:$0x3F9E] =	sst s0  }
0x9: {  	[smem:$0x3F9F] =	sst s1  }
0xa: {  	[smem:$0x3FA0] =	sst s2  }
0xb: {  	[smem:$0x3FA1] =	sst s3  }
0xc: {  	[smem:$0x3FA2] =	sst s4  }
0xd: {  	[smem:$0x3FA3] =	sst s5  }
0xe: {  	[smem:$0x3FA4] =	sst s6  }
0xf: {  	[smem:$0x3FA5] =	sst s7  }
0x10: {  	[smem:$0x3FA6] =	sst s8  }
0x11: {  	[smem:$0x3FA7] =	sst s9;
	s0 =	simm.s32 @!p0 $0x0  }
0x12: {  	s1 =	sld [smem:$0x3F8D];
	s0 =	simm.s32 @p0 $0x1  }
0x13: {  	[smem:$0x3FA8] =	sst s0;
	s0 =	simm.s32 @!p1 $0x0  }
0x14: {  	s2 =	sld [smem:$0x3F8C];
	s0 =	simm.s32 @p1 $0x1  }
0x15: {  	[smem:$0x3FA9] =	sst s0;
	s0 =	simm.s32 @!p2 $0x0  }
0x16: {  	s3 =	sld [smem:$0x3FDB];
	s0 =	simm.s32 @p2 $0x1  }
0x17: {  	s4 =	simm.s32 $0x1BF5;
	[smem:$0x3FAB] =	sst s0  }
0x18: {  	s0 =	sld [smem:$0x3F8E];
	_ =	swait.ge [sflag:s4], $0x0  }
0x19: {  	s7 =	sld [smem:$0x3F8F]  }
0x1a: {  	s8 =	sadd.s32 $0xFFFFE003, lr  }
0x1b: {  	s9 =	sadd.s32 $0xFFFFFEF7, lr;
	s5 =	simm.s32 $0xFFFFFFFF;
	p2 =	slt.u32 s8, $0xFFFFF086  }
0x1c: {  	p1 =	slt.u32 s9, $0xF7A;
	s5 =	simm.s32 @!p2 $0x0  }
0x1d: {  	s5 =	simm.s32 @p1 $0x1;
	p0 =	seq.s32 s7, s2  }
0x1e: {  	s7 =	smul.u32 @!p0 $0xF7A, s2;
	p2 =	seq.s32 @!p0 s5, $0x0  }
0x1f: {  	s9 =	smul.u32 $0xF7A, s1;
	s8 =	simm.s32 @!p0 $0x1BF5;
	p2 =	por !p2, p0  }
0x20: {  	[sflag:s8] =	ssyncset.s32 @!p0 $0xFFFFF086;
	s6 =	sadd.s32 @!p0 s3, s7;
	s7 =	simm.s32 @!p0 $0x108  }
0x21: {  	s3 =	sadd.s32 s3, s9;
	s6 =	sadd.s32 @!p0 $0x88, s6;
	s7 =	simm.s32 @p2 $0x1082  }
0x22: {  	[simem:s7], [sflag:s8] =	dma.local @!p0 [hbm:s6], $0xF7A  }
0x23: {  	s9 =	sor.u32 $0xD0000000, s2;
	s6 =	simm.s32 $0x108;
	_ =	swait.ge @!p0 [sflag:s8], $0x0  }
0x24: {  	s3 =	sadd.s32 $0x88, s3;
	s6 =	simm.s32 @!p1 $0x1082;
	[sflag:s4] =	ssyncset.s32 $0xFFFFF086  }
0x25: {  	[simem:s6], [sflag:s4] =	dma.local [hbm:s3], $0xF7A  }
0x26: {  	[smem:$0x3F8F] =	sst s1;
	(tag) =	ssettag s2;
	_ =	strace s9  }
0x27: {  	s1 =	sld [smem:$0x3F9F]  }
0x28: {  	s2 =	sld [smem:$0x3FA0]  }
0x29: {  	s4 =	sld [smem:$0x3FA2]  }
0x2a: {  	p0 =	seq.s32 s5, $0x0;
	s5 =	sld [smem:$0x3FA3]  }
0x2b: {  	s6 =	sld [smem:$0x3FA4]  }
0x2c: {  	s7 =	sld [smem:$0x3FA5]  }
0x2d: {  	s3 =	simm.s32 $0x108;
	s8 =	sld [smem:$0x3FA6]  }
0x2e: {  	s3 =	simm.s32 @!p0 $0x1082;
	s9 =	sld [smem:$0x3FA7]  }
0x2f: {  	lr =	sadd.s32 s0, s3;
	s0 =	sld [smem:$0x3F9E]  }
0x30: {  	s3 =	sld [smem:$0x3FA1]  }
0x31: {  	[smem:$0x3FAA] =	sst s10  }
0x32: {  	s10 =	sld [smem:$0x3FA8];
	_ =	sdelay $0x3  }
0x33: {  	p0 =	seq.s32 s10, $0x1;
	s10 =	sld [smem:$0x3FAA];
	_ =	sdelay $0x3  }
0x34: {  	[smem:$0x3FAA] =	sst s10  }
0x35: {  	s10 =	sld [smem:$0x3FA9];
	_ =	sdelay $0x3  }
0x36: {  	p1 =	seq.s32 s10, $0x1;
	s10 =	sld [smem:$0x3FAA];
	_ =	sdelay $0x3  }
0x37: {  	[smem:$0x3FAA] =	sst s10  }
0x38: {  	s10 =	sld [smem:$0x3FAB]  }
0x39: {  	_ = 	snop;
	(pc) =	sbr.ind lr, $3  }
0x3a: {  	_ = 	snop  }
0x3b: {  	_ = 	snop  }
0x3c: {  	p2 =	seq.s32 s10, $0x1;
	s10 =	sld [smem:$0x3FAA]  }
0x3d: {  	_ =	shalt  }
0x3e: {  	_ =	shalt  }
0x3f: {  	_ =	shalt  }
0x40: {  	_ =	shalt  }
0x41: {  	_ =	shalt  }
0x42: {  	_ =	shalt  }
0x43: {  	_ =	shalt  }
0x44: {  	_ =	shalt  }
0x45: {  	_ =	shalt  }
0x46: {  	_ =	shalt  }
0x47: {  	_ =	shalt  }
0x48: {  	_ =	shalt  }
0x49: {  	_ =	shalt  }
0x4a: {  	_ =	shalt  }
0x4b: {  	_ =	shalt  }
0x4c: {  	_ =	shalt  }
0x4d: {  	_ =	shalt  }
0x4e: {  	_ =	shalt  }
0x4f: {  	_ =	shalt  }
0x50: {  	_ =	shalt  }
0x51: {  	_ =	shalt  }
0x52: {  	_ =	shalt  }
0x53: {  	_ =	shalt  }
0x54: {  	_ =	shalt  }
0x55: {  	_ =	shalt  }
0x56: {  	_ =	shalt  }
0x57: {  	_ =	shalt  }
0x58: {  	_ =	shalt  }
0x59: {  	_ =	shalt  }
0x5a: {  	_ =	shalt  }
0x5b: {  	_ =	shalt  }
0x5c: {  	_ =	shalt  }
0x5d: {  	_ =	shalt  }
0x5e: {  	_ =	shalt  }
0x5f: {  	_ =	shalt  }
0x60: {  	_ =	shalt  }
0x61: {  	_ =	shalt  }
0x62: {  	_ =	shalt  }
0x63: {  	_ =	shalt  }
0x64: {  	_ =	shalt  }
0x65: {  	_ =	shalt  }
0x66: {  	_ =	shalt  }
0x67: {  	_ =	shalt  }
0x68: {  	_ =	shalt  }
0x69: {  	_ =	shalt  }
0x6a: {  	_ =	shalt  }
0x6b: {  	_ =	shalt  }
0x6c: {  	_ =	shalt  }
0x6d: {  	_ =	shalt  }
0x6e: {  	_ =	shalt  }
0x6f: {  	_ =	shalt  }
0x70: {  	_ =	shalt  }
0x71: {  	_ =	shalt  }
0x72: {  	_ =	shalt  }
0x73: {  	_ =	shalt  }
0x74: {  	_ =	shalt  }
0x75: {  	_ =	shalt  }
0x76: {  	_ =	shalt  }
0x77: {  	_ =	shalt  }
0x78: {  	_ =	shalt  }
0x79: {  	_ =	shalt  }
0x7a: {  	_ =	shalt  }
0x7b: {  	_ =	shalt  }
0x7c: {  	_ =	shalt  }
0x7d: {  	_ =	shalt  }
0x7e: {  	_ =	shalt  }
0x7f: {  	_ =	shalt  }
0x80: {  	_ =	shalt  }
0x81: {  	_ =	shalt  }
0x82: {  	_ =	shalt  }
0x83: {  	_ =	shalt  }
0x84: {  	_ =	shalt  }
0x85: {  	_ =	shalt  }
0x86: {  	_ =	shalt  }
0x87: {  	_ =	shalt  }
.Lfunc_end0:
.L_simem_size_0:
called_computation.2_lowered:
.L_overlay_start_0:
0x88: {  	s2 =	sld [smem:$0x3FD9]  }
0x89: {  	s3 =	sld [smem:$0x3FFE];
	_ =	sdelay $0x1  }
0x8a: {  	s1 =	srdreg.scid  }
0x8b: {  	s0 =	sand.u32 $0x1, s1  }
0x8c: {  	s17 =	sshll.u32 s0, $0xA;
	s2 =	sadd.s32 s3, s2  }
0x8d: {  	s2 =	sadd.s32 s2, s17  }
0x8e: {  	[smem:$0x3FB6] =	sst s2  }
0x8f: {  	_ = 	snop  }
0x90: {  	s2 =	sld [smem:$0x3FD0];
	(tm) =	ssettm $0x1  }
0x91: {  	s18 =	sld [smem:$0x3FFB];
	_ =	sdelay $0x3  }
0x92: {  	_ =	strace s18  }
0x93: {  	s3 =	sld [smem:$0x3FFC];
	_ =	sdelay $0x3  }
0x94: {  	_ =	strace s3  }
0x95: {  	s3 =	sld [smem:$0x3FFD];
	_ =	sdelay $0x3  }
0x96: {  	_ =	strace s3  }
0x97: {  	_ =	strace $0x8FFFFFFF  }
0x98: {  	s19 =	sld [smem:$0x3FDB];
	_ =	sdelay $0x1  }
0x99: {  	s4 =	simm.s32 $_scs_section_size  }
0x9a: {  	s5 =	simm.s32 $_size__tile_overlayer_lowered;
	s6 =	simm.s32 $_tile_overlayer_lowered  }
0x9b: {  	s22 =	simm.s32 $0x1BFF;
	s21 =	sshll.u32 s6, $0x1;
	s3 =	sadd.s32 s4, s19  }
0x9c: {  	s7 =	simm.s32 $0x0;
	s20 =	sshll.u32 s5, $0x1;
	s5 =	sadd.s32 s21, s3  }
0x9d: {  	[timem:s7], [sflag:s22] =	dma.local [hbm:s5], s20  }
0x9e: {  	_ =	swait.ge [sflag:s22], s20  }
0x9f: {  	s4 =	ssub.s32 $0x0, s20;
	[sflag:s22] =	ssyncset.done $0x0  }
0xa0: {  	[sflag:s22] =	ssyncadd.s32 s4;
	_ =	sdelay $0x1  }
0xa1: {  	s23 =	simm.s32 $0x1B8B  }
0xa2: {  	_ =	swait.ge [sflag:s23], $0x1  }
0xa3: {  	[sflag:s23] =	ssyncset.done $0x0  }
0xa4: {  	s25 =	simm.s32 $0x1B8E;
	s24 =	sld [smem:$0x3FFE];
	[sflag:s23] =	ssyncadd.s32 $0xFFFFFFFF  }
0xa5: {  	s26 =	simm.s32 $execute0_lowered;
	[smem:$0x3FD2] =	sst s25  }
0xa6: {  	s5 =	sshll.u32 s26, $0x1;
	_ =	strace $0x8000004C;
	[dreg:$0x1] =	wrdreg $0xFFFFFFFF  }
0xa7: {  	s28 =	simm.s32 $_size_execute0_lowered;
	s3 =	sadd.s32 s3, s5;
	[dreg:$0x0] =	wrdreg $0x0  }
0xa8: {  	s5 =	sshll.u32 s28, $0x1;
	[dreg:$0x2] =	wrdreg s3  }
0xa9: {  	[dreg:$0x3] =	wrdreg s5  }
0xaa: {  	[dreg:$0x4] =	wrdreg $0xC0  }
0xab: {  	_ =	task [dreg:s7], $0x5FFFF  }
0xac: {  	[dreg:$0x1] =	wrdreg $0xFFFFFFFF  }
0xad: {  	[dreg:$0x0] =	wrdreg $0x60  }
0xae: {  	[dreg:$0x2] =	wrdreg s2  }
0xaf: {  	[dreg:$0x3] =	wrdreg s24  }
0xb0: {  	[dreg:$0x4] =	wrdreg $0xA8000  }
0xb1: {  	[dreg:$0x5] =	wrdreg $0x9  }
0xb2: {  	_ =	task.clear_ibuf [dreg:s7], $0x6FFFF;
	_ =	strace $0x9000004C  }
0xb3: {  	s29 =	simm.s32 $0x9;
	_ =	strace $0x8000004E  }
0xb4: {  	_ =	swait.ge [sflag:s29], $0x1  }
0xb5: {  	[sflag:s29] =	ssyncadd.s32 $0xFFFFFFFF  }
0xb6: {  	_ =	strace $0x9000004E  }
0xb7: {  	_ =	sfence  }
0xb8: {  	s30 =	sld [smem:$0x0];
	_ =	sdelay $0x2  }
0xb9: {  	s31 =	sshll.u32 s1, $0xD;
	s1 =	sshrl.u32 s1, $0x2  }
0xba: {  	s3 =	sand.u32 $0x4000, s31;
	s1 =	sadd.s32 s1, s30  }
0xbb: {  	s0 =	sor.u32 s3, s0;
	s1 =	sshll.u32 s1, $0x11  }
0xbc: {  	s0 =	sor.u32 s1, s0  }
0xbd: {  	s0 =	sadd.s32 $0x8F2B, s0  }
0xbe: {  	[sflag:s0] =	ssyncadd.remote.s32 $0x1  }
0xbf: {  	_ =	sfence.sel $0xFFFF  }
0xc0: {  	[dreg:$0x0] =	wrdreg $0xFFFFFFFF;
	(pc) =	sbr.abs _section_cstart, $3  }
0xc1: {  	[dreg:$0x1] =	wrdreg $0xFFFFFFFF  }
0xc2: {  	_ =	task.clear_ibuf [dreg:s7], $0x2FFFF;
	_ =	strace $0x9FFFFFFF  }
0xc3: {  	(tm) =	ssettm $0x7FFFFFFF  }
tec
execute0_lowered:
.L_overlay_start_1:
0x0: {  	(tag) =	ssettag $0x1  }
0x1: {  	s1 =	rddreg [dreg:$0x0]  }
0x2: {  	s0 =	rddreg [dreg:$0x1]  }
0x3: {  	s2 =	rddreg [dreg:$0x2]  }
0x4: {  	s4 =	simm.s32 $0x0;
	s5 =	srdreg.scid;
	s3 =	stileid.u32  }
0x5: {  	s21 =	simm.s32 $0x3;
	s28 =	simm.s32 $0x2;
	s29 =	simm.s32 $0x2700  }
0x6: {  	s30 =	simm.s32 $0x2780;
	s31 =	simm.s32 $0x0;
	[smem:$0x7FF] =	sst s4  }
0x7: {  	s6 =	sand.u32 $0x1, s5;
	s5 =	sadd.s32 $0x5E00, s0;
	s9 =	smul.u32 $0x2800, s3  }
0x8: {  	s11 =	sadd.s32 $0x2D000, s0;
	s10 =	smul.u32 $0x50000, s3;
	s13 =	sadd.s32 $0x32000, s0  }
0x9: {  	s24 =	sadd.s32 $0x25800, s1;
	s26 =	sadd.s32 $0x5C800, s0;
	s17 =	sadd.s32 $0x2B600, s0  }
0xa: {  	s19 =	sadd.s32 $0x83A00, s0;
	p1 =	seq.s32 s3, $0xF;
	_ =	strace $0x8000004D  }
0xb: {  	s7 =	ssub.s32 $0x2, s6;
	p0 =	seq.s32 s6, $0x1;
	[dreg:$0x5] =	wrdreg s24  }
0xc: {  	[dreg:$0x7] =	wrdreg s26;
	s24 =	simm.s32 $0x2800;
	s26 =	simm.s32 $0x1  }
0xd: {  	s8 =	sshrl.u32 s7, $0x1;
	s14 =	sadd.s32 s9, s0;
	s12 =	sshrl.u32 s9, $0x3  }
0xe: {  	s22 =	sshrl.u32 s10, $0x2;
	s23 =	sadd.s32 s1, s9;
	s10 =	sadd.s32 $0x12C000, s2  }
0xf: {  	s9 =	sadd.s32 s5, s9;
	s15 =	ssub.s32 s7, s8;
	s6 =	sadd.s32 s11, s12  }
.Ltmp0:
0x10: {  	s7 =	sadd.s32 s13, s12;
	s8 =	sadd.s32 s22, s2;
	(pc) =	sbr.rel .LBB2_1-.Ltmp0, $4  }
0x11: {  	[dreg:$0x4] =	wrdreg s23;
	s16 =	sadd.s32 $0x280, s12;
	s25 =	sadd.s32 $0x37000, s14  }
0x12: {  	[dreg:$0x8] =	wrdreg s9;
	s18 =	sadd.s32 $0x5E200, s14;
	s22 =	simm.s32 $0x1400  }
0x13: {  	s23 =	simm.s32 $0x80;
	s12 =	sadd.s32 s11, s16;
	s13 =	sadd.s32 s13, s16  }
0x14: {  	[dreg:$0x6] =	wrdreg s25;
	s20 =	smax.u32 s15, $0x1;
	s25 =	simm.s32 $0x6800  }
.LBB2_11:
0x15: {  	[tilespmem:s25], [sflag:$0x2] =	stream.indirect.gather [hbm4b:s5+s23], $0x80, s15, s23, $0xb8;
	[tilespmem:$0x1E200] =	vst v63  }
0x16: {  	_ =	swait.ge [sflag:s26], $0x4000  }
0x17: {  	[sflag:s26] =	ssyncset.done $0x0  }
0x18: {  	[sflag:s26] =	ssyncadd.s32 $0xFFFFC000  }
0x19: {  	[spmem:s2] =	stream.indirect.scatter.add.f32 [tilespmem:s24], [sflag:$0x3], $0x80, s29, s23, $0xb8;
	[tilespmem:$0x1E200] =	vst v63  }
0x1a: {  	_ =	swait.ge [sflag:s21], $0x4000  }
0x1b: {  	[sflag:s21] =	ssyncset.done $0x0  }
0x1c: {  	[sflag:s21] =	ssyncadd.s32 $0xFFFFC000  }
0x1d: {  	_ =	swait.ge [sflag:s28], $0x4000  }
0x1e: {  	[sflag:s28] =	ssyncset.done $0x0  }
0x1f: {  	[sflag:s28] =	ssyncadd.s32 $0xFFFFC000  }
0x20: {  	[spmem:s2] =	stream.indirect.scatter.add.f32 [tilespmem:s25], [sflag:$0x3], $0x80, s30, s23, $0xb8;
	[tilespmem:$0x1E200] =	vst v63  }
0x21: {  	_ =	swait.ge [sflag:s21], $0x4000  }
0x22: {  	[sflag:s21] =	ssyncset.done $0x0  }
0x23: {  	[sflag:s21] =	ssyncadd.s32 $0xFFFFC000  }
0x24: {  	s14 =	simm.s32 @p1 $0x1FC3;
	[bflag:$0x0] =	sbarrier.arrive $0xFFFF  }
0x25: {  	[hbm:s19], [sflag:s14] =	dma.local @p1 [spmem:s11], $0x1900  }
0x26: {  	s11 =	simm.s32 @p1 $0x3  }
0x27: {  	_ =	swait.ge @p1 [sflag:s11], $0x1900  }
0x28: {  	[sflag:s11] =	ssyncset.done @p1 $0x0  }
0x29: {  	[sflag:s11] =	ssyncadd.s32 @p1 $0xFFFFE700  }
0x2a: {  	[hbm:s18], [sflag:s9] =	dma.local @!p1 [spmem:s0], $0x2800  }
0x2b: {  	s0 =	simm.s32 @!p1 $0x3  }
0x2c: {  	_ =	swait.ge @!p1 [sflag:s0], $0x2800  }
0x2d: {  	[sflag:s0] =	ssyncset.done @!p1 $0x0  }
0x2e: {  	[sflag:s0] =	ssyncadd.s32 @!p1 $0xFFFFD800  }
.LBB2_12:
0x2f: {  	s31 =	sadd.s32 $0x1, s31  }
0x30: {  	p2 =	sne.s32 s31, s20  }
.Ltmp1:
0x31: {  	_ = 	snop;
	(pc) =	sbr.rel @!p2 .LBB2_13-.Ltmp1, $1  }
0x32: {  	_ =	sdelay $0x3  }
.LBB2_1:
0x33: {  	[tilespmem:s4], [sflag:$0x3] =	stream.linear.gather [hbm4b:s6+s4], $0x1400, $0x38;
	[tilespmem:$0x1E200] =	vst v63  }
0x34: {  	_ =	swait.ge [sflag:s21], $0x1400  }
0x35: {  	[sflag:s21] =	ssyncset.done $0x0  }
.Ltmp2:
0x36: {  	[sflag:s21] =	ssyncadd.s32 $0xFFFFEC00;
	(pc) =	sbr.rel @!p0 .LBB2_2-.Ltmp2, $4  }
0x37: {  	[tilespmem:s22], [sflag:$0x3] =	stream.linear.gather [hbm4b:s7+s4], $0x1400, $0x38;
	[tilespmem:$0x1E200] =	vst v63  }
0x38: {  	_ =	swait.ge [sflag:s21], $0x1400  }
0x39: {  	s9 =	sshll.u32 @!p1 s3, $0x6;
	s11 =	sshrl.u32 @p1 s10, $0x3;
	[sflag:s21] =	ssyncset.done $0x0  }
0x3a: {  	s0 =	sshrl.u32 @!p1 s8, $0x3;
	s9 =	sor.u32 @!p1 $0x1C03, s9;
	[sflag:s21] =	ssyncadd.s32 $0xFFFFEC00  }
0x3b: {  	[tilespmem:s24], [sflag:$0x1] =	stream.indirect.gather [hbm4b:s5+s23], $0x80, s4, s23, $0xb8;
	[tilespmem:$0x1E200] =	vst v63  }
0x3c: {  	s14 =	simm.s32 @p1 $0x1FC3  }
0x3d: {  	[tilespmem:s25], [sflag:$0x2] =	stream.indirect.gather [hbm4b:s5+s23], $0x80, s23, s23, $0xb8;
	[tilespmem:$0x1E200] =	vst v63  }
0x3e: {  	[spmem:s11], [sflag:s14] =	dma.local @p1 [hbm:s17], $0x1900  }
0x3f: {  	s14 =	simm.s32 @p1 $0x3  }
0x40: {  	_ =	swait.ge @p1 [sflag:s14], $0x1900  }
0x41: {  	[sflag:s14] =	ssyncset.done @p1 $0x0  }
0x42: {  	[sflag:s14] =	ssyncadd.s32 @p1 $0xFFFFE700;
	s14 =	rddreg [dreg:$0x8]  }
0x43: {  	[spmem:s0], [sflag:s9] =	dma.local @!p1 [hbm:s14], $0x2800  }
0x44: {  	s14 =	simm.s32 @!p1 $0x3  }
0x45: {  	_ =	swait.ge @!p1 [sflag:s14], $0x2800  }
0x46: {  	[sflag:s14] =	ssyncset.done @!p1 $0x0  }
0x47: {  	[sflag:s14] =	ssyncadd.s32 @!p1 $0xFFFFD800  }
0x48: {  	[bflag:$0x0] =	sbarrier.arrive $0xFFFF  }
0x49: {  	_ =	swait.ge [sflag:s26], $0x4000  }
0x4a: {  	[sflag:s26] =	ssyncset.done $0x0  }
0x4b: {  	s16 =	simm.s32 $0x1400;
	[sflag:s26] =	ssyncadd.s32 $0xFFFFC000  }
0x4c: {  	[spmem:s2] =	stream.indirect.scatter.add.f32 [tilespmem:s24], [sflag:$0x3], $0x80, s16, s23, $0xb8;
	[tilespmem:$0x1E200] =	vst v63  }
0x4d: {  	_ =	swait.ge [sflag:s21], $0x4000  }
0x4e: {  	[sflag:s21] =	ssyncset.done $0x0  }
0x4f: {  	s15 =	simm.s32 $0x100;
	[sflag:s21] =	ssyncadd.s32 $0xFFFFC000  }
0x50: {  	[tilespmem:s24], [sflag:$0x1] =	stream.indirect.gather [hbm4b:s5+s23], $0x80, s15, s23, $0xb8;
	[tilespmem:$0x1E200] =	vst v63  }
0x51: {  	_ =	swait.ge [sflag:s28], $0x4000  }
0x52: {  	[sflag:s28] =	ssyncset.done $0x0  }
0x53: {  	s16 =	simm.s32 $0x1480;
	[sflag:s28] =	ssyncadd.s32 $0xFFFFC000  }
0x54: {  	[spmem:s2] =	stream.indirect.scatter.add.f32 [tilespmem:s25], [sflag:$0x3], $0x80, s16, s23, $0xb8;
	[tilespmem:$0x1E200] =	vst v63  }
0x55: {  	_ =	swait.ge [sflag:s21], $0x4000  }
0x56: {  	[sflag:s21] =	ssyncset.done $0x0  }
0x57: {  	s14 =	simm.s32 $0x400;
	s15 =	simm.s32 $0x180;
	[sflag:s21] =	ssyncadd.s32 $0xFFFFC000  }
.LBB2_8:
0x58: {  	[tilespmem:s25], [sflag:$0x2] =	stream.indirect.gather [hbm4b:s5+s23], $0x80, s15, s23, $0xb8;
	[tilespmem:$0x1E200] =	vst v63  }
0x59: {  	s15 =	smov.u32 s14  }
0x5a: {  	p2 =	sne.s32 s14, $0x4800;
	s14 =	sadd.s32 $0x400, s14;
	_ =	swait.ge [sflag:s26], $0x4000  }
0x5b: {  	s15 =	sshra.s32 s15, $0x2;
	[sflag:s26] =	ssyncset.done $0x0  }
0x5c: {  	s16 =	sadd.s32 $0x1400, s15;
	[sflag:s26] =	ssyncadd.s32 $0xFFFFC000  }
0x5d: {  	[spmem:s2] =	stream.indirect.scatter.add.f32 [tilespmem:s24], [sflag:$0x3], $0x80, s16, s23, $0xb8;
	[tilespmem:$0x1E200] =	vst v63  }
0x5e: {  	_ =	swait.ge [sflag:s21], $0x4000  }
0x5f: {  	[sflag:s21] =	ssyncset.done $0x0  }
0x60: {  	s16 =	sadd.s32 $0x100, s15;
	[sflag:s21] =	ssyncadd.s32 $0xFFFFC000  }
0x61: {  	[tilespmem:s24], [sflag:$0x1] =	stream.indirect.gather [hbm4b:s5+s23], $0x80, s16, s23, $0xb8;
	[tilespmem:$0x1E200] =	vst v63  }
0x62: {  	_ =	swait.ge [sflag:s28], $0x4000  }
0x63: {  	[sflag:s28] =	ssyncset.done $0x0  }
.Ltmp3:
0x64: {  	s16 =	sadd.s32 $0x1480, s15;
	[sflag:s28] =	ssyncadd.s32 $0xFFFFC000;
	(pc) =	sbr.rel @p2 .LBB2_8-.Ltmp3, $4  }
0x65: {  	[spmem:s2] =	stream.indirect.scatter.add.f32 [tilespmem:s25], [sflag:$0x3], $0x80, s16, s23, $0xb8;
	[tilespmem:$0x1E200] =	vst v63  }
0x66: {  	_ =	swait.ge [sflag:s21], $0x4000  }
0x67: {  	[sflag:s21] =	ssyncset.done $0x0  }
0x68: {  	s15 =	sadd.s32 $0x180, s15;
	[sflag:s21] =	ssyncadd.s32 $0xFFFFC000  }
0x69: {  	[tilespmem:s25], [sflag:$0x2] =	stream.indirect.gather [hbm4b:s5+s23], $0x80, s15, s23, $0xb8;
	[tilespmem:$0x1E200] =	vst v63  }
0x6a: {  	_ =	swait.ge [sflag:s26], $0x4000  }
0x6b: {  	[sflag:s26] =	ssyncset.done $0x0  }
0x6c: {  	[sflag:s26] =	ssyncadd.s32 $0xFFFFC000  }
0x6d: {  	[spmem:s2] =	stream.indirect.scatter.add.f32 [tilespmem:s24], [sflag:$0x3], $0x80, s29, s23, $0xb8;
	[tilespmem:$0x1E200] =	vst v63  }
0x6e: {  	_ =	swait.ge [sflag:s21], $0x4000  }
0x6f: {  	[sflag:s21] =	ssyncset.done $0x0  }
0x70: {  	[sflag:s21] =	ssyncadd.s32 $0xFFFFC000  }
0x71: {  	_ =	swait.ge [sflag:s28], $0x4000  }
0x72: {  	[sflag:s28] =	ssyncset.done $0x0  }
0x73: {  	[sflag:s28] =	ssyncadd.s32 $0xFFFFC000  }
0x74: {  	[spmem:s2] =	stream.indirect.scatter.add.f32 [tilespmem:s25], [sflag:$0x3], $0x80, s30, s23, $0xb8;
	[tilespmem:$0x1E200] =	vst v63  }
0x75: {  	_ =	swait.ge [sflag:s21], $0x4000  }
0x76: {  	[sflag:s21] =	ssyncset.done $0x0  }
0x77: {  	s14 =	simm.s32 $0x0;
	[sflag:s21] =	ssyncadd.s32 $0xFFFFC000  }
0x78: {  	[tilespmem:s14], [sflag:$0x3] =	stream.linear.gather [hbm4b:s12+s14], $0x1400, $0x38;
	[tilespmem:$0x1E200] =	vst v63  }
0x79: {  	_ =	swait.ge [sflag:s21], $0x1400  }
0x7a: {  	[sflag:s21] =	ssyncset.done $0x0  }
0x7b: {  	[sflag:s21] =	ssyncadd.s32 $0xFFFFEC00  }
0x7c: {  	[tilespmem:s22], [sflag:$0x3] =	stream.linear.gather [hbm4b:s13+s14], $0x1400, $0x38;
	[tilespmem:$0x1E200] =	vst v63  }
0x7d: {  	_ =	swait.ge [sflag:s21], $0x1400  }
0x7e: {  	[sflag:s21] =	ssyncset.done $0x0  }
0x7f: {  	[sflag:s21] =	ssyncadd.s32 $0xFFFFEC00  }
0x80: {  	[tilespmem:s24], [sflag:$0x1] =	stream.indirect.gather [hbm4b:s5+s23], $0x80, s14, s23, $0xb8;
	[tilespmem:$0x1E200] =	vst v63  }
0x81: {  	_ = 	snop  }
0x82: {  	[tilespmem:s25], [sflag:$0x2] =	stream.indirect.gather [hbm4b:s5+s23], $0x80, s23, s23, $0xb8;
	[tilespmem:$0x1E200] =	vst v63  }
0x83: {  	_ =	swait.ge [sflag:s26], $0x4000  }
0x84: {  	[sflag:s26] =	ssyncset.done $0x0  }
0x85: {  	s16 =	simm.s32 $0x1400;
	[sflag:s26] =	ssyncadd.s32 $0xFFFFC000  }
0x86: {  	[spmem:s2] =	stream.indirect.scatter.add.f32 [tilespmem:s24], [sflag:$0x3], $0x80, s16, s23, $0xb8;
	[tilespmem:$0x1E200] =	vst v63  }
0x87: {  	_ =	swait.ge [sflag:s21], $0x4000  }
0x88: {  	[sflag:s21] =	ssyncset.done $0x0  }
0x89: {  	s15 =	simm.s32 $0x100;
	[sflag:s21] =	ssyncadd.s32 $0xFFFFC000  }
0x8a: {  	[tilespmem:s24], [sflag:$0x1] =	stream.indirect.gather [hbm4b:s5+s23], $0x80, s15, s23, $0xb8;
	[tilespmem:$0x1E200] =	vst v63  }
0x8b: {  	_ =	swait.ge [sflag:s28], $0x4000  }
0x8c: {  	[sflag:s28] =	ssyncset.done $0x0  }
0x8d: {  	s16 =	simm.s32 $0x1480;
	[sflag:s28] =	ssyncadd.s32 $0xFFFFC000  }
0x8e: {  	[spmem:s2] =	stream.indirect.scatter.add.f32 [tilespmem:s25], [sflag:$0x3], $0x80, s16, s23, $0xb8;
	[tilespmem:$0x1E200] =	vst v63  }
0x8f: {  	_ =	swait.ge [sflag:s21], $0x4000  }
0x90: {  	[sflag:s21] =	ssyncset.done $0x0  }
0x91: {  	s14 =	simm.s32 $0x400;
	s15 =	simm.s32 $0x180;
	[sflag:s21] =	ssyncadd.s32 $0xFFFFC000  }
.LBB2_10:
0x92: {  	[tilespmem:s25], [sflag:$0x2] =	stream.indirect.gather [hbm4b:s5+s23], $0x80, s15, s23, $0xb8;
	[tilespmem:$0x1E200] =	vst v63  }
0x93: {  	s15 =	smov.u32 s14  }
0x94: {  	p2 =	sne.s32 s14, $0x4800;
	s14 =	sadd.s32 $0x400, s14;
	_ =	swait.ge [sflag:s26], $0x4000  }
0x95: {  	s15 =	sshra.s32 s15, $0x2;
	[sflag:s26] =	ssyncset.done $0x0  }
0x96: {  	s16 =	sadd.s32 $0x1400, s15;
	[sflag:s26] =	ssyncadd.s32 $0xFFFFC000  }
0x97: {  	[spmem:s2] =	stream.indirect.scatter.add.f32 [tilespmem:s24], [sflag:$0x3], $0x80, s16, s23, $0xb8;
	[tilespmem:$0x1E200] =	vst v63  }
0x98: {  	_ =	swait.ge [sflag:s21], $0x4000  }
0x99: {  	[sflag:s21] =	ssyncset.done $0x0  }
0x9a: {  	s16 =	sadd.s32 $0x100, s15;
	[sflag:s21] =	ssyncadd.s32 $0xFFFFC000  }
0x9b: {  	[tilespmem:s24], [sflag:$0x1] =	stream.indirect.gather [hbm4b:s5+s23], $0x80, s16, s23, $0xb8;
	[tilespmem:$0x1E200] =	vst v63  }
0x9c: {  	_ =	swait.ge [sflag:s28], $0x4000  }
0x9d: {  	[sflag:s28] =	ssyncset.done $0x0  }
.Ltmp4:
0x9e: {  	s16 =	sadd.s32 $0x1480, s15;
	[sflag:s28] =	ssyncadd.s32 $0xFFFFC000;
	(pc) =	sbr.rel @p2 .LBB2_10-.Ltmp4, $4  }
0x9f: {  	[spmem:s2] =	stream.indirect.scatter.add.f32 [tilespmem:s25], [sflag:$0x3], $0x80, s16, s23, $0xb8;
	[tilespmem:$0x1E200] =	vst v63  }
0xa0: {  	_ =	swait.ge [sflag:s21], $0x4000  }
0xa1: {  	[sflag:s21] =	ssyncset.done $0x0  }
0xa2: {  	s15 =	sadd.s32 $0x180, s15;
	[sflag:s21] =	ssyncadd.s32 $0xFFFFC000  }
.Ltmp5:
0xa3: {  	_ = 	snop;
	(pc) =	sbr.rel .LBB2_11-.Ltmp5, $1  }
0xa4: {  	_ =	sdelay $0x3  }
.LBB2_2:
0xa5: {  	[tilespmem:s24], [sflag:$0x1] =	stream.indirect.gather [hbm4b:s1+s23], $0x80, s4, s23, $0xb8;
	[tilespmem:$0x1E200] =	vst v63  }
0xa6: {  	s14 =	simm.s32 @p1 $0x1FC3;
	s15 =	rddreg [dreg:$0x5]  }
0xa7: {  	[tilespmem:s25], [sflag:$0x2] =	stream.indirect.gather [hbm4b:s1+s23], $0x80, s23, s23, $0xb8;
	[tilespmem:$0x1E200] =	vst v63  }
0xa8: {  	[spmem:s11], [sflag:s14] =	dma.local @p1 [hbm:s15], $0x1900  }
0xa9: {  	s14 =	simm.s32 @p1 $0x3  }
0xaa: {  	_ =	swait.ge @p1 [sflag:s14], $0x1900  }
0xab: {  	[sflag:s14] =	ssyncset.done @p1 $0x0  }
0xac: {  	[sflag:s14] =	ssyncadd.s32 @p1 $0xFFFFE700;
	s14 =	rddreg [dreg:$0x4]  }
0xad: {  	[spmem:s0], [sflag:s9] =	dma.local @!p1 [hbm:s14], $0x2800  }
0xae: {  	s14 =	simm.s32 @!p1 $0x3  }
0xaf: {  	_ =	swait.ge @!p1 [sflag:s14], $0x2800  }
0xb0: {  	[sflag:s14] =	ssyncset.done @!p1 $0x0  }
0xb1: {  	[sflag:s14] =	ssyncadd.s32 @!p1 $0xFFFFD800  }
0xb2: {  	[bflag:$0x0] =	sbarrier.arrive $0xFFFF  }
0xb3: {  	_ =	swait.ge [sflag:s26], $0x4000  }
0xb4: {  	[sflag:s26] =	ssyncset.done $0x0  }
0xb5: {  	s16 =	simm.s32 $0x1400;
	[sflag:s26] =	ssyncadd.s32 $0xFFFFC000  }
0xb6: {  	[spmem:s2] =	stream.indirect.scatter.add.f32 [tilespmem:s24], [sflag:$0x3], $0x80, s16, s23, $0xb8;
	[tilespmem:$0x1E200] =	vst v63  }
0xb7: {  	_ =	swait.ge [sflag:s21], $0x4000  }
0xb8: {  	[sflag:s21] =	ssyncset.done $0x0  }
0xb9: {  	s15 =	simm.s32 $0x100;
	[sflag:s21] =	ssyncadd.s32 $0xFFFFC000  }
0xba: {  	[tilespmem:s24], [sflag:$0x1] =	stream.indirect.gather [hbm4b:s1+s23], $0x80, s15, s23, $0xb8;
	[tilespmem:$0x1E200] =	vst v63  }
0xbb: {  	_ =	swait.ge [sflag:s28], $0x4000  }
0xbc: {  	[sflag:s28] =	ssyncset.done $0x0  }
0xbd: {  	s16 =	simm.s32 $0x1480;
	[sflag:s28] =	ssyncadd.s32 $0xFFFFC000  }
0xbe: {  	[spmem:s2] =	stream.indirect.scatter.add.f32 [tilespmem:s25], [sflag:$0x3], $0x80, s16, s23, $0xb8;
	[tilespmem:$0x1E200] =	vst v63  }
0xbf: {  	_ =	swait.ge [sflag:s21], $0x4000  }
0xc0: {  	[sflag:s21] =	ssyncset.done $0x0  }
0xc1: {  	s14 =	simm.s32 $0x400;
	s15 =	simm.s32 $0x180;
	[sflag:s21] =	ssyncadd.s32 $0xFFFFC000  }
.LBB2_3:
0xc2: {  	[tilespmem:s25], [sflag:$0x2] =	stream.indirect.gather [hbm4b:s1+s23], $0x80, s15, s23, $0xb8;
	[tilespmem:$0x1E200] =	vst v63  }
0xc3: {  	s15 =	smov.u32 s14  }
0xc4: {  	p2 =	sne.s32 s14, $0x4800;
	s14 =	sadd.s32 $0x400, s14;
	_ =	swait.ge [sflag:s26], $0x4000  }
0xc5: {  	s15 =	sshra.s32 s15, $0x2;
	[sflag:s26] =	ssyncset.done $0x0  }
0xc6: {  	s16 =	sadd.s32 $0x1400, s15;
	[sflag:s26] =	ssyncadd.s32 $0xFFFFC000  }
0xc7: {  	[spmem:s2] =	stream.indirect.scatter.add.f32 [tilespmem:s24], [sflag:$0x3], $0x80, s16, s23, $0xb8;
	[tilespmem:$0x1E200] =	vst v63  }
0xc8: {  	_ =	swait.ge [sflag:s21], $0x4000  }
0xc9: {  	[sflag:s21] =	ssyncset.done $0x0  }
0xca: {  	s16 =	sadd.s32 $0x100, s15;
	[sflag:s21] =	ssyncadd.s32 $0xFFFFC000  }
0xcb: {  	[tilespmem:s24], [sflag:$0x1] =	stream.indirect.gather [hbm4b:s1+s23], $0x80, s16, s23, $0xb8;
	[tilespmem:$0x1E200] =	vst v63  }
0xcc: {  	_ =	swait.ge [sflag:s28], $0x4000  }
0xcd: {  	[sflag:s28] =	ssyncset.done $0x0  }
.Ltmp6:
0xce: {  	s16 =	sadd.s32 $0x1480, s15;
	[sflag:s28] =	ssyncadd.s32 $0xFFFFC000;
	(pc) =	sbr.rel @p2 .LBB2_3-.Ltmp6, $4  }
0xcf: {  	[spmem:s2] =	stream.indirect.scatter.add.f32 [tilespmem:s25], [sflag:$0x3], $0x80, s16, s23, $0xb8;
	[tilespmem:$0x1E200] =	vst v63  }
0xd0: {  	_ =	swait.ge [sflag:s21], $0x4000  }
0xd1: {  	[sflag:s21] =	ssyncset.done $0x0  }
0xd2: {  	s15 =	sadd.s32 $0x180, s15;
	[sflag:s21] =	ssyncadd.s32 $0xFFFFC000  }
0xd3: {  	[tilespmem:s25], [sflag:$0x2] =	stream.indirect.gather [hbm4b:s1+s23], $0x80, s15, s23, $0xb8;
	[tilespmem:$0x1E200] =	vst v63  }
0xd4: {  	_ =	swait.ge [sflag:s26], $0x4000  }
0xd5: {  	[sflag:s26] =	ssyncset.done $0x0  }
0xd6: {  	[sflag:s26] =	ssyncadd.s32 $0xFFFFC000  }
0xd7: {  	[spmem:s2] =	stream.indirect.scatter.add.f32 [tilespmem:s24], [sflag:$0x3], $0x80, s29, s23, $0xb8;
	[tilespmem:$0x1E200] =	vst v63  }
0xd8: {  	_ =	swait.ge [sflag:s21], $0x4000  }
0xd9: {  	[sflag:s21] =	ssyncset.done $0x0  }
0xda: {  	[sflag:s21] =	ssyncadd.s32 $0xFFFFC000  }
0xdb: {  	_ =	swait.ge [sflag:s28], $0x4000  }
0xdc: {  	[sflag:s28] =	ssyncset.done $0x0  }
0xdd: {  	[sflag:s28] =	ssyncadd.s32 $0xFFFFC000  }
0xde: {  	[spmem:s2] =	stream.indirect.scatter.add.f32 [tilespmem:s25], [sflag:$0x3], $0x80, s30, s23, $0xb8;
	[tilespmem:$0x1E200] =	vst v63  }
0xdf: {  	_ =	swait.ge [sflag:s21], $0x4000  }
0xe0: {  	[sflag:s21] =	ssyncset.done $0x0  }
0xe1: {  	s14 =	simm.s32 $0x0;
	[sflag:s21] =	ssyncadd.s32 $0xFFFFC000  }
0xe2: {  	[tilespmem:s14], [sflag:$0x3] =	stream.linear.gather [hbm4b:s12+s14], $0x1400, $0x38;
	[tilespmem:$0x1E200] =	vst v63  }
0xe3: {  	_ =	swait.ge [sflag:s21], $0x1400  }
0xe4: {  	[sflag:s21] =	ssyncset.done $0x0  }
0xe5: {  	[sflag:s21] =	ssyncadd.s32 $0xFFFFEC00  }
0xe6: {  	[tilespmem:s22], [sflag:$0x3] =	stream.linear.gather [hbm4b:s13+s14], $0x1400, $0x38;
	[tilespmem:$0x1E200] =	vst v63  }
0xe7: {  	_ =	swait.ge [sflag:s21], $0x1400  }
0xe8: {  	[sflag:s21] =	ssyncset.done $0x0  }
0xe9: {  	[sflag:s21] =	ssyncadd.s32 $0xFFFFEC00  }
0xea: {  	[tilespmem:s24], [sflag:$0x1] =	stream.indirect.gather [hbm4b:s1+s23], $0x80, s14, s23, $0xb8;
	[tilespmem:$0x1E200] =	vst v63  }
0xeb: {  	_ = 	snop  }
0xec: {  	[tilespmem:s25], [sflag:$0x2] =	stream.indirect.gather [hbm4b:s1+s23], $0x80, s23, s23, $0xb8;
	[tilespmem:$0x1E200] =	vst v63  }
0xed: {  	_ =	swait.ge [sflag:s26], $0x4000  }
0xee: {  	[sflag:s26] =	ssyncset.done $0x0  }
0xef: {  	s16 =	simm.s32 $0x1400;
	[sflag:s26] =	ssyncadd.s32 $0xFFFFC000  }
0xf0: {  	[spmem:s2] =	stream.indirect.scatter.add.f32 [tilespmem:s24], [sflag:$0x3], $0x80, s16, s23, $0xb8;
	[tilespmem:$0x1E200] =	vst v63  }
0xf1: {  	_ =	swait.ge [sflag:s21], $0x4000  }
0xf2: {  	[sflag:s21] =	ssyncset.done $0x0  }
0xf3: {  	s15 =	simm.s32 $0x100;
	[sflag:s21] =	ssyncadd.s32 $0xFFFFC000  }
0xf4: {  	[tilespmem:s24], [sflag:$0x1] =	stream.indirect.gather [hbm4b:s1+s23], $0x80, s15, s23, $0xb8;
	[tilespmem:$0x1E200] =	vst v63  }
0xf5: {  	_ =	swait.ge [sflag:s28], $0x4000  }
0xf6: {  	[sflag:s28] =	ssyncset.done $0x0  }
0xf7: {  	s16 =	simm.s32 $0x1480;
	[sflag:s28] =	ssyncadd.s32 $0xFFFFC000  }
0xf8: {  	[spmem:s2] =	stream.indirect.scatter.add.f32 [tilespmem:s25], [sflag:$0x3], $0x80, s16, s23, $0xb8;
	[tilespmem:$0x1E200] =	vst v63  }
0xf9: {  	_ =	swait.ge [sflag:s21], $0x4000  }
0xfa: {  	[sflag:s21] =	ssyncset.done $0x0  }
0xfb: {  	s14 =	simm.s32 $0x400;
	s15 =	simm.s32 $0x180;
	[sflag:s21] =	ssyncadd.s32 $0xFFFFC000  }
.LBB2_5:
0xfc: {  	[tilespmem:s25], [sflag:$0x2] =	stream.indirect.gather [hbm4b:s1+s23], $0x80, s15, s23, $0xb8;
	[tilespmem:$0x1E200] =	vst v63  }
0xfd: {  	s15 =	smov.u32 s14  }
0xfe: {  	p2 =	sne.s32 s14, $0x4800;
	s14 =	sadd.s32 $0x400, s14;
	_ =	swait.ge [sflag:s26], $0x4000  }
0xff: {  	s15 =	sshra.s32 s15, $0x2;
	[sflag:s26] =	ssyncset.done $0x0  }
0x100: {  	s16 =	sadd.s32 $0x1400, s15;
	[sflag:s26] =	ssyncadd.s32 $0xFFFFC000  }
0x101: {  	[spmem:s2] =	stream.indirect.scatter.add.f32 [tilespmem:s24], [sflag:$0x3], $0x80, s16, s23, $0xb8;
	[tilespmem:$0x1E200] =	vst v63  }
0x102: {  	_ =	swait.ge [sflag:s21], $0x4000  }
0x103: {  	[sflag:s21] =	ssyncset.done $0x0  }
0x104: {  	s16 =	sadd.s32 $0x100, s15;
	[sflag:s21] =	ssyncadd.s32 $0xFFFFC000  }
0x105: {  	[tilespmem:s24], [sflag:$0x1] =	stream.indirect.gather [hbm4b:s1+s23], $0x80, s16, s23, $0xb8;
	[tilespmem:$0x1E200] =	vst v63  }
0x106: {  	_ =	swait.ge [sflag:s28], $0x4000  }
0x107: {  	[sflag:s28] =	ssyncset.done $0x0  }
.Ltmp7:
0x108: {  	s16 =	sadd.s32 $0x1480, s15;
	[sflag:s28] =	ssyncadd.s32 $0xFFFFC000;
	(pc) =	sbr.rel @p2 .LBB2_5-.Ltmp7, $4  }
0x109: {  	[spmem:s2] =	stream.indirect.scatter.add.f32 [tilespmem:s25], [sflag:$0x3], $0x80, s16, s23, $0xb8;
	[tilespmem:$0x1E200] =	vst v63  }
0x10a: {  	_ =	swait.ge [sflag:s21], $0x4000  }
0x10b: {  	[sflag:s21] =	ssyncset.done $0x0  }
0x10c: {  	s15 =	sadd.s32 $0x180, s15;
	[sflag:s21] =	ssyncadd.s32 $0xFFFFC000  }
0x10d: {  	[tilespmem:s25], [sflag:$0x2] =	stream.indirect.gather [hbm4b:s1+s23], $0x80, s15, s23, $0xb8;
	[tilespmem:$0x1E200] =	vst v63  }
0x10e: {  	_ =	swait.ge [sflag:s26], $0x4000  }
0x10f: {  	[sflag:s26] =	ssyncset.done $0x0  }
0x110: {  	[sflag:s26] =	ssyncadd.s32 $0xFFFFC000  }
0x111: {  	[spmem:s2] =	stream.indirect.scatter.add.f32 [tilespmem:s24], [sflag:$0x3], $0x80, s29, s23, $0xb8;
	[tilespmem:$0x1E200] =	vst v63  }
0x112: {  	_ =	swait.ge [sflag:s21], $0x4000  }
0x113: {  	[sflag:s21] =	ssyncset.done $0x0  }
0x114: {  	[sflag:s21] =	ssyncadd.s32 $0xFFFFC000  }
0x115: {  	_ =	swait.ge [sflag:s28], $0x4000  }
0x116: {  	[sflag:s28] =	ssyncset.done $0x0  }
0x117: {  	[sflag:s28] =	ssyncadd.s32 $0xFFFFC000  }
0x118: {  	[spmem:s2] =	stream.indirect.scatter.add.f32 [tilespmem:s25], [sflag:$0x3], $0x80, s30, s23, $0xb8;
	[tilespmem:$0x1E200] =	vst v63  }
0x119: {  	_ =	swait.ge [sflag:s21], $0x4000  }
0x11a: {  	[sflag:s21] =	ssyncset.done $0x0  }
0x11b: {  	[sflag:s21] =	ssyncadd.s32 $0xFFFFC000  }
0x11c: {  	[bflag:$0x0] =	sbarrier.arrive $0xFFFF  }
0x11d: {  	s14 =	simm.s32 @p1 $0x1FC3;
	s15 =	rddreg [dreg:$0x7]  }
0x11e: {  	[hbm:s15], [sflag:s14] =	dma.local @p1 [spmem:s11], $0x1900  }
0x11f: {  	s11 =	simm.s32 @p1 $0x3  }
0x120: {  	_ =	swait.ge @p1 [sflag:s11], $0x1900  }
0x121: {  	[sflag:s11] =	ssyncset.done @p1 $0x0  }
0x122: {  	[sflag:s11] =	ssyncadd.s32 @p1 $0xFFFFE700;
	s11 =	rddreg [dreg:$0x6]  }
0x123: {  	[hbm:s11], [sflag:s9] =	dma.local @!p1 [spmem:s0], $0x2800  }
.Ltmp8:
0x124: {  	_ = 	snop;
	(pc) =	sbr.rel .LBB2_12-.Ltmp8, $4  }
0x125: {  	s0 =	simm.s32 @!p1 $0x3  }
0x126: {  	_ =	swait.ge @!p1 [sflag:s0], $0x2800  }
0x127: {  	[sflag:s0] =	ssyncset.done @!p1 $0x0  }
0x128: {  	[sflag:s0] =	ssyncadd.s32 @!p1 $0xFFFFD800  }
.LBB2_13:
0x129: {  	_ =	sfence.sel $0x180000  }
0x12a: {  	[bflag:$0x0] =	sbarrier.arrive $0xFFFF  }
0x12b: {  	_ =	strace $0x9000004D  }
0x12c: {  	[bflag:$0x2] =	sbarrier.arrive $0xFFFF  }
0x12d: {  	p0 =	sne.s32 s3, $0x0;
	s0 =	rddreg [dreg:$0x3]  }
0x12e: {  	s0 =	sadd.s32 @!p0 $0x100000, s0  }
0x12f: {  	[sflag:s0] =	ssyncadd.tile.s32 @!p0 $0x1;
	_ =	shalt  }
.Lfunc_end2:
_tile_overlayer_lowered:
.L_overlay_start_2:
0x130: {  	(tag) =	ssettag $0x2  }
0x131: {  	s0 =	rddreg [dreg:$0x0];
	s2 =	stileid.u32  }
0x132: {  	s1 =	rddreg [dreg:$0x1];
	p0 =	sne.s32 s2, $0x0  }
0x133: {  	s3 =	rddreg [dreg:$0x2];
	[bflag:$0x3] =	sbarrier.arrive $0xFFFF;
	s2 =	simm.s32 @!p0 $0x1C03  }
0x134: {  	[timem:s3], [sflag:s2] =	dma.local @!p0 [hbm:s0], s1  }
0x135: {  	s0 =	simm.s32 @!p0 $0x3  }
0x136: {  	_ =	swait.ge @!p0 [sflag:s0], s1  }
0x137: {  	s1 =	ssub.s32 @!p0 $0x0, s1;
	[sflag:s0] =	ssyncset.done @!p0 $0x0  }
0x138: {  	[sflag:s0] =	ssyncadd.s32 @!p0 s1  }
0x139: {  	[bflag:$0x3] =	sbarrier.arrive $0xFFFF  }
0x13a: {  	_ =	shalt  }

// kernel: kernel.19.cloned.1.call-start
scs
__scs_entry_jumppad:
0x0: {  	(pc) =	sbr.rel $0x88, $3  }
0x1: {  	(tag) =	ssettag $0x0;
	lr =	simm.s32 $0x1  }
0x2: {  	[smem:$0x3F8F] =	sst lr;
	_ =	strace $0xD0000000  }
0x3: {  	_ = 	snop  }
0x4: {  	_ = 	snop  }
0x5: {  	_ = 	snop  }
0x6: {  	_ = 	snop  }
0x7: {  	_ = 	snop  }
__scs_overlays_trampoline_lowered:
0x8: {  	[smem:$0x3F9E] =	sst s0  }
0x9: {  	[smem:$0x3F9F] =	sst s1  }
0xa: {  	[smem:$0x3FA0] =	sst s2  }
0xb: {  	[smem:$0x3FA1] =	sst s3  }
0xc: {  	[smem:$0x3FA2] =	sst s4  }
0xd: {  	[smem:$0x3FA3] =	sst s5  }
0xe: {  	[smem:$0x3FA4] =	sst s6  }
0xf: {  	[smem:$0x3FA5] =	sst s7  }
0x10: {  	[smem:$0x3FA6] =	sst s8  }
0x11: {  	[smem:$0x3FA7] =	sst s9;
	s0 =	simm.s32 @!p0 $0x0  }
0x12: {  	s1 =	sld [smem:$0x3F8D];
	s0 =	simm.s32 @p0 $0x1  }
0x13: {  	[smem:$0x3FA8] =	sst s0;
	s0 =	simm.s32 @!p1 $0x0  }
0x14: {  	s2 =	sld [smem:$0x3F8C];
	s0 =	simm.s32 @p1 $0x1  }
0x15: {  	[smem:$0x3FA9] =	sst s0;
	s0 =	simm.s32 @!p2 $0x0  }
0x16: {  	s3 =	sld [smem:$0x3FDB];
	s0 =	simm.s32 @p2 $0x1  }
0x17: {  	s4 =	simm.s32 $0x1BF5;
	[smem:$0x3FAB] =	sst s0  }
0x18: {  	s0 =	sld [smem:$0x3F8E];
	_ =	swait.ge [sflag:s4], $0x0  }
0x19: {  	s7 =	sld [smem:$0x3F8F]  }
0x1a: {  	s8 =	sadd.s32 $0xFFFFE003, lr  }
0x1b: {  	s9 =	sadd.s32 $0xFFFFFEF7, lr;
	s5 =	simm.s32 $0xFFFFFFFF;
	p2 =	slt.u32 s8, $0xFFFFF086  }
0x1c: {  	p1 =	slt.u32 s9, $0xF7A;
	s5 =	simm.s32 @!p2 $0x0  }
0x1d: {  	s5 =	simm.s32 @p1 $0x1;
	p0 =	seq.s32 s7, s2  }
0x1e: {  	s7 =	smul.u32 @!p0 $0xF7A, s2;
	p2 =	seq.s32 @!p0 s5, $0x0  }
0x1f: {  	s9 =	smul.u32 $0xF7A, s1;
	s8 =	simm.s32 @!p0 $0x1BF5;
	p2 =	por !p2, p0  }
0x20: {  	[sflag:s8] =	ssyncset.s32 @!p0 $0xFFFFF086;
	s6 =	sadd.s32 @!p0 s3, s7;
	s7 =	simm.s32 @!p0 $0x108  }
0x21: {  	s3 =	sadd.s32 s3, s9;
	s6 =	sadd.s32 @!p0 $0x88, s6;
	s7 =	simm.s32 @p2 $0x1082  }
0x22: {  	[simem:s7], [sflag:s8] =	dma.local @!p0 [hbm:s6], $0xF7A  }
0x23: {  	s9 =	sor.u32 $0xD0000000, s2;
	s6 =	simm.s32 $0x108;
	_ =	swait.ge @!p0 [sflag:s8], $0x0  }
0x24: {  	s3 =	sadd.s32 $0x88, s3;
	s6 =	simm.s32 @!p1 $0x1082;
	[sflag:s4] =	ssyncset.s32 $0xFFFFF086  }
0x25: {  	[simem:s6], [sflag:s4] =	dma.local [hbm:s3], $0xF7A  }
0x26: {  	[smem:$0x3F8F] =	sst s1;
	(tag) =	ssettag s2;
	_ =	strace s9  }
0x27: {  	s1 =	sld [smem:$0x3F9F]  }
0x28: {  	s2 =	sld [smem:$0x3FA0]  }
0x29: {  	s4 =	sld [smem:$0x3FA2]  }
0x2a: {  	p0 =	seq.s32 s5, $0x0;
	s5 =	sld [smem:$0x3FA3]  }
0x2b: {  	s6 =	sld [smem:$0x3FA4]  }
0x2c: {  	s7 =	sld [smem:$0x3FA5]  }
0x2d: {  	s3 =	simm.s32 $0x108;
	s8 =	sld [smem:$0x3FA6]  }
0x2e: {  	s3 =	simm.s32 @!p0 $0x1082;
	s9 =	sld [smem:$0x3FA7]  }
0x2f: {  	lr =	sadd.s32 s0, s3;
	s0 =	sld [smem:$0x3F9E]  }
0x30: {  	s3 =	sld [smem:$0x3FA1]  }
0x31: {  	[smem:$0x3FAA] =	sst s10  }
0x32: {  	s10 =	sld [smem:$0x3FA8];
	_ =	sdelay $0x3  }
0x33: {  	p0 =	seq.s32 s10, $0x1;
	s10 =	sld [smem:$0x3FAA];
	_ =	sdelay $0x3  }
0x34: {  	[smem:$0x3FAA] =	sst s10  }
0x35: {  	s10 =	sld [smem:$0x3FA9];
	_ =	sdelay $0x3  }
0x36: {  	p1 =	seq.s32 s10, $0x1;
	s10 =	sld [smem:$0x3FAA];
	_ =	sdelay $0x3  }
0x37: {  	[smem:$0x3FAA] =	sst s10  }
0x38: {  	s10 =	sld [smem:$0x3FAB]  }
0x39: {  	_ = 	snop;
	(pc) =	sbr.ind lr, $3  }
0x3a: {  	_ = 	snop  }
0x3b: {  	_ = 	snop  }
0x3c: {  	p2 =	seq.s32 s10, $0x1;
	s10 =	sld [smem:$0x3FAA]  }
0x3d: {  	_ =	shalt  }
0x3e: {  	_ =	shalt  }
0x3f: {  	_ =	shalt  }
0x40: {  	_ =	shalt  }
0x41: {  	_ =	shalt  }
0x42: {  	_ =	shalt  }
0x43: {  	_ =	shalt  }
0x44: {  	_ =	shalt  }
0x45: {  	_ =	shalt  }
0x46: {  	_ =	shalt  }
0x47: {  	_ =	shalt  }
0x48: {  	_ =	shalt  }
0x49: {  	_ =	shalt  }
0x4a: {  	_ =	shalt  }
0x4b: {  	_ =	shalt  }
0x4c: {  	_ =	shalt  }
0x4d: {  	_ =	shalt  }
0x4e: {  	_ =	shalt  }
0x4f: {  	_ =	shalt  }
0x50: {  	_ =	shalt  }
0x51: {  	_ =	shalt  }
0x52: {  	_ =	shalt  }
0x53: {  	_ =	shalt  }
0x54: {  	_ =	shalt  }
0x55: {  	_ =	shalt  }
0x56: {  	_ =	shalt  }
0x57: {  	_ =	shalt  }
0x58: {  	_ =	shalt  }
0x59: {  	_ =	shalt  }
0x5a: {  	_ =	shalt  }
0x5b: {  	_ =	shalt  }
0x5c: {  	_ =	shalt  }
0x5d: {  	_ =	shalt  }
0x5e: {  	_ =	shalt  }
0x5f: {  	_ =	shalt  }
0x60: {  	_ =	shalt  }
0x61: {  	_ =	shalt  }
0x62: {  	_ =	shalt  }
0x63: {  	_ =	shalt  }
0x64: {  	_ =	shalt  }
0x65: {  	_ =	shalt  }
0x66: {  	_ =	shalt  }
0x67: {  	_ =	shalt  }
0x68: {  	_ =	shalt  }
0x69: {  	_ =	shalt  }
0x6a: {  	_ =	shalt  }
0x6b: {  	_ =	shalt  }
0x6c: {  	_ =	shalt  }
0x6d: {  	_ =	shalt  }
0x6e: {  	_ =	shalt  }
0x6f: {  	_ =	shalt  }
0x70: {  	_ =	shalt  }
0x71: {  	_ =	shalt  }
0x72: {  	_ =	shalt  }
0x73: {  	_ =	shalt  }
0x74: {  	_ =	shalt  }
0x75: {  	_ =	shalt  }
0x76: {  	_ =	shalt  }
0x77: {  	_ =	shalt  }
0x78: {  	_ =	shalt  }
0x79: {  	_ =	shalt  }
0x7a: {  	_ =	shalt  }
0x7b: {  	_ =	shalt  }
0x7c: {  	_ =	shalt  }
0x7d: {  	_ =	shalt  }
0x7e: {  	_ =	shalt  }
0x7f: {  	_ =	shalt  }
0x80: {  	_ =	shalt  }
0x81: {  	_ =	shalt  }
0x82: {  	_ =	shalt  }
0x83: {  	_ =	shalt  }
0x84: {  	_ =	shalt  }
0x85: {  	_ =	shalt  }
0x86: {  	_ =	shalt  }
0x87: {  	_ =	shalt  }
.Lfunc_end0:
.L_simem_size_0:
called_computation.3_lowered:
.L_overlay_start_0:
0x88: {  	s2 =	sld [smem:$0x3FD9]  }
0x89: {  	s3 =	sld [smem:$0x3FFE];
	_ =	sdelay $0x1  }
0x8a: {  	s1 =	srdreg.scid  }
0x8b: {  	s0 =	sand.u32 $0x1, s1  }
0x8c: {  	s17 =	sshll.u32 s0, $0xA;
	s2 =	sadd.s32 s3, s2  }
0x8d: {  	s2 =	sadd.s32 s2, s17  }
0x8e: {  	[smem:$0x3FB6] =	sst s2  }
0x8f: {  	_ = 	snop  }
0x90: {  	s2 =	sld [smem:$0x3FD0];
	(tm) =	ssettm $0x1  }
0x91: {  	s18 =	sld [smem:$0x3FFB];
	_ =	sdelay $0x3  }
0x92: {  	_ =	strace s18  }
0x93: {  	s3 =	sld [smem:$0x3FFC];
	_ =	sdelay $0x3  }
0x94: {  	_ =	strace s3  }
0x95: {  	s3 =	sld [smem:$0x3FFD];
	_ =	sdelay $0x3  }
0x96: {  	_ =	strace s3  }
0x97: {  	_ =	strace $0x8FFFFFFF  }
0x98: {  	s19 =	sld [smem:$0x3FDB];
	_ =	sdelay $0x1  }
0x99: {  	s4 =	simm.s32 $_scs_section_size  }
0x9a: {  	s5 =	simm.s32 $_size__tile_overlayer_lowered;
	s6 =	simm.s32 $_tile_overlayer_lowered  }
0x9b: {  	s22 =	simm.s32 $0x1BFF;
	s21 =	sshll.u32 s6, $0x1;
	s3 =	sadd.s32 s4, s19  }
0x9c: {  	s7 =	simm.s32 $0x0;
	s20 =	sshll.u32 s5, $0x1;
	s5 =	sadd.s32 s21, s3  }
0x9d: {  	[timem:s7], [sflag:s22] =	dma.local [hbm:s5], s20  }
0x9e: {  	_ =	swait.ge [sflag:s22], s20  }
0x9f: {  	s4 =	ssub.s32 $0x0, s20;
	[sflag:s22] =	ssyncset.done $0x0  }
0xa0: {  	[sflag:s22] =	ssyncadd.s32 s4;
	_ =	sdelay $0x1  }
0xa1: {  	s23 =	simm.s32 $0x1B8B  }
0xa2: {  	_ =	swait.ge [sflag:s23], $0x1  }
0xa3: {  	[sflag:s23] =	ssyncset.done $0x0  }
0xa4: {  	s25 =	simm.s32 $0x1B8E;
	s24 =	sld [smem:$0x3FFE];
	[sflag:s23] =	ssyncadd.s32 $0xFFFFFFFF  }
0xa5: {  	s26 =	simm.s32 $execute0_lowered;
	[smem:$0x3FD2] =	sst s25  }
0xa6: {  	s5 =	sshll.u32 s26, $0x1;
	_ =	strace $0x8000004F;
	[dreg:$0x1] =	wrdreg $0xFFFFFFFF  }
0xa7: {  	s28 =	simm.s32 $_size_execute0_lowered;
	s3 =	sadd.s32 s3, s5;
	[dreg:$0x0] =	wrdreg $0x0  }
0xa8: {  	s5 =	sshll.u32 s28, $0x1;
	[dreg:$0x2] =	wrdreg s3  }
0xa9: {  	[dreg:$0x3] =	wrdreg s5  }
0xaa: {  	[dreg:$0x4] =	wrdreg $0xC0  }
0xab: {  	_ =	task [dreg:s7], $0x5FFFF  }
0xac: {  	[dreg:$0x1] =	wrdreg $0xFFFFFFFF  }
0xad: {  	[dreg:$0x0] =	wrdreg $0x60  }
0xae: {  	[dreg:$0x2] =	wrdreg s2  }
0xaf: {  	[dreg:$0x3] =	wrdreg s24  }
0xb0: {  	[dreg:$0x4] =	wrdreg $0xA8000  }
0xb1: {  	[dreg:$0x5] =	wrdreg $0x9  }
0xb2: {  	_ =	task.clear_ibuf [dreg:s7], $0x6FFFF;
	_ =	strace $0x9000004F  }
0xb3: {  	s29 =	simm.s32 $0x9;
	_ =	strace $0x80000051  }
0xb4: {  	_ =	swait.ge [sflag:s29], $0x1  }
0xb5: {  	[sflag:s29] =	ssyncadd.s32 $0xFFFFFFFF  }
0xb6: {  	_ =	strace $0x90000051  }
0xb7: {  	_ =	sfence  }
0xb8: {  	s30 =	sld [smem:$0x0];
	_ =	sdelay $0x2  }
0xb9: {  	s31 =	sshll.u32 s1, $0xD;
	s1 =	sshrl.u32 s1, $0x2  }
0xba: {  	s3 =	sand.u32 $0x4000, s31;
	s1 =	sadd.s32 s1, s30  }
0xbb: {  	s0 =	sor.u32 s3, s0;
	s1 =	sshll.u32 s1, $0x11  }
0xbc: {  	s0 =	sor.u32 s1, s0  }
0xbd: {  	s0 =	sadd.s32 $0x8F2B, s0  }
0xbe: {  	[sflag:s0] =	ssyncadd.remote.s32 $0x1  }
0xbf: {  	_ =	sfence.sel $0xFFFF  }
0xc0: {  	[dreg:$0x0] =	wrdreg $0xFFFFFFFF;
	(pc) =	sbr.abs _section_cstart, $3  }
0xc1: {  	[dreg:$0x1] =	wrdreg $0xFFFFFFFF  }
0xc2: {  	_ =	task.clear_ibuf [dreg:s7], $0x2FFFF;
	_ =	strace $0x9FFFFFFF  }
0xc3: {  	(tm) =	ssettm $0x7FFFFFFF  }
tec
execute0_lowered:
.L_overlay_start_1:
0x0: {  	(tag) =	ssettag $0x1  }
0x1: {  	s1 =	rddreg [dreg:$0x0]  }
0x2: {  	s0 =	rddreg [dreg:$0x1]  }
0x3: {  	s2 =	rddreg [dreg:$0x2]  }
0x4: {  	s4 =	simm.s32 $0x0;
	s5 =	srdreg.scid;
	s3 =	stileid.u32  }
0x5: {  	s21 =	simm.s32 $0x3;
	s28 =	simm.s32 $0x2;
	s29 =	simm.s32 $0x2700  }
0x6: {  	s30 =	simm.s32 $0x2780;
	s31 =	simm.s32 $0x0;
	[smem:$0x7FF] =	sst s4  }
0x7: {  	s6 =	sand.u32 $0x1, s5;
	s5 =	sadd.s32 $0x5E00, s0;
	s9 =	smul.u32 $0x2800, s3  }
0x8: {  	s11 =	sadd.s32 $0x2D000, s0;
	s10 =	smul.u32 $0x50000, s3;
	s13 =	sadd.s32 $0x32000, s0  }
0x9: {  	s24 =	sadd.s32 $0x25800, s1;
	s26 =	sadd.s32 $0x5C800, s0;
	s17 =	sadd.s32 $0x2B600, s0  }
0xa: {  	s19 =	sadd.s32 $0x83A00, s0;
	p1 =	seq.s32 s3, $0xF;
	_ =	strace $0x80000050  }
0xb: {  	s7 =	ssub.s32 $0x2, s6;
	p0 =	seq.s32 s6, $0x1;
	[dreg:$0x5] =	wrdreg s24  }
0xc: {  	[dreg:$0x7] =	wrdreg s26;
	s24 =	simm.s32 $0x2800;
	s26 =	simm.s32 $0x1  }
0xd: {  	s8 =	sshrl.u32 s7, $0x1;
	s14 =	sadd.s32 s9, s0;
	s12 =	sshrl.u32 s9, $0x3  }
0xe: {  	s22 =	sshrl.u32 s10, $0x2;
	s23 =	sadd.s32 s1, s9;
	s10 =	sadd.s32 $0x12C000, s2  }
0xf: {  	s9 =	sadd.s32 s5, s9;
	s15 =	ssub.s32 s7, s8;
	s6 =	sadd.s32 s11, s12  }
.Ltmp0:
0x10: {  	s7 =	sadd.s32 s13, s12;
	s8 =	sadd.s32 s22, s2;
	(pc) =	sbr.rel .LBB2_1-.Ltmp0, $4  }
0x11: {  	[dreg:$0x4] =	wrdreg s23;
	s16 =	sadd.s32 $0x280, s12;
	s25 =	sadd.s32 $0x37000, s14  }
0x12: {  	[dreg:$0x8] =	wrdreg s9;
	s18 =	sadd.s32 $0x5E200, s14;
	s22 =	simm.s32 $0x1400  }
0x13: {  	s23 =	simm.s32 $0x80;
	s12 =	sadd.s32 s11, s16;
	s13 =	sadd.s32 s13, s16  }
0x14: {  	[dreg:$0x6] =	wrdreg s25;
	s20 =	smax.u32 s15, $0x1;
	s25 =	simm.s32 $0x6800  }
.LBB2_11:
0x15: {  	[tilespmem:s25], [sflag:$0x2] =	stream.indirect.gather [hbm4b:s5+s23], $0x80, s15, s23, $0xb8;
	[tilespmem:$0x1E200] =	vst v63  }
0x16: {  	_ =	swait.ge [sflag:s26], $0x4000  }
0x17: {  	[sflag:s26] =	ssyncset.done $0x0  }
0x18: {  	[sflag:s26] =	ssyncadd.s32 $0xFFFFC000  }
0x19: {  	[spmem:s2] =	stream.indirect.scatter.add.f32 [tilespmem:s24], [sflag:$0x3], $0x80, s29, s23, $0xb8;
	[tilespmem:$0x1E200] =	vst v63  }
0x1a: {  	_ =	swait.ge [sflag:s21], $0x4000  }
0x1b: {  	[sflag:s21] =	ssyncset.done $0x0  }
0x1c: {  	[sflag:s21] =	ssyncadd.s32 $0xFFFFC000  }
0x1d: {  	_ =	swait.ge [sflag:s28], $0x4000  }
0x1e: {  	[sflag:s28] =	ssyncset.done $0x0  }
0x1f: {  	[sflag:s28] =	ssyncadd.s32 $0xFFFFC000  }
0x20: {  	[spmem:s2] =	stream.indirect.scatter.add.f32 [tilespmem:s25], [sflag:$0x3], $0x80, s30, s23, $0xb8;
	[tilespmem:$0x1E200] =	vst v63  }
0x21: {  	_ =	swait.ge [sflag:s21], $0x4000  }
0x22: {  	[sflag:s21] =	ssyncset.done $0x0  }
0x23: {  	[sflag:s21] =	ssyncadd.s32 $0xFFFFC000  }
0x24: {  	s14 =	simm.s32 @p1 $0x1FC3;
	[bflag:$0x0] =	sbarrier.arrive $0xFFFF  }
0x25: {  	[hbm:s19], [sflag:s14] =	dma.local @p1 [spmem:s11], $0x1900  }
0x26: {  	s11 =	simm.s32 @p1 $0x3  }
0x27: {  	_ =	swait.ge @p1 [sflag:s11], $0x1900  }
0x28: {  	[sflag:s11] =	ssyncset.done @p1 $0x0  }
0x29: {  	[sflag:s11] =	ssyncadd.s32 @p1 $0xFFFFE700  }
0x2a: {  	[hbm:s18], [sflag:s9] =	dma.local @!p1 [spmem:s0], $0x2800  }
0x2b: {  	s0 =	simm.s32 @!p1 $0x3  }
0x2c: {  	_ =	swait.ge @!p1 [sflag:s0], $0x2800  }
0x2d: {  	[sflag:s0] =	ssyncset.done @!p1 $0x0  }
0x2e: {  	[sflag:s0] =	ssyncadd.s32 @!p1 $0xFFFFD800  }
.LBB2_12:
0x2f: {  	s31 =	sadd.s32 $0x1, s31  }
0x30: {  	p2 =	sne.s32 s31, s20  }
.Ltmp1:
0x31: {  	_ = 	snop;
	(pc) =	sbr.rel @!p2 .LBB2_13-.Ltmp1, $1  }
0x32: {  	_ =	sdelay $0x3  }
.LBB2_1:
0x33: {  	[tilespmem:s4], [sflag:$0x3] =	stream.linear.gather [hbm4b:s6+s4], $0x1400, $0x38;
	[tilespmem:$0x1E200] =	vst v63  }
0x34: {  	_ =	swait.ge [sflag:s21], $0x1400  }
0x35: {  	[sflag:s21] =	ssyncset.done $0x0  }
.Ltmp2:
0x36: {  	[sflag:s21] =	ssyncadd.s32 $0xFFFFEC00;
	(pc) =	sbr.rel @!p0 .LBB2_2-.Ltmp2, $4  }
0x37: {  	[tilespmem:s22], [sflag:$0x3] =	stream.linear.gather [hbm4b:s7+s4], $0x1400, $0x38;
	[tilespmem:$0x1E200] =	vst v63  }
0x38: {  	_ =	swait.ge [sflag:s21], $0x1400  }
0x39: {  	s9 =	sshll.u32 @!p1 s3, $0x6;
	s11 =	sshrl.u32 @p1 s10, $0x3;
	[sflag:s21] =	ssyncset.done $0x0  }
0x3a: {  	s0 =	sshrl.u32 @!p1 s8, $0x3;
	s9 =	sor.u32 @!p1 $0x1C03, s9;
	[sflag:s21] =	ssyncadd.s32 $0xFFFFEC00  }
0x3b: {  	[tilespmem:s24], [sflag:$0x1] =	stream.indirect.gather [hbm4b:s5+s23], $0x80, s4, s23, $0xb8;
	[tilespmem:$0x1E200] =	vst v63  }
0x3c: {  	s14 =	simm.s32 @p1 $0x1FC3  }
0x3d: {  	[tilespmem:s25], [sflag:$0x2] =	stream.indirect.gather [hbm4b:s5+s23], $0x80, s23, s23, $0xb8;
	[tilespmem:$0x1E200] =	vst v63  }
0x3e: {  	[spmem:s11], [sflag:s14] =	dma.local @p1 [hbm:s17], $0x1900  }
0x3f: {  	s14 =	simm.s32 @p1 $0x3  }
0x40: {  	_ =	swait.ge @p1 [sflag:s14], $0x1900  }
0x41: {  	[sflag:s14] =	ssyncset.done @p1 $0x0  }
0x42: {  	[sflag:s14] =	ssyncadd.s32 @p1 $0xFFFFE700;
	s14 =	rddreg [dreg:$0x8]  }
0x43: {  	[spmem:s0], [sflag:s9] =	dma.local @!p1 [hbm:s14], $0x2800  }
0x44: {  	s14 =	simm.s32 @!p1 $0x3  }
0x45: {  	_ =	swait.ge @!p1 [sflag:s14], $0x2800  }
0x46: {  	[sflag:s14] =	ssyncset.done @!p1 $0x0  }
0x47: {  	[sflag:s14] =	ssyncadd.s32 @!p1 $0xFFFFD800  }
0x48: {  	[bflag:$0x0] =	sbarrier.arrive $0xFFFF  }
0x49: {  	_ =	swait.ge [sflag:s26], $0x4000  }
0x4a: {  	[sflag:s26] =	ssyncset.done $0x0  }
0x4b: {  	s16 =	simm.s32 $0x1400;
	[sflag:s26] =	ssyncadd.s32 $0xFFFFC000  }
0x4c: {  	[spmem:s2] =	stream.indirect.scatter.add.f32 [tilespmem:s24], [sflag:$0x3], $0x80, s16, s23, $0xb8;
	[tilespmem:$0x1E200] =	vst v63  }
0x4d: {  	_ =	swait.ge [sflag:s21], $0x4000  }
0x4e: {  	[sflag:s21] =	ssyncset.done $0x0  }
0x4f: {  	s15 =	simm.s32 $0x100;
	[sflag:s21] =	ssyncadd.s32 $0xFFFFC000  }
0x50: {  	[tilespmem:s24], [sflag:$0x1] =	stream.indirect.gather [hbm4b:s5+s23], $0x80, s15, s23, $0xb8;
	[tilespmem:$0x1E200] =	vst v63  }
0x51: {  	_ =	swait.ge [sflag:s28], $0x4000  }
0x52: {  	[sflag:s28] =	ssyncset.done $0x0  }
0x53: {  	s16 =	simm.s32 $0x1480;
	[sflag:s28] =	ssyncadd.s32 $0xFFFFC000  }
0x54: {  	[spmem:s2] =	stream.indirect.scatter.add.f32 [tilespmem:s25], [sflag:$0x3], $0x80, s16, s23, $0xb8;
	[tilespmem:$0x1E200] =	vst v63  }
0x55: {  	_ =	swait.ge [sflag:s21], $0x4000  }
0x56: {  	[sflag:s21] =	ssyncset.done $0x0  }
0x57: {  	s14 =	simm.s32 $0x400;
	s15 =	simm.s32 $0x180;
	[sflag:s21] =	ssyncadd.s32 $0xFFFFC000  }
.LBB2_8:
0x58: {  	[tilespmem:s25], [sflag:$0x2] =	stream.indirect.gather [hbm4b:s5+s23], $0x80, s15, s23, $0xb8;
	[tilespmem:$0x1E200] =	vst v63  }
0x59: {  	s15 =	smov.u32 s14  }
0x5a: {  	p2 =	sne.s32 s14, $0x4800;
	s14 =	sadd.s32 $0x400, s14;
	_ =	swait.ge [sflag:s26], $0x4000  }
0x5b: {  	s15 =	sshra.s32 s15, $0x2;
	[sflag:s26] =	ssyncset.done $0x0  }
0x5c: {  	s16 =	sadd.s32 $0x1400, s15;
	[sflag:s26] =	ssyncadd.s32 $0xFFFFC000  }
0x5d: {  	[spmem:s2] =	stream.indirect.scatter.add.f32 [tilespmem:s24], [sflag:$0x3], $0x80, s16, s23, $0xb8;
	[tilespmem:$0x1E200] =	vst v63  }
0x5e: {  	_ =	swait.ge [sflag:s21], $0x4000  }
0x5f: {  	[sflag:s21] =	ssyncset.done $0x0  }
0x60: {  	s16 =	sadd.s32 $0x100, s15;
	[sflag:s21] =	ssyncadd.s32 $0xFFFFC000  }
0x61: {  	[tilespmem:s24], [sflag:$0x1] =	stream.indirect.gather [hbm4b:s5+s23], $0x80, s16, s23, $0xb8;
	[tilespmem:$0x1E200] =	vst v63  }
0x62: {  	_ =	swait.ge [sflag:s28], $0x4000  }
0x63: {  	[sflag:s28] =	ssyncset.done $0x0  }
.Ltmp3:
0x64: {  	s16 =	sadd.s32 $0x1480, s15;
	[sflag:s28] =	ssyncadd.s32 $0xFFFFC000;
	(pc) =	sbr.rel @p2 .LBB2_8-.Ltmp3, $4  }
0x65: {  	[spmem:s2] =	stream.indirect.scatter.add.f32 [tilespmem:s25], [sflag:$0x3], $0x80, s16, s23, $0xb8;
	[tilespmem:$0x1E200] =	vst v63  }
0x66: {  	_ =	swait.ge [sflag:s21], $0x4000  }
0x67: {  	[sflag:s21] =	ssyncset.done $0x0  }
0x68: {  	s15 =	sadd.s32 $0x180, s15;
	[sflag:s21] =	ssyncadd.s32 $0xFFFFC000  }
0x69: {  	[tilespmem:s25], [sflag:$0x2] =	stream.indirect.gather [hbm4b:s5+s23], $0x80, s15, s23, $0xb8;
	[tilespmem:$0x1E200] =	vst v63  }
0x6a: {  	_ =	swait.ge [sflag:s26], $0x4000  }
0x6b: {  	[sflag:s26] =	ssyncset.done $0x0  }
0x6c: {  	[sflag:s26] =	ssyncadd.s32 $0xFFFFC000  }
0x6d: {  	[spmem:s2] =	stream.indirect.scatter.add.f32 [tilespmem:s24], [sflag:$0x3], $0x80, s29, s23, $0xb8;
	[tilespmem:$0x1E200] =	vst v63  }
0x6e: {  	_ =	swait.ge [sflag:s21], $0x4000  }
0x6f: {  	[sflag:s21] =	ssyncset.done $0x0  }
0x70: {  	[sflag:s21] =	ssyncadd.s32 $0xFFFFC000  }
0x71: {  	_ =	swait.ge [sflag:s28], $0x4000  }
0x72: {  	[sflag:s28] =	ssyncset.done $0x0  }
0x73: {  	[sflag:s28] =	ssyncadd.s32 $0xFFFFC000  }
0x74: {  	[spmem:s2] =	stream.indirect.scatter.add.f32 [tilespmem:s25], [sflag:$0x3], $0x80, s30, s23, $0xb8;
	[tilespmem:$0x1E200] =	vst v63  }
0x75: {  	_ =	swait.ge [sflag:s21], $0x4000  }
0x76: {  	[sflag:s21] =	ssyncset.done $0x0  }
0x77: {  	s14 =	simm.s32 $0x0;
	[sflag:s21] =	ssyncadd.s32 $0xFFFFC000  }
0x78: {  	[tilespmem:s14], [sflag:$0x3] =	stream.linear.gather [hbm4b:s12+s14], $0x1400, $0x38;
	[tilespmem:$0x1E200] =	vst v63  }
0x79: {  	_ =	swait.ge [sflag:s21], $0x1400  }
0x7a: {  	[sflag:s21] =	ssyncset.done $0x0  }
0x7b: {  	[sflag:s21] =	ssyncadd.s32 $0xFFFFEC00  }
0x7c: {  	[tilespmem:s22], [sflag:$0x3] =	stream.linear.gather [hbm4b:s13+s14], $0x1400, $0x38;
	[tilespmem:$0x1E200] =	vst v63  }
0x7d: {  	_ =	swait.ge [sflag:s21], $0x1400  }
0x7e: {  	[sflag:s21] =	ssyncset.done $0x0  }
0x7f: {  	[sflag:s21] =	ssyncadd.s32 $0xFFFFEC00  }
0x80: {  	[tilespmem:s24], [sflag:$0x1] =	stream.indirect.gather [hbm4b:s5+s23], $0x80, s14, s23, $0xb8;
	[tilespmem:$0x1E200] =	vst v63  }
0x81: {  	_ = 	snop  }
0x82: {  	[tilespmem:s25], [sflag:$0x2] =	stream.indirect.gather [hbm4b:s5+s23], $0x80, s23, s23, $0xb8;
	[tilespmem:$0x1E200] =	vst v63  }
0x83: {  	_ =	swait.ge [sflag:s26], $0x4000  }
0x84: {  	[sflag:s26] =	ssyncset.done $0x0  }
0x85: {  	s16 =	simm.s32 $0x1400;
	[sflag:s26] =	ssyncadd.s32 $0xFFFFC000  }
0x86: {  	[spmem:s2] =	stream.indirect.scatter.add.f32 [tilespmem:s24], [sflag:$0x3], $0x80, s16, s23, $0xb8;
	[tilespmem:$0x1E200] =	vst v63  }
0x87: {  	_ =	swait.ge [sflag:s21], $0x4000  }
0x88: {  	[sflag:s21] =	ssyncset.done $0x0  }
0x89: {  	s15 =	simm.s32 $0x100;
	[sflag:s21] =	ssyncadd.s32 $0xFFFFC000  }
0x8a: {  	[tilespmem:s24], [sflag:$0x1] =	stream.indirect.gather [hbm4b:s5+s23], $0x80, s15, s23, $0xb8;
	[tilespmem:$0x1E200] =	vst v63  }
0x8b: {  	_ =	swait.ge [sflag:s28], $0x4000  }
0x8c: {  	[sflag:s28] =	ssyncset.done $0x0  }
0x8d: {  	s16 =	simm.s32 $0x1480;
	[sflag:s28] =	ssyncadd.s32 $0xFFFFC000  }
0x8e: {  	[spmem:s2] =	stream.indirect.scatter.add.f32 [tilespmem:s25], [sflag:$0x3], $0x80, s16, s23, $0xb8;
	[tilespmem:$0x1E200] =	vst v63  }
0x8f: {  	_ =	swait.ge [sflag:s21], $0x4000  }
0x90: {  	[sflag:s21] =	ssyncset.done $0x0  }
0x91: {  	s14 =	simm.s32 $0x400;
	s15 =	simm.s32 $0x180;
	[sflag:s21] =	ssyncadd.s32 $0xFFFFC000  }
.LBB2_10:
0x92: {  	[tilespmem:s25], [sflag:$0x2] =	stream.indirect.gather [hbm4b:s5+s23], $0x80, s15, s23, $0xb8;
	[tilespmem:$0x1E200] =	vst v63  }
0x93: {  	s15 =	smov.u32 s14  }
0x94: {  	p2 =	sne.s32 s14, $0x4800;
	s14 =	sadd.s32 $0x400, s14;
	_ =	swait.ge [sflag:s26], $0x4000  }
0x95: {  	s15 =	sshra.s32 s15, $0x2;
	[sflag:s26] =	ssyncset.done $0x0  }
0x96: {  	s16 =	sadd.s32 $0x1400, s15;
	[sflag:s26] =	ssyncadd.s32 $0xFFFFC000  }
0x97: {  	[spmem:s2] =	stream.indirect.scatter.add.f32 [tilespmem:s24], [sflag:$0x3], $0x80, s16, s23, $0xb8;
	[tilespmem:$0x1E200] =	vst v63  }
0x98: {  	_ =	swait.ge [sflag:s21], $0x4000  }
0x99: {  	[sflag:s21] =	ssyncset.done $0x0  }
0x9a: {  	s16 =	sadd.s32 $0x100, s15;
	[sflag:s21] =	ssyncadd.s32 $0xFFFFC000  }
0x9b: {  	[tilespmem:s24], [sflag:$0x1] =	stream.indirect.gather [hbm4b:s5+s23], $0x80, s16, s23, $0xb8;
	[tilespmem:$0x1E200] =	vst v63  }
0x9c: {  	_ =	swait.ge [sflag:s28], $0x4000  }
0x9d: {  	[sflag:s28] =	ssyncset.done $0x0  }
.Ltmp4:
0x9e: {  	s16 =	sadd.s32 $0x1480, s15;
	[sflag:s28] =	ssyncadd.s32 $0xFFFFC000;
	(pc) =	sbr.rel @p2 .LBB2_10-.Ltmp4, $4  }
0x9f: {  	[spmem:s2] =	stream.indirect.scatter.add.f32 [tilespmem:s25], [sflag:$0x3], $0x80, s16, s23, $0xb8;
	[tilespmem:$0x1E200] =	vst v63  }
0xa0: {  	_ =	swait.ge [sflag:s21], $0x4000  }
0xa1: {  	[sflag:s21] =	ssyncset.done $0x0  }
0xa2: {  	s15 =	sadd.s32 $0x180, s15;
	[sflag:s21] =	ssyncadd.s32 $0xFFFFC000  }
.Ltmp5:
0xa3: {  	_ = 	snop;
	(pc) =	sbr.rel .LBB2_11-.Ltmp5, $1  }
0xa4: {  	_ =	sdelay $0x3  }
.LBB2_2:
0xa5: {  	[tilespmem:s24], [sflag:$0x1] =	stream.indirect.gather [hbm4b:s1+s23], $0x80, s4, s23, $0xb8;
	[tilespmem:$0x1E200] =	vst v63  }
0xa6: {  	s14 =	simm.s32 @p1 $0x1FC3;
	s15 =	rddreg [dreg:$0x5]  }
0xa7: {  	[tilespmem:s25], [sflag:$0x2] =	stream.indirect.gather [hbm4b:s1+s23], $0x80, s23, s23, $0xb8;
	[tilespmem:$0x1E200] =	vst v63  }
0xa8: {  	[spmem:s11], [sflag:s14] =	dma.local @p1 [hbm:s15], $0x1900  }
0xa9: {  	s14 =	simm.s32 @p1 $0x3  }
0xaa: {  	_ =	swait.ge @p1 [sflag:s14], $0x1900  }
0xab: {  	[sflag:s14] =	ssyncset.done @p1 $0x0  }
0xac: {  	[sflag:s14] =	ssyncadd.s32 @p1 $0xFFFFE700;
	s14 =	rddreg [dreg:$0x4]  }
0xad: {  	[spmem:s0], [sflag:s9] =	dma.local @!p1 [hbm:s14], $0x2800  }
0xae: {  	s14 =	simm.s32 @!p1 $0x3  }
0xaf: {  	_ =	swait.ge @!p1 [sflag:s14], $0x2800  }
0xb0: {  	[sflag:s14] =	ssyncset.done @!p1 $0x0  }
0xb1: {  	[sflag:s14] =	ssyncadd.s32 @!p1 $0xFFFFD800  }
0xb2: {  	[bflag:$0x0] =	sbarrier.arrive $0xFFFF  }
0xb3: {  	_ =	swait.ge [sflag:s26], $0x4000  }
0xb4: {  	[sflag:s26] =	ssyncset.done $0x0  }
0xb5: {  	s16 =	simm.s32 $0x1400;
	[sflag:s26] =	ssyncadd.s32 $0xFFFFC000  }
0xb6: {  	[spmem:s2] =	stream.indirect.scatter.add.f32 [tilespmem:s24], [sflag:$0x3], $0x80, s16, s23, $0xb8;
	[tilespmem:$0x1E200] =	vst v63  }
0xb7: {  	_ =	swait.ge [sflag:s21], $0x4000  }
0xb8: {  	[sflag:s21] =	ssyncset.done $0x0  }
0xb9: {  	s15 =	simm.s32 $0x100;
	[sflag:s21] =	ssyncadd.s32 $0xFFFFC000  }
0xba: {  	[tilespmem:s24], [sflag:$0x1] =	stream.indirect.gather [hbm4b:s1+s23], $0x80, s15, s23, $0xb8;
	[tilespmem:$0x1E200] =	vst v63  }
0xbb: {  	_ =	swait.ge [sflag:s28], $0x4000  }
0xbc: {  	[sflag:s28] =	ssyncset.done $0x0  }
0xbd: {  	s16 =	simm.s32 $0x1480;
	[sflag:s28] =	ssyncadd.s32 $0xFFFFC000  }
0xbe: {  	[spmem:s2] =	stream.indirect.scatter.add.f32 [tilespmem:s25], [sflag:$0x3], $0x80, s16, s23, $0xb8;
	[tilespmem:$0x1E200] =	vst v63  }
0xbf: {  	_ =	swait.ge [sflag:s21], $0x4000  }
0xc0: {  	[sflag:s21] =	ssyncset.done $0x0  }
0xc1: {  	s14 =	simm.s32 $0x400;
	s15 =	simm.s32 $0x180;
	[sflag:s21] =	ssyncadd.s32 $0xFFFFC000  }
.LBB2_3:
0xc2: {  	[tilespmem:s25], [sflag:$0x2] =	stream.indirect.gather [hbm4b:s1+s23], $0x80, s15, s23, $0xb8;
	[tilespmem:$0x1E200] =	vst v63  }
0xc3: {  	s15 =	smov.u32 s14  }
0xc4: {  	p2 =	sne.s32 s14, $0x4800;
	s14 =	sadd.s32 $0x400, s14;
	_ =	swait.ge [sflag:s26], $0x4000  }
0xc5: {  	s15 =	sshra.s32 s15, $0x2;
	[sflag:s26] =	ssyncset.done $0x0  }
0xc6: {  	s16 =	sadd.s32 $0x1400, s15;
	[sflag:s26] =	ssyncadd.s32 $0xFFFFC000  }
0xc7: {  	[spmem:s2] =	stream.indirect.scatter.add.f32 [tilespmem:s24], [sflag:$0x3], $0x80, s16, s23, $0xb8;
	[tilespmem:$0x1E200] =	vst v63  }
0xc8: {  	_ =	swait.ge [sflag:s21], $0x4000  }
0xc9: {  	[sflag:s21] =	ssyncset.done $0x0  }
0xca: {  	s16 =	sadd.s32 $0x100, s15;
	[sflag:s21] =	ssyncadd.s32 $0xFFFFC000  }
0xcb: {  	[tilespmem:s24], [sflag:$0x1] =	stream.indirect.gather [hbm4b:s1+s23], $0x80, s16, s23, $0xb8;
	[tilespmem:$0x1E200] =	vst v63  }
0xcc: {  	_ =	swait.ge [sflag:s28], $0x4000  }
0xcd: {  	[sflag:s28] =	ssyncset.done $0x0  }
.Ltmp6:
0xce: {  	s16 =	sadd.s32 $0x1480, s15;
	[sflag:s28] =	ssyncadd.s32 $0xFFFFC000;
	(pc) =	sbr.rel @p2 .LBB2_3-.Ltmp6, $4  }
0xcf: {  	[spmem:s2] =	stream.indirect.scatter.add.f32 [tilespmem:s25], [sflag:$0x3], $0x80, s16, s23, $0xb8;
	[tilespmem:$0x1E200] =	vst v63  }
0xd0: {  	_ =	swait.ge [sflag:s21], $0x4000  }
0xd1: {  	[sflag:s21] =	ssyncset.done $0x0  }
0xd2: {  	s15 =	sadd.s32 $0x180, s15;
	[sflag:s21] =	ssyncadd.s32 $0xFFFFC000  }
0xd3: {  	[tilespmem:s25], [sflag:$0x2] =	stream.indirect.gather [hbm4b:s1+s23], $0x80, s15, s23, $0xb8;
	[tilespmem:$0x1E200] =	vst v63  }
0xd4: {  	_ =	swait.ge [sflag:s26], $0x4000  }
0xd5: {  	[sflag:s26] =	ssyncset.done $0x0  }
0xd6: {  	[sflag:s26] =	ssyncadd.s32 $0xFFFFC000  }
0xd7: {  	[spmem:s2] =	stream.indirect.scatter.add.f32 [tilespmem:s24], [sflag:$0x3], $0x80, s29, s23, $0xb8;
	[tilespmem:$0x1E200] =	vst v63  }
0xd8: {  	_ =	swait.ge [sflag:s21], $0x4000  }
0xd9: {  	[sflag:s21] =	ssyncset.done $0x0  }
0xda: {  	[sflag:s21] =	ssyncadd.s32 $0xFFFFC000  }
0xdb: {  	_ =	swait.ge [sflag:s28], $0x4000  }
0xdc: {  	[sflag:s28] =	ssyncset.done $0x0  }
0xdd: {  	[sflag:s28] =	ssyncadd.s32 $0xFFFFC000  }
0xde: {  	[spmem:s2] =	stream.indirect.scatter.add.f32 [tilespmem:s25], [sflag:$0x3], $0x80, s30, s23, $0xb8;
	[tilespmem:$0x1E200] =	vst v63  }
0xdf: {  	_ =	swait.ge [sflag:s21], $0x4000  }
0xe0: {  	[sflag:s21] =	ssyncset.done $0x0  }
0xe1: {  	s14 =	simm.s32 $0x0;
	[sflag:s21] =	ssyncadd.s32 $0xFFFFC000  }
0xe2: {  	[tilespmem:s14], [sflag:$0x3] =	stream.linear.gather [hbm4b:s12+s14], $0x1400, $0x38;
	[tilespmem:$0x1E200] =	vst v63  }
0xe3: {  	_ =	swait.ge [sflag:s21], $0x1400  }
0xe4: {  	[sflag:s21] =	ssyncset.done $0x0  }
0xe5: {  	[sflag:s21] =	ssyncadd.s32 $0xFFFFEC00  }
0xe6: {  	[tilespmem:s22], [sflag:$0x3] =	stream.linear.gather [hbm4b:s13+s14], $0x1400, $0x38;
	[tilespmem:$0x1E200] =	vst v63  }
0xe7: {  	_ =	swait.ge [sflag:s21], $0x1400  }
0xe8: {  	[sflag:s21] =	ssyncset.done $0x0  }
0xe9: {  	[sflag:s21] =	ssyncadd.s32 $0xFFFFEC00  }
0xea: {  	[tilespmem:s24], [sflag:$0x1] =	stream.indirect.gather [hbm4b:s1+s23], $0x80, s14, s23, $0xb8;
	[tilespmem:$0x1E200] =	vst v63  }
0xeb: {  	_ = 	snop  }
0xec: {  	[tilespmem:s25], [sflag:$0x2] =	stream.indirect.gather [hbm4b:s1+s23], $0x80, s23, s23, $0xb8;
	[tilespmem:$0x1E200] =	vst v63  }
0xed: {  	_ =	swait.ge [sflag:s26], $0x4000  }
0xee: {  	[sflag:s26] =	ssyncset.done $0x0  }
0xef: {  	s16 =	simm.s32 $0x1400;
	[sflag:s26] =	ssyncadd.s32 $0xFFFFC000  }
0xf0: {  	[spmem:s2] =	stream.indirect.scatter.add.f32 [tilespmem:s24], [sflag:$0x3], $0x80, s16, s23, $0xb8;
	[tilespmem:$0x1E200] =	vst v63  }
0xf1: {  	_ =	swait.ge [sflag:s21], $0x4000  }
0xf2: {  	[sflag:s21] =	ssyncset.done $0x0  }
0xf3: {  	s15 =	simm.s32 $0x100;
	[sflag:s21] =	ssyncadd.s32 $0xFFFFC000  }
0xf4: {  	[tilespmem:s24], [sflag:$0x1] =	stream.indirect.gather [hbm4b:s1+s23], $0x80, s15, s23, $0xb8;
	[tilespmem:$0x1E200] =	vst v63  }
0xf5: {  	_ =	swait.ge [sflag:s28], $0x4000  }
0xf6: {  	[sflag:s28] =	ssyncset.done $0x0  }
0xf7: {  	s16 =	simm.s32 $0x1480;
	[sflag:s28] =	ssyncadd.s32 $0xFFFFC000  }
0xf8: {  	[spmem:s2] =	stream.indirect.scatter.add.f32 [tilespmem:s25], [sflag:$0x3], $0x80, s16, s23, $0xb8;
	[tilespmem:$0x1E200] =	vst v63  }
0xf9: {  	_ =	swait.ge [sflag:s21], $0x4000  }
0xfa: {  	[sflag:s21] =	ssyncset.done $0x0  }
0xfb: {  	s14 =	simm.s32 $0x400;
	s15 =	simm.s32 $0x180;
	[sflag:s21] =	ssyncadd.s32 $0xFFFFC000  }
.LBB2_5:
0xfc: {  	[tilespmem:s25], [sflag:$0x2] =	stream.indirect.gather [hbm4b:s1+s23], $0x80, s15, s23, $0xb8;
	[tilespmem:$0x1E200] =	vst v63  }
0xfd: {  	s15 =	smov.u32 s14  }
0xfe: {  	p2 =	sne.s32 s14, $0x4800;
	s14 =	sadd.s32 $0x400, s14;
	_ =	swait.ge [sflag:s26], $0x4000  }
0xff: {  	s15 =	sshra.s32 s15, $0x2;
	[sflag:s26] =	ssyncset.done $0x0  }
0x100: {  	s16 =	sadd.s32 $0x1400, s15;
	[sflag:s26] =	ssyncadd.s32 $0xFFFFC000  }
0x101: {  	[spmem:s2] =	stream.indirect.scatter.add.f32 [tilespmem:s24], [sflag:$0x3], $0x80, s16, s23, $0xb8;
	[tilespmem:$0x1E200] =	vst v63  }
0x102: {  	_ =	swait.ge [sflag:s21], $0x4000  }
0x103: {  	[sflag:s21] =	ssyncset.done $0x0  }
0x104: {  	s16 =	sadd.s32 $0x100, s15;
	[sflag:s21] =	ssyncadd.s32 $0xFFFFC000  }
0x105: {  	[tilespmem:s24], [sflag:$0x1] =	stream.indirect.gather [hbm4b:s1+s23], $0x80, s16, s23, $0xb8;
	[tilespmem:$0x1E200] =	vst v63  }
0x106: {  	_ =	swait.ge [sflag:s28], $0x4000  }
0x107: {  	[sflag:s28] =	ssyncset.done $0x0  }
.Ltmp7:
0x108: {  	s16 =	sadd.s32 $0x1480, s15;
	[sflag:s28] =	ssyncadd.s32 $0xFFFFC000;
	(pc) =	sbr.rel @p2 .LBB2_5-.Ltmp7, $4  }
0x109: {  	[spmem:s2] =	stream.indirect.scatter.add.f32 [tilespmem:s25], [sflag:$0x3], $0x80, s16, s23, $0xb8;
	[tilespmem:$0x1E200] =	vst v63  }
0x10a: {  	_ =	swait.ge [sflag:s21], $0x4000  }
0x10b: {  	[sflag:s21] =	ssyncset.done $0x0  }
0x10c: {  	s15 =	sadd.s32 $0x180, s15;
	[sflag:s21] =	ssyncadd.s32 $0xFFFFC000  }
0x10d: {  	[tilespmem:s25], [sflag:$0x2] =	stream.indirect.gather [hbm4b:s1+s23], $0x80, s15, s23, $0xb8;
	[tilespmem:$0x1E200] =	vst v63  }
0x10e: {  	_ =	swait.ge [sflag:s26], $0x4000  }
0x10f: {  	[sflag:s26] =	ssyncset.done $0x0  }
0x110: {  	[sflag:s26] =	ssyncadd.s32 $0xFFFFC000  }
0x111: {  	[spmem:s2] =	stream.indirect.scatter.add.f32 [tilespmem:s24], [sflag:$0x3], $0x80, s29, s23, $0xb8;
	[tilespmem:$0x1E200] =	vst v63  }
0x112: {  	_ =	swait.ge [sflag:s21], $0x4000  }
0x113: {  	[sflag:s21] =	ssyncset.done $0x0  }
0x114: {  	[sflag:s21] =	ssyncadd.s32 $0xFFFFC000  }
0x115: {  	_ =	swait.ge [sflag:s28], $0x4000  }
0x116: {  	[sflag:s28] =	ssyncset.done $0x0  }
0x117: {  	[sflag:s28] =	ssyncadd.s32 $0xFFFFC000  }
0x118: {  	[spmem:s2] =	stream.indirect.scatter.add.f32 [tilespmem:s25], [sflag:$0x3], $0x80, s30, s23, $0xb8;
	[tilespmem:$0x1E200] =	vst v63  }
0x119: {  	_ =	swait.ge [sflag:s21], $0x4000  }
0x11a: {  	[sflag:s21] =	ssyncset.done $0x0  }
0x11b: {  	[sflag:s21] =	ssyncadd.s32 $0xFFFFC000  }
0x11c: {  	[bflag:$0x0] =	sbarrier.arrive $0xFFFF  }
0x11d: {  	s14 =	simm.s32 @p1 $0x1FC3;
	s15 =	rddreg [dreg:$0x7]  }
0x11e: {  	[hbm:s15], [sflag:s14] =	dma.local @p1 [spmem:s11], $0x1900  }
0x11f: {  	s11 =	simm.s32 @p1 $0x3  }
0x120: {  	_ =	swait.ge @p1 [sflag:s11], $0x1900  }
0x121: {  	[sflag:s11] =	ssyncset.done @p1 $0x0  }
0x122: {  	[sflag:s11] =	ssyncadd.s32 @p1 $0xFFFFE700;
	s11 =	rddreg [dreg:$0x6]  }
0x123: {  	[hbm:s11], [sflag:s9] =	dma.local @!p1 [spmem:s0], $0x2800  }
.Ltmp8:
0x124: {  	_ = 	snop;
	(pc) =	sbr.rel .LBB2_12-.Ltmp8, $4  }
0x125: {  	s0 =	simm.s32 @!p1 $0x3  }
0x126: {  	_ =	swait.ge @!p1 [sflag:s0], $0x2800  }
0x127: {  	[sflag:s0] =	ssyncset.done @!p1 $0x0  }
0x128: {  	[sflag:s0] =	ssyncadd.s32 @!p1 $0xFFFFD800  }
.LBB2_13:
0x129: {  	_ =	sfence.sel $0x180000  }
0x12a: {  	[bflag:$0x0] =	sbarrier.arrive $0xFFFF  }
0x12b: {  	_ =	strace $0x90000050  }
0x12c: {  	[bflag:$0x2] =	sbarrier.arrive $0xFFFF  }
0x12d: {  	p0 =	sne.s32 s3, $0x0;
	s0 =	rddreg [dreg:$0x3]  }
0x12e: {  	s0 =	sadd.s32 @!p0 $0x100000, s0  }
0x12f: {  	[sflag:s0] =	ssyncadd.tile.s32 @!p0 $0x1;
	_ =	shalt  }
.Lfunc_end2:
_tile_overlayer_lowered:
.L_overlay_start_2:
0x130: {  	(tag) =	ssettag $0x2  }
0x131: {  	s0 =	rddreg [dreg:$0x0];
	s2 =	stileid.u32  }
0x132: {  	s1 =	rddreg [dreg:$0x1];
	p0 =	sne.s32 s2, $0x0  }
0x133: {  	s3 =	rddreg [dreg:$0x2];
	[bflag:$0x3] =	sbarrier.arrive $0xFFFF;
	s2 =	simm.s32 @!p0 $0x1C03  }
0x134: {  	[timem:s3], [sflag:s2] =	dma.local @!p0 [hbm:s0], s1  }
0x135: {  	s0 =	simm.s32 @!p0 $0x3  }
0x136: {  	_ =	swait.ge @!p0 [sflag:s0], s1  }
0x137: {  	s1 =	ssub.s32 @!p0 $0x0, s1;
	[sflag:s0] =	ssyncset.done @!p0 $0x0  }
0x138: {  	[sflag:s0] =	ssyncadd.s32 @!p0 s1  }
0x139: {  	[bflag:$0x3] =	sbarrier.arrive $0xFFFF  }
0x13a: {  	_ =	shalt  }

</sc_bundles>
